<compile_context>
chip_gen: v7x
topology: tpu7x:2x2x1
jax: 0.10.2.dev20260603
libtpu: 0.0.44.dev20260713+nightly
codegen_flags: <defaults>
</compile_context>

<pallas_src>
import functools

import jax
import jax.numpy as jnp
from jax import lax
from jax.experimental import pallas as pl
from jax.experimental.pallas import tpu as pltpu
from jax.experimental.pallas import tpu_sc as plsc

N = 50000
E = 1600000
KP = 1536
NP = 50176
HALF = NP // 2
STRIPE = HALF // 16
EPT = E // 32
PCH = 2000
REG = 50048
ACH = 64
AW = 72

_MESH = dict(core_axis_name="c", subcore_axis_name="s", num_cores=2,
             num_subcores=16)



def _mm1_body(x_ref, w_ref, y_ref, ad_ref, ms_ref, md_ref):
    i = pl.program_id(0)
    y = jnp.dot(x_ref[...], w_ref[...], preferred_element_type=jnp.float32)
    y_ref[...] = y
    ad_ref[...] = y[:, 72:80]
    bs = jnp.max(y[:, 64:72], axis=0, keepdims=True)
    bd = jnp.max(y[:, 72:80], axis=0, keepdims=True)

    @pl.when(i == 0)
    def _():
        ms_ref[...] = jnp.full((1, 8), -jnp.inf, jnp.float32)
        md_ref[...] = jnp.full((1, 8), -jnp.inf, jnp.float32)

    ms_ref[...] = jnp.maximum(ms_ref[...], bs)
    md_ref[...] = jnp.maximum(md_ref[...], bd)


def _layer1_dense(xp, w1e):
    return pl.pallas_call(
        _mm1_body,
        grid=(NP // 256,),
        in_specs=[pl.BlockSpec((256, KP), lambda i: (i, 0)),
                  pl.BlockSpec((KP, 80), lambda i: (0, 0))],
        out_specs=[pl.BlockSpec((256, 80), lambda i: (i, 0)),
                   pl.BlockSpec((256, 8), lambda i: (i, 0)),
                   pl.BlockSpec((1, 8), lambda i: (0, 0)),
                   pl.BlockSpec((1, 8), lambda i: (0, 0))],
        out_shape=[jax.ShapeDtypeStruct((NP, 80), jnp.float32),
                   jax.ShapeDtypeStruct((NP, 8), jnp.float32),
                   jax.ShapeDtypeStruct((1, 8), jnp.float32),
                   jax.ShapeDtypeStruct((1, 8), jnp.float32)],
    )(xp, w1e)


def _mm2_body(h_ref, w_ref, a2s_ref, a2d_ref, ts_ref, td_ref, ms_ref, md_ref):
    i = pl.program_id(0)
    h2 = jnp.dot(h_ref[...], w_ref[...], preferred_element_type=jnp.float32)
    as2 = jnp.sum(h2 * a2s_ref[...], axis=1, keepdims=True)
    ad2 = jnp.sum(h2 * a2d_ref[...], axis=1, keepdims=True)
    lane = lax.broadcasted_iota(jnp.int32, (512, 8), 1)
    ts_ref[...] = jnp.where(lane < 7, h2, jnp.broadcast_to(as2, (512, 8)))
    td_ref[...] = jnp.broadcast_to(ad2, (512, 8))
    bs = jnp.max(jnp.broadcast_to(as2, (512, 8)), axis=0, keepdims=True)
    bd = jnp.max(jnp.broadcast_to(ad2, (512, 8)), axis=0, keepdims=True)

    @pl.when(i == 0)
    def _():
        ms_ref[...] = jnp.full((1, 8), -jnp.inf, jnp.float32)
        md_ref[...] = jnp.full((1, 8), -jnp.inf, jnp.float32)

    ms_ref[...] = jnp.maximum(ms_ref[...], bs)
    md_ref[...] = jnp.maximum(md_ref[...], bd)


def _layer2_dense(h1f, w2p, a2s, a2d):
    return pl.pallas_call(
        _mm2_body,
        grid=(NP // 512,),
        in_specs=[pl.BlockSpec((512, 64), lambda i: (i, 0)),
                  pl.BlockSpec((64, 8), lambda i: (0, 0)),
                  pl.BlockSpec((1, 8), lambda i: (0, 0)),
                  pl.BlockSpec((1, 8), lambda i: (0, 0))],
        out_specs=[pl.BlockSpec((512, 8), lambda i: (i, 0)),
                   pl.BlockSpec((512, 8), lambda i: (i, 0)),
                   pl.BlockSpec((1, 8), lambda i: (0, 0)),
                   pl.BlockSpec((1, 8), lambda i: (0, 0))],
        out_shape=[jax.ShapeDtypeStruct((NP, 8), jnp.float32),
                   jax.ShapeDtypeStruct((NP, 8), jnp.float32),
                   jax.ShapeDtypeStruct((1, 8), jnp.float32),
                   jax.ShapeDtypeStruct((1, 8), jnp.float32)],
    )(h1f, w2p, a2s, a2d)


def _final_body(a_ref, o_ref):
    a = a_ref[...]
    den = a[:, 7:8] + 1e-16
    o = a[:, :7] / den
    m = jnp.max(o, axis=1, keepdims=True)
    z = o - m
    lse = jnp.log(jnp.sum(jnp.exp(z), axis=1, keepdims=True))
    o_ref[...] = z - lse


def _final(acc2):
    return pl.pallas_call(
        _final_body,
        grid=(NP // 512,),
        in_specs=[pl.BlockSpec((512, 8), lambda i: (i, 0))],
        out_specs=pl.BlockSpec((512, 7), lambda i: (i, 0)),
        out_shape=jax.ShapeDtypeStruct((NP, 7), jnp.float32),
    )(acc2)



def _make_partition():
    mesh = plsc.VectorSubcoreMesh(**_MESH)
    scratch = [
        pltpu.VMEM((PCH,), jnp.int32),
        pltpu.VMEM((PCH,), jnp.int32),
        pltpu.VMEM((REG,), jnp.int32),
        pltpu.VMEM((REG,), jnp.int32),
        pltpu.VMEM((16,), jnp.int32),
        pltpu.SemaphoreType.DMA,
    ]

    @functools.partial(
        pl.kernel,
        out_type=(jax.ShapeDtypeStruct((32, 2, REG), jnp.int32),
                  jax.ShapeDtypeStruct((32, 16), jnp.int32)),
        mesh=mesh, scratch_types=scratch,
        compiler_params=pltpu.CompilerParams(
            needs_layout_passes=False, use_tc_tiling_on_sc=False))
    def part(src_h, dst_h, binned_h, meta_h, sbuf, dbuf, st0, st1, mrow, sem):
        c = lax.axis_index("c")
        s = lax.axis_index("s")
        wid = c * 16 + s
        base = wid * EPT
        i16 = lax.broadcasted_iota(jnp.int32, (16,), 0)

        def chunk(j, carry):
            p0, p1 = carry
            pltpu.sync_copy(src_h.at[pl.ds(base + j * PCH, PCH)], sbuf)
            pltpu.sync_copy(dst_h.at[pl.ds(base + j * PCH, PCH)], dbuf)

            def vec(k, carry2):
                q0, q1 = carry2
                sv = sbuf[pl.ds(k * 16, 16)]
                dv = dbuf[pl.ds(k * 16, 16)]
                packed = jnp.bitwise_or(sv, lax.shift_left(dv, 16))
                m0 = dv < HALF
                c0 = plsc.cumsum(m0.astype(jnp.int32))
                c1 = (i16 + 1) - c0
                plsc.store_scatter(st0, [q0 + c0 - 1], packed, mask=m0)
                plsc.store_scatter(st1, [q1 + c1 - 1], packed,
                                   mask=jnp.logical_not(m0))
                n0 = c0[15]
                return (q0 + n0, q1 + (16 - n0))

            return lax.fori_loop(0, PCH // 16, vec, (p0, p1))

        cnt0, cnt1 = lax.fori_loop(0, EPT // PCH, chunk, (0, 0))
        pltpu.sync_copy(st0, binned_h.at[wid, 0])
        pltpu.sync_copy(st1, binned_h.at[wid, 1])
        mrow[...] = jnp.where(i16 == 0, cnt0, jnp.where(i16 == 1, cnt1, 0))
        pltpu.sync_copy(mrow, meta_h.at[wid])

    return part



def _make_agg1():
    mesh = plsc.VectorSubcoreMesh(**_MESH)
    scratch = [
        pltpu.VMEM((ACH,), jnp.int32),
        pltpu.VMEM((ACH,), jnp.int32),
        pltpu.VMEM((ACH,), jnp.int32),
        pltpu.VMEM((ACH,), jnp.int32),
        pltpu.VMEM((ACH,), jnp.float32),
        pltpu.VMEM((ACH, 80), jnp.float32),
        pltpu.VMEM((ACH, 8), jnp.float32),
        pltpu.VMEM((ACH * 8,), jnp.float32),
        pltpu.VMEM((ACH, AW), jnp.float32),
        pltpu.VMEM((16,), jnp.float32),
        pltpu.VMEM((32, 16), jnp.int32),
        pltpu.VMEM((32, AW), jnp.float32),
        pltpu.VMEM((32, 64), jnp.float32),
        pltpu.VMEM_SHARED((HALF, AW), jnp.float32),
        pltpu.SemaphoreType.DMA,
    ]

    @functools.partial(
        pl.kernel,
        out_type=jax.ShapeDtypeStruct((NP, 64), jnp.float32),
        mesh=mesh, scratch_types=scratch,
        compiler_params=pltpu.CompilerParams(
            needs_layout_passes=False, use_tc_tiling_on_sc=False))
    def agg1(binned_h, meta_h, hs_h, ad_h, mt_h, out_h,
             ebuf, sloc, gloc, dloc, vmask, rows, adrows, exbuf, msg,
             mvec, metab, accv, fin, acc, sem):
        c = lax.axis_index("c")
        s = lax.axis_index("s")
        i16 = lax.broadcasted_iota(jnp.int32, (16,), 0)
        hi = lax.shift_right_logical(i16, 3)
        lo7 = jnp.bitwise_and(i16, 7)
        lane8 = i16 < 8
        z16 = jnp.zeros((16,), jnp.float32)

        pltpu.sync_copy(mt_h, mvec)
        pltpu.sync_copy(meta_h, metab)

        def zrow(p, _):
            for sub in range(2):
                for k in range(4):
                    msg[2 * p + sub, pl.ds(k * 16, 16)] = z16
            plsc.store_scatter(msg, [2 * p + hi, 64 + lo7], z16)
            return 0
        lax.fori_loop(0, ACH // 2, zrow, 0)

        sb = s * STRIPE
        for r in range(STRIPE // ACH):
            pltpu.sync_copy(msg, acc.at[pl.ds(sb + r * ACH, ACH)])
        pltpu.sync_copy(msg.at[pl.ds(0, STRIPE % ACH)],
                        acc.at[pl.ds(sb + (STRIPE // ACH) * ACH,
                                     STRIPE % ACH)])
        plsc.subcore_barrier()

        mv = mvec[...]
        idxk = [[(sub * 8 + 2 * k) + hi for k in range(4)]
                for sub in range(2)]
        idx4 = [sub * 8 + lo7 for sub in range(2)]

        for t in (s, s + 16):
            row = metab[t, pl.ds(0, 16)]
            cnt = lax.reduce_max(jnp.where(i16 == c, row, 0), (0,))
            nch = (cnt + ACH - 1) // ACH

            def chunk(j, _):
                pltpu.sync_copy(binned_h.at[t, c, pl.ds(j * ACH, ACH)], ebuf)

                def up(k, _2):
                    e = ebuf[pl.ds(k * 16, 16)]
                    sv = jnp.bitwise_and(e, 0xFFFF)
                    dv = lax.shift_right_logical(e, 16)
                    val = i16 < (cnt - j * ACH - k * 16)
                    sloc[pl.ds(k * 16, 16)] = jnp.where(val, sv, 0)
                    gloc[pl.ds(k * 16, 16)] = jnp.where(val, dv, 0)
                    dloc[pl.ds(k * 16, 16)] = jnp.where(val, dv - c * HALF, 0)
                    vmask[pl.ds(k * 16, 16)] = jnp.where(val, 1.0, 0.0)
                    return 0
                lax.fori_loop(0, ACH // 16, up, 0)

                pltpu.sync_copy(hs_h.at[sloc], rows)
                pltpu.sync_copy(ad_h.at[gloc], adrows)

                def exb(p, _2):
                    ri = hi + 2 * p
                    asv = plsc.load_gather(rows, [ri, 64 + lo7])
                    adv = plsc.load_gather(adrows, [ri, lo7])
                    vm = plsc.load_gather(vmask, [ri])
                    zz = asv + adv
                    lr = jnp.maximum(zz, 0.2 * zz) - mv
                    exbuf[pl.ds(p * 16, 16)] = jnp.exp(lr) * vm
                    return 0
                lax.fori_loop(0, ACH // 2, exb, 0)

                def mb(p, _2):
                    for sub in range(2):
                        a = 2 * p + sub
                        for k in range(4):
                            hv = rows[a, pl.ds(k * 16, 16)]
                            pat = plsc.load_gather(
                                exbuf, [p * 16 + idxk[sub][k]])
                            msg[a, pl.ds(k * 16, 16)] = hv * pat
                    ep = exbuf[pl.ds(p * 16, 16)]
                    plsc.store_scatter(msg, [2 * p + hi, 64 + lo7], ep)
                    return 0
                lax.fori_loop(0, ACH // 2, mb, 0)

                pltpu.sync_copy(msg, acc.at[dloc], add=True)
                return 0
            lax.fori_loop(0, nch, chunk, 0)

        plsc.subcore_barrier()

        def finb(r, _):
            rb = sb + r * 32
            pltpu.sync_copy(acc.at[pl.ds(rb, 32)], accv)

            def rw(a, _2):
                af = i16 * 0 + a
                for k in range(4):
                    num = accv[a, pl.ds(k * 16, 16)]
                    den = plsc.load_gather(accv, [af, 64 + 2 * k + hi])
                    q = num / (den + 1e-16)
                    ev = jnp.exp(jnp.minimum(q, 0.0)) - 1.0
                    fin[a, pl.ds(k * 16, 16)] = jnp.where(q > 0.0, q, ev)
                return 0
            lax.fori_loop(0, 32, rw, 0)
            pltpu.sync_copy(fin, out_h.at[pl.ds(c * HALF + rb, 32)])
            return 0
        lax.fori_loop(0, STRIPE // 32, finb, 0)

    return agg1



def _make_agg2():
    mesh = plsc.VectorSubcoreMesh(**_MESH)
    scratch = [
        pltpu.VMEM((ACH,), jnp.int32),
        pltpu.VMEM((ACH,), jnp.int32),
        pltpu.VMEM((ACH,), jnp.int32),
        pltpu.VMEM((ACH,), jnp.int32),
        pltpu.VMEM((ACH,), jnp.float32),
        pltpu.VMEM((ACH, 8), jnp.float32),
        pltpu.VMEM((ACH,), jnp.float32),
        pltpu.VMEM((ACH,), jnp.float32),
        pltpu.VMEM((ACH, 8), jnp.float32),
        pltpu.VMEM((16,), jnp.float32),
        pltpu.VMEM((32, 16), jnp.int32),
        pltpu.VMEM_SHARED((HALF, 8), jnp.float32),
        pltpu.SemaphoreType.DMA,
    ]

    @functools.partial(
        pl.kernel,
        out_type=jax.ShapeDtypeStruct((NP, 8), jnp.float32),
        mesh=mesh, scratch_types=scratch,
        compiler_params=pltpu.CompilerParams(
            needs_layout_passes=False, use_tc_tiling_on_sc=False))
    def agg2(binned_h, meta_h, ts_h, adf_h, mt_h, out_h,
             ebuf, sloc, gloc, dloc, vmask, rows2, advals, exb2, msg2,
             m2v, metab, acc2, sem):
        c = lax.axis_index("c")
        s = lax.axis_index("s")
        i16 = lax.broadcasted_iota(jnp.int32, (16,), 0)
        hi = lax.shift_right_logical(i16, 3)
        lo7 = jnp.bitwise_and(i16, 7)
        is7 = lo7 == 7
        z16 = jnp.zeros((16,), jnp.float32)

        pltpu.sync_copy(mt_h, m2v)
        pltpu.sync_copy(meta_h, metab)

        def zp(p, _):
            plsc.store_scatter(msg2, [2 * p + hi, lo7], z16)
            return 0
        lax.fori_loop(0, ACH // 2, zp, 0)

        sb = s * STRIPE
        for r in range(STRIPE // ACH):
            pltpu.sync_copy(msg2, acc2.at[pl.ds(sb + r * ACH, ACH)])
        pltpu.sync_copy(msg2.at[pl.ds(0, STRIPE % ACH)],
                        acc2.at[pl.ds(sb + (STRIPE // ACH) * ACH,
                                      STRIPE % ACH)])
        plsc.subcore_barrier()

        mv = m2v[...]

        for t in (s, s + 16):
            row = metab[t, pl.ds(0, 16)]
            cnt = lax.reduce_max(jnp.where(i16 == c, row, 0), (0,))
            nch = (cnt + ACH - 1) // ACH

            def chunk(j, _):
                pltpu.sync_copy(binned_h.at[t, c, pl.ds(j * ACH, ACH)], ebuf)

                def up(k, _2):
                    e = ebuf[pl.ds(k * 16, 16)]
                    sv = jnp.bitwise_and(e, 0xFFFF)
                    dv = lax.shift_right_logical(e, 16)
                    val = i16 < (cnt - j * ACH - k * 16)
                    sloc[pl.ds(k * 16, 16)] = jnp.where(val, sv, 0)
                    gloc[pl.ds(k * 16, 16)] = jnp.where(val, dv, 0)
                    dloc[pl.ds(k * 16, 16)] = jnp.where(val, dv - c * HALF, 0)
                    vmask[pl.ds(k * 16, 16)] = jnp.where(val, 1.0, 0.0)
                    return 0
                lax.fori_loop(0, ACH // 16, up, 0)

                pltpu.sync_copy(ts_h.at[sloc], rows2)
                pltpu.sync_copy(adf_h.at[gloc], advals)

                def exq(q, _2):
                    ri = i16 + q * 16
                    asv = plsc.load_gather(rows2, [ri, i16 * 0 + 7])
                    adv = advals[pl.ds(q * 16, 16)]
                    vm = vmask[pl.ds(q * 16, 16)]
                    zz = asv + adv
                    lr = jnp.maximum(zz, 0.2 * zz) - mv
                    exb2[pl.ds(q * 16, 16)] = jnp.exp(lr) * vm
                    return 0
                lax.fori_loop(0, ACH // 16, exq, 0)

                def mp(p, _2):
                    ri = 2 * p + hi
                    rv = plsc.load_gather(rows2, [ri, lo7])
                    ep = plsc.load_gather(exb2, [ri])
                    m = jnp.where(is7, 1.0, rv) * ep
                    plsc.store_scatter(msg2, [ri, lo7], m)
                    return 0
                lax.fori_loop(0, ACH // 2, mp, 0)

                pltpu.sync_copy(msg2, acc2.at[dloc], add=True)
                return 0
            lax.fori_loop(0, nch, chunk, 0)

        plsc.subcore_barrier()
        pltpu.sync_copy(acc2.at[pl.ds(sb, STRIPE)],
                        out_h.at[pl.ds(c * HALF + sb, STRIPE)])

    return agg2


_partition = _make_partition()
_agg1 = _make_agg1()
_agg2 = _make_agg2()


def kernel(x, edge_index, W1, a1_src, a1_dst, W2, a2_src, a2_dst):
    xp = jnp.pad(x, ((0, NP - N), (0, KP - x.shape[1])))
    i64 = jnp.arange(64)
    asrc = jnp.zeros((64, 8), jnp.float32).at[i64, i64 // 8].set(
        a1_src.reshape(-1))
    adst = jnp.zeros((64, 8), jnp.float32).at[i64, i64 // 8].set(
        a1_dst.reshape(-1))
    w1e = jnp.concatenate([W1, W1 @ asrc, W1 @ adst], axis=1)
    w1e = jnp.pad(w1e, ((0, KP - W1.shape[0]), (0, 0)))

    hs1, ad1, ms1, md1 = _layer1_dense(xp, w1e)
    m1 = jnp.tile((ms1 + md1).reshape(8), 2)

    src = edge_index[0]
    dst = edge_index[1]
    binned, meta = _partition(src, dst)

    h1f = _agg1(binned, meta, hs1, ad1, m1)

    w2p = jnp.pad(W2, ((0, 0), (0, 1)))
    a2s = jnp.pad(a2_src, ((0, 0), (0, 1)))
    a2d = jnp.pad(a2_dst, ((0, 0), (0, 1)))
    ts2, td2, ms2, md2 = _layer2_dense(h1f, w2p, a2s, a2d)
    m2 = jnp.full((16,), (ms2[0, 0] + md2[0, 0]), jnp.float32)

    acc2 = _agg2(binned, meta, ts2, td2[:, 0], m2)

    return _final(acc2)[:N]

# --- scband reference (transcript-rebuilt; emitter-appended) ---
"""Pipeline reference for scband-net-38087769981655 (READ-ONLY COPY).

The authoritative reference and input builder live on the scoring server;
editing this copy changes nothing except your own understanding.
"""

import jax, jax.numpy as jnp
import numpy as np

N_NODES = 50000
N_EDGES = 1600000
IN_DIM = 1433
H1, F1 = 8, 8
H2, F2 = 1, 7


def setup_inputs(seed: int = 0) -> dict:
    key = jax.random.key(seed)
    ks = jax.random.split(key, 8)
    x = jax.random.normal(ks[0], (N_NODES, IN_DIM), dtype=jnp.float32)
    edge_index = jax.random.randint(ks[1], (2, N_EDGES), 0, N_NODES, dtype=jnp.int32)
    W1 = jax.random.normal(ks[2], (IN_DIM, H1 * F1), dtype=jnp.float32) * (1.0 / np.sqrt(IN_DIM))
    a1_src = jax.random.normal(ks[3], (H1, F1), dtype=jnp.float32) * 0.1
    a1_dst = jax.random.normal(ks[4], (H1, F1), dtype=jnp.float32) * 0.1
    W2 = jax.random.normal(ks[5], (H1 * F1, H2 * F2), dtype=jnp.float32) * (1.0 / np.sqrt(H1 * F1))
    a2_src = jax.random.normal(ks[6], (H2, F2), dtype=jnp.float32) * 0.1
    a2_dst = jax.random.normal(ks[7], (H2, F2), dtype=jnp.float32) * 0.1
    return {"x": x, "edge_index": edge_index, "W1": W1, "a1_src": a1_src, "a1_dst": a1_dst, "W2": W2, "a2_src": a2_src, "a2_dst": a2_dst}


def _gat_layer(x, edge_index, W, a_src, a_dst, heads, out_dim, concat):
    N = x.shape[0]
    src = edge_index[0]
    dst = edge_index[1]
    h = (x @ W).reshape(N, heads, out_dim)                      # [N, H, F]
    alpha_src = jnp.sum(h * a_src[None, :, :], axis=-1)         # [N, H]
    alpha_dst = jnp.sum(h * a_dst[None, :, :], axis=-1)         # [N, H]
    e = jax.nn.leaky_relu(alpha_src[src] + alpha_dst[dst], 0.2)  # [E, H] (gather)
    e_max = jax.ops.segment_max(e, dst, num_segments=N)
    e_max = jnp.where(jnp.isfinite(e_max), e_max, 0.0)
    e_max = jax.lax.stop_gradient(e_max)
    ex = jnp.exp(e - e_max[dst])                                # [E, H]
    denom = jax.ops.segment_sum(ex, dst, num_segments=N)        # [N, H]
    alpha = ex / (denom[dst] + 1e-16)                           # edge softmax over incoming edges
    msg = alpha[:, :, None] * h[src]                            # [E, H, F] (gather)
    out = jax.ops.segment_sum(msg, dst, num_segments=N)         # [N, H, F] (scatter-add)
    if concat:
        return out.reshape(N, heads * out_dim)
    return out.mean(axis=1)


def reference(x, edge_index, W1, a1_src, a1_dst, W2, a2_src, a2_dst):
    # dropout(p=0.6) is identity in eval mode; original forward applies att1 to raw input
    h = _gat_layer(x, edge_index, W1, a1_src, a1_dst, H1, F1, True)
    h = jax.nn.elu(h)
    h = _gat_layer(h, edge_index, W2, a2_src, a2_dst, H2, F2, False)
    return jax.nn.log_softmax(h, axis=1)

if __name__ == "__main__":
    import jax
    _d = setup_inputs()
    print(jax.jit(kernel)(*tuple(_d.values())))

</pallas_src>

<mosaic_0001>
#map = affine_map<(d0, d1) -> (0)>
#map1 = affine_map<(d0, d1) -> (0, 0, 0)>
#map2 = affine_map<(d0, d1) -> (0, 0)>
module attributes {stable_mosaic.version = 14 : i64} {
  func.func @part(%arg0: i32, %arg1: i32, %arg2: memref<1600000xi32, #tpu.memory_space<hbm>>, %arg3: memref<1600000xi32, #tpu.memory_space<hbm>>, %arg4: memref<32x2x50048xi32, #tpu.memory_space<hbm>>, %arg5: memref<32x16xi32, #tpu.memory_space<hbm>>, %arg6: memref<2000xi32, #tpu.memory_space<vmem>>, %arg7: memref<2000xi32, #tpu.memory_space<vmem>>, %arg8: memref<50048xi32, #tpu.memory_space<vmem>>, %arg9: memref<50048xi32, #tpu.memory_space<vmem>>, %arg10: memref<16xi32, #tpu.memory_space<vmem>>, %arg11: memref<!tpu.dma_semaphore, #tpu.memory_space<semaphore_mem>>) attributes {dimension_semantics = [#tpu.dimension_semantics<core_parallel>, #tpu.dimension_semantics<subcore_parallel>], iteration_bounds = array<i64: 2, 16>, scalar_prefetch = 0 : i64, scratch_operands = 6 : i64, tpu.core_type = #tpu.core_type<sc_vector_subcore>, window_params = [{transform_indices = #map}, {transform_indices = #map}, {transform_indices = #map1}, {transform_indices = #map2}]} {
    %mul3A = arith.constant 16 : i32
    %mul3A_0 = arith.muli %arg0, %mul3A : i32
    %add3A = arith.addi %mul3A_0, %arg1 : i32
    %mul3A_1 = arith.constant 50000 : i32
    %mul3A_2 = arith.muli %add3A, %mul3A_1 : i32
    %iota3A = tpu.iota {dimensions = array<i32: 0>} : vector<16xi32>
    %scan3A = arith.constant 0 : i32
    %scan3A_3 = arith.constant 0 : i32
    %scan3A_4 = arith.constant 0 : i32
    %scan3A_5 = arith.constant 25 : i32
    %scan3A_6 = arith.addi %scan3A_4, %scan3A_5 : i32
    %scan3A_7 = arith.constant 1 : i32
    %scan3A_8:2 = scf.for %scan3A_20 = %scan3A_4 to %scan3A_6 step %scan3A_7 iter_args(%scan3A_21 = %scan3A, %scan3A_22 = %scan3A_3) -> (i32, i32)  : i32 {
      %mul3A_23 = arith.constant 2000 : i32
      %mul3A_24 = arith.muli %scan3A_20, %mul3A_23 : i32
      %add3A_25 = arith.addi %mul3A_2, %mul3A_24 : i32
      "tpu.region"() ({
        %run_scoped3A_35 = tpu.sem_alloc : memref<!tpu.dma_semaphore, #tpu.memory_space<semaphore_mem>>
        %dma_start3A = tpu.memref_slice %arg2[%add3A_25] : memref<1600000xi32, #tpu.memory_space<hbm>> -> memref<2000xi32, #tpu.memory_space<hbm>>
        %dma_start3A_36 = tpu.memref_slice %arg2[%add3A_25] : memref<1600000xi32, #tpu.memory_space<hbm>> -> memref<2000xi32, #tpu.memory_space<hbm>>
        tpu.enqueue_dma source(%dma_start3A_36 : memref<2000xi32, #tpu.memory_space<hbm>>) target(%arg6 : memref<2000xi32, #tpu.memory_space<vmem>>) target_semaphore(%run_scoped3A_35 : memref<!tpu.dma_semaphore, #tpu.memory_space<semaphore_mem>>)
        %dma_wait3A = tpu.memref_slice %arg2[%add3A_25] : memref<1600000xi32, #tpu.memory_space<hbm>> -> memref<2000xi32, #tpu.memory_space<hbm>>
        %dma_wait3A_37 = tpu.memref_slice %arg2[%add3A_25] : memref<1600000xi32, #tpu.memory_space<hbm>> -> memref<2000xi32, #tpu.memory_space<hbm>>
        tpu.wait_dma2 semaphore(%run_scoped3A_35 : memref<!tpu.dma_semaphore, #tpu.memory_space<semaphore_mem>>) src(%dma_wait3A_37 : memref<2000xi32, #tpu.memory_space<hbm>>) dst(%arg6 : memref<2000xi32, #tpu.memory_space<vmem>>)
        tpu.yield
      }) : () -> ()
      %mul3A_26 = arith.constant 2000 : i32
      %mul3A_27 = arith.muli %scan3A_20, %mul3A_26 : i32
      %add3A_28 = arith.addi %mul3A_2, %mul3A_27 : i32
      "tpu.region"() ({
        %run_scoped3A_35 = tpu.sem_alloc : memref<!tpu.dma_semaphore, #tpu.memory_space<semaphore_mem>>
        %dma_start3A = tpu.memref_slice %arg3[%add3A_28] : memref<1600000xi32, #tpu.memory_space<hbm>> -> memref<2000xi32, #tpu.memory_space<hbm>>
        %dma_start3A_36 = tpu.memref_slice %arg3[%add3A_28] : memref<1600000xi32, #tpu.memory_space<hbm>> -> memref<2000xi32, #tpu.memory_space<hbm>>
        tpu.enqueue_dma source(%dma_start3A_36 : memref<2000xi32, #tpu.memory_space<hbm>>) target(%arg7 : memref<2000xi32, #tpu.memory_space<vmem>>) target_semaphore(%run_scoped3A_35 : memref<!tpu.dma_semaphore, #tpu.memory_space<semaphore_mem>>)
        %dma_wait3A = tpu.memref_slice %arg3[%add3A_28] : memref<1600000xi32, #tpu.memory_space<hbm>> -> memref<2000xi32, #tpu.memory_space<hbm>>
        %dma_wait3A_37 = tpu.memref_slice %arg3[%add3A_28] : memref<1600000xi32, #tpu.memory_space<hbm>> -> memref<2000xi32, #tpu.memory_space<hbm>>
        tpu.wait_dma2 semaphore(%run_scoped3A_35 : memref<!tpu.dma_semaphore, #tpu.memory_space<semaphore_mem>>) src(%dma_wait3A_37 : memref<2000xi32, #tpu.memory_space<hbm>>) dst(%arg7 : memref<2000xi32, #tpu.memory_space<vmem>>)
        tpu.yield
      }) : () -> ()
      %scan3A_29 = arith.constant 0 : i32
      %scan3A_30 = arith.constant 125 : i32
      %scan3A_31 = arith.addi %scan3A_29, %scan3A_30 : i32
      %scan3A_32 = arith.constant 1 : i32
      %scan3A_33:2 = scf.for %scan3A_35 = %scan3A_29 to %scan3A_31 step %scan3A_32 iter_args(%scan3A_36 = %scan3A_21, %scan3A_37 = %scan3A_22) -> (i32, i32)  : i32 {
        %mul3A_38 = arith.constant 16 : i32
        %mul3A_39 = arith.muli %scan3A_35, %mul3A_38 : i32
        %get3A = arith.index_cast %mul3A_39 : i32 to index
        %get3A_40 = tpu.vector_load %arg6[%get3A] {strides = array<i32>} : memref<2000xi32, #tpu.memory_space<vmem>>, vector<16xi32>,
        %mul3A_41 = arith.constant 16 : i32
        %mul3A_42 = arith.muli %scan3A_35, %mul3A_41 : i32
        %get3A_43 = arith.index_cast %mul3A_42 : i32 to index
        %get3A_44 = tpu.vector_load %arg7[%get3A_43] {strides = array<i32>} : memref<2000xi32, #tpu.memory_space<vmem>>, vector<16xi32>,
        %shift_left3A = arith.constant 16 : i32
        %shift_left3A_45 = vector.broadcast %shift_left3A : i32 to vector<16xi32>
        %shift_left3A_46 = arith.shli %get3A_44, %shift_left3A_45 : vector<16xi32>
        %or3A = arith.ori %get3A_40, %shift_left3A_46 : vector<16xi32>
        %lt3A = arith.constant 25088 : i32
        %lt3A_47 = vector.broadcast %lt3A : i32 to vector<16xi32>
        %lt3A_48 = arith.cmpi slt, %get3A_44, %lt3A_47 : vector<16xi32>
        %convert_element_type3A = arith.extui %lt3A_48 : vector<16xi1> to vector<16xi32>
        %broadcast_in_dim3A_49 = arith.constant true
        %broadcast_in_dim3A_50 = vector.broadcast %broadcast_in_dim3A_49 : i1 to vector<16xi1>
        %masked_cumsum3A = tpu.scan <sum>, %convert_element_type3A masked %broadcast_in_dim3A_50 : vector<16xi32>, vector<16xi1> -> vector<16xi32>
        %add3A_51 = arith.constant 1 : i32
        %add3A_52 = vector.broadcast %add3A_51 : i32 to vector<16xi32>
        %add3A_53 = arith.addi %iota3A, %add3A_52 : vector<16xi32>
        %sub3A = arith.subi %add3A_53, %masked_cumsum3A : vector<16xi32>
        %add3A_54 = vector.broadcast %scan3A_36 : i32 to vector<16xi32>
        %add3A_55 = arith.addi %add3A_54, %masked_cumsum3A : vector<16xi32>
        %sub3A_56 = arith.constant 1 : i32
        %sub3A_57 = vector.broadcast %sub3A_56 : i32 to vector<16xi32>
        %sub3A_58 = arith.subi %add3A_55, %sub3A_57 : vector<16xi32>
        tpu.vector_store_idx %arg8[%sub3A_58], %or3A masked %lt3A_48 : memref<50048xi32, #tpu.memory_space<vmem>>[vector<16xi32>], vector<16xi32>, vector<16xi1>
        %add3A_59 = vector.broadcast %scan3A_37 : i32 to vector<16xi32>
        %add3A_60 = arith.addi %add3A_59, %sub3A : vector<16xi32>
        %sub3A_61 = arith.constant 1 : i32
        %sub3A_62 = vector.broadcast %sub3A_61 : i32 to vector<16xi32>
        %sub3A_63 = arith.subi %add3A_60, %sub3A_62 : vector<16xi32>
        %not3A = arith.constant dense<true> : vector<16xi1>
        %not3A_64 = arith.xori %lt3A_48, %not3A : vector<16xi1>
        tpu.vector_store_idx %arg9[%sub3A_63], %or3A masked %not3A_64 : memref<50048xi32, #tpu.memory_space<vmem>>[vector<16xi32>], vector<16xi32>, vector<16xi1>
        %slice3A = vector.extract_strided_slice %masked_cumsum3A {offsets = [15], sizes = [1], strides = [1]} : vector<16xi32> to vector<1xi32>
        %squeeze3A = vector.extract %slice3A[0] : i32 from vector<1xi32>
        %add3A_65 = arith.addi %scan3A_36, %squeeze3A : i32
        %sub3A_66 = arith.constant 16 : i32
        %sub3A_67 = arith.subi %sub3A_66, %squeeze3A : i32
        %add3A_68 = arith.addi %scan3A_37, %sub3A_67 : i32
        scf.yield %add3A_65, %add3A_68 : i32, i32
      }
      %scan3A_34 = arith.constant 125 : i32
      scf.yield %scan3A_33#0, %scan3A_33#1 : i32, i32
    }
    %scan3A_9 = arith.constant 25 : i32
    %run_scoped3A = arith.constant 0 : i32
    "tpu.region"() ({
      %run_scoped3A_20 = tpu.sem_alloc : memref<!tpu.dma_semaphore, #tpu.memory_space<semaphore_mem>>
      %dma_start3A = arith.constant 0 : i32
      %dma_start3A_21 = tpu.memref_slice %arg4[%add3A, %run_scoped3A, %dma_start3A] : memref<32x2x50048xi32, #tpu.memory_space<hbm>> -> memref<1x1x50048xi32, #tpu.memory_space<hbm>>
      %dma_start3A_22 = tpu.memref_squeeze %dma_start3A_21 : memref<1x1x50048xi32, #tpu.memory_space<hbm>> -> memref<50048xi32, #tpu.memory_space<hbm>>
      %dma_start3A_23 = arith.constant 0 : i32
      %dma_start3A_24 = tpu.memref_slice %arg4[%add3A, %run_scoped3A, %dma_start3A_23] : memref<32x2x50048xi32, #tpu.memory_space<hbm>> -> memref<1x1x50048xi32, #tpu.memory_space<hbm>>
      %dma_start3A_25 = tpu.memref_squeeze %dma_start3A_24 : memref<1x1x50048xi32, #tpu.memory_space<hbm>> -> memref<50048xi32, #tpu.memory_space<hbm>>
      tpu.enqueue_dma source(%arg8 : memref<50048xi32, #tpu.memory_space<vmem>>) target(%dma_start3A_25 : memref<50048xi32, #tpu.memory_space<hbm>>) target_semaphore(%run_scoped3A_20 : memref<!tpu.dma_semaphore, #tpu.memory_space<semaphore_mem>>)
      %dma_wait3A = arith.constant 0 : i32
      %dma_wait3A_26 = tpu.memref_slice %arg4[%add3A, %run_scoped3A, %dma_wait3A] : memref<32x2x50048xi32, #tpu.memory_space<hbm>> -> memref<1x1x50048xi32, #tpu.memory_space<hbm>>
      %dma_wait3A_27 = tpu.memref_squeeze %dma_wait3A_26 : memref<1x1x50048xi32, #tpu.memory_space<hbm>> -> memref<50048xi32, #tpu.memory_space<hbm>>
      %dma_wait3A_28 = arith.constant 0 : i32
      %dma_wait3A_29 = tpu.memref_slice %arg4[%add3A, %run_scoped3A, %dma_wait3A_28] : memref<32x2x50048xi32, #tpu.memory_space<hbm>> -> memref<1x1x50048xi32, #tpu.memory_space<hbm>>
      %dma_wait3A_30 = tpu.memref_squeeze %dma_wait3A_29 : memref<1x1x50048xi32, #tpu.memory_space<hbm>> -> memref<50048xi32, #tpu.memory_space<hbm>>
      tpu.wait_dma2 semaphore(%run_scoped3A_20 : memref<!tpu.dma_semaphore, #tpu.memory_space<semaphore_mem>>) src(%arg8 : memref<50048xi32, #tpu.memory_space<vmem>>) dst(%dma_wait3A_30 : memref<50048xi32, #tpu.memory_space<hbm>>)
      tpu.yield
    }) : () -> ()
    %run_scoped3A_10 = arith.constant 1 : i32
    "tpu.region"() ({
      %run_scoped3A_20 = tpu.sem_alloc : memref<!tpu.dma_semaphore, #tpu.memory_space<semaphore_mem>>
      %dma_start3A = arith.constant 0 : i32
      %dma_start3A_21 = tpu.memref_slice %arg4[%add3A, %run_scoped3A_10, %dma_start3A] : memref<32x2x50048xi32, #tpu.memory_space<hbm>> -> memref<1x1x50048xi32, #tpu.memory_space<hbm>>
      %dma_start3A_22 = tpu.memref_squeeze %dma_start3A_21 : memref<1x1x50048xi32, #tpu.memory_space<hbm>> -> memref<50048xi32, #tpu.memory_space<hbm>>
      %dma_start3A_23 = arith.constant 0 : i32
      %dma_start3A_24 = tpu.memref_slice %arg4[%add3A, %run_scoped3A_10, %dma_start3A_23] : memref<32x2x50048xi32, #tpu.memory_space<hbm>> -> memref<1x1x50048xi32, #tpu.memory_space<hbm>>
      %dma_start3A_25 = tpu.memref_squeeze %dma_start3A_24 : memref<1x1x50048xi32, #tpu.memory_space<hbm>> -> memref<50048xi32, #tpu.memory_space<hbm>>
      tpu.enqueue_dma source(%arg9 : memref<50048xi32, #tpu.memory_space<vmem>>) target(%dma_start3A_25 : memref<50048xi32, #tpu.memory_space<hbm>>) target_semaphore(%run_scoped3A_20 : memref<!tpu.dma_semaphore, #tpu.memory_space<semaphore_mem>>)
      %dma_wait3A = arith.constant 0 : i32
      %dma_wait3A_26 = tpu.memref_slice %arg4[%add3A, %run_scoped3A_10, %dma_wait3A] : memref<32x2x50048xi32, #tpu.memory_space<hbm>> -> memref<1x1x50048xi32, #tpu.memory_space<hbm>>
      %dma_wait3A_27 = tpu.memref_squeeze %dma_wait3A_26 : memref<1x1x50048xi32, #tpu.memory_space<hbm>> -> memref<50048xi32, #tpu.memory_space<hbm>>
      %dma_wait3A_28 = arith.constant 0 : i32
      %dma_wait3A_29 = tpu.memref_slice %arg4[%add3A, %run_scoped3A_10, %dma_wait3A_28] : memref<32x2x50048xi32, #tpu.memory_space<hbm>> -> memref<1x1x50048xi32, #tpu.memory_space<hbm>>
      %dma_wait3A_30 = tpu.memref_squeeze %dma_wait3A_29 : memref<1x1x50048xi32, #tpu.memory_space<hbm>> -> memref<50048xi32, #tpu.memory_space<hbm>>
      tpu.wait_dma2 semaphore(%run_scoped3A_20 : memref<!tpu.dma_semaphore, #tpu.memory_space<semaphore_mem>>) src(%arg9 : memref<50048xi32, #tpu.memory_space<vmem>>) dst(%dma_wait3A_30 : memref<50048xi32, #tpu.memory_space<hbm>>)
      tpu.yield
    }) : () -> ()
    %eq3A = arith.constant 0 : i32
    %eq3A_11 = vector.broadcast %eq3A : i32 to vector<16xi32>
    %eq3A_12 = arith.cmpi eq, %iota3A, %eq3A_11 : vector<16xi32>
    %eq3A_13 = arith.constant 1 : i32
    %eq3A_14 = vector.broadcast %eq3A_13 : i32 to vector<16xi32>
    %eq3A_15 = arith.cmpi eq, %iota3A, %eq3A_14 : vector<16xi32>
    %jit3A = arith.constant 0 : i32
    %broadcast_in_dim3A = vector.broadcast %scan3A_8#1 : i32 to vector<16xi32>
    %broadcast_in_dim3A_16 = vector.broadcast %jit3A : i32 to vector<16xi32>
    %select_n3A = arith.select %eq3A_15, %broadcast_in_dim3A, %broadcast_in_dim3A_16 : vector<16xi1>, vector<16xi32>
    %broadcast_in_dim3A_17 = vector.broadcast %scan3A_8#0 : i32 to vector<16xi32>
    %select_n3A_18 = arith.select %eq3A_12, %broadcast_in_dim3A_17, %select_n3A : vector<16xi1>, vector<16xi32>
    %swap3A = arith.constant 0 : index
    %swap3A_19 = tpu.vector_load %arg10[%swap3A] {strides = array<i32>} : memref<16xi32, #tpu.memory_space<vmem>>, vector<16xi32>,
    tpu.vector_store %arg10[%swap3A], %select_n3A_18 {strides = array<i32>} : memref<16xi32, #tpu.memory_space<vmem>>, vector<16xi32>,
    "tpu.region"() ({
      %run_scoped3A_20 = tpu.sem_alloc : memref<!tpu.dma_semaphore, #tpu.memory_space<semaphore_mem>>
      %dma_start3A = arith.constant 0 : i32
      %dma_start3A_21 = tpu.memref_slice %arg5[%add3A, %dma_start3A] : memref<32x16xi32, #tpu.memory_space<hbm>> -> memref<1x16xi32, #tpu.memory_space<hbm>>
      %dma_start3A_22 = tpu.memref_squeeze %dma_start3A_21 : memref<1x16xi32, #tpu.memory_space<hbm>> -> memref<16xi32, #tpu.memory_space<hbm>>
      %dma_start3A_23 = arith.constant 0 : i32
      %dma_start3A_24 = tpu.memref_slice %arg5[%add3A, %dma_start3A_23] : memref<32x16xi32, #tpu.memory_space<hbm>> -> memref<1x16xi32, #tpu.memory_space<hbm>>
      %dma_start3A_25 = tpu.memref_squeeze %dma_start3A_24 : memref<1x16xi32, #tpu.memory_space<hbm>> -> memref<16xi32, #tpu.memory_space<hbm>>
      tpu.enqueue_dma source(%arg10 : memref<16xi32, #tpu.memory_space<vmem>>) target(%dma_start3A_25 : memref<16xi32, #tpu.memory_space<hbm>>) target_semaphore(%run_scoped3A_20 : memref<!tpu.dma_semaphore, #tpu.memory_space<semaphore_mem>>)
      %dma_wait3A = arith.constant 0 : i32
      %dma_wait3A_26 = tpu.memref_slice %arg5[%add3A, %dma_wait3A] : memref<32x16xi32, #tpu.memory_space<hbm>> -> memref<1x16xi32, #tpu.memory_space<hbm>>
      %dma_wait3A_27 = tpu.memref_squeeze %dma_wait3A_26 : memref<1x16xi32, #tpu.memory_space<hbm>> -> memref<16xi32, #tpu.memory_space<hbm>>
      %dma_wait3A_28 = arith.constant 0 : i32
      %dma_wait3A_29 = tpu.memref_slice %arg5[%add3A, %dma_wait3A_28] : memref<32x16xi32, #tpu.memory_space<hbm>> -> memref<1x16xi32, #tpu.memory_space<hbm>>
      %dma_wait3A_30 = tpu.memref_squeeze %dma_wait3A_29 : memref<1x16xi32, #tpu.memory_space<hbm>> -> memref<16xi32, #tpu.memory_space<hbm>>
      tpu.wait_dma2 semaphore(%run_scoped3A_20 : memref<!tpu.dma_semaphore, #tpu.memory_space<semaphore_mem>>) src(%arg10 : memref<16xi32, #tpu.memory_space<vmem>>) dst(%dma_wait3A_30 : memref<16xi32, #tpu.memory_space<hbm>>)
      tpu.yield
    }) : () -> ()
    return
  }
}

#map = affine_map<(d0, d1) -> (0, 0, 0)>
#map1 = affine_map<(d0, d1) -> (0, 0)>
#map2 = affine_map<(d0, d1) -> (0)>
module attributes {stable_mosaic.version = 14 : i64} {
  func.func @agg1(%arg0: i32, %arg1: i32, %arg2: memref<32x2x50048xi32, #tpu.memory_space<hbm>>, %arg3: memref<32x16xi32, #tpu.memory_space<hbm>>, %arg4: memref<50176x80xf32, #tpu.memory_space<hbm>>, %arg5: memref<50176x8xf32, #tpu.memory_space<hbm>>, %arg6: memref<16xf32, #tpu.memory_space<hbm>>, %arg7: memref<50176x64xf32, #tpu.memory_space<hbm>>, %arg8: memref<64xi32, #tpu.memory_space<vmem>>, %arg9: memref<64xi32, #tpu.memory_space<vmem>>, %arg10: memref<64xi32, #tpu.memory_space<vmem>>, %arg11: memref<64xi32, #tpu.memory_space<vmem>>, %arg12: memref<64xf32, #tpu.memory_space<vmem>>, %arg13: memref<64x80xf32, #tpu.memory_space<vmem>>, %arg14: memref<64x8xf32, #tpu.memory_space<vmem>>, %arg15: memref<512xf32, #tpu.memory_space<vmem>>, %arg16: memref<64x72xf32, #tpu.memory_space<vmem>>, %arg17: memref<16xf32, #tpu.memory_space<vmem>>, %arg18: memref<32x16xi32, #tpu.memory_space<vmem>>, %arg19: memref<32x72xf32, #tpu.memory_space<vmem>>, %arg20: memref<32x64xf32, #tpu.memory_space<vmem>>, %arg21: memref<25088x72xf32, #tpu.memory_space<vmem_shared>>, %arg22: memref<!tpu.dma_semaphore, #tpu.memory_space<semaphore_mem>>) attributes {dimension_semantics = [#tpu.dimension_semantics<core_parallel>, #tpu.dimension_semantics<subcore_parallel>], iteration_bounds = array<i64: 2, 16>, scalar_prefetch = 0 : i64, scratch_operands = 15 : i64, tpu.core_type = #tpu.core_type<sc_vector_subcore>, window_params = [{transform_indices = #map}, {transform_indices = #map1}, {transform_indices = #map1}, {transform_indices = #map1}, {transform_indices = #map2}, {transform_indices = #map1}]} {
    %iota3A = tpu.iota {dimensions = array<i32: 0>} : vector<16xi32>
    %shift_right_logical3A = arith.constant 3 : i32
    %shift_right_logical3A_0 = vector.broadcast %shift_right_logical3A : i32 to vector<16xi32>
    %shift_right_logical3A_1 = arith.shrui %iota3A, %shift_right_logical3A_0 : vector<16xi32>
    %and3A = arith.constant 7 : i32
    %and3A_2 = vector.broadcast %and3A : i32 to vector<16xi32>
    %and3A_3 = arith.andi %iota3A, %and3A_2 : vector<16xi32>
    %lt3A = arith.constant 8 : i32
    %lt3A_4 = vector.broadcast %lt3A : i32 to vector<16xi32>
    %lt3A_5 = arith.cmpi slt, %iota3A, %lt3A_4 : vector<16xi32>
    %broadcast_in_dim3A = arith.constant 0.000000e+00 : f32
    %broadcast_in_dim3A_6 = vector.broadcast %broadcast_in_dim3A : f32 to vector<16xf32>
    "tpu.region"() ({
      %run_scoped3A = tpu.sem_alloc : memref<!tpu.dma_semaphore, #tpu.memory_space<semaphore_mem>>
      tpu.enqueue_dma source(%arg6 : memref<16xf32, #tpu.memory_space<hbm>>) target(%arg17 : memref<16xf32, #tpu.memory_space<vmem>>) target_semaphore(%run_scoped3A : memref<!tpu.dma_semaphore, #tpu.memory_space<semaphore_mem>>)
      tpu.wait_dma2 semaphore(%run_scoped3A : memref<!tpu.dma_semaphore, #tpu.memory_space<semaphore_mem>>) src(%arg6 : memref<16xf32, #tpu.memory_space<hbm>>) dst(%arg17 : memref<16xf32, #tpu.memory_space<vmem>>)
      tpu.yield
    }) : () -> ()
    "tpu.region"() ({
      %run_scoped3A = tpu.sem_alloc : memref<!tpu.dma_semaphore, #tpu.memory_space<semaphore_mem>>
      tpu.enqueue_dma source(%arg3 : memref<32x16xi32, #tpu.memory_space<hbm>>) target(%arg18 : memref<32x16xi32, #tpu.memory_space<vmem>>) target_semaphore(%run_scoped3A : memref<!tpu.dma_semaphore, #tpu.memory_space<semaphore_mem>>)
      tpu.wait_dma2 semaphore(%run_scoped3A : memref<!tpu.dma_semaphore, #tpu.memory_space<semaphore_mem>>) src(%arg3 : memref<32x16xi32, #tpu.memory_space<hbm>>) dst(%arg18 : memref<32x16xi32, #tpu.memory_space<vmem>>)
      tpu.yield
    }) : () -> ()
    %scan3A = arith.constant 0 : i32
    %scan3A_7 = arith.constant 0 : i32
    %scan3A_8 = arith.constant 32 : i32
    %scan3A_9 = arith.addi %scan3A_7, %scan3A_8 : i32
    %scan3A_10 = arith.constant 1 : i32
    %scan3A_11 = scf.for %scan3A_206 = %scan3A_7 to %scan3A_9 step %scan3A_10 iter_args(%scan3A_207 = %scan3A) -> (i32)  : i32 {
      %mul3A_208 = arith.constant 2 : i32
      %mul3A_209 = arith.muli %mul3A_208, %scan3A_206 : i32
      %add3A_210 = arith.constant 0 : i32
      %add3A_211 = arith.addi %mul3A_209, %add3A_210 : i32
      %swap3A = arith.index_cast %add3A_211 : i32 to index
      %swap3A_212 = arith.constant 0 : index
      %swap3A_213 = tpu.vector_load %arg16[%swap3A, %swap3A_212] {strides = array<i32>} : memref<64x72xf32, #tpu.memory_space<vmem>>, vector<16xf32>,
      tpu.vector_store %arg16[%swap3A, %swap3A_212], %broadcast_in_dim3A_6 {strides = array<i32>} : memref<64x72xf32, #tpu.memory_space<vmem>>, vector<16xf32>,
      %mul3A_214 = arith.constant 2 : i32
      %mul3A_215 = arith.muli %mul3A_214, %scan3A_206 : i32
      %add3A_216 = arith.constant 0 : i32
      %add3A_217 = arith.addi %mul3A_215, %add3A_216 : i32
      %swap3A_218 = arith.index_cast %add3A_217 : i32 to index
      %swap3A_219 = arith.constant 16 : index
      %swap3A_220 = tpu.vector_load %arg16[%swap3A_218, %swap3A_219] {strides = array<i32>} : memref<64x72xf32, #tpu.memory_space<vmem>>, vector<16xf32>,
      tpu.vector_store %arg16[%swap3A_218, %swap3A_219], %broadcast_in_dim3A_6 {strides = array<i32>} : memref<64x72xf32, #tpu.memory_space<vmem>>, vector<16xf32>,
      %mul3A_221 = arith.constant 2 : i32
      %mul3A_222 = arith.muli %mul3A_221, %scan3A_206 : i32
      %add3A_223 = arith.constant 0 : i32
      %add3A_224 = arith.addi %mul3A_222, %add3A_223 : i32
      %swap3A_225 = arith.index_cast %add3A_224 : i32 to index
      %swap3A_226 = arith.constant 32 : index
      %swap3A_227 = tpu.vector_load %arg16[%swap3A_225, %swap3A_226] {strides = array<i32>} : memref<64x72xf32, #tpu.memory_space<vmem>>, vector<16xf32>,
      tpu.vector_store %arg16[%swap3A_225, %swap3A_226], %broadcast_in_dim3A_6 {strides = array<i32>} : memref<64x72xf32, #tpu.memory_space<vmem>>, vector<16xf32>,
      %mul3A_228 = arith.constant 2 : i32
      %mul3A_229 = arith.muli %mul3A_228, %scan3A_206 : i32
      %add3A_230 = arith.constant 0 : i32
      %add3A_231 = arith.addi %mul3A_229, %add3A_230 : i32
      %swap3A_232 = arith.index_cast %add3A_231 : i32 to index
      %swap3A_233 = arith.constant 48 : index
      %swap3A_234 = tpu.vector_load %arg16[%swap3A_232, %swap3A_233] {strides = array<i32>} : memref<64x72xf32, #tpu.memory_space<vmem>>, vector<16xf32>,
      tpu.vector_store %arg16[%swap3A_232, %swap3A_233], %broadcast_in_dim3A_6 {strides = array<i32>} : memref<64x72xf32, #tpu.memory_space<vmem>>, vector<16xf32>,
      %mul3A_235 = arith.constant 2 : i32
      %mul3A_236 = arith.muli %mul3A_235, %scan3A_206 : i32
      %add3A_237 = arith.constant 1 : i32
      %add3A_238 = arith.addi %mul3A_236, %add3A_237 : i32
      %swap3A_239 = arith.index_cast %add3A_238 : i32 to index
      %swap3A_240 = arith.constant 0 : index
      %swap3A_241 = tpu.vector_load %arg16[%swap3A_239, %swap3A_240] {strides = array<i32>} : memref<64x72xf32, #tpu.memory_space<vmem>>, vector<16xf32>,
      tpu.vector_store %arg16[%swap3A_239, %swap3A_240], %broadcast_in_dim3A_6 {strides = array<i32>} : memref<64x72xf32, #tpu.memory_space<vmem>>, vector<16xf32>,
      %mul3A_242 = arith.constant 2 : i32
      %mul3A_243 = arith.muli %mul3A_242, %scan3A_206 : i32
      %add3A_244 = arith.constant 1 : i32
      %add3A_245 = arith.addi %mul3A_243, %add3A_244 : i32
      %swap3A_246 = arith.index_cast %add3A_245 : i32 to index
      %swap3A_247 = arith.constant 16 : index
      %swap3A_248 = tpu.vector_load %arg16[%swap3A_246, %swap3A_247] {strides = array<i32>} : memref<64x72xf32, #tpu.memory_space<vmem>>, vector<16xf32>,
      tpu.vector_store %arg16[%swap3A_246, %swap3A_247], %broadcast_in_dim3A_6 {strides = array<i32>} : memref<64x72xf32, #tpu.memory_space<vmem>>, vector<16xf32>,
      %mul3A_249 = arith.constant 2 : i32
      %mul3A_250 = arith.muli %mul3A_249, %scan3A_206 : i32
      %add3A_251 = arith.constant 1 : i32
      %add3A_252 = arith.addi %mul3A_250, %add3A_251 : i32
      %swap3A_253 = arith.index_cast %add3A_252 : i32 to index
      %swap3A_254 = arith.constant 32 : index
      %swap3A_255 = tpu.vector_load %arg16[%swap3A_253, %swap3A_254] {strides = array<i32>} : memref<64x72xf32, #tpu.memory_space<vmem>>, vector<16xf32>,
      tpu.vector_store %arg16[%swap3A_253, %swap3A_254], %broadcast_in_dim3A_6 {strides = array<i32>} : memref<64x72xf32, #tpu.memory_space<vmem>>, vector<16xf32>,
      %mul3A_256 = arith.constant 2 : i32
      %mul3A_257 = arith.muli %mul3A_256, %scan3A_206 : i32
      %add3A_258 = arith.constant 1 : i32
      %add3A_259 = arith.addi %mul3A_257, %add3A_258 : i32
      %swap3A_260 = arith.index_cast %add3A_259 : i32 to index
      %swap3A_261 = arith.constant 48 : index
      %swap3A_262 = tpu.vector_load %arg16[%swap3A_260, %swap3A_261] {strides = array<i32>} : memref<64x72xf32, #tpu.memory_space<vmem>>, vector<16xf32>,
      tpu.vector_store %arg16[%swap3A_260, %swap3A_261], %broadcast_in_dim3A_6 {strides = array<i32>} : memref<64x72xf32, #tpu.memory_space<vmem>>, vector<16xf32>,
      %mul3A_263 = arith.constant 2 : i32
      %mul3A_264 = arith.muli %mul3A_263, %scan3A_206 : i32
      %add3A_265 = vector.broadcast %mul3A_264 : i32 to vector<16xi32>
      %add3A_266 = arith.addi %add3A_265, %shift_right_logical3A_1 : vector<16xi32>
      %add3A_267 = arith.constant 64 : i32
      %add3A_268 = vector.broadcast %add3A_267 : i32 to vector<16xi32>
      %add3A_269 = arith.addi %add3A_268, %and3A_3 : vector<16xi32>
      tpu.vector_store_idx %arg16[%add3A_266, %add3A_269], %broadcast_in_dim3A_6 : memref<64x72xf32, #tpu.memory_space<vmem>>[vector<16xi32>, vector<16xi32>], vector<16xf32>,
      %scan3A_270 = arith.constant 0 : i32
      scf.yield %scan3A_270 : i32
    }
    %scan3A_12 = arith.constant 32 : i32
    %mul3A = arith.constant 1568 : i32
    %mul3A_13 = arith.muli %arg1, %mul3A : i32
    %add3A = arith.constant 0 : i32
    %add3A_14 = arith.addi %mul3A_13, %add3A : i32
    "tpu.region"() ({
      %run_scoped3A = tpu.sem_alloc : memref<!tpu.dma_semaphore, #tpu.memory_space<semaphore_mem>>
      %dma_start3A = arith.constant 0 : i32
      %dma_start3A_206 = tpu.memref_slice %arg21[%add3A_14, %dma_start3A] : memref<25088x72xf32, #tpu.memory_space<vmem_shared>> -> memref<64x72xf32, #tpu.memory_space<vmem_shared>>
      %dma_start3A_207 = arith.constant 0 : i32
      %dma_start3A_208 = tpu.memref_slice %arg21[%add3A_14, %dma_start3A_207] : memref<25088x72xf32, #tpu.memory_space<vmem_shared>> -> memref<64x72xf32, #tpu.memory_space<vmem_shared>>
      tpu.enqueue_dma source(%arg16 : memref<64x72xf32, #tpu.memory_space<vmem>>) target(%dma_start3A_208 : memref<64x72xf32, #tpu.memory_space<vmem_shared>>) target_semaphore(%run_scoped3A : memref<!tpu.dma_semaphore, #tpu.memory_space<semaphore_mem>>)
      %dma_wait3A = arith.constant 0 : i32
      %dma_wait3A_209 = tpu.memref_slice %arg21[%add3A_14, %dma_wait3A] : memref<25088x72xf32, #tpu.memory_space<vmem_shared>> -> memref<64x72xf32, #tpu.memory_space<vmem_shared>>
      %dma_wait3A_210 = arith.constant 0 : i32
      %dma_wait3A_211 = tpu.memref_slice %arg21[%add3A_14, %dma_wait3A_210] : memref<25088x72xf32, #tpu.memory_space<vmem_shared>> -> memref<64x72xf32, #tpu.memory_space<vmem_shared>>
      tpu.wait_dma2 semaphore(%run_scoped3A : memref<!tpu.dma_semaphore, #tpu.memory_space<semaphore_mem>>) src(%arg16 : memref<64x72xf32, #tpu.memory_space<vmem>>) dst(%dma_wait3A_211 : memref<64x72xf32, #tpu.memory_space<vmem_shared>>)
      tpu.yield
    }) : () -> ()
    %add3A_15 = arith.constant 64 : i32
    %add3A_16 = arith.addi %mul3A_13, %add3A_15 : i32
    "tpu.region"() ({
      %run_scoped3A = tpu.sem_alloc : memref<!tpu.dma_semaphore, #tpu.memory_space<semaphore_mem>>
      %dma_start3A = arith.constant 0 : i32
      %dma_start3A_206 = tpu.memref_slice %arg21[%add3A_16, %dma_start3A] : memref<25088x72xf32, #tpu.memory_space<vmem_shared>> -> memref<64x72xf32, #tpu.memory_space<vmem_shared>>
      %dma_start3A_207 = arith.constant 0 : i32
      %dma_start3A_208 = tpu.memref_slice %arg21[%add3A_16, %dma_start3A_207] : memref<25088x72xf32, #tpu.memory_space<vmem_shared>> -> memref<64x72xf32, #tpu.memory_space<vmem_shared>>
      tpu.enqueue_dma source(%arg16 : memref<64x72xf32, #tpu.memory_space<vmem>>) target(%dma_start3A_208 : memref<64x72xf32, #tpu.memory_space<vmem_shared>>) target_semaphore(%run_scoped3A : memref<!tpu.dma_semaphore, #tpu.memory_space<semaphore_mem>>)
      %dma_wait3A = arith.constant 0 : i32
      %dma_wait3A_209 = tpu.memref_slice %arg21[%add3A_16, %dma_wait3A] : memref<25088x72xf32, #tpu.memory_space<vmem_shared>> -> memref<64x72xf32, #tpu.memory_space<vmem_shared>>
      %dma_wait3A_210 = arith.constant 0 : i32
      %dma_wait3A_211 = tpu.memref_slice %arg21[%add3A_16, %dma_wait3A_210] : memref<25088x72xf32, #tpu.memory_space<vmem_shared>> -> memref<64x72xf32, #tpu.memory_space<vmem_shared>>
      tpu.wait_dma2 semaphore(%run_scoped3A : memref<!tpu.dma_semaphore, #tpu.memory_space<semaphore_mem>>) src(%arg16 : memref<64x72xf32, #tpu.memory_space<vmem>>) dst(%dma_wait3A_211 : memref<64x72xf32, #tpu.memory_space<vmem_shared>>)
      tpu.yield
    }) : () -> ()
    %add3A_17 = arith.constant 128 : i32
    %add3A_18 = arith.addi %mul3A_13, %add3A_17 : i32
    "tpu.region"() ({
      %run_scoped3A = tpu.sem_alloc : memref<!tpu.dma_semaphore, #tpu.memory_space<semaphore_mem>>
      %dma_start3A = arith.constant 0 : i32
      %dma_start3A_206 = tpu.memref_slice %arg21[%add3A_18, %dma_start3A] : memref<25088x72xf32, #tpu.memory_space<vmem_shared>> -> memref<64x72xf32, #tpu.memory_space<vmem_shared>>
      %dma_start3A_207 = arith.constant 0 : i32
      %dma_start3A_208 = tpu.memref_slice %arg21[%add3A_18, %dma_start3A_207] : memref<25088x72xf32, #tpu.memory_space<vmem_shared>> -> memref<64x72xf32, #tpu.memory_space<vmem_shared>>
      tpu.enqueue_dma source(%arg16 : memref<64x72xf32, #tpu.memory_space<vmem>>) target(%dma_start3A_208 : memref<64x72xf32, #tpu.memory_space<vmem_shared>>) target_semaphore(%run_scoped3A : memref<!tpu.dma_semaphore, #tpu.memory_space<semaphore_mem>>)
      %dma_wait3A = arith.constant 0 : i32
      %dma_wait3A_209 = tpu.memref_slice %arg21[%add3A_18, %dma_wait3A] : memref<25088x72xf32, #tpu.memory_space<vmem_shared>> -> memref<64x72xf32, #tpu.memory_space<vmem_shared>>
      %dma_wait3A_210 = arith.constant 0 : i32
      %dma_wait3A_211 = tpu.memref_slice %arg21[%add3A_18, %dma_wait3A_210] : memref<25088x72xf32, #tpu.memory_space<vmem_shared>> -> memref<64x72xf32, #tpu.memory_space<vmem_shared>>
      tpu.wait_dma2 semaphore(%run_scoped3A : memref<!tpu.dma_semaphore, #tpu.memory_space<semaphore_mem>>) src(%arg16 : memref<64x72xf32, #tpu.memory_space<vmem>>) dst(%dma_wait3A_211 : memref<64x72xf32, #tpu.memory_space<vmem_shared>>)
      tpu.yield
    }) : () -> ()
    %add3A_19 = arith.constant 192 : i32
    %add3A_20 = arith.addi %mul3A_13, %add3A_19 : i32
    "tpu.region"() ({
      %run_scoped3A = tpu.sem_alloc : memref<!tpu.dma_semaphore, #tpu.memory_space<semaphore_mem>>
      %dma_start3A = arith.constant 0 : i32
      %dma_start3A_206 = tpu.memref_slice %arg21[%add3A_20, %dma_start3A] : memref<25088x72xf32, #tpu.memory_space<vmem_shared>> -> memref<64x72xf32, #tpu.memory_space<vmem_shared>>
      %dma_start3A_207 = arith.constant 0 : i32
      %dma_start3A_208 = tpu.memref_slice %arg21[%add3A_20, %dma_start3A_207] : memref<25088x72xf32, #tpu.memory_space<vmem_shared>> -> memref<64x72xf32, #tpu.memory_space<vmem_shared>>
      tpu.enqueue_dma source(%arg16 : memref<64x72xf32, #tpu.memory_space<vmem>>) target(%dma_start3A_208 : memref<64x72xf32, #tpu.memory_space<vmem_shared>>) target_semaphore(%run_scoped3A : memref<!tpu.dma_semaphore, #tpu.memory_space<semaphore_mem>>)
      %dma_wait3A = arith.constant 0 : i32
      %dma_wait3A_209 = tpu.memref_slice %arg21[%add3A_20, %dma_wait3A] : memref<25088x72xf32, #tpu.memory_space<vmem_shared>> -> memref<64x72xf32, #tpu.memory_space<vmem_shared>>
      %dma_wait3A_210 = arith.constant 0 : i32
      %dma_wait3A_211 = tpu.memref_slice %arg21[%add3A_20, %dma_wait3A_210] : memref<25088x72xf32, #tpu.memory_space<vmem_shared>> -> memref<64x72xf32, #tpu.memory_space<vmem_shared>>
      tpu.wait_dma2 semaphore(%run_scoped3A : memref<!tpu.dma_semaphore, #tpu.memory_space<semaphore_mem>>) src(%arg16 : memref<64x72xf32, #tpu.memory_space<vmem>>) dst(%dma_wait3A_211 : memref<64x72xf32, #tpu.memory_space<vmem_shared>>)
      tpu.yield
    }) : () -> ()
    %add3A_21 = arith.constant 256 : i32
    %add3A_22 = arith.addi %mul3A_13, %add3A_21 : i32
    "tpu.region"() ({
      %run_scoped3A = tpu.sem_alloc : memref<!tpu.dma_semaphore, #tpu.memory_space<semaphore_mem>>
      %dma_start3A = arith.constant 0 : i32
      %dma_start3A_206 = tpu.memref_slice %arg21[%add3A_22, %dma_start3A] : memref<25088x72xf32, #tpu.memory_space<vmem_shared>> -> memref<64x72xf32, #tpu.memory_space<vmem_shared>>
      %dma_start3A_207 = arith.constant 0 : i32
      %dma_start3A_208 = tpu.memref_slice %arg21[%add3A_22, %dma_start3A_207] : memref<25088x72xf32, #tpu.memory_space<vmem_shared>> -> memref<64x72xf32, #tpu.memory_space<vmem_shared>>
      tpu.enqueue_dma source(%arg16 : memref<64x72xf32, #tpu.memory_space<vmem>>) target(%dma_start3A_208 : memref<64x72xf32, #tpu.memory_space<vmem_shared>>) target_semaphore(%run_scoped3A : memref<!tpu.dma_semaphore, #tpu.memory_space<semaphore_mem>>)
      %dma_wait3A = arith.constant 0 : i32
      %dma_wait3A_209 = tpu.memref_slice %arg21[%add3A_22, %dma_wait3A] : memref<25088x72xf32, #tpu.memory_space<vmem_shared>> -> memref<64x72xf32, #tpu.memory_space<vmem_shared>>
      %dma_wait3A_210 = arith.constant 0 : i32
      %dma_wait3A_211 = tpu.memref_slice %arg21[%add3A_22, %dma_wait3A_210] : memref<25088x72xf32, #tpu.memory_space<vmem_shared>> -> memref<64x72xf32, #tpu.memory_space<vmem_shared>>
      tpu.wait_dma2 semaphore(%run_scoped3A : memref<!tpu.dma_semaphore, #tpu.memory_space<semaphore_mem>>) src(%arg16 : memref<64x72xf32, #tpu.memory_space<vmem>>) dst(%dma_wait3A_211 : memref<64x72xf32, #tpu.memory_space<vmem_shared>>)
      tpu.yield
    }) : () -> ()
    %add3A_23 = arith.constant 320 : i32
    %add3A_24 = arith.addi %mul3A_13, %add3A_23 : i32
    "tpu.region"() ({
      %run_scoped3A = tpu.sem_alloc : memref<!tpu.dma_semaphore, #tpu.memory_space<semaphore_mem>>
      %dma_start3A = arith.constant 0 : i32
      %dma_start3A_206 = tpu.memref_slice %arg21[%add3A_24, %dma_start3A] : memref<25088x72xf32, #tpu.memory_space<vmem_shared>> -> memref<64x72xf32, #tpu.memory_space<vmem_shared>>
      %dma_start3A_207 = arith.constant 0 : i32
      %dma_start3A_208 = tpu.memref_slice %arg21[%add3A_24, %dma_start3A_207] : memref<25088x72xf32, #tpu.memory_space<vmem_shared>> -> memref<64x72xf32, #tpu.memory_space<vmem_shared>>
      tpu.enqueue_dma source(%arg16 : memref<64x72xf32, #tpu.memory_space<vmem>>) target(%dma_start3A_208 : memref<64x72xf32, #tpu.memory_space<vmem_shared>>) target_semaphore(%run_scoped3A : memref<!tpu.dma_semaphore, #tpu.memory_space<semaphore_mem>>)
      %dma_wait3A = arith.constant 0 : i32
      %dma_wait3A_209 = tpu.memref_slice %arg21[%add3A_24, %dma_wait3A] : memref<25088x72xf32, #tpu.memory_space<vmem_shared>> -> memref<64x72xf32, #tpu.memory_space<vmem_shared>>
      %dma_wait3A_210 = arith.constant 0 : i32
      %dma_wait3A_211 = tpu.memref_slice %arg21[%add3A_24, %dma_wait3A_210] : memref<25088x72xf32, #tpu.memory_space<vmem_shared>> -> memref<64x72xf32, #tpu.memory_space<vmem_shared>>
      tpu.wait_dma2 semaphore(%run_scoped3A : memref<!tpu.dma_semaphore, #tpu.memory_space<semaphore_mem>>) src(%arg16 : memref<64x72xf32, #tpu.memory_space<vmem>>) dst(%dma_wait3A_211 : memref<64x72xf32, #tpu.memory_space<vmem_shared>>)
      tpu.yield
    }) : () -> ()
    %add3A_25 = arith.constant 384 : i32
    %add3A_26 = arith.addi %mul3A_13, %add3A_25 : i32
    "tpu.region"() ({
      %run_scoped3A = tpu.sem_alloc : memref<!tpu.dma_semaphore, #tpu.memory_space<semaphore_mem>>
      %dma_start3A = arith.constant 0 : i32
      %dma_start3A_206 = tpu.memref_slice %arg21[%add3A_26, %dma_start3A] : memref<25088x72xf32, #tpu.memory_space<vmem_shared>> -> memref<64x72xf32, #tpu.memory_space<vmem_shared>>
      %dma_start3A_207 = arith.constant 0 : i32
      %dma_start3A_208 = tpu.memref_slice %arg21[%add3A_26, %dma_start3A_207] : memref<25088x72xf32, #tpu.memory_space<vmem_shared>> -> memref<64x72xf32, #tpu.memory_space<vmem_shared>>
      tpu.enqueue_dma source(%arg16 : memref<64x72xf32, #tpu.memory_space<vmem>>) target(%dma_start3A_208 : memref<64x72xf32, #tpu.memory_space<vmem_shared>>) target_semaphore(%run_scoped3A : memref<!tpu.dma_semaphore, #tpu.memory_space<semaphore_mem>>)
      %dma_wait3A = arith.constant 0 : i32
      %dma_wait3A_209 = tpu.memref_slice %arg21[%add3A_26, %dma_wait3A] : memref<25088x72xf32, #tpu.memory_space<vmem_shared>> -> memref<64x72xf32, #tpu.memory_space<vmem_shared>>
      %dma_wait3A_210 = arith.constant 0 : i32
      %dma_wait3A_211 = tpu.memref_slice %arg21[%add3A_26, %dma_wait3A_210] : memref<25088x72xf32, #tpu.memory_space<vmem_shared>> -> memref<64x72xf32, #tpu.memory_space<vmem_shared>>
      tpu.wait_dma2 semaphore(%run_scoped3A : memref<!tpu.dma_semaphore, #tpu.memory_space<semaphore_mem>>) src(%arg16 : memref<64x72xf32, #tpu.memory_space<vmem>>) dst(%dma_wait3A_211 : memref<64x72xf32, #tpu.memory_space<vmem_shared>>)
      tpu.yield
    }) : () -> ()
    %add3A_27 = arith.constant 448 : i32
    %add3A_28 = arith.addi %mul3A_13, %add3A_27 : i32
    "tpu.region"() ({
      %run_scoped3A = tpu.sem_alloc : memref<!tpu.dma_semaphore, #tpu.memory_space<semaphore_mem>>
      %dma_start3A = arith.constant 0 : i32
      %dma_start3A_206 = tpu.memref_slice %arg21[%add3A_28, %dma_start3A] : memref<25088x72xf32, #tpu.memory_space<vmem_shared>> -> memref<64x72xf32, #tpu.memory_space<vmem_shared>>
      %dma_start3A_207 = arith.constant 0 : i32
      %dma_start3A_208 = tpu.memref_slice %arg21[%add3A_28, %dma_start3A_207] : memref<25088x72xf32, #tpu.memory_space<vmem_shared>> -> memref<64x72xf32, #tpu.memory_space<vmem_shared>>
      tpu.enqueue_dma source(%arg16 : memref<64x72xf32, #tpu.memory_space<vmem>>) target(%dma_start3A_208 : memref<64x72xf32, #tpu.memory_space<vmem_shared>>) target_semaphore(%run_scoped3A : memref<!tpu.dma_semaphore, #tpu.memory_space<semaphore_mem>>)
      %dma_wait3A = arith.constant 0 : i32
      %dma_wait3A_209 = tpu.memref_slice %arg21[%add3A_28, %dma_wait3A] : memref<25088x72xf32, #tpu.memory_space<vmem_shared>> -> memref<64x72xf32, #tpu.memory_space<vmem_shared>>
      %dma_wait3A_210 = arith.constant 0 : i32
      %dma_wait3A_211 = tpu.memref_slice %arg21[%add3A_28, %dma_wait3A_210] : memref<25088x72xf32, #tpu.memory_space<vmem_shared>> -> memref<64x72xf32, #tpu.memory_space<vmem_shared>>
      tpu.wait_dma2 semaphore(%run_scoped3A : memref<!tpu.dma_semaphore, #tpu.memory_space<semaphore_mem>>) src(%arg16 : memref<64x72xf32, #tpu.memory_space<vmem>>) dst(%dma_wait3A_211 : memref<64x72xf32, #tpu.memory_space<vmem_shared>>)
      tpu.yield
    }) : () -> ()
    %add3A_29 = arith.constant 512 : i32
    %add3A_30 = arith.addi %mul3A_13, %add3A_29 : i32
    "tpu.region"() ({
      %run_scoped3A = tpu.sem_alloc : memref<!tpu.dma_semaphore, #tpu.memory_space<semaphore_mem>>
      %dma_start3A = arith.constant 0 : i32
      %dma_start3A_206 = tpu.memref_slice %arg21[%add3A_30, %dma_start3A] : memref<25088x72xf32, #tpu.memory_space<vmem_shared>> -> memref<64x72xf32, #tpu.memory_space<vmem_shared>>
      %dma_start3A_207 = arith.constant 0 : i32
      %dma_start3A_208 = tpu.memref_slice %arg21[%add3A_30, %dma_start3A_207] : memref<25088x72xf32, #tpu.memory_space<vmem_shared>> -> memref<64x72xf32, #tpu.memory_space<vmem_shared>>
      tpu.enqueue_dma source(%arg16 : memref<64x72xf32, #tpu.memory_space<vmem>>) target(%dma_start3A_208 : memref<64x72xf32, #tpu.memory_space<vmem_shared>>) target_semaphore(%run_scoped3A : memref<!tpu.dma_semaphore, #tpu.memory_space<semaphore_mem>>)
      %dma_wait3A = arith.constant 0 : i32
      %dma_wait3A_209 = tpu.memref_slice %arg21[%add3A_30, %dma_wait3A] : memref<25088x72xf32, #tpu.memory_space<vmem_shared>> -> memref<64x72xf32, #tpu.memory_space<vmem_shared>>
      %dma_wait3A_210 = arith.constant 0 : i32
      %dma_wait3A_211 = tpu.memref_slice %arg21[%add3A_30, %dma_wait3A_210] : memref<25088x72xf32, #tpu.memory_space<vmem_shared>> -> memref<64x72xf32, #tpu.memory_space<vmem_shared>>
      tpu.wait_dma2 semaphore(%run_scoped3A : memref<!tpu.dma_semaphore, #tpu.memory_space<semaphore_mem>>) src(%arg16 : memref<64x72xf32, #tpu.memory_space<vmem>>) dst(%dma_wait3A_211 : memref<64x72xf32, #tpu.memory_space<vmem_shared>>)
      tpu.yield
    }) : () -> ()
    %add3A_31 = arith.constant 576 : i32
    %add3A_32 = arith.addi %mul3A_13, %add3A_31 : i32
    "tpu.region"() ({
      %run_scoped3A = tpu.sem_alloc : memref<!tpu.dma_semaphore, #tpu.memory_space<semaphore_mem>>
      %dma_start3A = arith.constant 0 : i32
      %dma_start3A_206 = tpu.memref_slice %arg21[%add3A_32, %dma_start3A] : memref<25088x72xf32, #tpu.memory_space<vmem_shared>> -> memref<64x72xf32, #tpu.memory_space<vmem_shared>>
      %dma_start3A_207 = arith.constant 0 : i32
      %dma_start3A_208 = tpu.memref_slice %arg21[%add3A_32, %dma_start3A_207] : memref<25088x72xf32, #tpu.memory_space<vmem_shared>> -> memref<64x72xf32, #tpu.memory_space<vmem_shared>>
      tpu.enqueue_dma source(%arg16 : memref<64x72xf32, #tpu.memory_space<vmem>>) target(%dma_start3A_208 : memref<64x72xf32, #tpu.memory_space<vmem_shared>>) target_semaphore(%run_scoped3A : memref<!tpu.dma_semaphore, #tpu.memory_space<semaphore_mem>>)
      %dma_wait3A = arith.constant 0 : i32
      %dma_wait3A_209 = tpu.memref_slice %arg21[%add3A_32, %dma_wait3A] : memref<25088x72xf32, #tpu.memory_space<vmem_shared>> -> memref<64x72xf32, #tpu.memory_space<vmem_shared>>
      %dma_wait3A_210 = arith.constant 0 : i32
      %dma_wait3A_211 = tpu.memref_slice %arg21[%add3A_32, %dma_wait3A_210] : memref<25088x72xf32, #tpu.memory_space<vmem_shared>> -> memref<64x72xf32, #tpu.memory_space<vmem_shared>>
      tpu.wait_dma2 semaphore(%run_scoped3A : memref<!tpu.dma_semaphore, #tpu.memory_space<semaphore_mem>>) src(%arg16 : memref<64x72xf32, #tpu.memory_space<vmem>>) dst(%dma_wait3A_211 : memref<64x72xf32, #tpu.memory_space<vmem_shared>>)
      tpu.yield
    }) : () -> ()
    %add3A_33 = arith.constant 640 : i32
    %add3A_34 = arith.addi %mul3A_13, %add3A_33 : i32
    "tpu.region"() ({
      %run_scoped3A = tpu.sem_alloc : memref<!tpu.dma_semaphore, #tpu.memory_space<semaphore_mem>>
      %dma_start3A = arith.constant 0 : i32
      %dma_start3A_206 = tpu.memref_slice %arg21[%add3A_34, %dma_start3A] : memref<25088x72xf32, #tpu.memory_space<vmem_shared>> -> memref<64x72xf32, #tpu.memory_space<vmem_shared>>
      %dma_start3A_207 = arith.constant 0 : i32
      %dma_start3A_208 = tpu.memref_slice %arg21[%add3A_34, %dma_start3A_207] : memref<25088x72xf32, #tpu.memory_space<vmem_shared>> -> memref<64x72xf32, #tpu.memory_space<vmem_shared>>
      tpu.enqueue_dma source(%arg16 : memref<64x72xf32, #tpu.memory_space<vmem>>) target(%dma_start3A_208 : memref<64x72xf32, #tpu.memory_space<vmem_shared>>) target_semaphore(%run_scoped3A : memref<!tpu.dma_semaphore, #tpu.memory_space<semaphore_mem>>)
      %dma_wait3A = arith.constant 0 : i32
      %dma_wait3A_209 = tpu.memref_slice %arg21[%add3A_34, %dma_wait3A] : memref<25088x72xf32, #tpu.memory_space<vmem_shared>> -> memref<64x72xf32, #tpu.memory_space<vmem_shared>>
      %dma_wait3A_210 = arith.constant 0 : i32
      %dma_wait3A_211 = tpu.memref_slice %arg21[%add3A_34, %dma_wait3A_210] : memref<25088x72xf32, #tpu.memory_space<vmem_shared>> -> memref<64x72xf32, #tpu.memory_space<vmem_shared>>
      tpu.wait_dma2 semaphore(%run_scoped3A : memref<!tpu.dma_semaphore, #tpu.memory_space<semaphore_mem>>) src(%arg16 : memref<64x72xf32, #tpu.memory_space<vmem>>) dst(%dma_wait3A_211 : memref<64x72xf32, #tpu.memory_space<vmem_shared>>)
      tpu.yield
    }) : () -> ()
    %add3A_35 = arith.constant 704 : i32
    %add3A_36 = arith.addi %mul3A_13, %add3A_35 : i32
    "tpu.region"() ({
      %run_scoped3A = tpu.sem_alloc : memref<!tpu.dma_semaphore, #tpu.memory_space<semaphore_mem>>
      %dma_start3A = arith.constant 0 : i32
      %dma_start3A_206 = tpu.memref_slice %arg21[%add3A_36, %dma_start3A] : memref<25088x72xf32, #tpu.memory_space<vmem_shared>> -> memref<64x72xf32, #tpu.memory_space<vmem_shared>>
      %dma_start3A_207 = arith.constant 0 : i32
      %dma_start3A_208 = tpu.memref_slice %arg21[%add3A_36, %dma_start3A_207] : memref<25088x72xf32, #tpu.memory_space<vmem_shared>> -> memref<64x72xf32, #tpu.memory_space<vmem_shared>>
      tpu.enqueue_dma source(%arg16 : memref<64x72xf32, #tpu.memory_space<vmem>>) target(%dma_start3A_208 : memref<64x72xf32, #tpu.memory_space<vmem_shared>>) target_semaphore(%run_scoped3A : memref<!tpu.dma_semaphore, #tpu.memory_space<semaphore_mem>>)
      %dma_wait3A = arith.constant 0 : i32
      %dma_wait3A_209 = tpu.memref_slice %arg21[%add3A_36, %dma_wait3A] : memref<25088x72xf32, #tpu.memory_space<vmem_shared>> -> memref<64x72xf32, #tpu.memory_space<vmem_shared>>
      %dma_wait3A_210 = arith.constant 0 : i32
      %dma_wait3A_211 = tpu.memref_slice %arg21[%add3A_36, %dma_wait3A_210] : memref<25088x72xf32, #tpu.memory_space<vmem_shared>> -> memref<64x72xf32, #tpu.memory_space<vmem_shared>>
      tpu.wait_dma2 semaphore(%run_scoped3A : memref<!tpu.dma_semaphore, #tpu.memory_space<semaphore_mem>>) src(%arg16 : memref<64x72xf32, #tpu.memory_space<vmem>>) dst(%dma_wait3A_211 : memref<64x72xf32, #tpu.memory_space<vmem_shared>>)
      tpu.yield
    }) : () -> ()
    %add3A_37 = arith.constant 768 : i32
    %add3A_38 = arith.addi %mul3A_13, %add3A_37 : i32
    "tpu.region"() ({
      %run_scoped3A = tpu.sem_alloc : memref<!tpu.dma_semaphore, #tpu.memory_space<semaphore_mem>>
      %dma_start3A = arith.constant 0 : i32
      %dma_start3A_206 = tpu.memref_slice %arg21[%add3A_38, %dma_start3A] : memref<25088x72xf32, #tpu.memory_space<vmem_shared>> -> memref<64x72xf32, #tpu.memory_space<vmem_shared>>
      %dma_start3A_207 = arith.constant 0 : i32
      %dma_start3A_208 = tpu.memref_slice %arg21[%add3A_38, %dma_start3A_207] : memref<25088x72xf32, #tpu.memory_space<vmem_shared>> -> memref<64x72xf32, #tpu.memory_space<vmem_shared>>
      tpu.enqueue_dma source(%arg16 : memref<64x72xf32, #tpu.memory_space<vmem>>) target(%dma_start3A_208 : memref<64x72xf32, #tpu.memory_space<vmem_shared>>) target_semaphore(%run_scoped3A : memref<!tpu.dma_semaphore, #tpu.memory_space<semaphore_mem>>)
      %dma_wait3A = arith.constant 0 : i32
      %dma_wait3A_209 = tpu.memref_slice %arg21[%add3A_38, %dma_wait3A] : memref<25088x72xf32, #tpu.memory_space<vmem_shared>> -> memref<64x72xf32, #tpu.memory_space<vmem_shared>>
      %dma_wait3A_210 = arith.constant 0 : i32
      %dma_wait3A_211 = tpu.memref_slice %arg21[%add3A_38, %dma_wait3A_210] : memref<25088x72xf32, #tpu.memory_space<vmem_shared>> -> memref<64x72xf32, #tpu.memory_space<vmem_shared>>
      tpu.wait_dma2 semaphore(%run_scoped3A : memref<!tpu.dma_semaphore, #tpu.memory_space<semaphore_mem>>) src(%arg16 : memref<64x72xf32, #tpu.memory_space<vmem>>) dst(%dma_wait3A_211 : memref<64x72xf32, #tpu.memory_space<vmem_shared>>)
      tpu.yield
    }) : () -> ()
    %add3A_39 = arith.constant 832 : i32
    %add3A_40 = arith.addi %mul3A_13, %add3A_39 : i32
    "tpu.region"() ({
      %run_scoped3A = tpu.sem_alloc : memref<!tpu.dma_semaphore, #tpu.memory_space<semaphore_mem>>
      %dma_start3A = arith.constant 0 : i32
      %dma_start3A_206 = tpu.memref_slice %arg21[%add3A_40, %dma_start3A] : memref<25088x72xf32, #tpu.memory_space<vmem_shared>> -> memref<64x72xf32, #tpu.memory_space<vmem_shared>>
      %dma_start3A_207 = arith.constant 0 : i32
      %dma_start3A_208 = tpu.memref_slice %arg21[%add3A_40, %dma_start3A_207] : memref<25088x72xf32, #tpu.memory_space<vmem_shared>> -> memref<64x72xf32, #tpu.memory_space<vmem_shared>>
      tpu.enqueue_dma source(%arg16 : memref<64x72xf32, #tpu.memory_space<vmem>>) target(%dma_start3A_208 : memref<64x72xf32, #tpu.memory_space<vmem_shared>>) target_semaphore(%run_scoped3A : memref<!tpu.dma_semaphore, #tpu.memory_space<semaphore_mem>>)
      %dma_wait3A = arith.constant 0 : i32
      %dma_wait3A_209 = tpu.memref_slice %arg21[%add3A_40, %dma_wait3A] : memref<25088x72xf32, #tpu.memory_space<vmem_shared>> -> memref<64x72xf32, #tpu.memory_space<vmem_shared>>
      %dma_wait3A_210 = arith.constant 0 : i32
      %dma_wait3A_211 = tpu.memref_slice %arg21[%add3A_40, %dma_wait3A_210] : memref<25088x72xf32, #tpu.memory_space<vmem_shared>> -> memref<64x72xf32, #tpu.memory_space<vmem_shared>>
      tpu.wait_dma2 semaphore(%run_scoped3A : memref<!tpu.dma_semaphore, #tpu.memory_space<semaphore_mem>>) src(%arg16 : memref<64x72xf32, #tpu.memory_space<vmem>>) dst(%dma_wait3A_211 : memref<64x72xf32, #tpu.memory_space<vmem_shared>>)
      tpu.yield
    }) : () -> ()
    %add3A_41 = arith.constant 896 : i32
    %add3A_42 = arith.addi %mul3A_13, %add3A_41 : i32
    "tpu.region"() ({
      %run_scoped3A = tpu.sem_alloc : memref<!tpu.dma_semaphore, #tpu.memory_space<semaphore_mem>>
      %dma_start3A = arith.constant 0 : i32
      %dma_start3A_206 = tpu.memref_slice %arg21[%add3A_42, %dma_start3A] : memref<25088x72xf32, #tpu.memory_space<vmem_shared>> -> memref<64x72xf32, #tpu.memory_space<vmem_shared>>
      %dma_start3A_207 = arith.constant 0 : i32
      %dma_start3A_208 = tpu.memref_slice %arg21[%add3A_42, %dma_start3A_207] : memref<25088x72xf32, #tpu.memory_space<vmem_shared>> -> memref<64x72xf32, #tpu.memory_space<vmem_shared>>
      tpu.enqueue_dma source(%arg16 : memref<64x72xf32, #tpu.memory_space<vmem>>) target(%dma_start3A_208 : memref<64x72xf32, #tpu.memory_space<vmem_shared>>) target_semaphore(%run_scoped3A : memref<!tpu.dma_semaphore, #tpu.memory_space<semaphore_mem>>)
      %dma_wait3A = arith.constant 0 : i32
      %dma_wait3A_209 = tpu.memref_slice %arg21[%add3A_42, %dma_wait3A] : memref<25088x72xf32, #tpu.memory_space<vmem_shared>> -> memref<64x72xf32, #tpu.memory_space<vmem_shared>>
      %dma_wait3A_210 = arith.constant 0 : i32
      %dma_wait3A_211 = tpu.memref_slice %arg21[%add3A_42, %dma_wait3A_210] : memref<25088x72xf32, #tpu.memory_space<vmem_shared>> -> memref<64x72xf32, #tpu.memory_space<vmem_shared>>
      tpu.wait_dma2 semaphore(%run_scoped3A : memref<!tpu.dma_semaphore, #tpu.memory_space<semaphore_mem>>) src(%arg16 : memref<64x72xf32, #tpu.memory_space<vmem>>) dst(%dma_wait3A_211 : memref<64x72xf32, #tpu.memory_space<vmem_shared>>)
      tpu.yield
    }) : () -> ()
    %add3A_43 = arith.constant 960 : i32
    %add3A_44 = arith.addi %mul3A_13, %add3A_43 : i32
    "tpu.region"() ({
      %run_scoped3A = tpu.sem_alloc : memref<!tpu.dma_semaphore, #tpu.memory_space<semaphore_mem>>
      %dma_start3A = arith.constant 0 : i32
      %dma_start3A_206 = tpu.memref_slice %arg21[%add3A_44, %dma_start3A] : memref<25088x72xf32, #tpu.memory_space<vmem_shared>> -> memref<64x72xf32, #tpu.memory_space<vmem_shared>>
      %dma_start3A_207 = arith.constant 0 : i32
      %dma_start3A_208 = tpu.memref_slice %arg21[%add3A_44, %dma_start3A_207] : memref<25088x72xf32, #tpu.memory_space<vmem_shared>> -> memref<64x72xf32, #tpu.memory_space<vmem_shared>>
      tpu.enqueue_dma source(%arg16 : memref<64x72xf32, #tpu.memory_space<vmem>>) target(%dma_start3A_208 : memref<64x72xf32, #tpu.memory_space<vmem_shared>>) target_semaphore(%run_scoped3A : memref<!tpu.dma_semaphore, #tpu.memory_space<semaphore_mem>>)
      %dma_wait3A = arith.constant 0 : i32
      %dma_wait3A_209 = tpu.memref_slice %arg21[%add3A_44, %dma_wait3A] : memref<25088x72xf32, #tpu.memory_space<vmem_shared>> -> memref<64x72xf32, #tpu.memory_space<vmem_shared>>
      %dma_wait3A_210 = arith.constant 0 : i32
      %dma_wait3A_211 = tpu.memref_slice %arg21[%add3A_44, %dma_wait3A_210] : memref<25088x72xf32, #tpu.memory_space<vmem_shared>> -> memref<64x72xf32, #tpu.memory_space<vmem_shared>>
      tpu.wait_dma2 semaphore(%run_scoped3A : memref<!tpu.dma_semaphore, #tpu.memory_space<semaphore_mem>>) src(%arg16 : memref<64x72xf32, #tpu.memory_space<vmem>>) dst(%dma_wait3A_211 : memref<64x72xf32, #tpu.memory_space<vmem_shared>>)
      tpu.yield
    }) : () -> ()
    %add3A_45 = arith.constant 1024 : i32
    %add3A_46 = arith.addi %mul3A_13, %add3A_45 : i32
    "tpu.region"() ({
      %run_scoped3A = tpu.sem_alloc : memref<!tpu.dma_semaphore, #tpu.memory_space<semaphore_mem>>
      %dma_start3A = arith.constant 0 : i32
      %dma_start3A_206 = tpu.memref_slice %arg21[%add3A_46, %dma_start3A] : memref<25088x72xf32, #tpu.memory_space<vmem_shared>> -> memref<64x72xf32, #tpu.memory_space<vmem_shared>>
      %dma_start3A_207 = arith.constant 0 : i32
      %dma_start3A_208 = tpu.memref_slice %arg21[%add3A_46, %dma_start3A_207] : memref<25088x72xf32, #tpu.memory_space<vmem_shared>> -> memref<64x72xf32, #tpu.memory_space<vmem_shared>>
      tpu.enqueue_dma source(%arg16 : memref<64x72xf32, #tpu.memory_space<vmem>>) target(%dma_start3A_208 : memref<64x72xf32, #tpu.memory_space<vmem_shared>>) target_semaphore(%run_scoped3A : memref<!tpu.dma_semaphore, #tpu.memory_space<semaphore_mem>>)
      %dma_wait3A = arith.constant 0 : i32
      %dma_wait3A_209 = tpu.memref_slice %arg21[%add3A_46, %dma_wait3A] : memref<25088x72xf32, #tpu.memory_space<vmem_shared>> -> memref<64x72xf32, #tpu.memory_space<vmem_shared>>
      %dma_wait3A_210 = arith.constant 0 : i32
      %dma_wait3A_211 = tpu.memref_slice %arg21[%add3A_46, %dma_wait3A_210] : memref<25088x72xf32, #tpu.memory_space<vmem_shared>> -> memref<64x72xf32, #tpu.memory_space<vmem_shared>>
      tpu.wait_dma2 semaphore(%run_scoped3A : memref<!tpu.dma_semaphore, #tpu.memory_space<semaphore_mem>>) src(%arg16 : memref<64x72xf32, #tpu.memory_space<vmem>>) dst(%dma_wait3A_211 : memref<64x72xf32, #tpu.memory_space<vmem_shared>>)
      tpu.yield
    }) : () -> ()
    %add3A_47 = arith.constant 1088 : i32
    %add3A_48 = arith.addi %mul3A_13, %add3A_47 : i32
    "tpu.region"() ({
      %run_scoped3A = tpu.sem_alloc : memref<!tpu.dma_semaphore, #tpu.memory_space<semaphore_mem>>
      %dma_start3A = arith.constant 0 : i32
      %dma_start3A_206 = tpu.memref_slice %arg21[%add3A_48, %dma_start3A] : memref<25088x72xf32, #tpu.memory_space<vmem_shared>> -> memref<64x72xf32, #tpu.memory_space<vmem_shared>>
      %dma_start3A_207 = arith.constant 0 : i32
      %dma_start3A_208 = tpu.memref_slice %arg21[%add3A_48, %dma_start3A_207] : memref<25088x72xf32, #tpu.memory_space<vmem_shared>> -> memref<64x72xf32, #tpu.memory_space<vmem_shared>>
      tpu.enqueue_dma source(%arg16 : memref<64x72xf32, #tpu.memory_space<vmem>>) target(%dma_start3A_208 : memref<64x72xf32, #tpu.memory_space<vmem_shared>>) target_semaphore(%run_scoped3A : memref<!tpu.dma_semaphore, #tpu.memory_space<semaphore_mem>>)
      %dma_wait3A = arith.constant 0 : i32
      %dma_wait3A_209 = tpu.memref_slice %arg21[%add3A_48, %dma_wait3A] : memref<25088x72xf32, #tpu.memory_space<vmem_shared>> -> memref<64x72xf32, #tpu.memory_space<vmem_shared>>
      %dma_wait3A_210 = arith.constant 0 : i32
      %dma_wait3A_211 = tpu.memref_slice %arg21[%add3A_48, %dma_wait3A_210] : memref<25088x72xf32, #tpu.memory_space<vmem_shared>> -> memref<64x72xf32, #tpu.memory_space<vmem_shared>>
      tpu.wait_dma2 semaphore(%run_scoped3A : memref<!tpu.dma_semaphore, #tpu.memory_space<semaphore_mem>>) src(%arg16 : memref<64x72xf32, #tpu.memory_space<vmem>>) dst(%dma_wait3A_211 : memref<64x72xf32, #tpu.memory_space<vmem_shared>>)
      tpu.yield
    }) : () -> ()
    %add3A_49 = arith.constant 1152 : i32
    %add3A_50 = arith.addi %mul3A_13, %add3A_49 : i32
    "tpu.region"() ({
      %run_scoped3A = tpu.sem_alloc : memref<!tpu.dma_semaphore, #tpu.memory_space<semaphore_mem>>
      %dma_start3A = arith.constant 0 : i32
      %dma_start3A_206 = tpu.memref_slice %arg21[%add3A_50, %dma_start3A] : memref<25088x72xf32, #tpu.memory_space<vmem_shared>> -> memref<64x72xf32, #tpu.memory_space<vmem_shared>>
      %dma_start3A_207 = arith.constant 0 : i32
      %dma_start3A_208 = tpu.memref_slice %arg21[%add3A_50, %dma_start3A_207] : memref<25088x72xf32, #tpu.memory_space<vmem_shared>> -> memref<64x72xf32, #tpu.memory_space<vmem_shared>>
      tpu.enqueue_dma source(%arg16 : memref<64x72xf32, #tpu.memory_space<vmem>>) target(%dma_start3A_208 : memref<64x72xf32, #tpu.memory_space<vmem_shared>>) target_semaphore(%run_scoped3A : memref<!tpu.dma_semaphore, #tpu.memory_space<semaphore_mem>>)
      %dma_wait3A = arith.constant 0 : i32
      %dma_wait3A_209 = tpu.memref_slice %arg21[%add3A_50, %dma_wait3A] : memref<25088x72xf32, #tpu.memory_space<vmem_shared>> -> memref<64x72xf32, #tpu.memory_space<vmem_shared>>
      %dma_wait3A_210 = arith.constant 0 : i32
      %dma_wait3A_211 = tpu.memref_slice %arg21[%add3A_50, %dma_wait3A_210] : memref<25088x72xf32, #tpu.memory_space<vmem_shared>> -> memref<64x72xf32, #tpu.memory_space<vmem_shared>>
      tpu.wait_dma2 semaphore(%run_scoped3A : memref<!tpu.dma_semaphore, #tpu.memory_space<semaphore_mem>>) src(%arg16 : memref<64x72xf32, #tpu.memory_space<vmem>>) dst(%dma_wait3A_211 : memref<64x72xf32, #tpu.memory_space<vmem_shared>>)
      tpu.yield
    }) : () -> ()
    %add3A_51 = arith.constant 1216 : i32
    %add3A_52 = arith.addi %mul3A_13, %add3A_51 : i32
    "tpu.region"() ({
      %run_scoped3A = tpu.sem_alloc : memref<!tpu.dma_semaphore, #tpu.memory_space<semaphore_mem>>
      %dma_start3A = arith.constant 0 : i32
      %dma_start3A_206 = tpu.memref_slice %arg21[%add3A_52, %dma_start3A] : memref<25088x72xf32, #tpu.memory_space<vmem_shared>> -> memref<64x72xf32, #tpu.memory_space<vmem_shared>>
      %dma_start3A_207 = arith.constant 0 : i32
      %dma_start3A_208 = tpu.memref_slice %arg21[%add3A_52, %dma_start3A_207] : memref<25088x72xf32, #tpu.memory_space<vmem_shared>> -> memref<64x72xf32, #tpu.memory_space<vmem_shared>>
      tpu.enqueue_dma source(%arg16 : memref<64x72xf32, #tpu.memory_space<vmem>>) target(%dma_start3A_208 : memref<64x72xf32, #tpu.memory_space<vmem_shared>>) target_semaphore(%run_scoped3A : memref<!tpu.dma_semaphore, #tpu.memory_space<semaphore_mem>>)
      %dma_wait3A = arith.constant 0 : i32
      %dma_wait3A_209 = tpu.memref_slice %arg21[%add3A_52, %dma_wait3A] : memref<25088x72xf32, #tpu.memory_space<vmem_shared>> -> memref<64x72xf32, #tpu.memory_space<vmem_shared>>
      %dma_wait3A_210 = arith.constant 0 : i32
      %dma_wait3A_211 = tpu.memref_slice %arg21[%add3A_52, %dma_wait3A_210] : memref<25088x72xf32, #tpu.memory_space<vmem_shared>> -> memref<64x72xf32, #tpu.memory_space<vmem_shared>>
      tpu.wait_dma2 semaphore(%run_scoped3A : memref<!tpu.dma_semaphore, #tpu.memory_space<semaphore_mem>>) src(%arg16 : memref<64x72xf32, #tpu.memory_space<vmem>>) dst(%dma_wait3A_211 : memref<64x72xf32, #tpu.memory_space<vmem_shared>>)
      tpu.yield
    }) : () -> ()
    %add3A_53 = arith.constant 1280 : i32
    %add3A_54 = arith.addi %mul3A_13, %add3A_53 : i32
    "tpu.region"() ({
      %run_scoped3A = tpu.sem_alloc : memref<!tpu.dma_semaphore, #tpu.memory_space<semaphore_mem>>
      %dma_start3A = arith.constant 0 : i32
      %dma_start3A_206 = tpu.memref_slice %arg21[%add3A_54, %dma_start3A] : memref<25088x72xf32, #tpu.memory_space<vmem_shared>> -> memref<64x72xf32, #tpu.memory_space<vmem_shared>>
      %dma_start3A_207 = arith.constant 0 : i32
      %dma_start3A_208 = tpu.memref_slice %arg21[%add3A_54, %dma_start3A_207] : memref<25088x72xf32, #tpu.memory_space<vmem_shared>> -> memref<64x72xf32, #tpu.memory_space<vmem_shared>>
      tpu.enqueue_dma source(%arg16 : memref<64x72xf32, #tpu.memory_space<vmem>>) target(%dma_start3A_208 : memref<64x72xf32, #tpu.memory_space<vmem_shared>>) target_semaphore(%run_scoped3A : memref<!tpu.dma_semaphore, #tpu.memory_space<semaphore_mem>>)
      %dma_wait3A = arith.constant 0 : i32
      %dma_wait3A_209 = tpu.memref_slice %arg21[%add3A_54, %dma_wait3A] : memref<25088x72xf32, #tpu.memory_space<vmem_shared>> -> memref<64x72xf32, #tpu.memory_space<vmem_shared>>
      %dma_wait3A_210 = arith.constant 0 : i32
      %dma_wait3A_211 = tpu.memref_slice %arg21[%add3A_54, %dma_wait3A_210] : memref<25088x72xf32, #tpu.memory_space<vmem_shared>> -> memref<64x72xf32, #tpu.memory_space<vmem_shared>>
      tpu.wait_dma2 semaphore(%run_scoped3A : memref<!tpu.dma_semaphore, #tpu.memory_space<semaphore_mem>>) src(%arg16 : memref<64x72xf32, #tpu.memory_space<vmem>>) dst(%dma_wait3A_211 : memref<64x72xf32, #tpu.memory_space<vmem_shared>>)
      tpu.yield
    }) : () -> ()
    %add3A_55 = arith.constant 1344 : i32
    %add3A_56 = arith.addi %mul3A_13, %add3A_55 : i32
    "tpu.region"() ({
      %run_scoped3A = tpu.sem_alloc : memref<!tpu.dma_semaphore, #tpu.memory_space<semaphore_mem>>
      %dma_start3A = arith.constant 0 : i32
      %dma_start3A_206 = tpu.memref_slice %arg21[%add3A_56, %dma_start3A] : memref<25088x72xf32, #tpu.memory_space<vmem_shared>> -> memref<64x72xf32, #tpu.memory_space<vmem_shared>>
      %dma_start3A_207 = arith.constant 0 : i32
      %dma_start3A_208 = tpu.memref_slice %arg21[%add3A_56, %dma_start3A_207] : memref<25088x72xf32, #tpu.memory_space<vmem_shared>> -> memref<64x72xf32, #tpu.memory_space<vmem_shared>>
      tpu.enqueue_dma source(%arg16 : memref<64x72xf32, #tpu.memory_space<vmem>>) target(%dma_start3A_208 : memref<64x72xf32, #tpu.memory_space<vmem_shared>>) target_semaphore(%run_scoped3A : memref<!tpu.dma_semaphore, #tpu.memory_space<semaphore_mem>>)
      %dma_wait3A = arith.constant 0 : i32
      %dma_wait3A_209 = tpu.memref_slice %arg21[%add3A_56, %dma_wait3A] : memref<25088x72xf32, #tpu.memory_space<vmem_shared>> -> memref<64x72xf32, #tpu.memory_space<vmem_shared>>
      %dma_wait3A_210 = arith.constant 0 : i32
      %dma_wait3A_211 = tpu.memref_slice %arg21[%add3A_56, %dma_wait3A_210] : memref<25088x72xf32, #tpu.memory_space<vmem_shared>> -> memref<64x72xf32, #tpu.memory_space<vmem_shared>>
      tpu.wait_dma2 semaphore(%run_scoped3A : memref<!tpu.dma_semaphore, #tpu.memory_space<semaphore_mem>>) src(%arg16 : memref<64x72xf32, #tpu.memory_space<vmem>>) dst(%dma_wait3A_211 : memref<64x72xf32, #tpu.memory_space<vmem_shared>>)
      tpu.yield
    }) : () -> ()
    %add3A_57 = arith.constant 1408 : i32
    %add3A_58 = arith.addi %mul3A_13, %add3A_57 : i32
    "tpu.region"() ({
      %run_scoped3A = tpu.sem_alloc : memref<!tpu.dma_semaphore, #tpu.memory_space<semaphore_mem>>
      %dma_start3A = arith.constant 0 : i32
      %dma_start3A_206 = tpu.memref_slice %arg21[%add3A_58, %dma_start3A] : memref<25088x72xf32, #tpu.memory_space<vmem_shared>> -> memref<64x72xf32, #tpu.memory_space<vmem_shared>>
      %dma_start3A_207 = arith.constant 0 : i32
      %dma_start3A_208 = tpu.memref_slice %arg21[%add3A_58, %dma_start3A_207] : memref<25088x72xf32, #tpu.memory_space<vmem_shared>> -> memref<64x72xf32, #tpu.memory_space<vmem_shared>>
      tpu.enqueue_dma source(%arg16 : memref<64x72xf32, #tpu.memory_space<vmem>>) target(%dma_start3A_208 : memref<64x72xf32, #tpu.memory_space<vmem_shared>>) target_semaphore(%run_scoped3A : memref<!tpu.dma_semaphore, #tpu.memory_space<semaphore_mem>>)
      %dma_wait3A = arith.constant 0 : i32
      %dma_wait3A_209 = tpu.memref_slice %arg21[%add3A_58, %dma_wait3A] : memref<25088x72xf32, #tpu.memory_space<vmem_shared>> -> memref<64x72xf32, #tpu.memory_space<vmem_shared>>
      %dma_wait3A_210 = arith.constant 0 : i32
      %dma_wait3A_211 = tpu.memref_slice %arg21[%add3A_58, %dma_wait3A_210] : memref<25088x72xf32, #tpu.memory_space<vmem_shared>> -> memref<64x72xf32, #tpu.memory_space<vmem_shared>>
      tpu.wait_dma2 semaphore(%run_scoped3A : memref<!tpu.dma_semaphore, #tpu.memory_space<semaphore_mem>>) src(%arg16 : memref<64x72xf32, #tpu.memory_space<vmem>>) dst(%dma_wait3A_211 : memref<64x72xf32, #tpu.memory_space<vmem_shared>>)
      tpu.yield
    }) : () -> ()
    %add3A_59 = arith.constant 1472 : i32
    %add3A_60 = arith.addi %mul3A_13, %add3A_59 : i32
    "tpu.region"() ({
      %run_scoped3A = tpu.sem_alloc : memref<!tpu.dma_semaphore, #tpu.memory_space<semaphore_mem>>
      %dma_start3A = arith.constant 0 : i32
      %dma_start3A_206 = tpu.memref_slice %arg21[%add3A_60, %dma_start3A] : memref<25088x72xf32, #tpu.memory_space<vmem_shared>> -> memref<64x72xf32, #tpu.memory_space<vmem_shared>>
      %dma_start3A_207 = arith.constant 0 : i32
      %dma_start3A_208 = tpu.memref_slice %arg21[%add3A_60, %dma_start3A_207] : memref<25088x72xf32, #tpu.memory_space<vmem_shared>> -> memref<64x72xf32, #tpu.memory_space<vmem_shared>>
      tpu.enqueue_dma source(%arg16 : memref<64x72xf32, #tpu.memory_space<vmem>>) target(%dma_start3A_208 : memref<64x72xf32, #tpu.memory_space<vmem_shared>>) target_semaphore(%run_scoped3A : memref<!tpu.dma_semaphore, #tpu.memory_space<semaphore_mem>>)
      %dma_wait3A = arith.constant 0 : i32
      %dma_wait3A_209 = tpu.memref_slice %arg21[%add3A_60, %dma_wait3A] : memref<25088x72xf32, #tpu.memory_space<vmem_shared>> -> memref<64x72xf32, #tpu.memory_space<vmem_shared>>
      %dma_wait3A_210 = arith.constant 0 : i32
      %dma_wait3A_211 = tpu.memref_slice %arg21[%add3A_60, %dma_wait3A_210] : memref<25088x72xf32, #tpu.memory_space<vmem_shared>> -> memref<64x72xf32, #tpu.memory_space<vmem_shared>>
      tpu.wait_dma2 semaphore(%run_scoped3A : memref<!tpu.dma_semaphore, #tpu.memory_space<semaphore_mem>>) src(%arg16 : memref<64x72xf32, #tpu.memory_space<vmem>>) dst(%dma_wait3A_211 : memref<64x72xf32, #tpu.memory_space<vmem_shared>>)
      tpu.yield
    }) : () -> ()
    %add3A_61 = arith.constant 1536 : i32
    %add3A_62 = arith.addi %mul3A_13, %add3A_61 : i32
    "tpu.region"() ({
      %run_scoped3A = tpu.sem_alloc : memref<!tpu.dma_semaphore, #tpu.memory_space<semaphore_mem>>
      %dma_start3A = arith.constant 0 : i32
      %dma_start3A_206 = arith.constant 0 : i32
      %dma_start3A_207 = tpu.memref_slice %arg16[%dma_start3A, %dma_start3A_206] : memref<64x72xf32, #tpu.memory_space<vmem>> -> memref<32x72xf32, #tpu.memory_space<vmem>>
      %dma_start3A_208 = arith.constant 0 : i32
      %dma_start3A_209 = tpu.memref_slice %arg21[%add3A_62, %dma_start3A_208] : memref<25088x72xf32, #tpu.memory_space<vmem_shared>> -> memref<32x72xf32, #tpu.memory_space<vmem_shared>>
      %dma_start3A_210 = arith.constant 0 : i32
      %dma_start3A_211 = tpu.memref_slice %arg21[%add3A_62, %dma_start3A_210] : memref<25088x72xf32, #tpu.memory_space<vmem_shared>> -> memref<32x72xf32, #tpu.memory_space<vmem_shared>>
      %dma_start3A_212 = arith.constant 0 : i32
      %dma_start3A_213 = arith.constant 0 : i32
      %dma_start3A_214 = tpu.memref_slice %arg16[%dma_start3A_212, %dma_start3A_213] : memref<64x72xf32, #tpu.memory_space<vmem>> -> memref<32x72xf32, #tpu.memory_space<vmem>>
      tpu.enqueue_dma source(%dma_start3A_214 : memref<32x72xf32, #tpu.memory_space<vmem>>) target(%dma_start3A_211 : memref<32x72xf32, #tpu.memory_space<vmem_shared>>) target_semaphore(%run_scoped3A : memref<!tpu.dma_semaphore, #tpu.memory_space<semaphore_mem>>)
      %dma_wait3A = arith.constant 0 : i32
      %dma_wait3A_215 = arith.constant 0 : i32
      %dma_wait3A_216 = tpu.memref_slice %arg16[%dma_wait3A, %dma_wait3A_215] : memref<64x72xf32, #tpu.memory_space<vmem>> -> memref<32x72xf32, #tpu.memory_space<vmem>>
      %dma_wait3A_217 = arith.constant 0 : i32
      %dma_wait3A_218 = tpu.memref_slice %arg21[%add3A_62, %dma_wait3A_217] : memref<25088x72xf32, #tpu.memory_space<vmem_shared>> -> memref<32x72xf32, #tpu.memory_space<vmem_shared>>
      %dma_wait3A_219 = arith.constant 0 : i32
      %dma_wait3A_220 = tpu.memref_slice %arg21[%add3A_62, %dma_wait3A_219] : memref<25088x72xf32, #tpu.memory_space<vmem_shared>> -> memref<32x72xf32, #tpu.memory_space<vmem_shared>>
      %dma_wait3A_221 = arith.constant 0 : i32
      %dma_wait3A_222 = arith.constant 0 : i32
      %dma_wait3A_223 = tpu.memref_slice %arg16[%dma_wait3A_221, %dma_wait3A_222] : memref<64x72xf32, #tpu.memory_space<vmem>> -> memref<32x72xf32, #tpu.memory_space<vmem>>
      tpu.wait_dma2 semaphore(%run_scoped3A : memref<!tpu.dma_semaphore, #tpu.memory_space<semaphore_mem>>) src(%dma_wait3A_223 : memref<32x72xf32, #tpu.memory_space<vmem>>) dst(%dma_wait3A_220 : memref<32x72xf32, #tpu.memory_space<vmem_shared>>)
      tpu.yield
    }) : () -> ()
    %barrier3A = arith.constant 0 : index
    tpu.barrier barrier_id(%barrier3A)
    %get3A = arith.constant 0 : index
    %get3A_63 = tpu.vector_load %arg17[%get3A] {strides = array<i32>} : memref<16xf32, #tpu.memory_space<vmem>>, vector<16xf32>,
    %add3A_64 = arith.constant 0 : i32
    %add3A_65 = vector.broadcast %add3A_64 : i32 to vector<16xi32>
    %add3A_66 = arith.addi %add3A_65, %shift_right_logical3A_1 : vector<16xi32>
    %add3A_67 = arith.constant 2 : i32
    %add3A_68 = vector.broadcast %add3A_67 : i32 to vector<16xi32>
    %add3A_69 = arith.addi %add3A_68, %shift_right_logical3A_1 : vector<16xi32>
    %add3A_70 = arith.constant 4 : i32
    %add3A_71 = vector.broadcast %add3A_70 : i32 to vector<16xi32>
    %add3A_72 = arith.addi %add3A_71, %shift_right_logical3A_1 : vector<16xi32>
    %add3A_73 = arith.constant 6 : i32
    %add3A_74 = vector.broadcast %add3A_73 : i32 to vector<16xi32>
    %add3A_75 = arith.addi %add3A_74, %shift_right_logical3A_1 : vector<16xi32>
    %add3A_76 = arith.constant 8 : i32
    %add3A_77 = vector.broadcast %add3A_76 : i32 to vector<16xi32>
    %add3A_78 = arith.addi %add3A_77, %shift_right_logical3A_1 : vector<16xi32>
    %add3A_79 = arith.constant 10 : i32
    %add3A_80 = vector.broadcast %add3A_79 : i32 to vector<16xi32>
    %add3A_81 = arith.addi %add3A_80, %shift_right_logical3A_1 : vector<16xi32>
    %add3A_82 = arith.constant 12 : i32
    %add3A_83 = vector.broadcast %add3A_82 : i32 to vector<16xi32>
    %add3A_84 = arith.addi %add3A_83, %shift_right_logical3A_1 : vector<16xi32>
    %add3A_85 = arith.constant 14 : i32
    %add3A_86 = vector.broadcast %add3A_85 : i32 to vector<16xi32>
    %add3A_87 = arith.addi %add3A_86, %shift_right_logical3A_1 : vector<16xi32>
    %add3A_88 = arith.constant 0 : i32
    %add3A_89 = vector.broadcast %add3A_88 : i32 to vector<16xi32>
    %add3A_90 = arith.addi %add3A_89, %and3A_3 : vector<16xi32>
    %add3A_91 = arith.constant 8 : i32
    %add3A_92 = vector.broadcast %add3A_91 : i32 to vector<16xi32>
    %add3A_93 = arith.addi %add3A_92, %and3A_3 : vector<16xi32>
    %add3A_94 = arith.constant 16 : i32
    %add3A_95 = arith.addi %arg1, %add3A_94 : i32
    %get3A_96 = arith.index_cast %arg1 : i32 to index
    %get3A_97 = arith.constant 0 : index
    %get3A_98 = tpu.vector_load %arg18[%get3A_96, %get3A_97] {strides = array<i32>} : memref<32x16xi32, #tpu.memory_space<vmem>>, vector<16xi32>,
    %eq3A = vector.broadcast %arg0 : i32 to vector<16xi32>
    %eq3A_99 = arith.cmpi eq, %iota3A, %eq3A : vector<16xi32>
    %jit3A = arith.constant 0 : i32
    %broadcast_in_dim3A_100 = vector.broadcast %jit3A : i32 to vector<16xi32>
    %select_n3A = arith.select %eq3A_99, %get3A_98, %broadcast_in_dim3A_100 : vector<16xi1>, vector<16xi32>
    %reduce_max3A = arith.constant true
    %reduce_max3A_101 = vector.broadcast %reduce_max3A : i1 to vector<16xi1>
    %reduce_max3A_102 = arith.constant -2147483648 : i32
    %reduce_max3A_103 = vector.broadcast %reduce_max3A_102 : i32 to vector<16xi32>
    %reduce_max3A_104 = arith.xori %select_n3A, %reduce_max3A_103 : vector<16xi32>
    %reduce_max3A_105 = tpu.scan <max>, %reduce_max3A_104 masked %reduce_max3A_101 : vector<16xi32>, vector<16xi1> -> vector<16xi32>
    %reduce_max3A_106 = arith.xori %reduce_max3A_105, %reduce_max3A_103 : vector<16xi32>
    %reduce_max3A_107 = vector.extract %reduce_max3A_106[15] : i32 from vector<16xi32>
    %add3A_108 = arith.constant 64 : i32
    %add3A_109 = arith.addi %reduce_max3A_107, %add3A_108 : i32
    %sub3A = arith.constant 1 : i32
    %sub3A_110 = arith.subi %add3A_109, %sub3A : i32
    %jit3A_111 = arith.constant 64 : i32
    %div3A = arith.divsi %sub3A_110, %jit3A_111 : i32
    %sign3A = arith.constant 0 : i32
    %sign3A_112 = arith.cmpi sgt, %sub3A_110, %sign3A : i32
    %sign3A_113 = arith.extui %sign3A_112 : i1 to i32
    %sign3A_114 = arith.constant 0 : i32
    %sign3A_115 = arith.cmpi slt, %sub3A_110, %sign3A_114 : i32
    %sign3A_116 = arith.extui %sign3A_115 : i1 to i32
    %sign3A_117 = arith.subi %sign3A_113, %sign3A_116 : i32
    %sign3A_118 = arith.constant 0 : i32
    %sign3A_119 = arith.cmpi sgt, %jit3A_111, %sign3A_118 : i32
    %sign3A_120 = arith.extui %sign3A_119 : i1 to i32
    %sign3A_121 = arith.constant 0 : i32
    %sign3A_122 = arith.cmpi slt, %jit3A_111, %sign3A_121 : i32
    %sign3A_123 = arith.extui %sign3A_122 : i1 to i32
    %sign3A_124 = arith.subi %sign3A_120, %sign3A_123 : i32
    %ne3A = arith.cmpi ne, %sign3A_117, %sign3A_124 : i32
    %rem3A = arith.remsi %sub3A_110, %jit3A_111 : i32
    %ne3A_125 = arith.constant 0 : i32
    %ne3A_126 = arith.cmpi ne, %rem3A, %ne3A_125 : i32
    %and3A_127 = arith.andi %ne3A, %ne3A_126 : i1
    %sub3A_128 = arith.constant 1 : i32
    %sub3A_129 = arith.subi %div3A, %sub3A_128 : i32
    %select_n3A_130 = arith.select %and3A_127, %sub3A_129, %div3A : i32
    %while3A = arith.constant 0 : i32
    %while3A_131 = arith.constant 0 : i32
    %while3A_132 = arith.subi %select_n3A_130, %while3A : i32
    %while3A_133 = arith.addi %while3A, %while3A_132 : i32
    %while3A_134 = arith.constant 1 : i32
    %while3A_135 = arith.divsi %while3A_132, %while3A_134 : i32
    %while3A_136 = arith.muli %while3A_135, %while3A_134 : i32
    %while3A_137 = arith.addi %while3A, %while3A_136 : i32
    %while3A_138 = arith.constant 1 : i32
    %while3A_139 = scf.for %while3A_206 = %while3A to %while3A_137 step %while3A_138 iter_args(%while3A_207 = %while3A_131) -> (i32)  : i32 {
      %mul3A_208 = arith.constant 64 : i32
      %mul3A_209 = arith.muli %while3A_206, %mul3A_208 : i32
      "tpu.region"() ({
        %run_scoped3A = tpu.sem_alloc : memref<!tpu.dma_semaphore, #tpu.memory_space<semaphore_mem>>
        %dma_start3A = tpu.memref_slice %arg2[%arg1, %arg0, %mul3A_209] : memref<32x2x50048xi32, #tpu.memory_space<hbm>> -> memref<1x1x64xi32, #tpu.memory_space<hbm>>
        %dma_start3A_232 = tpu.memref_squeeze %dma_start3A : memref<1x1x64xi32, #tpu.memory_space<hbm>> -> memref<64xi32, #tpu.memory_space<hbm>>
        %dma_start3A_233 = tpu.memref_slice %arg2[%arg1, %arg0, %mul3A_209] : memref<32x2x50048xi32, #tpu.memory_space<hbm>> -> memref<1x1x64xi32, #tpu.memory_space<hbm>>
        %dma_start3A_234 = tpu.memref_squeeze %dma_start3A_233 : memref<1x1x64xi32, #tpu.memory_space<hbm>> -> memref<64xi32, #tpu.memory_space<hbm>>
        tpu.enqueue_dma source(%dma_start3A_234 : memref<64xi32, #tpu.memory_space<hbm>>) target(%arg8 : memref<64xi32, #tpu.memory_space<vmem>>) target_semaphore(%run_scoped3A : memref<!tpu.dma_semaphore, #tpu.memory_space<semaphore_mem>>)
        %dma_wait3A = tpu.memref_slice %arg2[%arg1, %arg0, %mul3A_209] : memref<32x2x50048xi32, #tpu.memory_space<hbm>> -> memref<1x1x64xi32, #tpu.memory_space<hbm>>
        %dma_wait3A_235 = tpu.memref_squeeze %dma_wait3A : memref<1x1x64xi32, #tpu.memory_space<hbm>> -> memref<64xi32, #tpu.memory_space<hbm>>
        %dma_wait3A_236 = tpu.memref_slice %arg2[%arg1, %arg0, %mul3A_209] : memref<32x2x50048xi32, #tpu.memory_space<hbm>> -> memref<1x1x64xi32, #tpu.memory_space<hbm>>
        %dma_wait3A_237 = tpu.memref_squeeze %dma_wait3A_236 : memref<1x1x64xi32, #tpu.memory_space<hbm>> -> memref<64xi32, #tpu.memory_space<hbm>>
        tpu.wait_dma2 semaphore(%run_scoped3A : memref<!tpu.dma_semaphore, #tpu.memory_space<semaphore_mem>>) src(%dma_wait3A_237 : memref<64xi32, #tpu.memory_space<hbm>>) dst(%arg8 : memref<64xi32, #tpu.memory_space<vmem>>)
        tpu.yield
      }) : () -> ()
      %scan3A_210 = arith.constant 0 : i32
      %scan3A_211 = arith.constant 0 : i32
      %scan3A_212 = arith.constant 4 : i32
      %scan3A_213 = arith.addi %scan3A_211, %scan3A_212 : i32
      %scan3A_214 = arith.constant 1 : i32
      %scan3A_215 = scf.for %scan3A_232 = %scan3A_211 to %scan3A_213 step %scan3A_214 iter_args(%scan3A_233 = %scan3A_210) -> (i32)  : i32 {
        %mul3A_234 = arith.constant 16 : i32
        %mul3A_235 = arith.muli %scan3A_232, %mul3A_234 : i32
        %get3A_236 = arith.index_cast %mul3A_235 : i32 to index
        %get3A_237 = tpu.vector_load %arg8[%get3A_236] {strides = array<i32>} : memref<64xi32, #tpu.memory_space<vmem>>, vector<16xi32>,
        %and3A_238 = arith.constant 65535 : i32
        %and3A_239 = vector.broadcast %and3A_238 : i32 to vector<16xi32>
        %and3A_240 = arith.andi %get3A_237, %and3A_239 : vector<16xi32>
        %shift_right_logical3A_241 = arith.constant 16 : i32
        %shift_right_logical3A_242 = vector.broadcast %shift_right_logical3A_241 : i32 to vector<16xi32>
        %shift_right_logical3A_243 = arith.shrui %get3A_237, %shift_right_logical3A_242 : vector<16xi32>
        %mul3A_244 = arith.constant 64 : i32
        %mul3A_245 = arith.muli %while3A_206, %mul3A_244 : i32
        %sub3A_246 = arith.subi %reduce_max3A_107, %mul3A_245 : i32
        %mul3A_247 = arith.constant 16 : i32
        %mul3A_248 = arith.muli %scan3A_232, %mul3A_247 : i32
        %sub3A_249 = arith.subi %sub3A_246, %mul3A_248 : i32
        %lt3A_250 = vector.broadcast %sub3A_249 : i32 to vector<16xi32>
        %lt3A_251 = arith.cmpi slt, %iota3A, %lt3A_250 : vector<16xi32>
        %jit3A_252 = arith.constant 0 : i32
        %broadcast_in_dim3A_253 = vector.broadcast %jit3A_252 : i32 to vector<16xi32>
        %select_n3A_254 = arith.select %lt3A_251, %and3A_240, %broadcast_in_dim3A_253 : vector<16xi1>, vector<16xi32>
        %mul3A_255 = arith.constant 16 : i32
        %mul3A_256 = arith.muli %scan3A_232, %mul3A_255 : i32
        %swap3A = arith.index_cast %mul3A_256 : i32 to index
        %swap3A_257 = tpu.vector_load %arg9[%swap3A] {strides = array<i32>} : memref<64xi32, #tpu.memory_space<vmem>>, vector<16xi32>,
        tpu.vector_store %arg9[%swap3A], %select_n3A_254 {strides = array<i32>} : memref<64xi32, #tpu.memory_space<vmem>>, vector<16xi32>,
        %jit3A_258 = arith.constant 0 : i32
        %broadcast_in_dim3A_259 = vector.broadcast %jit3A_258 : i32 to vector<16xi32>
        %select_n3A_260 = arith.select %lt3A_251, %shift_right_logical3A_243, %broadcast_in_dim3A_259 : vector<16xi1>, vector<16xi32>
        %mul3A_261 = arith.constant 16 : i32
        %mul3A_262 = arith.muli %scan3A_232, %mul3A_261 : i32
        %swap3A_263 = arith.index_cast %mul3A_262 : i32 to index
        %swap3A_264 = tpu.vector_load %arg10[%swap3A_263] {strides = array<i32>} : memref<64xi32, #tpu.memory_space<vmem>>, vector<16xi32>,
        tpu.vector_store %arg10[%swap3A_263], %select_n3A_260 {strides = array<i32>} : memref<64xi32, #tpu.memory_space<vmem>>, vector<16xi32>,
        %mul3A_265 = arith.constant 25088 : i32
        %mul3A_266 = arith.muli %arg0, %mul3A_265 : i32
        %sub3A_267 = vector.broadcast %mul3A_266 : i32 to vector<16xi32>
        %sub3A_268 = arith.subi %shift_right_logical3A_243, %sub3A_267 : vector<16xi32>
        %jit3A_269 = arith.constant 0 : i32
        %broadcast_in_dim3A_270 = vector.broadcast %jit3A_269 : i32 to vector<16xi32>
        %select_n3A_271 = arith.select %lt3A_251, %sub3A_268, %broadcast_in_dim3A_270 : vector<16xi1>, vector<16xi32>
        %mul3A_272 = arith.constant 16 : i32
        %mul3A_273 = arith.muli %scan3A_232, %mul3A_272 : i32
        %swap3A_274 = arith.index_cast %mul3A_273 : i32 to index
        %swap3A_275 = tpu.vector_load %arg11[%swap3A_274] {strides = array<i32>} : memref<64xi32, #tpu.memory_space<vmem>>, vector<16xi32>,
        tpu.vector_store %arg11[%swap3A_274], %select_n3A_271 {strides = array<i32>} : memref<64xi32, #tpu.memory_space<vmem>>, vector<16xi32>,
        %jit3A_276 = arith.constant 1.000000e+00 : f32
        %jit3A_277 = arith.constant 0.000000e+00 : f32
        %broadcast_in_dim3A_278 = vector.broadcast %jit3A_276 : f32 to vector<16xf32>
        %broadcast_in_dim3A_279 = vector.broadcast %jit3A_277 : f32 to vector<16xf32>
        %select_n3A_280 = arith.select %lt3A_251, %broadcast_in_dim3A_278, %broadcast_in_dim3A_279 : vector<16xi1>, vector<16xf32>
        %mul3A_281 = arith.constant 16 : i32
        %mul3A_282 = arith.muli %scan3A_232, %mul3A_281 : i32
        %swap3A_283 = arith.index_cast %mul3A_282 : i32 to index
        %swap3A_284 = tpu.vector_load %arg12[%swap3A_283] {strides = array<i32>} : memref<64xf32, #tpu.memory_space<vmem>>, vector<16xf32>,
        tpu.vector_store %arg12[%swap3A_283], %select_n3A_280 {strides = array<i32>} : memref<64xf32, #tpu.memory_space<vmem>>, vector<16xf32>,
        %scan3A_285 = arith.constant 0 : i32
        scf.yield %scan3A_285 : i32
      }
      %scan3A_216 = arith.constant 4 : i32
      "tpu.region"() ({
        %run_scoped3A = tpu.sem_alloc : memref<!tpu.dma_semaphore, #tpu.memory_space<semaphore_mem>>
        %dma_start3A = arith.constant 0 : i32
        %dma_start3A_232 = arith.constant 0 : i32
        %dma_start3A_233 = tpu.memref_slice %arg4[%dma_start3A, %dma_start3A_232] : memref<50176x80xf32, #tpu.memory_space<hbm>> -> memref<50176x80xf32, #tpu.memory_space<hbm>>
        tpu.enqueue_indirect_dma source(%dma_start3A_233 : memref<50176x80xf32, #tpu.memory_space<hbm>>) target(%arg13 : memref<64x80xf32, #tpu.memory_space<vmem>>) offsets(%arg9 : memref<64xi32, #tpu.memory_space<vmem>>) semaphore(%run_scoped3A : memref<!tpu.dma_semaphore, #tpu.memory_space<semaphore_mem>>)
        %dma_wait3A = arith.constant 0 : i32
        %dma_wait3A_234 = arith.constant 0 : i32
        %dma_wait3A_235 = tpu.memref_slice %arg4[%dma_wait3A, %dma_wait3A_234] : memref<50176x80xf32, #tpu.memory_space<hbm>> -> memref<50176x80xf32, #tpu.memory_space<hbm>>
        tpu.wait_indirect_dma semaphore(%run_scoped3A : memref<!tpu.dma_semaphore, #tpu.memory_space<semaphore_mem>>) src(%dma_wait3A_235 : memref<50176x80xf32, #tpu.memory_space<hbm>>) dst(%arg13 : memref<64x80xf32, #tpu.memory_space<vmem>>)
        tpu.yield
      }) : () -> ()
      "tpu.region"() ({
        %run_scoped3A = tpu.sem_alloc : memref<!tpu.dma_semaphore, #tpu.memory_space<semaphore_mem>>
        %dma_start3A = arith.constant 0 : i32
        %dma_start3A_232 = arith.constant 0 : i32
        %dma_start3A_233 = tpu.memref_slice %arg5[%dma_start3A, %dma_start3A_232] : memref<50176x8xf32, #tpu.memory_space<hbm>> -> memref<50176x8xf32, #tpu.memory_space<hbm>>
        tpu.enqueue_indirect_dma source(%dma_start3A_233 : memref<50176x8xf32, #tpu.memory_space<hbm>>) target(%arg14 : memref<64x8xf32, #tpu.memory_space<vmem>>) offsets(%arg10 : memref<64xi32, #tpu.memory_space<vmem>>) semaphore(%run_scoped3A : memref<!tpu.dma_semaphore, #tpu.memory_space<semaphore_mem>>)
        %dma_wait3A = arith.constant 0 : i32
        %dma_wait3A_234 = arith.constant 0 : i32
        %dma_wait3A_235 = tpu.memref_slice %arg5[%dma_wait3A, %dma_wait3A_234] : memref<50176x8xf32, #tpu.memory_space<hbm>> -> memref<50176x8xf32, #tpu.memory_space<hbm>>
        tpu.wait_indirect_dma semaphore(%run_scoped3A : memref<!tpu.dma_semaphore, #tpu.memory_space<semaphore_mem>>) src(%dma_wait3A_235 : memref<50176x8xf32, #tpu.memory_space<hbm>>) dst(%arg14 : memref<64x8xf32, #tpu.memory_space<vmem>>)
        tpu.yield
      }) : () -> ()
      %scan3A_217 = arith.constant 0 : i32
      %scan3A_218 = arith.constant 0 : i32
      %scan3A_219 = arith.constant 32 : i32
      %scan3A_220 = arith.addi %scan3A_218, %scan3A_219 : i32
      %scan3A_221 = arith.constant 1 : i32
      %scan3A_222 = scf.for %scan3A_232 = %scan3A_218 to %scan3A_220 step %scan3A_221 iter_args(%scan3A_233 = %scan3A_217) -> (i32)  : i32 {
        %mul3A_234 = arith.constant 2 : i32
        %mul3A_235 = arith.muli %mul3A_234, %scan3A_232 : i32
        %add3A_236 = vector.broadcast %mul3A_235 : i32 to vector<16xi32>
        %add3A_237 = arith.addi %shift_right_logical3A_1, %add3A_236 : vector<16xi32>
        %add3A_238 = arith.constant 64 : i32
        %add3A_239 = vector.broadcast %add3A_238 : i32 to vector<16xi32>
        %add3A_240 = arith.addi %add3A_239, %and3A_3 : vector<16xi32>
        %gather3A = tpu.vector_load_idx %arg13[%add3A_237, %add3A_240] : memref<64x80xf32, #tpu.memory_space<vmem>>[vector<16xi32>, vector<16xi32>], vector<16xf32>,
        %gather3A_241 = tpu.vector_load_idx %arg14[%add3A_237, %and3A_3] : memref<64x8xf32, #tpu.memory_space<vmem>>[vector<16xi32>, vector<16xi32>], vector<16xf32>,
        %gather3A_242 = tpu.vector_load_idx %arg12[%add3A_237] : memref<64xf32, #tpu.memory_space<vmem>>[vector<16xi32>], vector<16xf32>,
        %add3A_243 = arith.addf %gather3A, %gather3A_241 : vector<16xf32>
        %mul3A_244 = arith.constant 2.000000e-01 : f32
        %mul3A_245 = vector.broadcast %mul3A_244 : f32 to vector<16xf32>
        %mul3A_246 = arith.mulf %mul3A_245, %add3A_243 : vector<16xf32>
        %max3A = arith.maximumf %add3A_243, %mul3A_246 : vector<16xf32>
        %sub3A_247 = arith.subf %max3A, %get3A_63 : vector<16xf32>
        %exp3A = math.exp %sub3A_247 : vector<16xf32>
        %mul3A_248 = arith.mulf %exp3A, %gather3A_242 : vector<16xf32>
        %mul3A_249 = arith.constant 16 : i32
        %mul3A_250 = arith.muli %scan3A_232, %mul3A_249 : i32
        %swap3A = arith.index_cast %mul3A_250 : i32 to index
        %swap3A_251 = tpu.vector_load %arg15[%swap3A] {strides = array<i32>} : memref<512xf32, #tpu.memory_space<vmem>>, vector<16xf32>,
        tpu.vector_store %arg15[%swap3A], %mul3A_248 {strides = array<i32>} : memref<512xf32, #tpu.memory_space<vmem>>, vector<16xf32>,
        %scan3A_252 = arith.constant 0 : i32
        scf.yield %scan3A_252 : i32
      }
      %scan3A_223 = arith.constant 32 : i32
      %scan3A_224 = arith.constant 0 : i32
      %scan3A_225 = arith.constant 0 : i32
      %scan3A_226 = arith.constant 32 : i32
      %scan3A_227 = arith.addi %scan3A_225, %scan3A_226 : i32
      %scan3A_228 = arith.constant 1 : i32
      %scan3A_229 = scf.for %scan3A_232 = %scan3A_225 to %scan3A_227 step %scan3A_228 iter_args(%scan3A_233 = %scan3A_224) -> (i32)  : i32 {
        %mul3A_234 = arith.constant 2 : i32
        %mul3A_235 = arith.muli %mul3A_234, %scan3A_232 : i32
        %add3A_236 = arith.constant 0 : i32
        %add3A_237 = arith.addi %mul3A_235, %add3A_236 : i32
        %get3A_238 = arith.index_cast %add3A_237 : i32 to index
        %get3A_239 = arith.constant 0 : index
        %get3A_240 = tpu.vector_load %arg13[%get3A_238, %get3A_239] {strides = array<i32>} : memref<64x80xf32, #tpu.memory_space<vmem>>, vector<16xf32>,
        %mul3A_241 = arith.constant 16 : i32
        %mul3A_242 = arith.muli %scan3A_232, %mul3A_241 : i32
        %add3A_243 = vector.broadcast %mul3A_242 : i32 to vector<16xi32>
        %add3A_244 = arith.addi %add3A_243, %add3A_66 : vector<16xi32>
        %gather3A = tpu.vector_load_idx %arg15[%add3A_244] : memref<512xf32, #tpu.memory_space<vmem>>[vector<16xi32>], vector<16xf32>,
        %mul3A_245 = arith.mulf %get3A_240, %gather3A : vector<16xf32>
        %swap3A = arith.index_cast %add3A_237 : i32 to index
        %swap3A_246 = arith.constant 0 : index
        %swap3A_247 = tpu.vector_load %arg16[%swap3A, %swap3A_246] {strides = array<i32>} : memref<64x72xf32, #tpu.memory_space<vmem>>, vector<16xf32>,
        tpu.vector_store %arg16[%swap3A, %swap3A_246], %mul3A_245 {strides = array<i32>} : memref<64x72xf32, #tpu.memory_space<vmem>>, vector<16xf32>,
        %get3A_248 = arith.index_cast %add3A_237 : i32 to index
        %get3A_249 = arith.constant 16 : index
        %get3A_250 = tpu.vector_load %arg13[%get3A_248, %get3A_249] {strides = array<i32>} : memref<64x80xf32, #tpu.memory_space<vmem>>, vector<16xf32>,
        %mul3A_251 = arith.constant 16 : i32
        %mul3A_252 = arith.muli %scan3A_232, %mul3A_251 : i32
        %add3A_253 = vector.broadcast %mul3A_252 : i32 to vector<16xi32>
        %add3A_254 = arith.addi %add3A_253, %add3A_69 : vector<16xi32>
        %gather3A_255 = tpu.vector_load_idx %arg15[%add3A_254] : memref<512xf32, #tpu.memory_space<vmem>>[vector<16xi32>], vector<16xf32>,
        %mul3A_256 = arith.mulf %get3A_250, %gather3A_255 : vector<16xf32>
        %swap3A_257 = arith.index_cast %add3A_237 : i32 to index
        %swap3A_258 = arith.constant 16 : index
        %swap3A_259 = tpu.vector_load %arg16[%swap3A_257, %swap3A_258] {strides = array<i32>} : memref<64x72xf32, #tpu.memory_space<vmem>>, vector<16xf32>,
        tpu.vector_store %arg16[%swap3A_257, %swap3A_258], %mul3A_256 {strides = array<i32>} : memref<64x72xf32, #tpu.memory_space<vmem>>, vector<16xf32>,
        %get3A_260 = arith.index_cast %add3A_237 : i32 to index
        %get3A_261 = arith.constant 32 : index
        %get3A_262 = tpu.vector_load %arg13[%get3A_260, %get3A_261] {strides = array<i32>} : memref<64x80xf32, #tpu.memory_space<vmem>>, vector<16xf32>,
        %mul3A_263 = arith.constant 16 : i32
        %mul3A_264 = arith.muli %scan3A_232, %mul3A_263 : i32
        %add3A_265 = vector.broadcast %mul3A_264 : i32 to vector<16xi32>
        %add3A_266 = arith.addi %add3A_265, %add3A_72 : vector<16xi32>
        %gather3A_267 = tpu.vector_load_idx %arg15[%add3A_266] : memref<512xf32, #tpu.memory_space<vmem>>[vector<16xi32>], vector<16xf32>,
        %mul3A_268 = arith.mulf %get3A_262, %gather3A_267 : vector<16xf32>
        %swap3A_269 = arith.index_cast %add3A_237 : i32 to index
        %swap3A_270 = arith.constant 32 : index
        %swap3A_271 = tpu.vector_load %arg16[%swap3A_269, %swap3A_270] {strides = array<i32>} : memref<64x72xf32, #tpu.memory_space<vmem>>, vector<16xf32>,
        tpu.vector_store %arg16[%swap3A_269, %swap3A_270], %mul3A_268 {strides = array<i32>} : memref<64x72xf32, #tpu.memory_space<vmem>>, vector<16xf32>,
        %get3A_272 = arith.index_cast %add3A_237 : i32 to index
        %get3A_273 = arith.constant 48 : index
        %get3A_274 = tpu.vector_load %arg13[%get3A_272, %get3A_273] {strides = array<i32>} : memref<64x80xf32, #tpu.memory_space<vmem>>, vector<16xf32>,
        %mul3A_275 = arith.constant 16 : i32
        %mul3A_276 = arith.muli %scan3A_232, %mul3A_275 : i32
        %add3A_277 = vector.broadcast %mul3A_276 : i32 to vector<16xi32>
        %add3A_278 = arith.addi %add3A_277, %add3A_75 : vector<16xi32>
        %gather3A_279 = tpu.vector_load_idx %arg15[%add3A_278] : memref<512xf32, #tpu.memory_space<vmem>>[vector<16xi32>], vector<16xf32>,
        %mul3A_280 = arith.mulf %get3A_274, %gather3A_279 : vector<16xf32>
        %swap3A_281 = arith.index_cast %add3A_237 : i32 to index
        %swap3A_282 = arith.constant 48 : index
        %swap3A_283 = tpu.vector_load %arg16[%swap3A_281, %swap3A_282] {strides = array<i32>} : memref<64x72xf32, #tpu.memory_space<vmem>>, vector<16xf32>,
        tpu.vector_store %arg16[%swap3A_281, %swap3A_282], %mul3A_280 {strides = array<i32>} : memref<64x72xf32, #tpu.memory_space<vmem>>, vector<16xf32>,
        %mul3A_284 = arith.constant 2 : i32
        %mul3A_285 = arith.muli %mul3A_284, %scan3A_232 : i32
        %add3A_286 = arith.constant 1 : i32
        %add3A_287 = arith.addi %mul3A_285, %add3A_286 : i32
        %get3A_288 = arith.index_cast %add3A_287 : i32 to index
        %get3A_289 = arith.constant 0 : index
        %get3A_290 = tpu.vector_load %arg13[%get3A_288, %get3A_289] {strides = array<i32>} : memref<64x80xf32, #tpu.memory_space<vmem>>, vector<16xf32>,
        %mul3A_291 = arith.constant 16 : i32
        %mul3A_292 = arith.muli %scan3A_232, %mul3A_291 : i32
        %add3A_293 = vector.broadcast %mul3A_292 : i32 to vector<16xi32>
        %add3A_294 = arith.addi %add3A_293, %add3A_78 : vector<16xi32>
        %gather3A_295 = tpu.vector_load_idx %arg15[%add3A_294] : memref<512xf32, #tpu.memory_space<vmem>>[vector<16xi32>], vector<16xf32>,
        %mul3A_296 = arith.mulf %get3A_290, %gather3A_295 : vector<16xf32>
        %swap3A_297 = arith.index_cast %add3A_287 : i32 to index
        %swap3A_298 = arith.constant 0 : index
        %swap3A_299 = tpu.vector_load %arg16[%swap3A_297, %swap3A_298] {strides = array<i32>} : memref<64x72xf32, #tpu.memory_space<vmem>>, vector<16xf32>,
        tpu.vector_store %arg16[%swap3A_297, %swap3A_298], %mul3A_296 {strides = array<i32>} : memref<64x72xf32, #tpu.memory_space<vmem>>, vector<16xf32>,
        %get3A_300 = arith.index_cast %add3A_287 : i32 to index
        %get3A_301 = arith.constant 16 : index
        %get3A_302 = tpu.vector_load %arg13[%get3A_300, %get3A_301] {strides = array<i32>} : memref<64x80xf32, #tpu.memory_space<vmem>>, vector<16xf32>,
        %mul3A_303 = arith.constant 16 : i32
        %mul3A_304 = arith.muli %scan3A_232, %mul3A_303 : i32
        %add3A_305 = vector.broadcast %mul3A_304 : i32 to vector<16xi32>
        %add3A_306 = arith.addi %add3A_305, %add3A_81 : vector<16xi32>
        %gather3A_307 = tpu.vector_load_idx %arg15[%add3A_306] : memref<512xf32, #tpu.memory_space<vmem>>[vector<16xi32>], vector<16xf32>,
        %mul3A_308 = arith.mulf %get3A_302, %gather3A_307 : vector<16xf32>
        %swap3A_309 = arith.index_cast %add3A_287 : i32 to index
        %swap3A_310 = arith.constant 16 : index
        %swap3A_311 = tpu.vector_load %arg16[%swap3A_309, %swap3A_310] {strides = array<i32>} : memref<64x72xf32, #tpu.memory_space<vmem>>, vector<16xf32>,
        tpu.vector_store %arg16[%swap3A_309, %swap3A_310], %mul3A_308 {strides = array<i32>} : memref<64x72xf32, #tpu.memory_space<vmem>>, vector<16xf32>,
        %get3A_312 = arith.index_cast %add3A_287 : i32 to index
        %get3A_313 = arith.constant 32 : index
        %get3A_314 = tpu.vector_load %arg13[%get3A_312, %get3A_313] {strides = array<i32>} : memref<64x80xf32, #tpu.memory_space<vmem>>, vector<16xf32>,
        %mul3A_315 = arith.constant 16 : i32
        %mul3A_316 = arith.muli %scan3A_232, %mul3A_315 : i32
        %add3A_317 = vector.broadcast %mul3A_316 : i32 to vector<16xi32>
        %add3A_318 = arith.addi %add3A_317, %add3A_84 : vector<16xi32>
        %gather3A_319 = tpu.vector_load_idx %arg15[%add3A_318] : memref<512xf32, #tpu.memory_space<vmem>>[vector<16xi32>], vector<16xf32>,
        %mul3A_320 = arith.mulf %get3A_314, %gather3A_319 : vector<16xf32>
        %swap3A_321 = arith.index_cast %add3A_287 : i32 to index
        %swap3A_322 = arith.constant 32 : index
        %swap3A_323 = tpu.vector_load %arg16[%swap3A_321, %swap3A_322] {strides = array<i32>} : memref<64x72xf32, #tpu.memory_space<vmem>>, vector<16xf32>,
        tpu.vector_store %arg16[%swap3A_321, %swap3A_322], %mul3A_320 {strides = array<i32>} : memref<64x72xf32, #tpu.memory_space<vmem>>, vector<16xf32>,
        %get3A_324 = arith.index_cast %add3A_287 : i32 to index
        %get3A_325 = arith.constant 48 : index
        %get3A_326 = tpu.vector_load %arg13[%get3A_324, %get3A_325] {strides = array<i32>} : memref<64x80xf32, #tpu.memory_space<vmem>>, vector<16xf32>,
        %mul3A_327 = arith.constant 16 : i32
        %mul3A_328 = arith.muli %scan3A_232, %mul3A_327 : i32
        %add3A_329 = vector.broadcast %mul3A_328 : i32 to vector<16xi32>
        %add3A_330 = arith.addi %add3A_329, %add3A_87 : vector<16xi32>
        %gather3A_331 = tpu.vector_load_idx %arg15[%add3A_330] : memref<512xf32, #tpu.memory_space<vmem>>[vector<16xi32>], vector<16xf32>,
        %mul3A_332 = arith.mulf %get3A_326, %gather3A_331 : vector<16xf32>
        %swap3A_333 = arith.index_cast %add3A_287 : i32 to index
        %swap3A_334 = arith.constant 48 : index
        %swap3A_335 = tpu.vector_load %arg16[%swap3A_333, %swap3A_334] {strides = array<i32>} : memref<64x72xf32, #tpu.memory_space<vmem>>, vector<16xf32>,
        tpu.vector_store %arg16[%swap3A_333, %swap3A_334], %mul3A_332 {strides = array<i32>} : memref<64x72xf32, #tpu.memory_space<vmem>>, vector<16xf32>,
        %mul3A_336 = arith.constant 16 : i32
        %mul3A_337 = arith.muli %scan3A_232, %mul3A_336 : i32
        %get3A_338 = arith.index_cast %mul3A_337 : i32 to index
        %get3A_339 = tpu.vector_load %arg15[%get3A_338] {strides = array<i32>} : memref<512xf32, #tpu.memory_space<vmem>>, vector<16xf32>,
        %mul3A_340 = arith.constant 2 : i32
        %mul3A_341 = arith.muli %mul3A_340, %scan3A_232 : i32
        %add3A_342 = vector.broadcast %mul3A_341 : i32 to vector<16xi32>
        %add3A_343 = arith.addi %add3A_342, %shift_right_logical3A_1 : vector<16xi32>
        %add3A_344 = arith.constant 64 : i32
        %add3A_345 = vector.broadcast %add3A_344 : i32 to vector<16xi32>
        %add3A_346 = arith.addi %add3A_345, %and3A_3 : vector<16xi32>
        tpu.vector_store_idx %arg16[%add3A_343, %add3A_346], %get3A_339 : memref<64x72xf32, #tpu.memory_space<vmem>>[vector<16xi32>, vector<16xi32>], vector<16xf32>,
        %scan3A_347 = arith.constant 0 : i32
        scf.yield %scan3A_347 : i32
      }
      %scan3A_230 = arith.constant 32 : i32
      "tpu.region"() ({
        %run_scoped3A = tpu.sem_alloc : memref<!tpu.dma_semaphore, #tpu.memory_space<semaphore_mem>>
        %dma_start3A = arith.constant 0 : i32
        %dma_start3A_232 = arith.constant 0 : i32
        %dma_start3A_233 = tpu.memref_slice %arg21[%dma_start3A, %dma_start3A_232] : memref<25088x72xf32, #tpu.memory_space<vmem_shared>> -> memref<25088x72xf32, #tpu.memory_space<vmem_shared>>
        tpu.enqueue_indirect_dma source(%arg16 : memref<64x72xf32, #tpu.memory_space<vmem>>) target(%dma_start3A_233 : memref<25088x72xf32, #tpu.memory_space<vmem_shared>>) offsets(%arg11 : memref<64xi32, #tpu.memory_space<vmem>>) semaphore(%run_scoped3A : memref<!tpu.dma_semaphore, #tpu.memory_space<semaphore_mem>>) {add = true}
        %dma_wait3A = arith.constant 0 : i32
        %dma_wait3A_234 = arith.constant 0 : i32
        %dma_wait3A_235 = tpu.memref_slice %arg21[%dma_wait3A, %dma_wait3A_234] : memref<25088x72xf32, #tpu.memory_space<vmem_shared>> -> memref<25088x72xf32, #tpu.memory_space<vmem_shared>>
        tpu.wait_indirect_dma semaphore(%run_scoped3A : memref<!tpu.dma_semaphore, #tpu.memory_space<semaphore_mem>>) src(%arg16 : memref<64x72xf32, #tpu.memory_space<vmem>>) dst(%dma_wait3A_235 : memref<25088x72xf32, #tpu.memory_space<vmem_shared>>)
        tpu.yield
      }) : () -> ()
      %while3A_231 = arith.constant 0 : i32
      scf.yield %while3A_231 : i32
    }
    %while3A_140 = arith.constant 1 : i32
    %while3A_141 = scf.for %while3A_206 = %while3A_137 to %while3A_133 step %while3A_140 iter_args(%while3A_207 = %while3A_139) -> (i32)  : i32 {
      %mul3A_208 = arith.constant 64 : i32
      %mul3A_209 = arith.muli %while3A_206, %mul3A_208 : i32
      "tpu.region"() ({
        %run_scoped3A = tpu.sem_alloc : memref<!tpu.dma_semaphore, #tpu.memory_space<semaphore_mem>>
        %dma_start3A = tpu.memref_slice %arg2[%arg1, %arg0, %mul3A_209] : memref<32x2x50048xi32, #tpu.memory_space<hbm>> -> memref<1x1x64xi32, #tpu.memory_space<hbm>>
        %dma_start3A_232 = tpu.memref_squeeze %dma_start3A : memref<1x1x64xi32, #tpu.memory_space<hbm>> -> memref<64xi32, #tpu.memory_space<hbm>>
        %dma_start3A_233 = tpu.memref_slice %arg2[%arg1, %arg0, %mul3A_209] : memref<32x2x50048xi32, #tpu.memory_space<hbm>> -> memref<1x1x64xi32, #tpu.memory_space<hbm>>
        %dma_start3A_234 = tpu.memref_squeeze %dma_start3A_233 : memref<1x1x64xi32, #tpu.memory_space<hbm>> -> memref<64xi32, #tpu.memory_space<hbm>>
        tpu.enqueue_dma source(%dma_start3A_234 : memref<64xi32, #tpu.memory_space<hbm>>) target(%arg8 : memref<64xi32, #tpu.memory_space<vmem>>) target_semaphore(%run_scoped3A : memref<!tpu.dma_semaphore, #tpu.memory_space<semaphore_mem>>)
        %dma_wait3A = tpu.memref_slice %arg2[%arg1, %arg0, %mul3A_209] : memref<32x2x50048xi32, #tpu.memory_space<hbm>> -> memref<1x1x64xi32, #tpu.memory_space<hbm>>
        %dma_wait3A_235 = tpu.memref_squeeze %dma_wait3A : memref<1x1x64xi32, #tpu.memory_space<hbm>> -> memref<64xi32, #tpu.memory_space<hbm>>
        %dma_wait3A_236 = tpu.memref_slice %arg2[%arg1, %arg0, %mul3A_209] : memref<32x2x50048xi32, #tpu.memory_space<hbm>> -> memref<1x1x64xi32, #tpu.memory_space<hbm>>
        %dma_wait3A_237 = tpu.memref_squeeze %dma_wait3A_236 : memref<1x1x64xi32, #tpu.memory_space<hbm>> -> memref<64xi32, #tpu.memory_space<hbm>>
        tpu.wait_dma2 semaphore(%run_scoped3A : memref<!tpu.dma_semaphore, #tpu.memory_space<semaphore_mem>>) src(%dma_wait3A_237 : memref<64xi32, #tpu.memory_space<hbm>>) dst(%arg8 : memref<64xi32, #tpu.memory_space<vmem>>)
        tpu.yield
      }) : () -> ()
      %scan3A_210 = arith.constant 0 : i32
      %scan3A_211 = arith.constant 0 : i32
      %scan3A_212 = arith.constant 4 : i32
      %scan3A_213 = arith.addi %scan3A_211, %scan3A_212 : i32
      %scan3A_214 = arith.constant 1 : i32
      %scan3A_215 = scf.for %scan3A_232 = %scan3A_211 to %scan3A_213 step %scan3A_214 iter_args(%scan3A_233 = %scan3A_210) -> (i32)  : i32 {
        %mul3A_234 = arith.constant 16 : i32
        %mul3A_235 = arith.muli %scan3A_232, %mul3A_234 : i32
        %get3A_236 = arith.index_cast %mul3A_235 : i32 to index
        %get3A_237 = tpu.vector_load %arg8[%get3A_236] {strides = array<i32>} : memref<64xi32, #tpu.memory_space<vmem>>, vector<16xi32>,
        %and3A_238 = arith.constant 65535 : i32
        %and3A_239 = vector.broadcast %and3A_238 : i32 to vector<16xi32>
        %and3A_240 = arith.andi %get3A_237, %and3A_239 : vector<16xi32>
        %shift_right_logical3A_241 = arith.constant 16 : i32
        %shift_right_logical3A_242 = vector.broadcast %shift_right_logical3A_241 : i32 to vector<16xi32>
        %shift_right_logical3A_243 = arith.shrui %get3A_237, %shift_right_logical3A_242 : vector<16xi32>
        %mul3A_244 = arith.constant 64 : i32
        %mul3A_245 = arith.muli %while3A_206, %mul3A_244 : i32
        %sub3A_246 = arith.subi %reduce_max3A_107, %mul3A_245 : i32
        %mul3A_247 = arith.constant 16 : i32
        %mul3A_248 = arith.muli %scan3A_232, %mul3A_247 : i32
        %sub3A_249 = arith.subi %sub3A_246, %mul3A_248 : i32
        %lt3A_250 = vector.broadcast %sub3A_249 : i32 to vector<16xi32>
        %lt3A_251 = arith.cmpi slt, %iota3A, %lt3A_250 : vector<16xi32>
        %jit3A_252 = arith.constant 0 : i32
        %broadcast_in_dim3A_253 = vector.broadcast %jit3A_252 : i32 to vector<16xi32>
        %select_n3A_254 = arith.select %lt3A_251, %and3A_240, %broadcast_in_dim3A_253 : vector<16xi1>, vector<16xi32>
        %mul3A_255 = arith.constant 16 : i32
        %mul3A_256 = arith.muli %scan3A_232, %mul3A_255 : i32
        %swap3A = arith.index_cast %mul3A_256 : i32 to index
        %swap3A_257 = tpu.vector_load %arg9[%swap3A] {strides = array<i32>} : memref<64xi32, #tpu.memory_space<vmem>>, vector<16xi32>,
        tpu.vector_store %arg9[%swap3A], %select_n3A_254 {strides = array<i32>} : memref<64xi32, #tpu.memory_space<vmem>>, vector<16xi32>,
        %jit3A_258 = arith.constant 0 : i32
        %broadcast_in_dim3A_259 = vector.broadcast %jit3A_258 : i32 to vector<16xi32>
        %select_n3A_260 = arith.select %lt3A_251, %shift_right_logical3A_243, %broadcast_in_dim3A_259 : vector<16xi1>, vector<16xi32>
        %mul3A_261 = arith.constant 16 : i32
        %mul3A_262 = arith.muli %scan3A_232, %mul3A_261 : i32
        %swap3A_263 = arith.index_cast %mul3A_262 : i32 to index
        %swap3A_264 = tpu.vector_load %arg10[%swap3A_263] {strides = array<i32>} : memref<64xi32, #tpu.memory_space<vmem>>, vector<16xi32>,
        tpu.vector_store %arg10[%swap3A_263], %select_n3A_260 {strides = array<i32>} : memref<64xi32, #tpu.memory_space<vmem>>, vector<16xi32>,
        %mul3A_265 = arith.constant 25088 : i32
        %mul3A_266 = arith.muli %arg0, %mul3A_265 : i32
        %sub3A_267 = vector.broadcast %mul3A_266 : i32 to vector<16xi32>
        %sub3A_268 = arith.subi %shift_right_logical3A_243, %sub3A_267 : vector<16xi32>
        %jit3A_269 = arith.constant 0 : i32
        %broadcast_in_dim3A_270 = vector.broadcast %jit3A_269 : i32 to vector<16xi32>
        %select_n3A_271 = arith.select %lt3A_251, %sub3A_268, %broadcast_in_dim3A_270 : vector<16xi1>, vector<16xi32>
        %mul3A_272 = arith.constant 16 : i32
        %mul3A_273 = arith.muli %scan3A_232, %mul3A_272 : i32
        %swap3A_274 = arith.index_cast %mul3A_273 : i32 to index
        %swap3A_275 = tpu.vector_load %arg11[%swap3A_274] {strides = array<i32>} : memref<64xi32, #tpu.memory_space<vmem>>, vector<16xi32>,
        tpu.vector_store %arg11[%swap3A_274], %select_n3A_271 {strides = array<i32>} : memref<64xi32, #tpu.memory_space<vmem>>, vector<16xi32>,
        %jit3A_276 = arith.constant 1.000000e+00 : f32
        %jit3A_277 = arith.constant 0.000000e+00 : f32
        %broadcast_in_dim3A_278 = vector.broadcast %jit3A_276 : f32 to vector<16xf32>
        %broadcast_in_dim3A_279 = vector.broadcast %jit3A_277 : f32 to vector<16xf32>
        %select_n3A_280 = arith.select %lt3A_251, %broadcast_in_dim3A_278, %broadcast_in_dim3A_279 : vector<16xi1>, vector<16xf32>
        %mul3A_281 = arith.constant 16 : i32
        %mul3A_282 = arith.muli %scan3A_232, %mul3A_281 : i32
        %swap3A_283 = arith.index_cast %mul3A_282 : i32 to index
        %swap3A_284 = tpu.vector_load %arg12[%swap3A_283] {strides = array<i32>} : memref<64xf32, #tpu.memory_space<vmem>>, vector<16xf32>,
        tpu.vector_store %arg12[%swap3A_283], %select_n3A_280 {strides = array<i32>} : memref<64xf32, #tpu.memory_space<vmem>>, vector<16xf32>,
        %scan3A_285 = arith.constant 0 : i32
        scf.yield %scan3A_285 : i32
      }
      %scan3A_216 = arith.constant 4 : i32
      "tpu.region"() ({
        %run_scoped3A = tpu.sem_alloc : memref<!tpu.dma_semaphore, #tpu.memory_space<semaphore_mem>>
        %dma_start3A = arith.constant 0 : i32
        %dma_start3A_232 = arith.constant 0 : i32
        %dma_start3A_233 = tpu.memref_slice %arg4[%dma_start3A, %dma_start3A_232] : memref<50176x80xf32, #tpu.memory_space<hbm>> -> memref<50176x80xf32, #tpu.memory_space<hbm>>
        tpu.enqueue_indirect_dma source(%dma_start3A_233 : memref<50176x80xf32, #tpu.memory_space<hbm>>) target(%arg13 : memref<64x80xf32, #tpu.memory_space<vmem>>) offsets(%arg9 : memref<64xi32, #tpu.memory_space<vmem>>) semaphore(%run_scoped3A : memref<!tpu.dma_semaphore, #tpu.memory_space<semaphore_mem>>)
        %dma_wait3A = arith.constant 0 : i32
        %dma_wait3A_234 = arith.constant 0 : i32
        %dma_wait3A_235 = tpu.memref_slice %arg4[%dma_wait3A, %dma_wait3A_234] : memref<50176x80xf32, #tpu.memory_space<hbm>> -> memref<50176x80xf32, #tpu.memory_space<hbm>>
        tpu.wait_indirect_dma semaphore(%run_scoped3A : memref<!tpu.dma_semaphore, #tpu.memory_space<semaphore_mem>>) src(%dma_wait3A_235 : memref<50176x80xf32, #tpu.memory_space<hbm>>) dst(%arg13 : memref<64x80xf32, #tpu.memory_space<vmem>>)
        tpu.yield
      }) : () -> ()
      "tpu.region"() ({
        %run_scoped3A = tpu.sem_alloc : memref<!tpu.dma_semaphore, #tpu.memory_space<semaphore_mem>>
        %dma_start3A = arith.constant 0 : i32
        %dma_start3A_232 = arith.constant 0 : i32
        %dma_start3A_233 = tpu.memref_slice %arg5[%dma_start3A, %dma_start3A_232] : memref<50176x8xf32, #tpu.memory_space<hbm>> -> memref<50176x8xf32, #tpu.memory_space<hbm>>
        tpu.enqueue_indirect_dma source(%dma_start3A_233 : memref<50176x8xf32, #tpu.memory_space<hbm>>) target(%arg14 : memref<64x8xf32, #tpu.memory_space<vmem>>) offsets(%arg10 : memref<64xi32, #tpu.memory_space<vmem>>) semaphore(%run_scoped3A : memref<!tpu.dma_semaphore, #tpu.memory_space<semaphore_mem>>)
        %dma_wait3A = arith.constant 0 : i32
        %dma_wait3A_234 = arith.constant 0 : i32
        %dma_wait3A_235 = tpu.memref_slice %arg5[%dma_wait3A, %dma_wait3A_234] : memref<50176x8xf32, #tpu.memory_space<hbm>> -> memref<50176x8xf32, #tpu.memory_space<hbm>>
        tpu.wait_indirect_dma semaphore(%run_scoped3A : memref<!tpu.dma_semaphore, #tpu.memory_space<semaphore_mem>>) src(%dma_wait3A_235 : memref<50176x8xf32, #tpu.memory_space<hbm>>) dst(%arg14 : memref<64x8xf32, #tpu.memory_space<vmem>>)
        tpu.yield
      }) : () -> ()
      %scan3A_217 = arith.constant 0 : i32
      %scan3A_218 = arith.constant 0 : i32
      %scan3A_219 = arith.constant 32 : i32
      %scan3A_220 = arith.addi %scan3A_218, %scan3A_219 : i32
      %scan3A_221 = arith.constant 1 : i32
      %scan3A_222 = scf.for %scan3A_232 = %scan3A_218 to %scan3A_220 step %scan3A_221 iter_args(%scan3A_233 = %scan3A_217) -> (i32)  : i32 {
        %mul3A_234 = arith.constant 2 : i32
        %mul3A_235 = arith.muli %mul3A_234, %scan3A_232 : i32
        %add3A_236 = vector.broadcast %mul3A_235 : i32 to vector<16xi32>
        %add3A_237 = arith.addi %shift_right_logical3A_1, %add3A_236 : vector<16xi32>
        %add3A_238 = arith.constant 64 : i32
        %add3A_239 = vector.broadcast %add3A_238 : i32 to vector<16xi32>
        %add3A_240 = arith.addi %add3A_239, %and3A_3 : vector<16xi32>
        %gather3A = tpu.vector_load_idx %arg13[%add3A_237, %add3A_240] : memref<64x80xf32, #tpu.memory_space<vmem>>[vector<16xi32>, vector<16xi32>], vector<16xf32>,
        %gather3A_241 = tpu.vector_load_idx %arg14[%add3A_237, %and3A_3] : memref<64x8xf32, #tpu.memory_space<vmem>>[vector<16xi32>, vector<16xi32>], vector<16xf32>,
        %gather3A_242 = tpu.vector_load_idx %arg12[%add3A_237] : memref<64xf32, #tpu.memory_space<vmem>>[vector<16xi32>], vector<16xf32>,
        %add3A_243 = arith.addf %gather3A, %gather3A_241 : vector<16xf32>
        %mul3A_244 = arith.constant 2.000000e-01 : f32
        %mul3A_245 = vector.broadcast %mul3A_244 : f32 to vector<16xf32>
        %mul3A_246 = arith.mulf %mul3A_245, %add3A_243 : vector<16xf32>
        %max3A = arith.maximumf %add3A_243, %mul3A_246 : vector<16xf32>
        %sub3A_247 = arith.subf %max3A, %get3A_63 : vector<16xf32>
        %exp3A = math.exp %sub3A_247 : vector<16xf32>
        %mul3A_248 = arith.mulf %exp3A, %gather3A_242 : vector<16xf32>
        %mul3A_249 = arith.constant 16 : i32
        %mul3A_250 = arith.muli %scan3A_232, %mul3A_249 : i32
        %swap3A = arith.index_cast %mul3A_250 : i32 to index
        %swap3A_251 = tpu.vector_load %arg15[%swap3A] {strides = array<i32>} : memref<512xf32, #tpu.memory_space<vmem>>, vector<16xf32>,
        tpu.vector_store %arg15[%swap3A], %mul3A_248 {strides = array<i32>} : memref<512xf32, #tpu.memory_space<vmem>>, vector<16xf32>,
        %scan3A_252 = arith.constant 0 : i32
        scf.yield %scan3A_252 : i32
      }
      %scan3A_223 = arith.constant 32 : i32
      %scan3A_224 = arith.constant 0 : i32
      %scan3A_225 = arith.constant 0 : i32
      %scan3A_226 = arith.constant 32 : i32
      %scan3A_227 = arith.addi %scan3A_225, %scan3A_226 : i32
      %scan3A_228 = arith.constant 1 : i32
      %scan3A_229 = scf.for %scan3A_232 = %scan3A_225 to %scan3A_227 step %scan3A_228 iter_args(%scan3A_233 = %scan3A_224) -> (i32)  : i32 {
        %mul3A_234 = arith.constant 2 : i32
        %mul3A_235 = arith.muli %mul3A_234, %scan3A_232 : i32
        %add3A_236 = arith.constant 0 : i32
        %add3A_237 = arith.addi %mul3A_235, %add3A_236 : i32
        %get3A_238 = arith.index_cast %add3A_237 : i32 to index
        %get3A_239 = arith.constant 0 : index
        %get3A_240 = tpu.vector_load %arg13[%get3A_238, %get3A_239] {strides = array<i32>} : memref<64x80xf32, #tpu.memory_space<vmem>>, vector<16xf32>,
        %mul3A_241 = arith.constant 16 : i32
        %mul3A_242 = arith.muli %scan3A_232, %mul3A_241 : i32
        %add3A_243 = vector.broadcast %mul3A_242 : i32 to vector<16xi32>
        %add3A_244 = arith.addi %add3A_243, %add3A_66 : vector<16xi32>
        %gather3A = tpu.vector_load_idx %arg15[%add3A_244] : memref<512xf32, #tpu.memory_space<vmem>>[vector<16xi32>], vector<16xf32>,
        %mul3A_245 = arith.mulf %get3A_240, %gather3A : vector<16xf32>
        %swap3A = arith.index_cast %add3A_237 : i32 to index
        %swap3A_246 = arith.constant 0 : index
        %swap3A_247 = tpu.vector_load %arg16[%swap3A, %swap3A_246] {strides = array<i32>} : memref<64x72xf32, #tpu.memory_space<vmem>>, vector<16xf32>,
        tpu.vector_store %arg16[%swap3A, %swap3A_246], %mul3A_245 {strides = array<i32>} : memref<64x72xf32, #tpu.memory_space<vmem>>, vector<16xf32>,
        %get3A_248 = arith.index_cast %add3A_237 : i32 to index
        %get3A_249 = arith.constant 16 : index
        %get3A_250 = tpu.vector_load %arg13[%get3A_248, %get3A_249] {strides = array<i32>} : memref<64x80xf32, #tpu.memory_space<vmem>>, vector<16xf32>,
        %mul3A_251 = arith.constant 16 : i32
        %mul3A_252 = arith.muli %scan3A_232, %mul3A_251 : i32
        %add3A_253 = vector.broadcast %mul3A_252 : i32 to vector<16xi32>
        %add3A_254 = arith.addi %add3A_253, %add3A_69 : vector<16xi32>
        %gather3A_255 = tpu.vector_load_idx %arg15[%add3A_254] : memref<512xf32, #tpu.memory_space<vmem>>[vector<16xi32>], vector<16xf32>,
        %mul3A_256 = arith.mulf %get3A_250, %gather3A_255 : vector<16xf32>
        %swap3A_257 = arith.index_cast %add3A_237 : i32 to index
        %swap3A_258 = arith.constant 16 : index
        %swap3A_259 = tpu.vector_load %arg16[%swap3A_257, %swap3A_258] {strides = array<i32>} : memref<64x72xf32, #tpu.memory_space<vmem>>, vector<16xf32>,
        tpu.vector_store %arg16[%swap3A_257, %swap3A_258], %mul3A_256 {strides = array<i32>} : memref<64x72xf32, #tpu.memory_space<vmem>>, vector<16xf32>,
        %get3A_260 = arith.index_cast %add3A_237 : i32 to index
        %get3A_261 = arith.constant 32 : index
        %get3A_262 = tpu.vector_load %arg13[%get3A_260, %get3A_261] {strides = array<i32>} : memref<64x80xf32, #tpu.memory_space<vmem>>, vector<16xf32>,
        %mul3A_263 = arith.constant 16 : i32
        %mul3A_264 = arith.muli %scan3A_232, %mul3A_263 : i32
        %add3A_265 = vector.broadcast %mul3A_264 : i32 to vector<16xi32>
        %add3A_266 = arith.addi %add3A_265, %add3A_72 : vector<16xi32>
        %gather3A_267 = tpu.vector_load_idx %arg15[%add3A_266] : memref<512xf32, #tpu.memory_space<vmem>>[vector<16xi32>], vector<16xf32>,
        %mul3A_268 = arith.mulf %get3A_262, %gather3A_267 : vector<16xf32>
        %swap3A_269 = arith.index_cast %add3A_237 : i32 to index
        %swap3A_270 = arith.constant 32 : index
        %swap3A_271 = tpu.vector_load %arg16[%swap3A_269, %swap3A_270] {strides = array<i32>} : memref<64x72xf32, #tpu.memory_space<vmem>>, vector<16xf32>,
        tpu.vector_store %arg16[%swap3A_269, %swap3A_270], %mul3A_268 {strides = array<i32>} : memref<64x72xf32, #tpu.memory_space<vmem>>, vector<16xf32>,
        %get3A_272 = arith.index_cast %add3A_237 : i32 to index
        %get3A_273 = arith.constant 48 : index
        %get3A_274 = tpu.vector_load %arg13[%get3A_272, %get3A_273] {strides = array<i32>} : memref<64x80xf32, #tpu.memory_space<vmem>>, vector<16xf32>,
        %mul3A_275 = arith.constant 16 : i32
        %mul3A_276 = arith.muli %scan3A_232, %mul3A_275 : i32
        %add3A_277 = vector.broadcast %mul3A_276 : i32 to vector<16xi32>
        %add3A_278 = arith.addi %add3A_277, %add3A_75 : vector<16xi32>
        %gather3A_279 = tpu.vector_load_idx %arg15[%add3A_278] : memref<512xf32, #tpu.memory_space<vmem>>[vector<16xi32>], vector<16xf32>,
        %mul3A_280 = arith.mulf %get3A_274, %gather3A_279 : vector<16xf32>
        %swap3A_281 = arith.index_cast %add3A_237 : i32 to index
        %swap3A_282 = arith.constant 48 : index
        %swap3A_283 = tpu.vector_load %arg16[%swap3A_281, %swap3A_282] {strides = array<i32>} : memref<64x72xf32, #tpu.memory_space<vmem>>, vector<16xf32>,
        tpu.vector_store %arg16[%swap3A_281, %swap3A_282], %mul3A_280 {strides = array<i32>} : memref<64x72xf32, #tpu.memory_space<vmem>>, vector<16xf32>,
        %mul3A_284 = arith.constant 2 : i32
        %mul3A_285 = arith.muli %mul3A_284, %scan3A_232 : i32
        %add3A_286 = arith.constant 1 : i32
        %add3A_287 = arith.addi %mul3A_285, %add3A_286 : i32
        %get3A_288 = arith.index_cast %add3A_287 : i32 to index
        %get3A_289 = arith.constant 0 : index
        %get3A_290 = tpu.vector_load %arg13[%get3A_288, %get3A_289] {strides = array<i32>} : memref<64x80xf32, #tpu.memory_space<vmem>>, vector<16xf32>,
        %mul3A_291 = arith.constant 16 : i32
        %mul3A_292 = arith.muli %scan3A_232, %mul3A_291 : i32
        %add3A_293 = vector.broadcast %mul3A_292 : i32 to vector<16xi32>
        %add3A_294 = arith.addi %add3A_293, %add3A_78 : vector<16xi32>
        %gather3A_295 = tpu.vector_load_idx %arg15[%add3A_294] : memref<512xf32, #tpu.memory_space<vmem>>[vector<16xi32>], vector<16xf32>,
        %mul3A_296 = arith.mulf %get3A_290, %gather3A_295 : vector<16xf32>
        %swap3A_297 = arith.index_cast %add3A_287 : i32 to index
        %swap3A_298 = arith.constant 0 : index
        %swap3A_299 = tpu.vector_load %arg16[%swap3A_297, %swap3A_298] {strides = array<i32>} : memref<64x72xf32, #tpu.memory_space<vmem>>, vector<16xf32>,
        tpu.vector_store %arg16[%swap3A_297, %swap3A_298], %mul3A_296 {strides = array<i32>} : memref<64x72xf32, #tpu.memory_space<vmem>>, vector<16xf32>,
        %get3A_300 = arith.index_cast %add3A_287 : i32 to index
        %get3A_301 = arith.constant 16 : index
        %get3A_302 = tpu.vector_load %arg13[%get3A_300, %get3A_301] {strides = array<i32>} : memref<64x80xf32, #tpu.memory_space<vmem>>, vector<16xf32>,
        %mul3A_303 = arith.constant 16 : i32
        %mul3A_304 = arith.muli %scan3A_232, %mul3A_303 : i32
        %add3A_305 = vector.broadcast %mul3A_304 : i32 to vector<16xi32>
        %add3A_306 = arith.addi %add3A_305, %add3A_81 : vector<16xi32>
        %gather3A_307 = tpu.vector_load_idx %arg15[%add3A_306] : memref<512xf32, #tpu.memory_space<vmem>>[vector<16xi32>], vector<16xf32>,
        %mul3A_308 = arith.mulf %get3A_302, %gather3A_307 : vector<16xf32>
        %swap3A_309 = arith.index_cast %add3A_287 : i32 to index
        %swap3A_310 = arith.constant 16 : index
        %swap3A_311 = tpu.vector_load %arg16[%swap3A_309, %swap3A_310] {strides = array<i32>} : memref<64x72xf32, #tpu.memory_space<vmem>>, vector<16xf32>,
        tpu.vector_store %arg16[%swap3A_309, %swap3A_310], %mul3A_308 {strides = array<i32>} : memref<64x72xf32, #tpu.memory_space<vmem>>, vector<16xf32>,
        %get3A_312 = arith.index_cast %add3A_287 : i32 to index
        %get3A_313 = arith.constant 32 : index
        %get3A_314 = tpu.vector_load %arg13[%get3A_312, %get3A_313] {strides = array<i32>} : memref<64x80xf32, #tpu.memory_space<vmem>>, vector<16xf32>,
        %mul3A_315 = arith.constant 16 : i32
        %mul3A_316 = arith.muli %scan3A_232, %mul3A_315 : i32
        %add3A_317 = vector.broadcast %mul3A_316 : i32 to vector<16xi32>
        %add3A_318 = arith.addi %add3A_317, %add3A_84 : vector<16xi32>
        %gather3A_319 = tpu.vector_load_idx %arg15[%add3A_318] : memref<512xf32, #tpu.memory_space<vmem>>[vector<16xi32>], vector<16xf32>,
        %mul3A_320 = arith.mulf %get3A_314, %gather3A_319 : vector<16xf32>
        %swap3A_321 = arith.index_cast %add3A_287 : i32 to index
        %swap3A_322 = arith.constant 32 : index
        %swap3A_323 = tpu.vector_load %arg16[%swap3A_321, %swap3A_322] {strides = array<i32>} : memref<64x72xf32, #tpu.memory_space<vmem>>, vector<16xf32>,
        tpu.vector_store %arg16[%swap3A_321, %swap3A_322], %mul3A_320 {strides = array<i32>} : memref<64x72xf32, #tpu.memory_space<vmem>>, vector<16xf32>,
        %get3A_324 = arith.index_cast %add3A_287 : i32 to index
        %get3A_325 = arith.constant 48 : index
        %get3A_326 = tpu.vector_load %arg13[%get3A_324, %get3A_325] {strides = array<i32>} : memref<64x80xf32, #tpu.memory_space<vmem>>, vector<16xf32>,
        %mul3A_327 = arith.constant 16 : i32
        %mul3A_328 = arith.muli %scan3A_232, %mul3A_327 : i32
        %add3A_329 = vector.broadcast %mul3A_328 : i32 to vector<16xi32>
        %add3A_330 = arith.addi %add3A_329, %add3A_87 : vector<16xi32>
        %gather3A_331 = tpu.vector_load_idx %arg15[%add3A_330] : memref<512xf32, #tpu.memory_space<vmem>>[vector<16xi32>], vector<16xf32>,
        %mul3A_332 = arith.mulf %get3A_326, %gather3A_331 : vector<16xf32>
        %swap3A_333 = arith.index_cast %add3A_287 : i32 to index
        %swap3A_334 = arith.constant 48 : index
        %swap3A_335 = tpu.vector_load %arg16[%swap3A_333, %swap3A_334] {strides = array<i32>} : memref<64x72xf32, #tpu.memory_space<vmem>>, vector<16xf32>,
        tpu.vector_store %arg16[%swap3A_333, %swap3A_334], %mul3A_332 {strides = array<i32>} : memref<64x72xf32, #tpu.memory_space<vmem>>, vector<16xf32>,
        %mul3A_336 = arith.constant 16 : i32
        %mul3A_337 = arith.muli %scan3A_232, %mul3A_336 : i32
        %get3A_338 = arith.index_cast %mul3A_337 : i32 to index
        %get3A_339 = tpu.vector_load %arg15[%get3A_338] {strides = array<i32>} : memref<512xf32, #tpu.memory_space<vmem>>, vector<16xf32>,
        %mul3A_340 = arith.constant 2 : i32
        %mul3A_341 = arith.muli %mul3A_340, %scan3A_232 : i32
        %add3A_342 = vector.broadcast %mul3A_341 : i32 to vector<16xi32>
        %add3A_343 = arith.addi %add3A_342, %shift_right_logical3A_1 : vector<16xi32>
        %add3A_344 = arith.constant 64 : i32
        %add3A_345 = vector.broadcast %add3A_344 : i32 to vector<16xi32>
        %add3A_346 = arith.addi %add3A_345, %and3A_3 : vector<16xi32>
        tpu.vector_store_idx %arg16[%add3A_343, %add3A_346], %get3A_339 : memref<64x72xf32, #tpu.memory_space<vmem>>[vector<16xi32>, vector<16xi32>], vector<16xf32>,
        %scan3A_347 = arith.constant 0 : i32
        scf.yield %scan3A_347 : i32
      }
      %scan3A_230 = arith.constant 32 : i32
      "tpu.region"() ({
        %run_scoped3A = tpu.sem_alloc : memref<!tpu.dma_semaphore, #tpu.memory_space<semaphore_mem>>
        %dma_start3A = arith.constant 0 : i32
        %dma_start3A_232 = arith.constant 0 : i32
        %dma_start3A_233 = tpu.memref_slice %arg21[%dma_start3A, %dma_start3A_232] : memref<25088x72xf32, #tpu.memory_space<vmem_shared>> -> memref<25088x72xf32, #tpu.memory_space<vmem_shared>>
        tpu.enqueue_indirect_dma source(%arg16 : memref<64x72xf32, #tpu.memory_space<vmem>>) target(%dma_start3A_233 : memref<25088x72xf32, #tpu.memory_space<vmem_shared>>) offsets(%arg11 : memref<64xi32, #tpu.memory_space<vmem>>) semaphore(%run_scoped3A : memref<!tpu.dma_semaphore, #tpu.memory_space<semaphore_mem>>) {add = true}
        %dma_wait3A = arith.constant 0 : i32
        %dma_wait3A_234 = arith.constant 0 : i32
        %dma_wait3A_235 = tpu.memref_slice %arg21[%dma_wait3A, %dma_wait3A_234] : memref<25088x72xf32, #tpu.memory_space<vmem_shared>> -> memref<25088x72xf32, #tpu.memory_space<vmem_shared>>
        tpu.wait_indirect_dma semaphore(%run_scoped3A : memref<!tpu.dma_semaphore, #tpu.memory_space<semaphore_mem>>) src(%arg16 : memref<64x72xf32, #tpu.memory_space<vmem>>) dst(%dma_wait3A_235 : memref<25088x72xf32, #tpu.memory_space<vmem_shared>>)
        tpu.yield
      }) : () -> ()
      %while3A_231 = arith.constant 0 : i32
      scf.yield %while3A_231 : i32
    }
    %get3A_142 = arith.index_cast %add3A_95 : i32 to index
    %get3A_143 = arith.constant 0 : index
    %get3A_144 = tpu.vector_load %arg18[%get3A_142, %get3A_143] {strides = array<i32>} : memref<32x16xi32, #tpu.memory_space<vmem>>, vector<16xi32>,
    %eq3A_145 = vector.broadcast %arg0 : i32 to vector<16xi32>
    %eq3A_146 = arith.cmpi eq, %iota3A, %eq3A_145 : vector<16xi32>
    %jit3A_147 = arith.constant 0 : i32
    %broadcast_in_dim3A_148 = vector.broadcast %jit3A_147 : i32 to vector<16xi32>
    %select_n3A_149 = arith.select %eq3A_146, %get3A_144, %broadcast_in_dim3A_148 : vector<16xi1>, vector<16xi32>
    %reduce_max3A_150 = arith.constant true
    %reduce_max3A_151 = vector.broadcast %reduce_max3A_150 : i1 to vector<16xi1>
    %reduce_max3A_152 = arith.constant -2147483648 : i32
    %reduce_max3A_153 = vector.broadcast %reduce_max3A_152 : i32 to vector<16xi32>
    %reduce_max3A_154 = arith.xori %select_n3A_149, %reduce_max3A_153 : vector<16xi32>
    %reduce_max3A_155 = tpu.scan <max>, %reduce_max3A_154 masked %reduce_max3A_151 : vector<16xi32>, vector<16xi1> -> vector<16xi32>
    %reduce_max3A_156 = arith.xori %reduce_max3A_155, %reduce_max3A_153 : vector<16xi32>
    %reduce_max3A_157 = vector.extract %reduce_max3A_156[15] : i32 from vector<16xi32>
    %add3A_158 = arith.constant 64 : i32
    %add3A_159 = arith.addi %reduce_max3A_157, %add3A_158 : i32
    %sub3A_160 = arith.constant 1 : i32
    %sub3A_161 = arith.subi %add3A_159, %sub3A_160 : i32
    %jit3A_162 = arith.constant 64 : i32
    %div3A_163 = arith.divsi %sub3A_161, %jit3A_162 : i32
    %sign3A_164 = arith.constant 0 : i32
    %sign3A_165 = arith.cmpi sgt, %sub3A_161, %sign3A_164 : i32
    %sign3A_166 = arith.extui %sign3A_165 : i1 to i32
    %sign3A_167 = arith.constant 0 : i32
    %sign3A_168 = arith.cmpi slt, %sub3A_161, %sign3A_167 : i32
    %sign3A_169 = arith.extui %sign3A_168 : i1 to i32
    %sign3A_170 = arith.subi %sign3A_166, %sign3A_169 : i32
    %sign3A_171 = arith.constant 0 : i32
    %sign3A_172 = arith.cmpi sgt, %jit3A_162, %sign3A_171 : i32
    %sign3A_173 = arith.extui %sign3A_172 : i1 to i32
    %sign3A_174 = arith.constant 0 : i32
    %sign3A_175 = arith.cmpi slt, %jit3A_162, %sign3A_174 : i32
    %sign3A_176 = arith.extui %sign3A_175 : i1 to i32
    %sign3A_177 = arith.subi %sign3A_173, %sign3A_176 : i32
    %ne3A_178 = arith.cmpi ne, %sign3A_170, %sign3A_177 : i32
    %rem3A_179 = arith.remsi %sub3A_161, %jit3A_162 : i32
    %ne3A_180 = arith.constant 0 : i32
    %ne3A_181 = arith.cmpi ne, %rem3A_179, %ne3A_180 : i32
    %and3A_182 = arith.andi %ne3A_178, %ne3A_181 : i1
    %sub3A_183 = arith.constant 1 : i32
    %sub3A_184 = arith.subi %div3A_163, %sub3A_183 : i32
    %select_n3A_185 = arith.select %and3A_182, %sub3A_184, %div3A_163 : i32
    %while3A_186 = arith.constant 0 : i32
    %while3A_187 = arith.constant 0 : i32
    %while3A_188 = arith.subi %select_n3A_185, %while3A_186 : i32
    %while3A_189 = arith.addi %while3A_186, %while3A_188 : i32
    %while3A_190 = arith.constant 1 : i32
    %while3A_191 = arith.divsi %while3A_188, %while3A_190 : i32
    %while3A_192 = arith.muli %while3A_191, %while3A_190 : i32
    %while3A_193 = arith.addi %while3A_186, %while3A_192 : i32
    %while3A_194 = arith.constant 1 : i32
    %while3A_195 = scf.for %while3A_206 = %while3A_186 to %while3A_193 step %while3A_194 iter_args(%while3A_207 = %while3A_187) -> (i32)  : i32 {
      %mul3A_208 = arith.constant 64 : i32
      %mul3A_209 = arith.muli %while3A_206, %mul3A_208 : i32
      "tpu.region"() ({
        %run_scoped3A = tpu.sem_alloc : memref<!tpu.dma_semaphore, #tpu.memory_space<semaphore_mem>>
        %dma_start3A = tpu.memref_slice %arg2[%add3A_95, %arg0, %mul3A_209] : memref<32x2x50048xi32, #tpu.memory_space<hbm>> -> memref<1x1x64xi32, #tpu.memory_space<hbm>>
        %dma_start3A_232 = tpu.memref_squeeze %dma_start3A : memref<1x1x64xi32, #tpu.memory_space<hbm>> -> memref<64xi32, #tpu.memory_space<hbm>>
        %dma_start3A_233 = tpu.memref_slice %arg2[%add3A_95, %arg0, %mul3A_209] : memref<32x2x50048xi32, #tpu.memory_space<hbm>> -> memref<1x1x64xi32, #tpu.memory_space<hbm>>
        %dma_start3A_234 = tpu.memref_squeeze %dma_start3A_233 : memref<1x1x64xi32, #tpu.memory_space<hbm>> -> memref<64xi32, #tpu.memory_space<hbm>>
        tpu.enqueue_dma source(%dma_start3A_234 : memref<64xi32, #tpu.memory_space<hbm>>) target(%arg8 : memref<64xi32, #tpu.memory_space<vmem>>) target_semaphore(%run_scoped3A : memref<!tpu.dma_semaphore, #tpu.memory_space<semaphore_mem>>)
        %dma_wait3A = tpu.memref_slice %arg2[%add3A_95, %arg0, %mul3A_209] : memref<32x2x50048xi32, #tpu.memory_space<hbm>> -> memref<1x1x64xi32, #tpu.memory_space<hbm>>
        %dma_wait3A_235 = tpu.memref_squeeze %dma_wait3A : memref<1x1x64xi32, #tpu.memory_space<hbm>> -> memref<64xi32, #tpu.memory_space<hbm>>
        %dma_wait3A_236 = tpu.memref_slice %arg2[%add3A_95, %arg0, %mul3A_209] : memref<32x2x50048xi32, #tpu.memory_space<hbm>> -> memref<1x1x64xi32, #tpu.memory_space<hbm>>
        %dma_wait3A_237 = tpu.memref_squeeze %dma_wait3A_236 : memref<1x1x64xi32, #tpu.memory_space<hbm>> -> memref<64xi32, #tpu.memory_space<hbm>>
        tpu.wait_dma2 semaphore(%run_scoped3A : memref<!tpu.dma_semaphore, #tpu.memory_space<semaphore_mem>>) src(%dma_wait3A_237 : memref<64xi32, #tpu.memory_space<hbm>>) dst(%arg8 : memref<64xi32, #tpu.memory_space<vmem>>)
        tpu.yield
      }) : () -> ()
      %scan3A_210 = arith.constant 0 : i32
      %scan3A_211 = arith.constant 0 : i32
      %scan3A_212 = arith.constant 4 : i32
      %scan3A_213 = arith.addi %scan3A_211, %scan3A_212 : i32
      %scan3A_214 = arith.constant 1 : i32
      %scan3A_215 = scf.for %scan3A_232 = %scan3A_211 to %scan3A_213 step %scan3A_214 iter_args(%scan3A_233 = %scan3A_210) -> (i32)  : i32 {
        %mul3A_234 = arith.constant 16 : i32
        %mul3A_235 = arith.muli %scan3A_232, %mul3A_234 : i32
        %get3A_236 = arith.index_cast %mul3A_235 : i32 to index
        %get3A_237 = tpu.vector_load %arg8[%get3A_236] {strides = array<i32>} : memref<64xi32, #tpu.memory_space<vmem>>, vector<16xi32>,
        %and3A_238 = arith.constant 65535 : i32
        %and3A_239 = vector.broadcast %and3A_238 : i32 to vector<16xi32>
        %and3A_240 = arith.andi %get3A_237, %and3A_239 : vector<16xi32>
        %shift_right_logical3A_241 = arith.constant 16 : i32
        %shift_right_logical3A_242 = vector.broadcast %shift_right_logical3A_241 : i32 to vector<16xi32>
        %shift_right_logical3A_243 = arith.shrui %get3A_237, %shift_right_logical3A_242 : vector<16xi32>
        %mul3A_244 = arith.constant 64 : i32
        %mul3A_245 = arith.muli %while3A_206, %mul3A_244 : i32
        %sub3A_246 = arith.subi %reduce_max3A_157, %mul3A_245 : i32
        %mul3A_247 = arith.constant 16 : i32
        %mul3A_248 = arith.muli %scan3A_232, %mul3A_247 : i32
        %sub3A_249 = arith.subi %sub3A_246, %mul3A_248 : i32
        %lt3A_250 = vector.broadcast %sub3A_249 : i32 to vector<16xi32>
        %lt3A_251 = arith.cmpi slt, %iota3A, %lt3A_250 : vector<16xi32>
        %jit3A_252 = arith.constant 0 : i32
        %broadcast_in_dim3A_253 = vector.broadcast %jit3A_252 : i32 to vector<16xi32>
        %select_n3A_254 = arith.select %lt3A_251, %and3A_240, %broadcast_in_dim3A_253 : vector<16xi1>, vector<16xi32>
        %mul3A_255 = arith.constant 16 : i32
        %mul3A_256 = arith.muli %scan3A_232, %mul3A_255 : i32
        %swap3A = arith.index_cast %mul3A_256 : i32 to index
        %swap3A_257 = tpu.vector_load %arg9[%swap3A] {strides = array<i32>} : memref<64xi32, #tpu.memory_space<vmem>>, vector<16xi32>,
        tpu.vector_store %arg9[%swap3A], %select_n3A_254 {strides = array<i32>} : memref<64xi32, #tpu.memory_space<vmem>>, vector<16xi32>,
        %jit3A_258 = arith.constant 0 : i32
        %broadcast_in_dim3A_259 = vector.broadcast %jit3A_258 : i32 to vector<16xi32>
        %select_n3A_260 = arith.select %lt3A_251, %shift_right_logical3A_243, %broadcast_in_dim3A_259 : vector<16xi1>, vector<16xi32>
        %mul3A_261 = arith.constant 16 : i32
        %mul3A_262 = arith.muli %scan3A_232, %mul3A_261 : i32
        %swap3A_263 = arith.index_cast %mul3A_262 : i32 to index
        %swap3A_264 = tpu.vector_load %arg10[%swap3A_263] {strides = array<i32>} : memref<64xi32, #tpu.memory_space<vmem>>, vector<16xi32>,
        tpu.vector_store %arg10[%swap3A_263], %select_n3A_260 {strides = array<i32>} : memref<64xi32, #tpu.memory_space<vmem>>, vector<16xi32>,
        %mul3A_265 = arith.constant 25088 : i32
        %mul3A_266 = arith.muli %arg0, %mul3A_265 : i32
        %sub3A_267 = vector.broadcast %mul3A_266 : i32 to vector<16xi32>
        %sub3A_268 = arith.subi %shift_right_logical3A_243, %sub3A_267 : vector<16xi32>
        %jit3A_269 = arith.constant 0 : i32
        %broadcast_in_dim3A_270 = vector.broadcast %jit3A_269 : i32 to vector<16xi32>
        %select_n3A_271 = arith.select %lt3A_251, %sub3A_268, %broadcast_in_dim3A_270 : vector<16xi1>, vector<16xi32>
        %mul3A_272 = arith.constant 16 : i32
        %mul3A_273 = arith.muli %scan3A_232, %mul3A_272 : i32
        %swap3A_274 = arith.index_cast %mul3A_273 : i32 to index
        %swap3A_275 = tpu.vector_load %arg11[%swap3A_274] {strides = array<i32>} : memref<64xi32, #tpu.memory_space<vmem>>, vector<16xi32>,
        tpu.vector_store %arg11[%swap3A_274], %select_n3A_271 {strides = array<i32>} : memref<64xi32, #tpu.memory_space<vmem>>, vector<16xi32>,
        %jit3A_276 = arith.constant 1.000000e+00 : f32
        %jit3A_277 = arith.constant 0.000000e+00 : f32
        %broadcast_in_dim3A_278 = vector.broadcast %jit3A_276 : f32 to vector<16xf32>
        %broadcast_in_dim3A_279 = vector.broadcast %jit3A_277 : f32 to vector<16xf32>
        %select_n3A_280 = arith.select %lt3A_251, %broadcast_in_dim3A_278, %broadcast_in_dim3A_279 : vector<16xi1>, vector<16xf32>
        %mul3A_281 = arith.constant 16 : i32
        %mul3A_282 = arith.muli %scan3A_232, %mul3A_281 : i32
        %swap3A_283 = arith.index_cast %mul3A_282 : i32 to index
        %swap3A_284 = tpu.vector_load %arg12[%swap3A_283] {strides = array<i32>} : memref<64xf32, #tpu.memory_space<vmem>>, vector<16xf32>,
        tpu.vector_store %arg12[%swap3A_283], %select_n3A_280 {strides = array<i32>} : memref<64xf32, #tpu.memory_space<vmem>>, vector<16xf32>,
        %scan3A_285 = arith.constant 0 : i32
        scf.yield %scan3A_285 : i32
      }
      %scan3A_216 = arith.constant 4 : i32
      "tpu.region"() ({
        %run_scoped3A = tpu.sem_alloc : memref<!tpu.dma_semaphore, #tpu.memory_space<semaphore_mem>>
        %dma_start3A = arith.constant 0 : i32
        %dma_start3A_232 = arith.constant 0 : i32
        %dma_start3A_233 = tpu.memref_slice %arg4[%dma_start3A, %dma_start3A_232] : memref<50176x80xf32, #tpu.memory_space<hbm>> -> memref<50176x80xf32, #tpu.memory_space<hbm>>
        tpu.enqueue_indirect_dma source(%dma_start3A_233 : memref<50176x80xf32, #tpu.memory_space<hbm>>) target(%arg13 : memref<64x80xf32, #tpu.memory_space<vmem>>) offsets(%arg9 : memref<64xi32, #tpu.memory_space<vmem>>) semaphore(%run_scoped3A : memref<!tpu.dma_semaphore, #tpu.memory_space<semaphore_mem>>)
        %dma_wait3A = arith.constant 0 : i32
        %dma_wait3A_234 = arith.constant 0 : i32
        %dma_wait3A_235 = tpu.memref_slice %arg4[%dma_wait3A, %dma_wait3A_234] : memref<50176x80xf32, #tpu.memory_space<hbm>> -> memref<50176x80xf32, #tpu.memory_space<hbm>>
        tpu.wait_indirect_dma semaphore(%run_scoped3A : memref<!tpu.dma_semaphore, #tpu.memory_space<semaphore_mem>>) src(%dma_wait3A_235 : memref<50176x80xf32, #tpu.memory_space<hbm>>) dst(%arg13 : memref<64x80xf32, #tpu.memory_space<vmem>>)
        tpu.yield
      }) : () -> ()
      "tpu.region"() ({
        %run_scoped3A = tpu.sem_alloc : memref<!tpu.dma_semaphore, #tpu.memory_space<semaphore_mem>>
        %dma_start3A = arith.constant 0 : i32
        %dma_start3A_232 = arith.constant 0 : i32
        %dma_start3A_233 = tpu.memref_slice %arg5[%dma_start3A, %dma_start3A_232] : memref<50176x8xf32, #tpu.memory_space<hbm>> -> memref<50176x8xf32, #tpu.memory_space<hbm>>
        tpu.enqueue_indirect_dma source(%dma_start3A_233 : memref<50176x8xf32, #tpu.memory_space<hbm>>) target(%arg14 : memref<64x8xf32, #tpu.memory_space<vmem>>) offsets(%arg10 : memref<64xi32, #tpu.memory_space<vmem>>) semaphore(%run_scoped3A : memref<!tpu.dma_semaphore, #tpu.memory_space<semaphore_mem>>)
        %dma_wait3A = arith.constant 0 : i32
        %dma_wait3A_234 = arith.constant 0 : i32
        %dma_wait3A_235 = tpu.memref_slice %arg5[%dma_wait3A, %dma_wait3A_234] : memref<50176x8xf32, #tpu.memory_space<hbm>> -> memref<50176x8xf32, #tpu.memory_space<hbm>>
        tpu.wait_indirect_dma semaphore(%run_scoped3A : memref<!tpu.dma_semaphore, #tpu.memory_space<semaphore_mem>>) src(%dma_wait3A_235 : memref<50176x8xf32, #tpu.memory_space<hbm>>) dst(%arg14 : memref<64x8xf32, #tpu.memory_space<vmem>>)
        tpu.yield
      }) : () -> ()
      %scan3A_217 = arith.constant 0 : i32
      %scan3A_218 = arith.constant 0 : i32
      %scan3A_219 = arith.constant 32 : i32
      %scan3A_220 = arith.addi %scan3A_218, %scan3A_219 : i32
      %scan3A_221 = arith.constant 1 : i32
      %scan3A_222 = scf.for %scan3A_232 = %scan3A_218 to %scan3A_220 step %scan3A_221 iter_args(%scan3A_233 = %scan3A_217) -> (i32)  : i32 {
        %mul3A_234 = arith.constant 2 : i32
        %mul3A_235 = arith.muli %mul3A_234, %scan3A_232 : i32
        %add3A_236 = vector.broadcast %mul3A_235 : i32 to vector<16xi32>
        %add3A_237 = arith.addi %shift_right_logical3A_1, %add3A_236 : vector<16xi32>
        %add3A_238 = arith.constant 64 : i32
        %add3A_239 = vector.broadcast %add3A_238 : i32 to vector<16xi32>
        %add3A_240 = arith.addi %add3A_239, %and3A_3 : vector<16xi32>
        %gather3A = tpu.vector_load_idx %arg13[%add3A_237, %add3A_240] : memref<64x80xf32, #tpu.memory_space<vmem>>[vector<16xi32>, vector<16xi32>], vector<16xf32>,
        %gather3A_241 = tpu.vector_load_idx %arg14[%add3A_237, %and3A_3] : memref<64x8xf32, #tpu.memory_space<vmem>>[vector<16xi32>, vector<16xi32>], vector<16xf32>,
        %gather3A_242 = tpu.vector_load_idx %arg12[%add3A_237] : memref<64xf32, #tpu.memory_space<vmem>>[vector<16xi32>], vector<16xf32>,
        %add3A_243 = arith.addf %gather3A, %gather3A_241 : vector<16xf32>
        %mul3A_244 = arith.constant 2.000000e-01 : f32
        %mul3A_245 = vector.broadcast %mul3A_244 : f32 to vector<16xf32>
        %mul3A_246 = arith.mulf %mul3A_245, %add3A_243 : vector<16xf32>
        %max3A = arith.maximumf %add3A_243, %mul3A_246 : vector<16xf32>
        %sub3A_247 = arith.subf %max3A, %get3A_63 : vector<16xf32>
        %exp3A = math.exp %sub3A_247 : vector<16xf32>
        %mul3A_248 = arith.mulf %exp3A, %gather3A_242 : vector<16xf32>
        %mul3A_249 = arith.constant 16 : i32
        %mul3A_250 = arith.muli %scan3A_232, %mul3A_249 : i32
        %swap3A = arith.index_cast %mul3A_250 : i32 to index
        %swap3A_251 = tpu.vector_load %arg15[%swap3A] {strides = array<i32>} : memref<512xf32, #tpu.memory_space<vmem>>, vector<16xf32>,
        tpu.vector_store %arg15[%swap3A], %mul3A_248 {strides = array<i32>} : memref<512xf32, #tpu.memory_space<vmem>>, vector<16xf32>,
        %scan3A_252 = arith.constant 0 : i32
        scf.yield %scan3A_252 : i32
      }
      %scan3A_223 = arith.constant 32 : i32
      %scan3A_224 = arith.constant 0 : i32
      %scan3A_225 = arith.constant 0 : i32
      %scan3A_226 = arith.constant 32 : i32
      %scan3A_227 = arith.addi %scan3A_225, %scan3A_226 : i32
      %scan3A_228 = arith.constant 1 : i32
      %scan3A_229 = scf.for %scan3A_232 = %scan3A_225 to %scan3A_227 step %scan3A_228 iter_args(%scan3A_233 = %scan3A_224) -> (i32)  : i32 {
        %mul3A_234 = arith.constant 2 : i32
        %mul3A_235 = arith.muli %mul3A_234, %scan3A_232 : i32
        %add3A_236 = arith.constant 0 : i32
        %add3A_237 = arith.addi %mul3A_235, %add3A_236 : i32
        %get3A_238 = arith.index_cast %add3A_237 : i32 to index
        %get3A_239 = arith.constant 0 : index
        %get3A_240 = tpu.vector_load %arg13[%get3A_238, %get3A_239] {strides = array<i32>} : memref<64x80xf32, #tpu.memory_space<vmem>>, vector<16xf32>,
        %mul3A_241 = arith.constant 16 : i32
        %mul3A_242 = arith.muli %scan3A_232, %mul3A_241 : i32
        %add3A_243 = vector.broadcast %mul3A_242 : i32 to vector<16xi32>
        %add3A_244 = arith.addi %add3A_243, %add3A_66 : vector<16xi32>
        %gather3A = tpu.vector_load_idx %arg15[%add3A_244] : memref<512xf32, #tpu.memory_space<vmem>>[vector<16xi32>], vector<16xf32>,
        %mul3A_245 = arith.mulf %get3A_240, %gather3A : vector<16xf32>
        %swap3A = arith.index_cast %add3A_237 : i32 to index
        %swap3A_246 = arith.constant 0 : index
        %swap3A_247 = tpu.vector_load %arg16[%swap3A, %swap3A_246] {strides = array<i32>} : memref<64x72xf32, #tpu.memory_space<vmem>>, vector<16xf32>,
        tpu.vector_store %arg16[%swap3A, %swap3A_246], %mul3A_245 {strides = array<i32>} : memref<64x72xf32, #tpu.memory_space<vmem>>, vector<16xf32>,
        %get3A_248 = arith.index_cast %add3A_237 : i32 to index
        %get3A_249 = arith.constant 16 : index
        %get3A_250 = tpu.vector_load %arg13[%get3A_248, %get3A_249] {strides = array<i32>} : memref<64x80xf32, #tpu.memory_space<vmem>>, vector<16xf32>,
        %mul3A_251 = arith.constant 16 : i32
        %mul3A_252 = arith.muli %scan3A_232, %mul3A_251 : i32
        %add3A_253 = vector.broadcast %mul3A_252 : i32 to vector<16xi32>
        %add3A_254 = arith.addi %add3A_253, %add3A_69 : vector<16xi32>
        %gather3A_255 = tpu.vector_load_idx %arg15[%add3A_254] : memref<512xf32, #tpu.memory_space<vmem>>[vector<16xi32>], vector<16xf32>,
        %mul3A_256 = arith.mulf %get3A_250, %gather3A_255 : vector<16xf32>
        %swap3A_257 = arith.index_cast %add3A_237 : i32 to index
        %swap3A_258 = arith.constant 16 : index
        %swap3A_259 = tpu.vector_load %arg16[%swap3A_257, %swap3A_258] {strides = array<i32>} : memref<64x72xf32, #tpu.memory_space<vmem>>, vector<16xf32>,
        tpu.vector_store %arg16[%swap3A_257, %swap3A_258], %mul3A_256 {strides = array<i32>} : memref<64x72xf32, #tpu.memory_space<vmem>>, vector<16xf32>,
        %get3A_260 = arith.index_cast %add3A_237 : i32 to index
        %get3A_261 = arith.constant 32 : index
        %get3A_262 = tpu.vector_load %arg13[%get3A_260, %get3A_261] {strides = array<i32>} : memref<64x80xf32, #tpu.memory_space<vmem>>, vector<16xf32>,
        %mul3A_263 = arith.constant 16 : i32
        %mul3A_264 = arith.muli %scan3A_232, %mul3A_263 : i32
        %add3A_265 = vector.broadcast %mul3A_264 : i32 to vector<16xi32>
        %add3A_266 = arith.addi %add3A_265, %add3A_72 : vector<16xi32>
        %gather3A_267 = tpu.vector_load_idx %arg15[%add3A_266] : memref<512xf32, #tpu.memory_space<vmem>>[vector<16xi32>], vector<16xf32>,
        %mul3A_268 = arith.mulf %get3A_262, %gather3A_267 : vector<16xf32>
        %swap3A_269 = arith.index_cast %add3A_237 : i32 to index
        %swap3A_270 = arith.constant 32 : index
        %swap3A_271 = tpu.vector_load %arg16[%swap3A_269, %swap3A_270] {strides = array<i32>} : memref<64x72xf32, #tpu.memory_space<vmem>>, vector<16xf32>,
        tpu.vector_store %arg16[%swap3A_269, %swap3A_270], %mul3A_268 {strides = array<i32>} : memref<64x72xf32, #tpu.memory_space<vmem>>, vector<16xf32>,
        %get3A_272 = arith.index_cast %add3A_237 : i32 to index
        %get3A_273 = arith.constant 48 : index
        %get3A_274 = tpu.vector_load %arg13[%get3A_272, %get3A_273] {strides = array<i32>} : memref<64x80xf32, #tpu.memory_space<vmem>>, vector<16xf32>,
        %mul3A_275 = arith.constant 16 : i32
        %mul3A_276 = arith.muli %scan3A_232, %mul3A_275 : i32
        %add3A_277 = vector.broadcast %mul3A_276 : i32 to vector<16xi32>
        %add3A_278 = arith.addi %add3A_277, %add3A_75 : vector<16xi32>
        %gather3A_279 = tpu.vector_load_idx %arg15[%add3A_278] : memref<512xf32, #tpu.memory_space<vmem>>[vector<16xi32>], vector<16xf32>,
        %mul3A_280 = arith.mulf %get3A_274, %gather3A_279 : vector<16xf32>
        %swap3A_281 = arith.index_cast %add3A_237 : i32 to index
        %swap3A_282 = arith.constant 48 : index
        %swap3A_283 = tpu.vector_load %arg16[%swap3A_281, %swap3A_282] {strides = array<i32>} : memref<64x72xf32, #tpu.memory_space<vmem>>, vector<16xf32>,
        tpu.vector_store %arg16[%swap3A_281, %swap3A_282], %mul3A_280 {strides = array<i32>} : memref<64x72xf32, #tpu.memory_space<vmem>>, vector<16xf32>,
        %mul3A_284 = arith.constant 2 : i32
        %mul3A_285 = arith.muli %mul3A_284, %scan3A_232 : i32
        %add3A_286 = arith.constant 1 : i32
        %add3A_287 = arith.addi %mul3A_285, %add3A_286 : i32
        %get3A_288 = arith.index_cast %add3A_287 : i32 to index
        %get3A_289 = arith.constant 0 : index
        %get3A_290 = tpu.vector_load %arg13[%get3A_288, %get3A_289] {strides = array<i32>} : memref<64x80xf32, #tpu.memory_space<vmem>>, vector<16xf32>,
        %mul3A_291 = arith.constant 16 : i32
        %mul3A_292 = arith.muli %scan3A_232, %mul3A_291 : i32
        %add3A_293 = vector.broadcast %mul3A_292 : i32 to vector<16xi32>
        %add3A_294 = arith.addi %add3A_293, %add3A_78 : vector<16xi32>
        %gather3A_295 = tpu.vector_load_idx %arg15[%add3A_294] : memref<512xf32, #tpu.memory_space<vmem>>[vector<16xi32>], vector<16xf32>,
        %mul3A_296 = arith.mulf %get3A_290, %gather3A_295 : vector<16xf32>
        %swap3A_297 = arith.index_cast %add3A_287 : i32 to index
        %swap3A_298 = arith.constant 0 : index
        %swap3A_299 = tpu.vector_load %arg16[%swap3A_297, %swap3A_298] {strides = array<i32>} : memref<64x72xf32, #tpu.memory_space<vmem>>, vector<16xf32>,
        tpu.vector_store %arg16[%swap3A_297, %swap3A_298], %mul3A_296 {strides = array<i32>} : memref<64x72xf32, #tpu.memory_space<vmem>>, vector<16xf32>,
        %get3A_300 = arith.index_cast %add3A_287 : i32 to index
        %get3A_301 = arith.constant 16 : index
        %get3A_302 = tpu.vector_load %arg13[%get3A_300, %get3A_301] {strides = array<i32>} : memref<64x80xf32, #tpu.memory_space<vmem>>, vector<16xf32>,
        %mul3A_303 = arith.constant 16 : i32
        %mul3A_304 = arith.muli %scan3A_232, %mul3A_303 : i32
        %add3A_305 = vector.broadcast %mul3A_304 : i32 to vector<16xi32>
        %add3A_306 = arith.addi %add3A_305, %add3A_81 : vector<16xi32>
        %gather3A_307 = tpu.vector_load_idx %arg15[%add3A_306] : memref<512xf32, #tpu.memory_space<vmem>>[vector<16xi32>], vector<16xf32>,
        %mul3A_308 = arith.mulf %get3A_302, %gather3A_307 : vector<16xf32>
        %swap3A_309 = arith.index_cast %add3A_287 : i32 to index
        %swap3A_310 = arith.constant 16 : index
        %swap3A_311 = tpu.vector_load %arg16[%swap3A_309, %swap3A_310] {strides = array<i32>} : memref<64x72xf32, #tpu.memory_space<vmem>>, vector<16xf32>,
        tpu.vector_store %arg16[%swap3A_309, %swap3A_310], %mul3A_308 {strides = array<i32>} : memref<64x72xf32, #tpu.memory_space<vmem>>, vector<16xf32>,
        %get3A_312 = arith.index_cast %add3A_287 : i32 to index
        %get3A_313 = arith.constant 32 : index
        %get3A_314 = tpu.vector_load %arg13[%get3A_312, %get3A_313] {strides = array<i32>} : memref<64x80xf32, #tpu.memory_space<vmem>>, vector<16xf32>,
        %mul3A_315 = arith.constant 16 : i32
        %mul3A_316 = arith.muli %scan3A_232, %mul3A_315 : i32
        %add3A_317 = vector.broadcast %mul3A_316 : i32 to vector<16xi32>
        %add3A_318 = arith.addi %add3A_317, %add3A_84 : vector<16xi32>
        %gather3A_319 = tpu.vector_load_idx %arg15[%add3A_318] : memref<512xf32, #tpu.memory_space<vmem>>[vector<16xi32>], vector<16xf32>,
        %mul3A_320 = arith.mulf %get3A_314, %gather3A_319 : vector<16xf32>
        %swap3A_321 = arith.index_cast %add3A_287 : i32 to index
        %swap3A_322 = arith.constant 32 : index
        %swap3A_323 = tpu.vector_load %arg16[%swap3A_321, %swap3A_322] {strides = array<i32>} : memref<64x72xf32, #tpu.memory_space<vmem>>, vector<16xf32>,
        tpu.vector_store %arg16[%swap3A_321, %swap3A_322], %mul3A_320 {strides = array<i32>} : memref<64x72xf32, #tpu.memory_space<vmem>>, vector<16xf32>,
        %get3A_324 = arith.index_cast %add3A_287 : i32 to index
        %get3A_325 = arith.constant 48 : index
        %get3A_326 = tpu.vector_load %arg13[%get3A_324, %get3A_325] {strides = array<i32>} : memref<64x80xf32, #tpu.memory_space<vmem>>, vector<16xf32>,
        %mul3A_327 = arith.constant 16 : i32
        %mul3A_328 = arith.muli %scan3A_232, %mul3A_327 : i32
        %add3A_329 = vector.broadcast %mul3A_328 : i32 to vector<16xi32>
        %add3A_330 = arith.addi %add3A_329, %add3A_87 : vector<16xi32>
        %gather3A_331 = tpu.vector_load_idx %arg15[%add3A_330] : memref<512xf32, #tpu.memory_space<vmem>>[vector<16xi32>], vector<16xf32>,
        %mul3A_332 = arith.mulf %get3A_326, %gather3A_331 : vector<16xf32>
        %swap3A_333 = arith.index_cast %add3A_287 : i32 to index
        %swap3A_334 = arith.constant 48 : index
        %swap3A_335 = tpu.vector_load %arg16[%swap3A_333, %swap3A_334] {strides = array<i32>} : memref<64x72xf32, #tpu.memory_space<vmem>>, vector<16xf32>,
        tpu.vector_store %arg16[%swap3A_333, %swap3A_334], %mul3A_332 {strides = array<i32>} : memref<64x72xf32, #tpu.memory_space<vmem>>, vector<16xf32>,
        %mul3A_336 = arith.constant 16 : i32
        %mul3A_337 = arith.muli %scan3A_232, %mul3A_336 : i32
        %get3A_338 = arith.index_cast %mul3A_337 : i32 to index
        %get3A_339 = tpu.vector_load %arg15[%get3A_338] {strides = array<i32>} : memref<512xf32, #tpu.memory_space<vmem>>, vector<16xf32>,
        %mul3A_340 = arith.constant 2 : i32
        %mul3A_341 = arith.muli %mul3A_340, %scan3A_232 : i32
        %add3A_342 = vector.broadcast %mul3A_341 : i32 to vector<16xi32>
        %add3A_343 = arith.addi %add3A_342, %shift_right_logical3A_1 : vector<16xi32>
        %add3A_344 = arith.constant 64 : i32
        %add3A_345 = vector.broadcast %add3A_344 : i32 to vector<16xi32>
        %add3A_346 = arith.addi %add3A_345, %and3A_3 : vector<16xi32>
        tpu.vector_store_idx %arg16[%add3A_343, %add3A_346], %get3A_339 : memref<64x72xf32, #tpu.memory_space<vmem>>[vector<16xi32>, vector<16xi32>], vector<16xf32>,
        %scan3A_347 = arith.constant 0 : i32
        scf.yield %scan3A_347 : i32
      }
      %scan3A_230 = arith.constant 32 : i32
      "tpu.region"() ({
        %run_scoped3A = tpu.sem_alloc : memref<!tpu.dma_semaphore, #tpu.memory_space<semaphore_mem>>
        %dma_start3A = arith.constant 0 : i32
        %dma_start3A_232 = arith.constant 0 : i32
        %dma_start3A_233 = tpu.memref_slice %arg21[%dma_start3A, %dma_start3A_232] : memref<25088x72xf32, #tpu.memory_space<vmem_shared>> -> memref<25088x72xf32, #tpu.memory_space<vmem_shared>>
        tpu.enqueue_indirect_dma source(%arg16 : memref<64x72xf32, #tpu.memory_space<vmem>>) target(%dma_start3A_233 : memref<25088x72xf32, #tpu.memory_space<vmem_shared>>) offsets(%arg11 : memref<64xi32, #tpu.memory_space<vmem>>) semaphore(%run_scoped3A : memref<!tpu.dma_semaphore, #tpu.memory_space<semaphore_mem>>) {add = true}
        %dma_wait3A = arith.constant 0 : i32
        %dma_wait3A_234 = arith.constant 0 : i32
        %dma_wait3A_235 = tpu.memref_slice %arg21[%dma_wait3A, %dma_wait3A_234] : memref<25088x72xf32, #tpu.memory_space<vmem_shared>> -> memref<25088x72xf32, #tpu.memory_space<vmem_shared>>
        tpu.wait_indirect_dma semaphore(%run_scoped3A : memref<!tpu.dma_semaphore, #tpu.memory_space<semaphore_mem>>) src(%arg16 : memref<64x72xf32, #tpu.memory_space<vmem>>) dst(%dma_wait3A_235 : memref<25088x72xf32, #tpu.memory_space<vmem_shared>>)
        tpu.yield
      }) : () -> ()
      %while3A_231 = arith.constant 0 : i32
      scf.yield %while3A_231 : i32
    }
    %while3A_196 = arith.constant 1 : i32
    %while3A_197 = scf.for %while3A_206 = %while3A_193 to %while3A_189 step %while3A_196 iter_args(%while3A_207 = %while3A_195) -> (i32)  : i32 {
      %mul3A_208 = arith.constant 64 : i32
      %mul3A_209 = arith.muli %while3A_206, %mul3A_208 : i32
      "tpu.region"() ({
        %run_scoped3A = tpu.sem_alloc : memref<!tpu.dma_semaphore, #tpu.memory_space<semaphore_mem>>
        %dma_start3A = tpu.memref_slice %arg2[%add3A_95, %arg0, %mul3A_209] : memref<32x2x50048xi32, #tpu.memory_space<hbm>> -> memref<1x1x64xi32, #tpu.memory_space<hbm>>
        %dma_start3A_232 = tpu.memref_squeeze %dma_start3A : memref<1x1x64xi32, #tpu.memory_space<hbm>> -> memref<64xi32, #tpu.memory_space<hbm>>
        %dma_start3A_233 = tpu.memref_slice %arg2[%add3A_95, %arg0, %mul3A_209] : memref<32x2x50048xi32, #tpu.memory_space<hbm>> -> memref<1x1x64xi32, #tpu.memory_space<hbm>>
        %dma_start3A_234 = tpu.memref_squeeze %dma_start3A_233 : memref<1x1x64xi32, #tpu.memory_space<hbm>> -> memref<64xi32, #tpu.memory_space<hbm>>
        tpu.enqueue_dma source(%dma_start3A_234 : memref<64xi32, #tpu.memory_space<hbm>>) target(%arg8 : memref<64xi32, #tpu.memory_space<vmem>>) target_semaphore(%run_scoped3A : memref<!tpu.dma_semaphore, #tpu.memory_space<semaphore_mem>>)
        %dma_wait3A = tpu.memref_slice %arg2[%add3A_95, %arg0, %mul3A_209] : memref<32x2x50048xi32, #tpu.memory_space<hbm>> -> memref<1x1x64xi32, #tpu.memory_space<hbm>>
        %dma_wait3A_235 = tpu.memref_squeeze %dma_wait3A : memref<1x1x64xi32, #tpu.memory_space<hbm>> -> memref<64xi32, #tpu.memory_space<hbm>>
        %dma_wait3A_236 = tpu.memref_slice %arg2[%add3A_95, %arg0, %mul3A_209] : memref<32x2x50048xi32, #tpu.memory_space<hbm>> -> memref<1x1x64xi32, #tpu.memory_space<hbm>>
        %dma_wait3A_237 = tpu.memref_squeeze %dma_wait3A_236 : memref<1x1x64xi32, #tpu.memory_space<hbm>> -> memref<64xi32, #tpu.memory_space<hbm>>
        tpu.wait_dma2 semaphore(%run_scoped3A : memref<!tpu.dma_semaphore, #tpu.memory_space<semaphore_mem>>) src(%dma_wait3A_237 : memref<64xi32, #tpu.memory_space<hbm>>) dst(%arg8 : memref<64xi32, #tpu.memory_space<vmem>>)
        tpu.yield
      }) : () -> ()
      %scan3A_210 = arith.constant 0 : i32
      %scan3A_211 = arith.constant 0 : i32
      %scan3A_212 = arith.constant 4 : i32
      %scan3A_213 = arith.addi %scan3A_211, %scan3A_212 : i32
      %scan3A_214 = arith.constant 1 : i32
      %scan3A_215 = scf.for %scan3A_232 = %scan3A_211 to %scan3A_213 step %scan3A_214 iter_args(%scan3A_233 = %scan3A_210) -> (i32)  : i32 {
        %mul3A_234 = arith.constant 16 : i32
        %mul3A_235 = arith.muli %scan3A_232, %mul3A_234 : i32
        %get3A_236 = arith.index_cast %mul3A_235 : i32 to index
        %get3A_237 = tpu.vector_load %arg8[%get3A_236] {strides = array<i32>} : memref<64xi32, #tpu.memory_space<vmem>>, vector<16xi32>,
        %and3A_238 = arith.constant 65535 : i32
        %and3A_239 = vector.broadcast %and3A_238 : i32 to vector<16xi32>
        %and3A_240 = arith.andi %get3A_237, %and3A_239 : vector<16xi32>
        %shift_right_logical3A_241 = arith.constant 16 : i32
        %shift_right_logical3A_242 = vector.broadcast %shift_right_logical3A_241 : i32 to vector<16xi32>
        %shift_right_logical3A_243 = arith.shrui %get3A_237, %shift_right_logical3A_242 : vector<16xi32>
        %mul3A_244 = arith.constant 64 : i32
        %mul3A_245 = arith.muli %while3A_206, %mul3A_244 : i32
        %sub3A_246 = arith.subi %reduce_max3A_157, %mul3A_245 : i32
        %mul3A_247 = arith.constant 16 : i32
        %mul3A_248 = arith.muli %scan3A_232, %mul3A_247 : i32
        %sub3A_249 = arith.subi %sub3A_246, %mul3A_248 : i32
        %lt3A_250 = vector.broadcast %sub3A_249 : i32 to vector<16xi32>
        %lt3A_251 = arith.cmpi slt, %iota3A, %lt3A_250 : vector<16xi32>
        %jit3A_252 = arith.constant 0 : i32
        %broadcast_in_dim3A_253 = vector.broadcast %jit3A_252 : i32 to vector<16xi32>
        %select_n3A_254 = arith.select %lt3A_251, %and3A_240, %broadcast_in_dim3A_253 : vector<16xi1>, vector<16xi32>
        %mul3A_255 = arith.constant 16 : i32
        %mul3A_256 = arith.muli %scan3A_232, %mul3A_255 : i32
        %swap3A = arith.index_cast %mul3A_256 : i32 to index
        %swap3A_257 = tpu.vector_load %arg9[%swap3A] {strides = array<i32>} : memref<64xi32, #tpu.memory_space<vmem>>, vector<16xi32>,
        tpu.vector_store %arg9[%swap3A], %select_n3A_254 {strides = array<i32>} : memref<64xi32, #tpu.memory_space<vmem>>, vector<16xi32>,
        %jit3A_258 = arith.constant 0 : i32
        %broadcast_in_dim3A_259 = vector.broadcast %jit3A_258 : i32 to vector<16xi32>
        %select_n3A_260 = arith.select %lt3A_251, %shift_right_logical3A_243, %broadcast_in_dim3A_259 : vector<16xi1>, vector<16xi32>
        %mul3A_261 = arith.constant 16 : i32
        %mul3A_262 = arith.muli %scan3A_232, %mul3A_261 : i32
        %swap3A_263 = arith.index_cast %mul3A_262 : i32 to index
        %swap3A_264 = tpu.vector_load %arg10[%swap3A_263] {strides = array<i32>} : memref<64xi32, #tpu.memory_space<vmem>>, vector<16xi32>,
        tpu.vector_store %arg10[%swap3A_263], %select_n3A_260 {strides = array<i32>} : memref<64xi32, #tpu.memory_space<vmem>>, vector<16xi32>,
        %mul3A_265 = arith.constant 25088 : i32
        %mul3A_266 = arith.muli %arg0, %mul3A_265 : i32
        %sub3A_267 = vector.broadcast %mul3A_266 : i32 to vector<16xi32>
        %sub3A_268 = arith.subi %shift_right_logical3A_243, %sub3A_267 : vector<16xi32>
        %jit3A_269 = arith.constant 0 : i32
        %broadcast_in_dim3A_270 = vector.broadcast %jit3A_269 : i32 to vector<16xi32>
        %select_n3A_271 = arith.select %lt3A_251, %sub3A_268, %broadcast_in_dim3A_270 : vector<16xi1>, vector<16xi32>
        %mul3A_272 = arith.constant 16 : i32
        %mul3A_273 = arith.muli %scan3A_232, %mul3A_272 : i32
        %swap3A_274 = arith.index_cast %mul3A_273 : i32 to index
        %swap3A_275 = tpu.vector_load %arg11[%swap3A_274] {strides = array<i32>} : memref<64xi32, #tpu.memory_space<vmem>>, vector<16xi32>,
        tpu.vector_store %arg11[%swap3A_274], %select_n3A_271 {strides = array<i32>} : memref<64xi32, #tpu.memory_space<vmem>>, vector<16xi32>,
        %jit3A_276 = arith.constant 1.000000e+00 : f32
        %jit3A_277 = arith.constant 0.000000e+00 : f32
        %broadcast_in_dim3A_278 = vector.broadcast %jit3A_276 : f32 to vector<16xf32>
        %broadcast_in_dim3A_279 = vector.broadcast %jit3A_277 : f32 to vector<16xf32>
        %select_n3A_280 = arith.select %lt3A_251, %broadcast_in_dim3A_278, %broadcast_in_dim3A_279 : vector<16xi1>, vector<16xf32>
        %mul3A_281 = arith.constant 16 : i32
        %mul3A_282 = arith.muli %scan3A_232, %mul3A_281 : i32
        %swap3A_283 = arith.index_cast %mul3A_282 : i32 to index
        %swap3A_284 = tpu.vector_load %arg12[%swap3A_283] {strides = array<i32>} : memref<64xf32, #tpu.memory_space<vmem>>, vector<16xf32>,
        tpu.vector_store %arg12[%swap3A_283], %select_n3A_280 {strides = array<i32>} : memref<64xf32, #tpu.memory_space<vmem>>, vector<16xf32>,
        %scan3A_285 = arith.constant 0 : i32
        scf.yield %scan3A_285 : i32
      }
      %scan3A_216 = arith.constant 4 : i32
      "tpu.region"() ({
        %run_scoped3A = tpu.sem_alloc : memref<!tpu.dma_semaphore, #tpu.memory_space<semaphore_mem>>
        %dma_start3A = arith.constant 0 : i32
        %dma_start3A_232 = arith.constant 0 : i32
        %dma_start3A_233 = tpu.memref_slice %arg4[%dma_start3A, %dma_start3A_232] : memref<50176x80xf32, #tpu.memory_space<hbm>> -> memref<50176x80xf32, #tpu.memory_space<hbm>>
        tpu.enqueue_indirect_dma source(%dma_start3A_233 : memref<50176x80xf32, #tpu.memory_space<hbm>>) target(%arg13 : memref<64x80xf32, #tpu.memory_space<vmem>>) offsets(%arg9 : memref<64xi32, #tpu.memory_space<vmem>>) semaphore(%run_scoped3A : memref<!tpu.dma_semaphore, #tpu.memory_space<semaphore_mem>>)
        %dma_wait3A = arith.constant 0 : i32
        %dma_wait3A_234 = arith.constant 0 : i32
        %dma_wait3A_235 = tpu.memref_slice %arg4[%dma_wait3A, %dma_wait3A_234] : memref<50176x80xf32, #tpu.memory_space<hbm>> -> memref<50176x80xf32, #tpu.memory_space<hbm>>
        tpu.wait_indirect_dma semaphore(%run_scoped3A : memref<!tpu.dma_semaphore, #tpu.memory_space<semaphore_mem>>) src(%dma_wait3A_235 : memref<50176x80xf32, #tpu.memory_space<hbm>>) dst(%arg13 : memref<64x80xf32, #tpu.memory_space<vmem>>)
        tpu.yield
      }) : () -> ()
      "tpu.region"() ({
        %run_scoped3A = tpu.sem_alloc : memref<!tpu.dma_semaphore, #tpu.memory_space<semaphore_mem>>
        %dma_start3A = arith.constant 0 : i32
        %dma_start3A_232 = arith.constant 0 : i32
        %dma_start3A_233 = tpu.memref_slice %arg5[%dma_start3A, %dma_start3A_232] : memref<50176x8xf32, #tpu.memory_space<hbm>> -> memref<50176x8xf32, #tpu.memory_space<hbm>>
        tpu.enqueue_indirect_dma source(%dma_start3A_233 : memref<50176x8xf32, #tpu.memory_space<hbm>>) target(%arg14 : memref<64x8xf32, #tpu.memory_space<vmem>>) offsets(%arg10 : memref<64xi32, #tpu.memory_space<vmem>>) semaphore(%run_scoped3A : memref<!tpu.dma_semaphore, #tpu.memory_space<semaphore_mem>>)
        %dma_wait3A = arith.constant 0 : i32
        %dma_wait3A_234 = arith.constant 0 : i32
        %dma_wait3A_235 = tpu.memref_slice %arg5[%dma_wait3A, %dma_wait3A_234] : memref<50176x8xf32, #tpu.memory_space<hbm>> -> memref<50176x8xf32, #tpu.memory_space<hbm>>
        tpu.wait_indirect_dma semaphore(%run_scoped3A : memref<!tpu.dma_semaphore, #tpu.memory_space<semaphore_mem>>) src(%dma_wait3A_235 : memref<50176x8xf32, #tpu.memory_space<hbm>>) dst(%arg14 : memref<64x8xf32, #tpu.memory_space<vmem>>)
        tpu.yield
      }) : () -> ()
      %scan3A_217 = arith.constant 0 : i32
      %scan3A_218 = arith.constant 0 : i32
      %scan3A_219 = arith.constant 32 : i32
      %scan3A_220 = arith.addi %scan3A_218, %scan3A_219 : i32
      %scan3A_221 = arith.constant 1 : i32
      %scan3A_222 = scf.for %scan3A_232 = %scan3A_218 to %scan3A_220 step %scan3A_221 iter_args(%scan3A_233 = %scan3A_217) -> (i32)  : i32 {
        %mul3A_234 = arith.constant 2 : i32
        %mul3A_235 = arith.muli %mul3A_234, %scan3A_232 : i32
        %add3A_236 = vector.broadcast %mul3A_235 : i32 to vector<16xi32>
        %add3A_237 = arith.addi %shift_right_logical3A_1, %add3A_236 : vector<16xi32>
        %add3A_238 = arith.constant 64 : i32
        %add3A_239 = vector.broadcast %add3A_238 : i32 to vector<16xi32>
        %add3A_240 = arith.addi %add3A_239, %and3A_3 : vector<16xi32>
        %gather3A = tpu.vector_load_idx %arg13[%add3A_237, %add3A_240] : memref<64x80xf32, #tpu.memory_space<vmem>>[vector<16xi32>, vector<16xi32>], vector<16xf32>,
        %gather3A_241 = tpu.vector_load_idx %arg14[%add3A_237, %and3A_3] : memref<64x8xf32, #tpu.memory_space<vmem>>[vector<16xi32>, vector<16xi32>], vector<16xf32>,
        %gather3A_242 = tpu.vector_load_idx %arg12[%add3A_237] : memref<64xf32, #tpu.memory_space<vmem>>[vector<16xi32>], vector<16xf32>,
        %add3A_243 = arith.addf %gather3A, %gather3A_241 : vector<16xf32>
        %mul3A_244 = arith.constant 2.000000e-01 : f32
        %mul3A_245 = vector.broadcast %mul3A_244 : f32 to vector<16xf32>
        %mul3A_246 = arith.mulf %mul3A_245, %add3A_243 : vector<16xf32>
        %max3A = arith.maximumf %add3A_243, %mul3A_246 : vector<16xf32>
        %sub3A_247 = arith.subf %max3A, %get3A_63 : vector<16xf32>
        %exp3A = math.exp %sub3A_247 : vector<16xf32>
        %mul3A_248 = arith.mulf %exp3A, %gather3A_242 : vector<16xf32>
        %mul3A_249 = arith.constant 16 : i32
        %mul3A_250 = arith.muli %scan3A_232, %mul3A_249 : i32
        %swap3A = arith.index_cast %mul3A_250 : i32 to index
        %swap3A_251 = tpu.vector_load %arg15[%swap3A] {strides = array<i32>} : memref<512xf32, #tpu.memory_space<vmem>>, vector<16xf32>,
        tpu.vector_store %arg15[%swap3A], %mul3A_248 {strides = array<i32>} : memref<512xf32, #tpu.memory_space<vmem>>, vector<16xf32>,
        %scan3A_252 = arith.constant 0 : i32
        scf.yield %scan3A_252 : i32
      }
      %scan3A_223 = arith.constant 32 : i32
      %scan3A_224 = arith.constant 0 : i32
      %scan3A_225 = arith.constant 0 : i32
      %scan3A_226 = arith.constant 32 : i32
      %scan3A_227 = arith.addi %scan3A_225, %scan3A_226 : i32
      %scan3A_228 = arith.constant 1 : i32
      %scan3A_229 = scf.for %scan3A_232 = %scan3A_225 to %scan3A_227 step %scan3A_228 iter_args(%scan3A_233 = %scan3A_224) -> (i32)  : i32 {
        %mul3A_234 = arith.constant 2 : i32
        %mul3A_235 = arith.muli %mul3A_234, %scan3A_232 : i32
        %add3A_236 = arith.constant 0 : i32
        %add3A_237 = arith.addi %mul3A_235, %add3A_236 : i32
        %get3A_238 = arith.index_cast %add3A_237 : i32 to index
        %get3A_239 = arith.constant 0 : index
        %get3A_240 = tpu.vector_load %arg13[%get3A_238, %get3A_239] {strides = array<i32>} : memref<64x80xf32, #tpu.memory_space<vmem>>, vector<16xf32>,
        %mul3A_241 = arith.constant 16 : i32
        %mul3A_242 = arith.muli %scan3A_232, %mul3A_241 : i32
        %add3A_243 = vector.broadcast %mul3A_242 : i32 to vector<16xi32>
        %add3A_244 = arith.addi %add3A_243, %add3A_66 : vector<16xi32>
        %gather3A = tpu.vector_load_idx %arg15[%add3A_244] : memref<512xf32, #tpu.memory_space<vmem>>[vector<16xi32>], vector<16xf32>,
        %mul3A_245 = arith.mulf %get3A_240, %gather3A : vector<16xf32>
        %swap3A = arith.index_cast %add3A_237 : i32 to index
        %swap3A_246 = arith.constant 0 : index
        %swap3A_247 = tpu.vector_load %arg16[%swap3A, %swap3A_246] {strides = array<i32>} : memref<64x72xf32, #tpu.memory_space<vmem>>, vector<16xf32>,
        tpu.vector_store %arg16[%swap3A, %swap3A_246], %mul3A_245 {strides = array<i32>} : memref<64x72xf32, #tpu.memory_space<vmem>>, vector<16xf32>,
        %get3A_248 = arith.index_cast %add3A_237 : i32 to index
        %get3A_249 = arith.constant 16 : index
        %get3A_250 = tpu.vector_load %arg13[%get3A_248, %get3A_249] {strides = array<i32>} : memref<64x80xf32, #tpu.memory_space<vmem>>, vector<16xf32>,
        %mul3A_251 = arith.constant 16 : i32
        %mul3A_252 = arith.muli %scan3A_232, %mul3A_251 : i32
        %add3A_253 = vector.broadcast %mul3A_252 : i32 to vector<16xi32>
        %add3A_254 = arith.addi %add3A_253, %add3A_69 : vector<16xi32>
        %gather3A_255 = tpu.vector_load_idx %arg15[%add3A_254] : memref<512xf32, #tpu.memory_space<vmem>>[vector<16xi32>], vector<16xf32>,
        %mul3A_256 = arith.mulf %get3A_250, %gather3A_255 : vector<16xf32>
        %swap3A_257 = arith.index_cast %add3A_237 : i32 to index
        %swap3A_258 = arith.constant 16 : index
        %swap3A_259 = tpu.vector_load %arg16[%swap3A_257, %swap3A_258] {strides = array<i32>} : memref<64x72xf32, #tpu.memory_space<vmem>>, vector<16xf32>,
        tpu.vector_store %arg16[%swap3A_257, %swap3A_258], %mul3A_256 {strides = array<i32>} : memref<64x72xf32, #tpu.memory_space<vmem>>, vector<16xf32>,
        %get3A_260 = arith.index_cast %add3A_237 : i32 to index
        %get3A_261 = arith.constant 32 : index
        %get3A_262 = tpu.vector_load %arg13[%get3A_260, %get3A_261] {strides = array<i32>} : memref<64x80xf32, #tpu.memory_space<vmem>>, vector<16xf32>,
        %mul3A_263 = arith.constant 16 : i32
        %mul3A_264 = arith.muli %scan3A_232, %mul3A_263 : i32
        %add3A_265 = vector.broadcast %mul3A_264 : i32 to vector<16xi32>
        %add3A_266 = arith.addi %add3A_265, %add3A_72 : vector<16xi32>
        %gather3A_267 = tpu.vector_load_idx %arg15[%add3A_266] : memref<512xf32, #tpu.memory_space<vmem>>[vector<16xi32>], vector<16xf32>,
        %mul3A_268 = arith.mulf %get3A_262, %gather3A_267 : vector<16xf32>
        %swap3A_269 = arith.index_cast %add3A_237 : i32 to index
        %swap3A_270 = arith.constant 32 : index
        %swap3A_271 = tpu.vector_load %arg16[%swap3A_269, %swap3A_270] {strides = array<i32>} : memref<64x72xf32, #tpu.memory_space<vmem>>, vector<16xf32>,
        tpu.vector_store %arg16[%swap3A_269, %swap3A_270], %mul3A_268 {strides = array<i32>} : memref<64x72xf32, #tpu.memory_space<vmem>>, vector<16xf32>,
        %get3A_272 = arith.index_cast %add3A_237 : i32 to index
        %get3A_273 = arith.constant 48 : index
        %get3A_274 = tpu.vector_load %arg13[%get3A_272, %get3A_273] {strides = array<i32>} : memref<64x80xf32, #tpu.memory_space<vmem>>, vector<16xf32>,
        %mul3A_275 = arith.constant 16 : i32
        %mul3A_276 = arith.muli %scan3A_232, %mul3A_275 : i32
        %add3A_277 = vector.broadcast %mul3A_276 : i32 to vector<16xi32>
        %add3A_278 = arith.addi %add3A_277, %add3A_75 : vector<16xi32>
        %gather3A_279 = tpu.vector_load_idx %arg15[%add3A_278] : memref<512xf32, #tpu.memory_space<vmem>>[vector<16xi32>], vector<16xf32>,
        %mul3A_280 = arith.mulf %get3A_274, %gather3A_279 : vector<16xf32>
        %swap3A_281 = arith.index_cast %add3A_237 : i32 to index
        %swap3A_282 = arith.constant 48 : index
        %swap3A_283 = tpu.vector_load %arg16[%swap3A_281, %swap3A_282] {strides = array<i32>} : memref<64x72xf32, #tpu.memory_space<vmem>>, vector<16xf32>,
        tpu.vector_store %arg16[%swap3A_281, %swap3A_282], %mul3A_280 {strides = array<i32>} : memref<64x72xf32, #tpu.memory_space<vmem>>, vector<16xf32>,
        %mul3A_284 = arith.constant 2 : i32
        %mul3A_285 = arith.muli %mul3A_284, %scan3A_232 : i32
        %add3A_286 = arith.constant 1 : i32
        %add3A_287 = arith.addi %mul3A_285, %add3A_286 : i32
        %get3A_288 = arith.index_cast %add3A_287 : i32 to index
        %get3A_289 = arith.constant 0 : index
        %get3A_290 = tpu.vector_load %arg13[%get3A_288, %get3A_289] {strides = array<i32>} : memref<64x80xf32, #tpu.memory_space<vmem>>, vector<16xf32>,
        %mul3A_291 = arith.constant 16 : i32
        %mul3A_292 = arith.muli %scan3A_232, %mul3A_291 : i32
        %add3A_293 = vector.broadcast %mul3A_292 : i32 to vector<16xi32>
        %add3A_294 = arith.addi %add3A_293, %add3A_78 : vector<16xi32>
        %gather3A_295 = tpu.vector_load_idx %arg15[%add3A_294] : memref<512xf32, #tpu.memory_space<vmem>>[vector<16xi32>], vector<16xf32>,
        %mul3A_296 = arith.mulf %get3A_290, %gather3A_295 : vector<16xf32>
        %swap3A_297 = arith.index_cast %add3A_287 : i32 to index
        %swap3A_298 = arith.constant 0 : index
        %swap3A_299 = tpu.vector_load %arg16[%swap3A_297, %swap3A_298] {strides = array<i32>} : memref<64x72xf32, #tpu.memory_space<vmem>>, vector<16xf32>,
        tpu.vector_store %arg16[%swap3A_297, %swap3A_298], %mul3A_296 {strides = array<i32>} : memref<64x72xf32, #tpu.memory_space<vmem>>, vector<16xf32>,
        %get3A_300 = arith.index_cast %add3A_287 : i32 to index
        %get3A_301 = arith.constant 16 : index
        %get3A_302 = tpu.vector_load %arg13[%get3A_300, %get3A_301] {strides = array<i32>} : memref<64x80xf32, #tpu.memory_space<vmem>>, vector<16xf32>,
        %mul3A_303 = arith.constant 16 : i32
        %mul3A_304 = arith.muli %scan3A_232, %mul3A_303 : i32
        %add3A_305 = vector.broadcast %mul3A_304 : i32 to vector<16xi32>
        %add3A_306 = arith.addi %add3A_305, %add3A_81 : vector<16xi32>
        %gather3A_307 = tpu.vector_load_idx %arg15[%add3A_306] : memref<512xf32, #tpu.memory_space<vmem>>[vector<16xi32>], vector<16xf32>,
        %mul3A_308 = arith.mulf %get3A_302, %gather3A_307 : vector<16xf32>
        %swap3A_309 = arith.index_cast %add3A_287 : i32 to index
        %swap3A_310 = arith.constant 16 : index
        %swap3A_311 = tpu.vector_load %arg16[%swap3A_309, %swap3A_310] {strides = array<i32>} : memref<64x72xf32, #tpu.memory_space<vmem>>, vector<16xf32>,
        tpu.vector_store %arg16[%swap3A_309, %swap3A_310], %mul3A_308 {strides = array<i32>} : memref<64x72xf32, #tpu.memory_space<vmem>>, vector<16xf32>,
        %get3A_312 = arith.index_cast %add3A_287 : i32 to index
        %get3A_313 = arith.constant 32 : index
        %get3A_314 = tpu.vector_load %arg13[%get3A_312, %get3A_313] {strides = array<i32>} : memref<64x80xf32, #tpu.memory_space<vmem>>, vector<16xf32>,
        %mul3A_315 = arith.constant 16 : i32
        %mul3A_316 = arith.muli %scan3A_232, %mul3A_315 : i32
        %add3A_317 = vector.broadcast %mul3A_316 : i32 to vector<16xi32>
        %add3A_318 = arith.addi %add3A_317, %add3A_84 : vector<16xi32>
        %gather3A_319 = tpu.vector_load_idx %arg15[%add3A_318] : memref<512xf32, #tpu.memory_space<vmem>>[vector<16xi32>], vector<16xf32>,
        %mul3A_320 = arith.mulf %get3A_314, %gather3A_319 : vector<16xf32>
        %swap3A_321 = arith.index_cast %add3A_287 : i32 to index
        %swap3A_322 = arith.constant 32 : index
        %swap3A_323 = tpu.vector_load %arg16[%swap3A_321, %swap3A_322] {strides = array<i32>} : memref<64x72xf32, #tpu.memory_space<vmem>>, vector<16xf32>,
        tpu.vector_store %arg16[%swap3A_321, %swap3A_322], %mul3A_320 {strides = array<i32>} : memref<64x72xf32, #tpu.memory_space<vmem>>, vector<16xf32>,
        %get3A_324 = arith.index_cast %add3A_287 : i32 to index
        %get3A_325 = arith.constant 48 : index
        %get3A_326 = tpu.vector_load %arg13[%get3A_324, %get3A_325] {strides = array<i32>} : memref<64x80xf32, #tpu.memory_space<vmem>>, vector<16xf32>,
        %mul3A_327 = arith.constant 16 : i32
        %mul3A_328 = arith.muli %scan3A_232, %mul3A_327 : i32
        %add3A_329 = vector.broadcast %mul3A_328 : i32 to vector<16xi32>
        %add3A_330 = arith.addi %add3A_329, %add3A_87 : vector<16xi32>
        %gather3A_331 = tpu.vector_load_idx %arg15[%add3A_330] : memref<512xf32, #tpu.memory_space<vmem>>[vector<16xi32>], vector<16xf32>,
        %mul3A_332 = arith.mulf %get3A_326, %gather3A_331 : vector<16xf32>
        %swap3A_333 = arith.index_cast %add3A_287 : i32 to index
        %swap3A_334 = arith.constant 48 : index
        %swap3A_335 = tpu.vector_load %arg16[%swap3A_333, %swap3A_334] {strides = array<i32>} : memref<64x72xf32, #tpu.memory_space<vmem>>, vector<16xf32>,
        tpu.vector_store %arg16[%swap3A_333, %swap3A_334], %mul3A_332 {strides = array<i32>} : memref<64x72xf32, #tpu.memory_space<vmem>>, vector<16xf32>,
        %mul3A_336 = arith.constant 16 : i32
        %mul3A_337 = arith.muli %scan3A_232, %mul3A_336 : i32
        %get3A_338 = arith.index_cast %mul3A_337 : i32 to index
        %get3A_339 = tpu.vector_load %arg15[%get3A_338] {strides = array<i32>} : memref<512xf32, #tpu.memory_space<vmem>>, vector<16xf32>,
        %mul3A_340 = arith.constant 2 : i32
        %mul3A_341 = arith.muli %mul3A_340, %scan3A_232 : i32
        %add3A_342 = vector.broadcast %mul3A_341 : i32 to vector<16xi32>
        %add3A_343 = arith.addi %add3A_342, %shift_right_logical3A_1 : vector<16xi32>
        %add3A_344 = arith.constant 64 : i32
        %add3A_345 = vector.broadcast %add3A_344 : i32 to vector<16xi32>
        %add3A_346 = arith.addi %add3A_345, %and3A_3 : vector<16xi32>
        tpu.vector_store_idx %arg16[%add3A_343, %add3A_346], %get3A_339 : memref<64x72xf32, #tpu.memory_space<vmem>>[vector<16xi32>, vector<16xi32>], vector<16xf32>,
        %scan3A_347 = arith.constant 0 : i32
        scf.yield %scan3A_347 : i32
      }
      %scan3A_230 = arith.constant 32 : i32
      "tpu.region"() ({
        %run_scoped3A = tpu.sem_alloc : memref<!tpu.dma_semaphore, #tpu.memory_space<semaphore_mem>>
        %dma_start3A = arith.constant 0 : i32
        %dma_start3A_232 = arith.constant 0 : i32
        %dma_start3A_233 = tpu.memref_slice %arg21[%dma_start3A, %dma_start3A_232] : memref<25088x72xf32, #tpu.memory_space<vmem_shared>> -> memref<25088x72xf32, #tpu.memory_space<vmem_shared>>
        tpu.enqueue_indirect_dma source(%arg16 : memref<64x72xf32, #tpu.memory_space<vmem>>) target(%dma_start3A_233 : memref<25088x72xf32, #tpu.memory_space<vmem_shared>>) offsets(%arg11 : memref<64xi32, #tpu.memory_space<vmem>>) semaphore(%run_scoped3A : memref<!tpu.dma_semaphore, #tpu.memory_space<semaphore_mem>>) {add = true}
        %dma_wait3A = arith.constant 0 : i32
        %dma_wait3A_234 = arith.constant 0 : i32
        %dma_wait3A_235 = tpu.memref_slice %arg21[%dma_wait3A, %dma_wait3A_234] : memref<25088x72xf32, #tpu.memory_space<vmem_shared>> -> memref<25088x72xf32, #tpu.memory_space<vmem_shared>>
        tpu.wait_indirect_dma semaphore(%run_scoped3A : memref<!tpu.dma_semaphore, #tpu.memory_space<semaphore_mem>>) src(%arg16 : memref<64x72xf32, #tpu.memory_space<vmem>>) dst(%dma_wait3A_235 : memref<25088x72xf32, #tpu.memory_space<vmem_shared>>)
        tpu.yield
      }) : () -> ()
      %while3A_231 = arith.constant 0 : i32
      scf.yield %while3A_231 : i32
    }
    %barrier3A_198 = arith.constant 0 : index
    tpu.barrier barrier_id(%barrier3A_198)
    %scan3A_199 = arith.constant 0 : i32
    %scan3A_200 = arith.constant 0 : i32
    %scan3A_201 = arith.constant 49 : i32
    %scan3A_202 = arith.addi %scan3A_200, %scan3A_201 : i32
    %scan3A_203 = arith.constant 1 : i32
    %scan3A_204 = scf.for %scan3A_206 = %scan3A_200 to %scan3A_202 step %scan3A_203 iter_args(%scan3A_207 = %scan3A_199) -> (i32)  : i32 {
      %mul3A_208 = arith.constant 32 : i32
      %mul3A_209 = arith.muli %scan3A_206, %mul3A_208 : i32
      %add3A_210 = arith.addi %mul3A_13, %mul3A_209 : i32
      "tpu.region"() ({
        %run_scoped3A = tpu.sem_alloc : memref<!tpu.dma_semaphore, #tpu.memory_space<semaphore_mem>>
        %dma_start3A = arith.constant 0 : i32
        %dma_start3A_222 = tpu.memref_slice %arg21[%add3A_210, %dma_start3A] : memref<25088x72xf32, #tpu.memory_space<vmem_shared>> -> memref<32x72xf32, #tpu.memory_space<vmem_shared>>
        %dma_start3A_223 = arith.constant 0 : i32
        %dma_start3A_224 = tpu.memref_slice %arg21[%add3A_210, %dma_start3A_223] : memref<25088x72xf32, #tpu.memory_space<vmem_shared>> -> memref<32x72xf32, #tpu.memory_space<vmem_shared>>
        tpu.enqueue_dma source(%dma_start3A_224 : memref<32x72xf32, #tpu.memory_space<vmem_shared>>) target(%arg19 : memref<32x72xf32, #tpu.memory_space<vmem>>) target_semaphore(%run_scoped3A : memref<!tpu.dma_semaphore, #tpu.memory_space<semaphore_mem>>)
        %dma_wait3A = arith.constant 0 : i32
        %dma_wait3A_225 = tpu.memref_slice %arg21[%add3A_210, %dma_wait3A] : memref<25088x72xf32, #tpu.memory_space<vmem_shared>> -> memref<32x72xf32, #tpu.memory_space<vmem_shared>>
        %dma_wait3A_226 = arith.constant 0 : i32
        %dma_wait3A_227 = tpu.memref_slice %arg21[%add3A_210, %dma_wait3A_226] : memref<25088x72xf32, #tpu.memory_space<vmem_shared>> -> memref<32x72xf32, #tpu.memory_space<vmem_shared>>
        tpu.wait_dma2 semaphore(%run_scoped3A : memref<!tpu.dma_semaphore, #tpu.memory_space<semaphore_mem>>) src(%dma_wait3A_227 : memref<32x72xf32, #tpu.memory_space<vmem_shared>>) dst(%arg19 : memref<32x72xf32, #tpu.memory_space<vmem>>)
        tpu.yield
      }) : () -> ()
      %scan3A_211 = arith.constant 0 : i32
      %scan3A_212 = arith.constant 0 : i32
      %scan3A_213 = arith.constant 32 : i32
      %scan3A_214 = arith.addi %scan3A_212, %scan3A_213 : i32
      %scan3A_215 = arith.constant 1 : i32
      %scan3A_216 = scf.for %scan3A_222 = %scan3A_212 to %scan3A_214 step %scan3A_215 iter_args(%scan3A_223 = %scan3A_211) -> (i32)  : i32 {
        %mul3A_224 = arith.constant 0 : i32
        %mul3A_225 = vector.broadcast %mul3A_224 : i32 to vector<16xi32>
        %mul3A_226 = arith.muli %iota3A, %mul3A_225 : vector<16xi32>
        %add3A_227 = vector.broadcast %scan3A_222 : i32 to vector<16xi32>
        %add3A_228 = arith.addi %mul3A_226, %add3A_227 : vector<16xi32>
        %get3A_229 = arith.index_cast %scan3A_222 : i32 to index
        %get3A_230 = arith.constant 0 : index
        %get3A_231 = tpu.vector_load %arg19[%get3A_229, %get3A_230] {strides = array<i32>} : memref<32x72xf32, #tpu.memory_space<vmem>>, vector<16xf32>,
        %add3A_232 = arith.constant 64 : i32
        %add3A_233 = vector.broadcast %add3A_232 : i32 to vector<16xi32>
        %add3A_234 = arith.addi %add3A_233, %shift_right_logical3A_1 : vector<16xi32>
        %gather3A = tpu.vector_load_idx %arg19[%add3A_228, %add3A_234] : memref<32x72xf32, #tpu.memory_space<vmem>>[vector<16xi32>, vector<16xi32>], vector<16xf32>,
        %add3A_235 = arith.constant 1.000000e-16 : f32
        %add3A_236 = vector.broadcast %add3A_235 : f32 to vector<16xf32>
        %add3A_237 = arith.addf %gather3A, %add3A_236 : vector<16xf32>
        %div3A_238 = arith.divf %get3A_231, %add3A_237 : vector<16xf32>
        %min3A = arith.constant 0.000000e+00 : f32
        %min3A_239 = vector.broadcast %min3A : f32 to vector<16xf32>
        %min3A_240 = arith.minimumf %div3A_238, %min3A_239 : vector<16xf32>
        %exp3A = math.exp %min3A_240 : vector<16xf32>
        %sub3A_241 = arith.constant 1.000000e+00 : f32
        %sub3A_242 = vector.broadcast %sub3A_241 : f32 to vector<16xf32>
        %sub3A_243 = arith.subf %exp3A, %sub3A_242 : vector<16xf32>
        %gt3A = arith.constant 0.000000e+00 : f32
        %gt3A_244 = vector.broadcast %gt3A : f32 to vector<16xf32>
        %gt3A_245 = arith.cmpf ogt, %div3A_238, %gt3A_244 : vector<16xf32>
        %select_n3A_246 = arith.select %gt3A_245, %div3A_238, %sub3A_243 : vector<16xi1>, vector<16xf32>
        %swap3A = arith.index_cast %scan3A_222 : i32 to index
        %swap3A_247 = arith.constant 0 : index
        %swap3A_248 = tpu.vector_load %arg20[%swap3A, %swap3A_247] {strides = array<i32>} : memref<32x64xf32, #tpu.memory_space<vmem>>, vector<16xf32>,
        tpu.vector_store %arg20[%swap3A, %swap3A_247], %select_n3A_246 {strides = array<i32>} : memref<32x64xf32, #tpu.memory_space<vmem>>, vector<16xf32>,
        %get3A_249 = arith.index_cast %scan3A_222 : i32 to index
        %get3A_250 = arith.constant 16 : index
        %get3A_251 = tpu.vector_load %arg19[%get3A_249, %get3A_250] {strides = array<i32>} : memref<32x72xf32, #tpu.memory_space<vmem>>, vector<16xf32>,
        %add3A_252 = arith.constant 66 : i32
        %add3A_253 = vector.broadcast %add3A_252 : i32 to vector<16xi32>
        %add3A_254 = arith.addi %add3A_253, %shift_right_logical3A_1 : vector<16xi32>
        %gather3A_255 = tpu.vector_load_idx %arg19[%add3A_228, %add3A_254] : memref<32x72xf32, #tpu.memory_space<vmem>>[vector<16xi32>, vector<16xi32>], vector<16xf32>,
        %add3A_256 = arith.constant 1.000000e-16 : f32
        %add3A_257 = vector.broadcast %add3A_256 : f32 to vector<16xf32>
        %add3A_258 = arith.addf %gather3A_255, %add3A_257 : vector<16xf32>
        %div3A_259 = arith.divf %get3A_251, %add3A_258 : vector<16xf32>
        %min3A_260 = arith.constant 0.000000e+00 : f32
        %min3A_261 = vector.broadcast %min3A_260 : f32 to vector<16xf32>
        %min3A_262 = arith.minimumf %div3A_259, %min3A_261 : vector<16xf32>
        %exp3A_263 = math.exp %min3A_262 : vector<16xf32>
        %sub3A_264 = arith.constant 1.000000e+00 : f32
        %sub3A_265 = vector.broadcast %sub3A_264 : f32 to vector<16xf32>
        %sub3A_266 = arith.subf %exp3A_263, %sub3A_265 : vector<16xf32>
        %gt3A_267 = arith.constant 0.000000e+00 : f32
        %gt3A_268 = vector.broadcast %gt3A_267 : f32 to vector<16xf32>
        %gt3A_269 = arith.cmpf ogt, %div3A_259, %gt3A_268 : vector<16xf32>
        %select_n3A_270 = arith.select %gt3A_269, %div3A_259, %sub3A_266 : vector<16xi1>, vector<16xf32>
        %swap3A_271 = arith.index_cast %scan3A_222 : i32 to index
        %swap3A_272 = arith.constant 16 : index
        %swap3A_273 = tpu.vector_load %arg20[%swap3A_271, %swap3A_272] {strides = array<i32>} : memref<32x64xf32, #tpu.memory_space<vmem>>, vector<16xf32>,
        tpu.vector_store %arg20[%swap3A_271, %swap3A_272], %select_n3A_270 {strides = array<i32>} : memref<32x64xf32, #tpu.memory_space<vmem>>, vector<16xf32>,
        %get3A_274 = arith.index_cast %scan3A_222 : i32 to index
        %get3A_275 = arith.constant 32 : index
        %get3A_276 = tpu.vector_load %arg19[%get3A_274, %get3A_275] {strides = array<i32>} : memref<32x72xf32, #tpu.memory_space<vmem>>, vector<16xf32>,
        %add3A_277 = arith.constant 68 : i32
        %add3A_278 = vector.broadcast %add3A_277 : i32 to vector<16xi32>
        %add3A_279 = arith.addi %add3A_278, %shift_right_logical3A_1 : vector<16xi32>
        %gather3A_280 = tpu.vector_load_idx %arg19[%add3A_228, %add3A_279] : memref<32x72xf32, #tpu.memory_space<vmem>>[vector<16xi32>, vector<16xi32>], vector<16xf32>,
        %add3A_281 = arith.constant 1.000000e-16 : f32
        %add3A_282 = vector.broadcast %add3A_281 : f32 to vector<16xf32>
        %add3A_283 = arith.addf %gather3A_280, %add3A_282 : vector<16xf32>
        %div3A_284 = arith.divf %get3A_276, %add3A_283 : vector<16xf32>
        %min3A_285 = arith.constant 0.000000e+00 : f32
        %min3A_286 = vector.broadcast %min3A_285 : f32 to vector<16xf32>
        %min3A_287 = arith.minimumf %div3A_284, %min3A_286 : vector<16xf32>
        %exp3A_288 = math.exp %min3A_287 : vector<16xf32>
        %sub3A_289 = arith.constant 1.000000e+00 : f32
        %sub3A_290 = vector.broadcast %sub3A_289 : f32 to vector<16xf32>
        %sub3A_291 = arith.subf %exp3A_288, %sub3A_290 : vector<16xf32>
        %gt3A_292 = arith.constant 0.000000e+00 : f32
        %gt3A_293 = vector.broadcast %gt3A_292 : f32 to vector<16xf32>
        %gt3A_294 = arith.cmpf ogt, %div3A_284, %gt3A_293 : vector<16xf32>
        %select_n3A_295 = arith.select %gt3A_294, %div3A_284, %sub3A_291 : vector<16xi1>, vector<16xf32>
        %swap3A_296 = arith.index_cast %scan3A_222 : i32 to index
        %swap3A_297 = arith.constant 32 : index
        %swap3A_298 = tpu.vector_load %arg20[%swap3A_296, %swap3A_297] {strides = array<i32>} : memref<32x64xf32, #tpu.memory_space<vmem>>, vector<16xf32>,
        tpu.vector_store %arg20[%swap3A_296, %swap3A_297], %select_n3A_295 {strides = array<i32>} : memref<32x64xf32, #tpu.memory_space<vmem>>, vector<16xf32>,
        %get3A_299 = arith.index_cast %scan3A_222 : i32 to index
        %get3A_300 = arith.constant 48 : index
        %get3A_301 = tpu.vector_load %arg19[%get3A_299, %get3A_300] {strides = array<i32>} : memref<32x72xf32, #tpu.memory_space<vmem>>, vector<16xf32>,
        %add3A_302 = arith.constant 70 : i32
        %add3A_303 = vector.broadcast %add3A_302 : i32 to vector<16xi32>
        %add3A_304 = arith.addi %add3A_303, %shift_right_logical3A_1 : vector<16xi32>
        %gather3A_305 = tpu.vector_load_idx %arg19[%add3A_228, %add3A_304] : memref<32x72xf32, #tpu.memory_space<vmem>>[vector<16xi32>, vector<16xi32>], vector<16xf32>,
        %add3A_306 = arith.constant 1.000000e-16 : f32
        %add3A_307 = vector.broadcast %add3A_306 : f32 to vector<16xf32>
        %add3A_308 = arith.addf %gather3A_305, %add3A_307 : vector<16xf32>
        %div3A_309 = arith.divf %get3A_301, %add3A_308 : vector<16xf32>
        %min3A_310 = arith.constant 0.000000e+00 : f32
        %min3A_311 = vector.broadcast %min3A_310 : f32 to vector<16xf32>
        %min3A_312 = arith.minimumf %div3A_309, %min3A_311 : vector<16xf32>
        %exp3A_313 = math.exp %min3A_312 : vector<16xf32>
        %sub3A_314 = arith.constant 1.000000e+00 : f32
        %sub3A_315 = vector.broadcast %sub3A_314 : f32 to vector<16xf32>
        %sub3A_316 = arith.subf %exp3A_313, %sub3A_315 : vector<16xf32>
        %gt3A_317 = arith.constant 0.000000e+00 : f32
        %gt3A_318 = vector.broadcast %gt3A_317 : f32 to vector<16xf32>
        %gt3A_319 = arith.cmpf ogt, %div3A_309, %gt3A_318 : vector<16xf32>
        %select_n3A_320 = arith.select %gt3A_319, %div3A_309, %sub3A_316 : vector<16xi1>, vector<16xf32>
        %swap3A_321 = arith.index_cast %scan3A_222 : i32 to index
        %swap3A_322 = arith.constant 48 : index
        %swap3A_323 = tpu.vector_load %arg20[%swap3A_321, %swap3A_322] {strides = array<i32>} : memref<32x64xf32, #tpu.memory_space<vmem>>, vector<16xf32>,
        tpu.vector_store %arg20[%swap3A_321, %swap3A_322], %select_n3A_320 {strides = array<i32>} : memref<32x64xf32, #tpu.memory_space<vmem>>, vector<16xf32>,
        %scan3A_324 = arith.constant 0 : i32
        scf.yield %scan3A_324 : i32
      }
      %scan3A_217 = arith.constant 32 : i32
      %mul3A_218 = arith.constant 25088 : i32
      %mul3A_219 = arith.muli %arg0, %mul3A_218 : i32
      %add3A_220 = arith.addi %mul3A_219, %add3A_210 : i32
      "tpu.region"() ({
        %run_scoped3A = tpu.sem_alloc : memref<!tpu.dma_semaphore, #tpu.memory_space<semaphore_mem>>
        %dma_start3A = arith.constant 0 : i32
        %dma_start3A_222 = tpu.memref_slice %arg7[%add3A_220, %dma_start3A] : memref<50176x64xf32, #tpu.memory_space<hbm>> -> memref<32x64xf32, #tpu.memory_space<hbm>>
        %dma_start3A_223 = arith.constant 0 : i32
        %dma_start3A_224 = tpu.memref_slice %arg7[%add3A_220, %dma_start3A_223] : memref<50176x64xf32, #tpu.memory_space<hbm>> -> memref<32x64xf32, #tpu.memory_space<hbm>>
        tpu.enqueue_dma source(%arg20 : memref<32x64xf32, #tpu.memory_space<vmem>>) target(%dma_start3A_224 : memref<32x64xf32, #tpu.memory_space<hbm>>) target_semaphore(%run_scoped3A : memref<!tpu.dma_semaphore, #tpu.memory_space<semaphore_mem>>)
        %dma_wait3A = arith.constant 0 : i32
        %dma_wait3A_225 = tpu.memref_slice %arg7[%add3A_220, %dma_wait3A] : memref<50176x64xf32, #tpu.memory_space<hbm>> -> memref<32x64xf32, #tpu.memory_space<hbm>>
        %dma_wait3A_226 = arith.constant 0 : i32
        %dma_wait3A_227 = tpu.memref_slice %arg7[%add3A_220, %dma_wait3A_226] : memref<50176x64xf32, #tpu.memory_space<hbm>> -> memref<32x64xf32, #tpu.memory_space<hbm>>
        tpu.wait_dma2 semaphore(%run_scoped3A : memref<!tpu.dma_semaphore, #tpu.memory_space<semaphore_mem>>) src(%arg20 : memref<32x64xf32, #tpu.memory_space<vmem>>) dst(%dma_wait3A_227 : memref<32x64xf32, #tpu.memory_space<hbm>>)
        tpu.yield
      }) : () -> ()
      %scan3A_221 = arith.constant 0 : i32
      scf.yield %scan3A_221 : i32
    }
    %scan3A_205 = arith.constant 49 : i32
    return
  }
}

#map = affine_map<(d0, d1) -> (0, 0, 0)>
#map1 = affine_map<(d0, d1) -> (0, 0)>
#map2 = affine_map<(d0, d1) -> (0)>
module attributes {stable_mosaic.version = 14 : i64} {
  func.func @agg2(%arg0: i32, %arg1: i32, %arg2: memref<32x2x50048xi32, #tpu.memory_space<hbm>>, %arg3: memref<32x16xi32, #tpu.memory_space<hbm>>, %arg4: memref<50176x8xf32, #tpu.memory_space<hbm>>, %arg5: memref<50176xf32, #tpu.memory_space<hbm>>, %arg6: memref<16xf32, #tpu.memory_space<hbm>>, %arg7: memref<50176x8xf32, #tpu.memory_space<hbm>>, %arg8: memref<64xi32, #tpu.memory_space<vmem>>, %arg9: memref<64xi32, #tpu.memory_space<vmem>>, %arg10: memref<64xi32, #tpu.memory_space<vmem>>, %arg11: memref<64xi32, #tpu.memory_space<vmem>>, %arg12: memref<64xf32, #tpu.memory_space<vmem>>, %arg13: memref<64x8xf32, #tpu.memory_space<vmem>>, %arg14: memref<64xf32, #tpu.memory_space<vmem>>, %arg15: memref<64xf32, #tpu.memory_space<vmem>>, %arg16: memref<64x8xf32, #tpu.memory_space<vmem>>, %arg17: memref<16xf32, #tpu.memory_space<vmem>>, %arg18: memref<32x16xi32, #tpu.memory_space<vmem>>, %arg19: memref<25088x8xf32, #tpu.memory_space<vmem_shared>>, %arg20: memref<!tpu.dma_semaphore, #tpu.memory_space<semaphore_mem>>) attributes {dimension_semantics = [#tpu.dimension_semantics<core_parallel>, #tpu.dimension_semantics<subcore_parallel>], iteration_bounds = array<i64: 2, 16>, scalar_prefetch = 0 : i64, scratch_operands = 13 : i64, tpu.core_type = #tpu.core_type<sc_vector_subcore>, window_params = [{transform_indices = #map}, {transform_indices = #map1}, {transform_indices = #map1}, {transform_indices = #map2}, {transform_indices = #map2}, {transform_indices = #map1}]} {
    %iota3A = tpu.iota {dimensions = array<i32: 0>} : vector<16xi32>
    %shift_right_logical3A = arith.constant 3 : i32
    %shift_right_logical3A_0 = vector.broadcast %shift_right_logical3A : i32 to vector<16xi32>
    %shift_right_logical3A_1 = arith.shrui %iota3A, %shift_right_logical3A_0 : vector<16xi32>
    %and3A = arith.constant 7 : i32
    %and3A_2 = vector.broadcast %and3A : i32 to vector<16xi32>
    %and3A_3 = arith.andi %iota3A, %and3A_2 : vector<16xi32>
    %eq3A = arith.constant 7 : i32
    %eq3A_4 = vector.broadcast %eq3A : i32 to vector<16xi32>
    %eq3A_5 = arith.cmpi eq, %and3A_3, %eq3A_4 : vector<16xi32>
    %broadcast_in_dim3A = arith.constant 0.000000e+00 : f32
    %broadcast_in_dim3A_6 = vector.broadcast %broadcast_in_dim3A : f32 to vector<16xf32>
    "tpu.region"() ({
      %run_scoped3A = tpu.sem_alloc : memref<!tpu.dma_semaphore, #tpu.memory_space<semaphore_mem>>
      tpu.enqueue_dma source(%arg6 : memref<16xf32, #tpu.memory_space<hbm>>) target(%arg17 : memref<16xf32, #tpu.memory_space<vmem>>) target_semaphore(%run_scoped3A : memref<!tpu.dma_semaphore, #tpu.memory_space<semaphore_mem>>)
      tpu.wait_dma2 semaphore(%run_scoped3A : memref<!tpu.dma_semaphore, #tpu.memory_space<semaphore_mem>>) src(%arg6 : memref<16xf32, #tpu.memory_space<hbm>>) dst(%arg17 : memref<16xf32, #tpu.memory_space<vmem>>)
      tpu.yield
    }) : () -> ()
    "tpu.region"() ({
      %run_scoped3A = tpu.sem_alloc : memref<!tpu.dma_semaphore, #tpu.memory_space<semaphore_mem>>
      tpu.enqueue_dma source(%arg3 : memref<32x16xi32, #tpu.memory_space<hbm>>) target(%arg18 : memref<32x16xi32, #tpu.memory_space<vmem>>) target_semaphore(%run_scoped3A : memref<!tpu.dma_semaphore, #tpu.memory_space<semaphore_mem>>)
      tpu.wait_dma2 semaphore(%run_scoped3A : memref<!tpu.dma_semaphore, #tpu.memory_space<semaphore_mem>>) src(%arg3 : memref<32x16xi32, #tpu.memory_space<hbm>>) dst(%arg18 : memref<32x16xi32, #tpu.memory_space<vmem>>)
      tpu.yield
    }) : () -> ()
    %scan3A = arith.constant 0 : i32
    %scan3A_7 = arith.constant 0 : i32
    %scan3A_8 = arith.constant 32 : i32
    %scan3A_9 = arith.addi %scan3A_7, %scan3A_8 : i32
    %scan3A_10 = arith.constant 1 : i32
    %scan3A_11 = scf.for %scan3A_173 = %scan3A_7 to %scan3A_9 step %scan3A_10 iter_args(%scan3A_174 = %scan3A) -> (i32)  : i32 {
      %mul3A_175 = arith.constant 2 : i32
      %mul3A_176 = arith.muli %mul3A_175, %scan3A_173 : i32
      %add3A_177 = vector.broadcast %mul3A_176 : i32 to vector<16xi32>
      %add3A_178 = arith.addi %add3A_177, %shift_right_logical3A_1 : vector<16xi32>
      tpu.vector_store_idx %arg16[%add3A_178, %and3A_3], %broadcast_in_dim3A_6 : memref<64x8xf32, #tpu.memory_space<vmem>>[vector<16xi32>, vector<16xi32>], vector<16xf32>,
      %scan3A_179 = arith.constant 0 : i32
      scf.yield %scan3A_179 : i32
    }
    %scan3A_12 = arith.constant 32 : i32
    %mul3A = arith.constant 1568 : i32
    %mul3A_13 = arith.muli %arg1, %mul3A : i32
    %add3A = arith.constant 0 : i32
    %add3A_14 = arith.addi %mul3A_13, %add3A : i32
    "tpu.region"() ({
      %run_scoped3A = tpu.sem_alloc : memref<!tpu.dma_semaphore, #tpu.memory_space<semaphore_mem>>
      %dma_start3A = arith.constant 0 : i32
      %dma_start3A_173 = tpu.memref_slice %arg19[%add3A_14, %dma_start3A] : memref<25088x8xf32, #tpu.memory_space<vmem_shared>> -> memref<64x8xf32, #tpu.memory_space<vmem_shared>>
      %dma_start3A_174 = arith.constant 0 : i32
      %dma_start3A_175 = tpu.memref_slice %arg19[%add3A_14, %dma_start3A_174] : memref<25088x8xf32, #tpu.memory_space<vmem_shared>> -> memref<64x8xf32, #tpu.memory_space<vmem_shared>>
      tpu.enqueue_dma source(%arg16 : memref<64x8xf32, #tpu.memory_space<vmem>>) target(%dma_start3A_175 : memref<64x8xf32, #tpu.memory_space<vmem_shared>>) target_semaphore(%run_scoped3A : memref<!tpu.dma_semaphore, #tpu.memory_space<semaphore_mem>>)
      %dma_wait3A = arith.constant 0 : i32
      %dma_wait3A_176 = tpu.memref_slice %arg19[%add3A_14, %dma_wait3A] : memref<25088x8xf32, #tpu.memory_space<vmem_shared>> -> memref<64x8xf32, #tpu.memory_space<vmem_shared>>
      %dma_wait3A_177 = arith.constant 0 : i32
      %dma_wait3A_178 = tpu.memref_slice %arg19[%add3A_14, %dma_wait3A_177] : memref<25088x8xf32, #tpu.memory_space<vmem_shared>> -> memref<64x8xf32, #tpu.memory_space<vmem_shared>>
      tpu.wait_dma2 semaphore(%run_scoped3A : memref<!tpu.dma_semaphore, #tpu.memory_space<semaphore_mem>>) src(%arg16 : memref<64x8xf32, #tpu.memory_space<vmem>>) dst(%dma_wait3A_178 : memref<64x8xf32, #tpu.memory_space<vmem_shared>>)
      tpu.yield
    }) : () -> ()
    %add3A_15 = arith.constant 64 : i32
    %add3A_16 = arith.addi %mul3A_13, %add3A_15 : i32
    "tpu.region"() ({
      %run_scoped3A = tpu.sem_alloc : memref<!tpu.dma_semaphore, #tpu.memory_space<semaphore_mem>>
      %dma_start3A = arith.constant 0 : i32
      %dma_start3A_173 = tpu.memref_slice %arg19[%add3A_16, %dma_start3A] : memref<25088x8xf32, #tpu.memory_space<vmem_shared>> -> memref<64x8xf32, #tpu.memory_space<vmem_shared>>
      %dma_start3A_174 = arith.constant 0 : i32
      %dma_start3A_175 = tpu.memref_slice %arg19[%add3A_16, %dma_start3A_174] : memref<25088x8xf32, #tpu.memory_space<vmem_shared>> -> memref<64x8xf32, #tpu.memory_space<vmem_shared>>
      tpu.enqueue_dma source(%arg16 : memref<64x8xf32, #tpu.memory_space<vmem>>) target(%dma_start3A_175 : memref<64x8xf32, #tpu.memory_space<vmem_shared>>) target_semaphore(%run_scoped3A : memref<!tpu.dma_semaphore, #tpu.memory_space<semaphore_mem>>)
      %dma_wait3A = arith.constant 0 : i32
      %dma_wait3A_176 = tpu.memref_slice %arg19[%add3A_16, %dma_wait3A] : memref<25088x8xf32, #tpu.memory_space<vmem_shared>> -> memref<64x8xf32, #tpu.memory_space<vmem_shared>>
      %dma_wait3A_177 = arith.constant 0 : i32
      %dma_wait3A_178 = tpu.memref_slice %arg19[%add3A_16, %dma_wait3A_177] : memref<25088x8xf32, #tpu.memory_space<vmem_shared>> -> memref<64x8xf32, #tpu.memory_space<vmem_shared>>
      tpu.wait_dma2 semaphore(%run_scoped3A : memref<!tpu.dma_semaphore, #tpu.memory_space<semaphore_mem>>) src(%arg16 : memref<64x8xf32, #tpu.memory_space<vmem>>) dst(%dma_wait3A_178 : memref<64x8xf32, #tpu.memory_space<vmem_shared>>)
      tpu.yield
    }) : () -> ()
    %add3A_17 = arith.constant 128 : i32
    %add3A_18 = arith.addi %mul3A_13, %add3A_17 : i32
    "tpu.region"() ({
      %run_scoped3A = tpu.sem_alloc : memref<!tpu.dma_semaphore, #tpu.memory_space<semaphore_mem>>
      %dma_start3A = arith.constant 0 : i32
      %dma_start3A_173 = tpu.memref_slice %arg19[%add3A_18, %dma_start3A] : memref<25088x8xf32, #tpu.memory_space<vmem_shared>> -> memref<64x8xf32, #tpu.memory_space<vmem_shared>>
      %dma_start3A_174 = arith.constant 0 : i32
      %dma_start3A_175 = tpu.memref_slice %arg19[%add3A_18, %dma_start3A_174] : memref<25088x8xf32, #tpu.memory_space<vmem_shared>> -> memref<64x8xf32, #tpu.memory_space<vmem_shared>>
      tpu.enqueue_dma source(%arg16 : memref<64x8xf32, #tpu.memory_space<vmem>>) target(%dma_start3A_175 : memref<64x8xf32, #tpu.memory_space<vmem_shared>>) target_semaphore(%run_scoped3A : memref<!tpu.dma_semaphore, #tpu.memory_space<semaphore_mem>>)
      %dma_wait3A = arith.constant 0 : i32
      %dma_wait3A_176 = tpu.memref_slice %arg19[%add3A_18, %dma_wait3A] : memref<25088x8xf32, #tpu.memory_space<vmem_shared>> -> memref<64x8xf32, #tpu.memory_space<vmem_shared>>
      %dma_wait3A_177 = arith.constant 0 : i32
      %dma_wait3A_178 = tpu.memref_slice %arg19[%add3A_18, %dma_wait3A_177] : memref<25088x8xf32, #tpu.memory_space<vmem_shared>> -> memref<64x8xf32, #tpu.memory_space<vmem_shared>>
      tpu.wait_dma2 semaphore(%run_scoped3A : memref<!tpu.dma_semaphore, #tpu.memory_space<semaphore_mem>>) src(%arg16 : memref<64x8xf32, #tpu.memory_space<vmem>>) dst(%dma_wait3A_178 : memref<64x8xf32, #tpu.memory_space<vmem_shared>>)
      tpu.yield
    }) : () -> ()
    %add3A_19 = arith.constant 192 : i32
    %add3A_20 = arith.addi %mul3A_13, %add3A_19 : i32
    "tpu.region"() ({
      %run_scoped3A = tpu.sem_alloc : memref<!tpu.dma_semaphore, #tpu.memory_space<semaphore_mem>>
      %dma_start3A = arith.constant 0 : i32
      %dma_start3A_173 = tpu.memref_slice %arg19[%add3A_20, %dma_start3A] : memref<25088x8xf32, #tpu.memory_space<vmem_shared>> -> memref<64x8xf32, #tpu.memory_space<vmem_shared>>
      %dma_start3A_174 = arith.constant 0 : i32
      %dma_start3A_175 = tpu.memref_slice %arg19[%add3A_20, %dma_start3A_174] : memref<25088x8xf32, #tpu.memory_space<vmem_shared>> -> memref<64x8xf32, #tpu.memory_space<vmem_shared>>
      tpu.enqueue_dma source(%arg16 : memref<64x8xf32, #tpu.memory_space<vmem>>) target(%dma_start3A_175 : memref<64x8xf32, #tpu.memory_space<vmem_shared>>) target_semaphore(%run_scoped3A : memref<!tpu.dma_semaphore, #tpu.memory_space<semaphore_mem>>)
      %dma_wait3A = arith.constant 0 : i32
      %dma_wait3A_176 = tpu.memref_slice %arg19[%add3A_20, %dma_wait3A] : memref<25088x8xf32, #tpu.memory_space<vmem_shared>> -> memref<64x8xf32, #tpu.memory_space<vmem_shared>>
      %dma_wait3A_177 = arith.constant 0 : i32
      %dma_wait3A_178 = tpu.memref_slice %arg19[%add3A_20, %dma_wait3A_177] : memref<25088x8xf32, #tpu.memory_space<vmem_shared>> -> memref<64x8xf32, #tpu.memory_space<vmem_shared>>
      tpu.wait_dma2 semaphore(%run_scoped3A : memref<!tpu.dma_semaphore, #tpu.memory_space<semaphore_mem>>) src(%arg16 : memref<64x8xf32, #tpu.memory_space<vmem>>) dst(%dma_wait3A_178 : memref<64x8xf32, #tpu.memory_space<vmem_shared>>)
      tpu.yield
    }) : () -> ()
    %add3A_21 = arith.constant 256 : i32
    %add3A_22 = arith.addi %mul3A_13, %add3A_21 : i32
    "tpu.region"() ({
      %run_scoped3A = tpu.sem_alloc : memref<!tpu.dma_semaphore, #tpu.memory_space<semaphore_mem>>
      %dma_start3A = arith.constant 0 : i32
      %dma_start3A_173 = tpu.memref_slice %arg19[%add3A_22, %dma_start3A] : memref<25088x8xf32, #tpu.memory_space<vmem_shared>> -> memref<64x8xf32, #tpu.memory_space<vmem_shared>>
      %dma_start3A_174 = arith.constant 0 : i32
      %dma_start3A_175 = tpu.memref_slice %arg19[%add3A_22, %dma_start3A_174] : memref<25088x8xf32, #tpu.memory_space<vmem_shared>> -> memref<64x8xf32, #tpu.memory_space<vmem_shared>>
      tpu.enqueue_dma source(%arg16 : memref<64x8xf32, #tpu.memory_space<vmem>>) target(%dma_start3A_175 : memref<64x8xf32, #tpu.memory_space<vmem_shared>>) target_semaphore(%run_scoped3A : memref<!tpu.dma_semaphore, #tpu.memory_space<semaphore_mem>>)
      %dma_wait3A = arith.constant 0 : i32
      %dma_wait3A_176 = tpu.memref_slice %arg19[%add3A_22, %dma_wait3A] : memref<25088x8xf32, #tpu.memory_space<vmem_shared>> -> memref<64x8xf32, #tpu.memory_space<vmem_shared>>
      %dma_wait3A_177 = arith.constant 0 : i32
      %dma_wait3A_178 = tpu.memref_slice %arg19[%add3A_22, %dma_wait3A_177] : memref<25088x8xf32, #tpu.memory_space<vmem_shared>> -> memref<64x8xf32, #tpu.memory_space<vmem_shared>>
      tpu.wait_dma2 semaphore(%run_scoped3A : memref<!tpu.dma_semaphore, #tpu.memory_space<semaphore_mem>>) src(%arg16 : memref<64x8xf32, #tpu.memory_space<vmem>>) dst(%dma_wait3A_178 : memref<64x8xf32, #tpu.memory_space<vmem_shared>>)
      tpu.yield
    }) : () -> ()
    %add3A_23 = arith.constant 320 : i32
    %add3A_24 = arith.addi %mul3A_13, %add3A_23 : i32
    "tpu.region"() ({
      %run_scoped3A = tpu.sem_alloc : memref<!tpu.dma_semaphore, #tpu.memory_space<semaphore_mem>>
      %dma_start3A = arith.constant 0 : i32
      %dma_start3A_173 = tpu.memref_slice %arg19[%add3A_24, %dma_start3A] : memref<25088x8xf32, #tpu.memory_space<vmem_shared>> -> memref<64x8xf32, #tpu.memory_space<vmem_shared>>
      %dma_start3A_174 = arith.constant 0 : i32
      %dma_start3A_175 = tpu.memref_slice %arg19[%add3A_24, %dma_start3A_174] : memref<25088x8xf32, #tpu.memory_space<vmem_shared>> -> memref<64x8xf32, #tpu.memory_space<vmem_shared>>
      tpu.enqueue_dma source(%arg16 : memref<64x8xf32, #tpu.memory_space<vmem>>) target(%dma_start3A_175 : memref<64x8xf32, #tpu.memory_space<vmem_shared>>) target_semaphore(%run_scoped3A : memref<!tpu.dma_semaphore, #tpu.memory_space<semaphore_mem>>)
      %dma_wait3A = arith.constant 0 : i32
      %dma_wait3A_176 = tpu.memref_slice %arg19[%add3A_24, %dma_wait3A] : memref<25088x8xf32, #tpu.memory_space<vmem_shared>> -> memref<64x8xf32, #tpu.memory_space<vmem_shared>>
      %dma_wait3A_177 = arith.constant 0 : i32
      %dma_wait3A_178 = tpu.memref_slice %arg19[%add3A_24, %dma_wait3A_177] : memref<25088x8xf32, #tpu.memory_space<vmem_shared>> -> memref<64x8xf32, #tpu.memory_space<vmem_shared>>
      tpu.wait_dma2 semaphore(%run_scoped3A : memref<!tpu.dma_semaphore, #tpu.memory_space<semaphore_mem>>) src(%arg16 : memref<64x8xf32, #tpu.memory_space<vmem>>) dst(%dma_wait3A_178 : memref<64x8xf32, #tpu.memory_space<vmem_shared>>)
      tpu.yield
    }) : () -> ()
    %add3A_25 = arith.constant 384 : i32
    %add3A_26 = arith.addi %mul3A_13, %add3A_25 : i32
    "tpu.region"() ({
      %run_scoped3A = tpu.sem_alloc : memref<!tpu.dma_semaphore, #tpu.memory_space<semaphore_mem>>
      %dma_start3A = arith.constant 0 : i32
      %dma_start3A_173 = tpu.memref_slice %arg19[%add3A_26, %dma_start3A] : memref<25088x8xf32, #tpu.memory_space<vmem_shared>> -> memref<64x8xf32, #tpu.memory_space<vmem_shared>>
      %dma_start3A_174 = arith.constant 0 : i32
      %dma_start3A_175 = tpu.memref_slice %arg19[%add3A_26, %dma_start3A_174] : memref<25088x8xf32, #tpu.memory_space<vmem_shared>> -> memref<64x8xf32, #tpu.memory_space<vmem_shared>>
      tpu.enqueue_dma source(%arg16 : memref<64x8xf32, #tpu.memory_space<vmem>>) target(%dma_start3A_175 : memref<64x8xf32, #tpu.memory_space<vmem_shared>>) target_semaphore(%run_scoped3A : memref<!tpu.dma_semaphore, #tpu.memory_space<semaphore_mem>>)
      %dma_wait3A = arith.constant 0 : i32
      %dma_wait3A_176 = tpu.memref_slice %arg19[%add3A_26, %dma_wait3A] : memref<25088x8xf32, #tpu.memory_space<vmem_shared>> -> memref<64x8xf32, #tpu.memory_space<vmem_shared>>
      %dma_wait3A_177 = arith.constant 0 : i32
      %dma_wait3A_178 = tpu.memref_slice %arg19[%add3A_26, %dma_wait3A_177] : memref<25088x8xf32, #tpu.memory_space<vmem_shared>> -> memref<64x8xf32, #tpu.memory_space<vmem_shared>>
      tpu.wait_dma2 semaphore(%run_scoped3A : memref<!tpu.dma_semaphore, #tpu.memory_space<semaphore_mem>>) src(%arg16 : memref<64x8xf32, #tpu.memory_space<vmem>>) dst(%dma_wait3A_178 : memref<64x8xf32, #tpu.memory_space<vmem_shared>>)
      tpu.yield
    }) : () -> ()
    %add3A_27 = arith.constant 448 : i32
    %add3A_28 = arith.addi %mul3A_13, %add3A_27 : i32
    "tpu.region"() ({
      %run_scoped3A = tpu.sem_alloc : memref<!tpu.dma_semaphore, #tpu.memory_space<semaphore_mem>>
      %dma_start3A = arith.constant 0 : i32
      %dma_start3A_173 = tpu.memref_slice %arg19[%add3A_28, %dma_start3A] : memref<25088x8xf32, #tpu.memory_space<vmem_shared>> -> memref<64x8xf32, #tpu.memory_space<vmem_shared>>
      %dma_start3A_174 = arith.constant 0 : i32
      %dma_start3A_175 = tpu.memref_slice %arg19[%add3A_28, %dma_start3A_174] : memref<25088x8xf32, #tpu.memory_space<vmem_shared>> -> memref<64x8xf32, #tpu.memory_space<vmem_shared>>
      tpu.enqueue_dma source(%arg16 : memref<64x8xf32, #tpu.memory_space<vmem>>) target(%dma_start3A_175 : memref<64x8xf32, #tpu.memory_space<vmem_shared>>) target_semaphore(%run_scoped3A : memref<!tpu.dma_semaphore, #tpu.memory_space<semaphore_mem>>)
      %dma_wait3A = arith.constant 0 : i32
      %dma_wait3A_176 = tpu.memref_slice %arg19[%add3A_28, %dma_wait3A] : memref<25088x8xf32, #tpu.memory_space<vmem_shared>> -> memref<64x8xf32, #tpu.memory_space<vmem_shared>>
      %dma_wait3A_177 = arith.constant 0 : i32
      %dma_wait3A_178 = tpu.memref_slice %arg19[%add3A_28, %dma_wait3A_177] : memref<25088x8xf32, #tpu.memory_space<vmem_shared>> -> memref<64x8xf32, #tpu.memory_space<vmem_shared>>
      tpu.wait_dma2 semaphore(%run_scoped3A : memref<!tpu.dma_semaphore, #tpu.memory_space<semaphore_mem>>) src(%arg16 : memref<64x8xf32, #tpu.memory_space<vmem>>) dst(%dma_wait3A_178 : memref<64x8xf32, #tpu.memory_space<vmem_shared>>)
      tpu.yield
    }) : () -> ()
    %add3A_29 = arith.constant 512 : i32
    %add3A_30 = arith.addi %mul3A_13, %add3A_29 : i32
    "tpu.region"() ({
      %run_scoped3A = tpu.sem_alloc : memref<!tpu.dma_semaphore, #tpu.memory_space<semaphore_mem>>
      %dma_start3A = arith.constant 0 : i32
      %dma_start3A_173 = tpu.memref_slice %arg19[%add3A_30, %dma_start3A] : memref<25088x8xf32, #tpu.memory_space<vmem_shared>> -> memref<64x8xf32, #tpu.memory_space<vmem_shared>>
      %dma_start3A_174 = arith.constant 0 : i32
      %dma_start3A_175 = tpu.memref_slice %arg19[%add3A_30, %dma_start3A_174] : memref<25088x8xf32, #tpu.memory_space<vmem_shared>> -> memref<64x8xf32, #tpu.memory_space<vmem_shared>>
      tpu.enqueue_dma source(%arg16 : memref<64x8xf32, #tpu.memory_space<vmem>>) target(%dma_start3A_175 : memref<64x8xf32, #tpu.memory_space<vmem_shared>>) target_semaphore(%run_scoped3A : memref<!tpu.dma_semaphore, #tpu.memory_space<semaphore_mem>>)
      %dma_wait3A = arith.constant 0 : i32
      %dma_wait3A_176 = tpu.memref_slice %arg19[%add3A_30, %dma_wait3A] : memref<25088x8xf32, #tpu.memory_space<vmem_shared>> -> memref<64x8xf32, #tpu.memory_space<vmem_shared>>
      %dma_wait3A_177 = arith.constant 0 : i32
      %dma_wait3A_178 = tpu.memref_slice %arg19[%add3A_30, %dma_wait3A_177] : memref<25088x8xf32, #tpu.memory_space<vmem_shared>> -> memref<64x8xf32, #tpu.memory_space<vmem_shared>>
      tpu.wait_dma2 semaphore(%run_scoped3A : memref<!tpu.dma_semaphore, #tpu.memory_space<semaphore_mem>>) src(%arg16 : memref<64x8xf32, #tpu.memory_space<vmem>>) dst(%dma_wait3A_178 : memref<64x8xf32, #tpu.memory_space<vmem_shared>>)
      tpu.yield
    }) : () -> ()
    %add3A_31 = arith.constant 576 : i32
    %add3A_32 = arith.addi %mul3A_13, %add3A_31 : i32
    "tpu.region"() ({
      %run_scoped3A = tpu.sem_alloc : memref<!tpu.dma_semaphore, #tpu.memory_space<semaphore_mem>>
      %dma_start3A = arith.constant 0 : i32
      %dma_start3A_173 = tpu.memref_slice %arg19[%add3A_32, %dma_start3A] : memref<25088x8xf32, #tpu.memory_space<vmem_shared>> -> memref<64x8xf32, #tpu.memory_space<vmem_shared>>
      %dma_start3A_174 = arith.constant 0 : i32
      %dma_start3A_175 = tpu.memref_slice %arg19[%add3A_32, %dma_start3A_174] : memref<25088x8xf32, #tpu.memory_space<vmem_shared>> -> memref<64x8xf32, #tpu.memory_space<vmem_shared>>
      tpu.enqueue_dma source(%arg16 : memref<64x8xf32, #tpu.memory_space<vmem>>) target(%dma_start3A_175 : memref<64x8xf32, #tpu.memory_space<vmem_shared>>) target_semaphore(%run_scoped3A : memref<!tpu.dma_semaphore, #tpu.memory_space<semaphore_mem>>)
      %dma_wait3A = arith.constant 0 : i32
      %dma_wait3A_176 = tpu.memref_slice %arg19[%add3A_32, %dma_wait3A] : memref<25088x8xf32, #tpu.memory_space<vmem_shared>> -> memref<64x8xf32, #tpu.memory_space<vmem_shared>>
      %dma_wait3A_177 = arith.constant 0 : i32
      %dma_wait3A_178 = tpu.memref_slice %arg19[%add3A_32, %dma_wait3A_177] : memref<25088x8xf32, #tpu.memory_space<vmem_shared>> -> memref<64x8xf32, #tpu.memory_space<vmem_shared>>
      tpu.wait_dma2 semaphore(%run_scoped3A : memref<!tpu.dma_semaphore, #tpu.memory_space<semaphore_mem>>) src(%arg16 : memref<64x8xf32, #tpu.memory_space<vmem>>) dst(%dma_wait3A_178 : memref<64x8xf32, #tpu.memory_space<vmem_shared>>)
      tpu.yield
    }) : () -> ()
    %add3A_33 = arith.constant 640 : i32
    %add3A_34 = arith.addi %mul3A_13, %add3A_33 : i32
    "tpu.region"() ({
      %run_scoped3A = tpu.sem_alloc : memref<!tpu.dma_semaphore, #tpu.memory_space<semaphore_mem>>
      %dma_start3A = arith.constant 0 : i32
      %dma_start3A_173 = tpu.memref_slice %arg19[%add3A_34, %dma_start3A] : memref<25088x8xf32, #tpu.memory_space<vmem_shared>> -> memref<64x8xf32, #tpu.memory_space<vmem_shared>>
      %dma_start3A_174 = arith.constant 0 : i32
      %dma_start3A_175 = tpu.memref_slice %arg19[%add3A_34, %dma_start3A_174] : memref<25088x8xf32, #tpu.memory_space<vmem_shared>> -> memref<64x8xf32, #tpu.memory_space<vmem_shared>>
      tpu.enqueue_dma source(%arg16 : memref<64x8xf32, #tpu.memory_space<vmem>>) target(%dma_start3A_175 : memref<64x8xf32, #tpu.memory_space<vmem_shared>>) target_semaphore(%run_scoped3A : memref<!tpu.dma_semaphore, #tpu.memory_space<semaphore_mem>>)
      %dma_wait3A = arith.constant 0 : i32
      %dma_wait3A_176 = tpu.memref_slice %arg19[%add3A_34, %dma_wait3A] : memref<25088x8xf32, #tpu.memory_space<vmem_shared>> -> memref<64x8xf32, #tpu.memory_space<vmem_shared>>
      %dma_wait3A_177 = arith.constant 0 : i32
      %dma_wait3A_178 = tpu.memref_slice %arg19[%add3A_34, %dma_wait3A_177] : memref<25088x8xf32, #tpu.memory_space<vmem_shared>> -> memref<64x8xf32, #tpu.memory_space<vmem_shared>>
      tpu.wait_dma2 semaphore(%run_scoped3A : memref<!tpu.dma_semaphore, #tpu.memory_space<semaphore_mem>>) src(%arg16 : memref<64x8xf32, #tpu.memory_space<vmem>>) dst(%dma_wait3A_178 : memref<64x8xf32, #tpu.memory_space<vmem_shared>>)
      tpu.yield
    }) : () -> ()
    %add3A_35 = arith.constant 704 : i32
    %add3A_36 = arith.addi %mul3A_13, %add3A_35 : i32
    "tpu.region"() ({
      %run_scoped3A = tpu.sem_alloc : memref<!tpu.dma_semaphore, #tpu.memory_space<semaphore_mem>>
      %dma_start3A = arith.constant 0 : i32
      %dma_start3A_173 = tpu.memref_slice %arg19[%add3A_36, %dma_start3A] : memref<25088x8xf32, #tpu.memory_space<vmem_shared>> -> memref<64x8xf32, #tpu.memory_space<vmem_shared>>
      %dma_start3A_174 = arith.constant 0 : i32
      %dma_start3A_175 = tpu.memref_slice %arg19[%add3A_36, %dma_start3A_174] : memref<25088x8xf32, #tpu.memory_space<vmem_shared>> -> memref<64x8xf32, #tpu.memory_space<vmem_shared>>
      tpu.enqueue_dma source(%arg16 : memref<64x8xf32, #tpu.memory_space<vmem>>) target(%dma_start3A_175 : memref<64x8xf32, #tpu.memory_space<vmem_shared>>) target_semaphore(%run_scoped3A : memref<!tpu.dma_semaphore, #tpu.memory_space<semaphore_mem>>)
      %dma_wait3A = arith.constant 0 : i32
      %dma_wait3A_176 = tpu.memref_slice %arg19[%add3A_36, %dma_wait3A] : memref<25088x8xf32, #tpu.memory_space<vmem_shared>> -> memref<64x8xf32, #tpu.memory_space<vmem_shared>>
      %dma_wait3A_177 = arith.constant 0 : i32
      %dma_wait3A_178 = tpu.memref_slice %arg19[%add3A_36, %dma_wait3A_177] : memref<25088x8xf32, #tpu.memory_space<vmem_shared>> -> memref<64x8xf32, #tpu.memory_space<vmem_shared>>
      tpu.wait_dma2 semaphore(%run_scoped3A : memref<!tpu.dma_semaphore, #tpu.memory_space<semaphore_mem>>) src(%arg16 : memref<64x8xf32, #tpu.memory_space<vmem>>) dst(%dma_wait3A_178 : memref<64x8xf32, #tpu.memory_space<vmem_shared>>)
      tpu.yield
    }) : () -> ()
    %add3A_37 = arith.constant 768 : i32
    %add3A_38 = arith.addi %mul3A_13, %add3A_37 : i32
    "tpu.region"() ({
      %run_scoped3A = tpu.sem_alloc : memref<!tpu.dma_semaphore, #tpu.memory_space<semaphore_mem>>
      %dma_start3A = arith.constant 0 : i32
      %dma_start3A_173 = tpu.memref_slice %arg19[%add3A_38, %dma_start3A] : memref<25088x8xf32, #tpu.memory_space<vmem_shared>> -> memref<64x8xf32, #tpu.memory_space<vmem_shared>>
      %dma_start3A_174 = arith.constant 0 : i32
      %dma_start3A_175 = tpu.memref_slice %arg19[%add3A_38, %dma_start3A_174] : memref<25088x8xf32, #tpu.memory_space<vmem_shared>> -> memref<64x8xf32, #tpu.memory_space<vmem_shared>>
      tpu.enqueue_dma source(%arg16 : memref<64x8xf32, #tpu.memory_space<vmem>>) target(%dma_start3A_175 : memref<64x8xf32, #tpu.memory_space<vmem_shared>>) target_semaphore(%run_scoped3A : memref<!tpu.dma_semaphore, #tpu.memory_space<semaphore_mem>>)
      %dma_wait3A = arith.constant 0 : i32
      %dma_wait3A_176 = tpu.memref_slice %arg19[%add3A_38, %dma_wait3A] : memref<25088x8xf32, #tpu.memory_space<vmem_shared>> -> memref<64x8xf32, #tpu.memory_space<vmem_shared>>
      %dma_wait3A_177 = arith.constant 0 : i32
      %dma_wait3A_178 = tpu.memref_slice %arg19[%add3A_38, %dma_wait3A_177] : memref<25088x8xf32, #tpu.memory_space<vmem_shared>> -> memref<64x8xf32, #tpu.memory_space<vmem_shared>>
      tpu.wait_dma2 semaphore(%run_scoped3A : memref<!tpu.dma_semaphore, #tpu.memory_space<semaphore_mem>>) src(%arg16 : memref<64x8xf32, #tpu.memory_space<vmem>>) dst(%dma_wait3A_178 : memref<64x8xf32, #tpu.memory_space<vmem_shared>>)
      tpu.yield
    }) : () -> ()
    %add3A_39 = arith.constant 832 : i32
    %add3A_40 = arith.addi %mul3A_13, %add3A_39 : i32
    "tpu.region"() ({
      %run_scoped3A = tpu.sem_alloc : memref<!tpu.dma_semaphore, #tpu.memory_space<semaphore_mem>>
      %dma_start3A = arith.constant 0 : i32
      %dma_start3A_173 = tpu.memref_slice %arg19[%add3A_40, %dma_start3A] : memref<25088x8xf32, #tpu.memory_space<vmem_shared>> -> memref<64x8xf32, #tpu.memory_space<vmem_shared>>
      %dma_start3A_174 = arith.constant 0 : i32
      %dma_start3A_175 = tpu.memref_slice %arg19[%add3A_40, %dma_start3A_174] : memref<25088x8xf32, #tpu.memory_space<vmem_shared>> -> memref<64x8xf32, #tpu.memory_space<vmem_shared>>
      tpu.enqueue_dma source(%arg16 : memref<64x8xf32, #tpu.memory_space<vmem>>) target(%dma_start3A_175 : memref<64x8xf32, #tpu.memory_space<vmem_shared>>) target_semaphore(%run_scoped3A : memref<!tpu.dma_semaphore, #tpu.memory_space<semaphore_mem>>)
      %dma_wait3A = arith.constant 0 : i32
      %dma_wait3A_176 = tpu.memref_slice %arg19[%add3A_40, %dma_wait3A] : memref<25088x8xf32, #tpu.memory_space<vmem_shared>> -> memref<64x8xf32, #tpu.memory_space<vmem_shared>>
      %dma_wait3A_177 = arith.constant 0 : i32
      %dma_wait3A_178 = tpu.memref_slice %arg19[%add3A_40, %dma_wait3A_177] : memref<25088x8xf32, #tpu.memory_space<vmem_shared>> -> memref<64x8xf32, #tpu.memory_space<vmem_shared>>
      tpu.wait_dma2 semaphore(%run_scoped3A : memref<!tpu.dma_semaphore, #tpu.memory_space<semaphore_mem>>) src(%arg16 : memref<64x8xf32, #tpu.memory_space<vmem>>) dst(%dma_wait3A_178 : memref<64x8xf32, #tpu.memory_space<vmem_shared>>)
      tpu.yield
    }) : () -> ()
    %add3A_41 = arith.constant 896 : i32
    %add3A_42 = arith.addi %mul3A_13, %add3A_41 : i32
    "tpu.region"() ({
      %run_scoped3A = tpu.sem_alloc : memref<!tpu.dma_semaphore, #tpu.memory_space<semaphore_mem>>
      %dma_start3A = arith.constant 0 : i32
      %dma_start3A_173 = tpu.memref_slice %arg19[%add3A_42, %dma_start3A] : memref<25088x8xf32, #tpu.memory_space<vmem_shared>> -> memref<64x8xf32, #tpu.memory_space<vmem_shared>>
      %dma_start3A_174 = arith.constant 0 : i32
      %dma_start3A_175 = tpu.memref_slice %arg19[%add3A_42, %dma_start3A_174] : memref<25088x8xf32, #tpu.memory_space<vmem_shared>> -> memref<64x8xf32, #tpu.memory_space<vmem_shared>>
      tpu.enqueue_dma source(%arg16 : memref<64x8xf32, #tpu.memory_space<vmem>>) target(%dma_start3A_175 : memref<64x8xf32, #tpu.memory_space<vmem_shared>>) target_semaphore(%run_scoped3A : memref<!tpu.dma_semaphore, #tpu.memory_space<semaphore_mem>>)
      %dma_wait3A = arith.constant 0 : i32
      %dma_wait3A_176 = tpu.memref_slice %arg19[%add3A_42, %dma_wait3A] : memref<25088x8xf32, #tpu.memory_space<vmem_shared>> -> memref<64x8xf32, #tpu.memory_space<vmem_shared>>
      %dma_wait3A_177 = arith.constant 0 : i32
      %dma_wait3A_178 = tpu.memref_slice %arg19[%add3A_42, %dma_wait3A_177] : memref<25088x8xf32, #tpu.memory_space<vmem_shared>> -> memref<64x8xf32, #tpu.memory_space<vmem_shared>>
      tpu.wait_dma2 semaphore(%run_scoped3A : memref<!tpu.dma_semaphore, #tpu.memory_space<semaphore_mem>>) src(%arg16 : memref<64x8xf32, #tpu.memory_space<vmem>>) dst(%dma_wait3A_178 : memref<64x8xf32, #tpu.memory_space<vmem_shared>>)
      tpu.yield
    }) : () -> ()
    %add3A_43 = arith.constant 960 : i32
    %add3A_44 = arith.addi %mul3A_13, %add3A_43 : i32
    "tpu.region"() ({
      %run_scoped3A = tpu.sem_alloc : memref<!tpu.dma_semaphore, #tpu.memory_space<semaphore_mem>>
      %dma_start3A = arith.constant 0 : i32
      %dma_start3A_173 = tpu.memref_slice %arg19[%add3A_44, %dma_start3A] : memref<25088x8xf32, #tpu.memory_space<vmem_shared>> -> memref<64x8xf32, #tpu.memory_space<vmem_shared>>
      %dma_start3A_174 = arith.constant 0 : i32
      %dma_start3A_175 = tpu.memref_slice %arg19[%add3A_44, %dma_start3A_174] : memref<25088x8xf32, #tpu.memory_space<vmem_shared>> -> memref<64x8xf32, #tpu.memory_space<vmem_shared>>
      tpu.enqueue_dma source(%arg16 : memref<64x8xf32, #tpu.memory_space<vmem>>) target(%dma_start3A_175 : memref<64x8xf32, #tpu.memory_space<vmem_shared>>) target_semaphore(%run_scoped3A : memref<!tpu.dma_semaphore, #tpu.memory_space<semaphore_mem>>)
      %dma_wait3A = arith.constant 0 : i32
      %dma_wait3A_176 = tpu.memref_slice %arg19[%add3A_44, %dma_wait3A] : memref<25088x8xf32, #tpu.memory_space<vmem_shared>> -> memref<64x8xf32, #tpu.memory_space<vmem_shared>>
      %dma_wait3A_177 = arith.constant 0 : i32
      %dma_wait3A_178 = tpu.memref_slice %arg19[%add3A_44, %dma_wait3A_177] : memref<25088x8xf32, #tpu.memory_space<vmem_shared>> -> memref<64x8xf32, #tpu.memory_space<vmem_shared>>
      tpu.wait_dma2 semaphore(%run_scoped3A : memref<!tpu.dma_semaphore, #tpu.memory_space<semaphore_mem>>) src(%arg16 : memref<64x8xf32, #tpu.memory_space<vmem>>) dst(%dma_wait3A_178 : memref<64x8xf32, #tpu.memory_space<vmem_shared>>)
      tpu.yield
    }) : () -> ()
    %add3A_45 = arith.constant 1024 : i32
    %add3A_46 = arith.addi %mul3A_13, %add3A_45 : i32
    "tpu.region"() ({
      %run_scoped3A = tpu.sem_alloc : memref<!tpu.dma_semaphore, #tpu.memory_space<semaphore_mem>>
      %dma_start3A = arith.constant 0 : i32
      %dma_start3A_173 = tpu.memref_slice %arg19[%add3A_46, %dma_start3A] : memref<25088x8xf32, #tpu.memory_space<vmem_shared>> -> memref<64x8xf32, #tpu.memory_space<vmem_shared>>
      %dma_start3A_174 = arith.constant 0 : i32
      %dma_start3A_175 = tpu.memref_slice %arg19[%add3A_46, %dma_start3A_174] : memref<25088x8xf32, #tpu.memory_space<vmem_shared>> -> memref<64x8xf32, #tpu.memory_space<vmem_shared>>
      tpu.enqueue_dma source(%arg16 : memref<64x8xf32, #tpu.memory_space<vmem>>) target(%dma_start3A_175 : memref<64x8xf32, #tpu.memory_space<vmem_shared>>) target_semaphore(%run_scoped3A : memref<!tpu.dma_semaphore, #tpu.memory_space<semaphore_mem>>)
      %dma_wait3A = arith.constant 0 : i32
      %dma_wait3A_176 = tpu.memref_slice %arg19[%add3A_46, %dma_wait3A] : memref<25088x8xf32, #tpu.memory_space<vmem_shared>> -> memref<64x8xf32, #tpu.memory_space<vmem_shared>>
      %dma_wait3A_177 = arith.constant 0 : i32
      %dma_wait3A_178 = tpu.memref_slice %arg19[%add3A_46, %dma_wait3A_177] : memref<25088x8xf32, #tpu.memory_space<vmem_shared>> -> memref<64x8xf32, #tpu.memory_space<vmem_shared>>
      tpu.wait_dma2 semaphore(%run_scoped3A : memref<!tpu.dma_semaphore, #tpu.memory_space<semaphore_mem>>) src(%arg16 : memref<64x8xf32, #tpu.memory_space<vmem>>) dst(%dma_wait3A_178 : memref<64x8xf32, #tpu.memory_space<vmem_shared>>)
      tpu.yield
    }) : () -> ()
    %add3A_47 = arith.constant 1088 : i32
    %add3A_48 = arith.addi %mul3A_13, %add3A_47 : i32
    "tpu.region"() ({
      %run_scoped3A = tpu.sem_alloc : memref<!tpu.dma_semaphore, #tpu.memory_space<semaphore_mem>>
      %dma_start3A = arith.constant 0 : i32
      %dma_start3A_173 = tpu.memref_slice %arg19[%add3A_48, %dma_start3A] : memref<25088x8xf32, #tpu.memory_space<vmem_shared>> -> memref<64x8xf32, #tpu.memory_space<vmem_shared>>
      %dma_start3A_174 = arith.constant 0 : i32
      %dma_start3A_175 = tpu.memref_slice %arg19[%add3A_48, %dma_start3A_174] : memref<25088x8xf32, #tpu.memory_space<vmem_shared>> -> memref<64x8xf32, #tpu.memory_space<vmem_shared>>
      tpu.enqueue_dma source(%arg16 : memref<64x8xf32, #tpu.memory_space<vmem>>) target(%dma_start3A_175 : memref<64x8xf32, #tpu.memory_space<vmem_shared>>) target_semaphore(%run_scoped3A : memref<!tpu.dma_semaphore, #tpu.memory_space<semaphore_mem>>)
      %dma_wait3A = arith.constant 0 : i32
      %dma_wait3A_176 = tpu.memref_slice %arg19[%add3A_48, %dma_wait3A] : memref<25088x8xf32, #tpu.memory_space<vmem_shared>> -> memref<64x8xf32, #tpu.memory_space<vmem_shared>>
      %dma_wait3A_177 = arith.constant 0 : i32
      %dma_wait3A_178 = tpu.memref_slice %arg19[%add3A_48, %dma_wait3A_177] : memref<25088x8xf32, #tpu.memory_space<vmem_shared>> -> memref<64x8xf32, #tpu.memory_space<vmem_shared>>
      tpu.wait_dma2 semaphore(%run_scoped3A : memref<!tpu.dma_semaphore, #tpu.memory_space<semaphore_mem>>) src(%arg16 : memref<64x8xf32, #tpu.memory_space<vmem>>) dst(%dma_wait3A_178 : memref<64x8xf32, #tpu.memory_space<vmem_shared>>)
      tpu.yield
    }) : () -> ()
    %add3A_49 = arith.constant 1152 : i32
    %add3A_50 = arith.addi %mul3A_13, %add3A_49 : i32
    "tpu.region"() ({
      %run_scoped3A = tpu.sem_alloc : memref<!tpu.dma_semaphore, #tpu.memory_space<semaphore_mem>>
      %dma_start3A = arith.constant 0 : i32
      %dma_start3A_173 = tpu.memref_slice %arg19[%add3A_50, %dma_start3A] : memref<25088x8xf32, #tpu.memory_space<vmem_shared>> -> memref<64x8xf32, #tpu.memory_space<vmem_shared>>
      %dma_start3A_174 = arith.constant 0 : i32
      %dma_start3A_175 = tpu.memref_slice %arg19[%add3A_50, %dma_start3A_174] : memref<25088x8xf32, #tpu.memory_space<vmem_shared>> -> memref<64x8xf32, #tpu.memory_space<vmem_shared>>
      tpu.enqueue_dma source(%arg16 : memref<64x8xf32, #tpu.memory_space<vmem>>) target(%dma_start3A_175 : memref<64x8xf32, #tpu.memory_space<vmem_shared>>) target_semaphore(%run_scoped3A : memref<!tpu.dma_semaphore, #tpu.memory_space<semaphore_mem>>)
      %dma_wait3A = arith.constant 0 : i32
      %dma_wait3A_176 = tpu.memref_slice %arg19[%add3A_50, %dma_wait3A] : memref<25088x8xf32, #tpu.memory_space<vmem_shared>> -> memref<64x8xf32, #tpu.memory_space<vmem_shared>>
      %dma_wait3A_177 = arith.constant 0 : i32
      %dma_wait3A_178 = tpu.memref_slice %arg19[%add3A_50, %dma_wait3A_177] : memref<25088x8xf32, #tpu.memory_space<vmem_shared>> -> memref<64x8xf32, #tpu.memory_space<vmem_shared>>
      tpu.wait_dma2 semaphore(%run_scoped3A : memref<!tpu.dma_semaphore, #tpu.memory_space<semaphore_mem>>) src(%arg16 : memref<64x8xf32, #tpu.memory_space<vmem>>) dst(%dma_wait3A_178 : memref<64x8xf32, #tpu.memory_space<vmem_shared>>)
      tpu.yield
    }) : () -> ()
    %add3A_51 = arith.constant 1216 : i32
    %add3A_52 = arith.addi %mul3A_13, %add3A_51 : i32
    "tpu.region"() ({
      %run_scoped3A = tpu.sem_alloc : memref<!tpu.dma_semaphore, #tpu.memory_space<semaphore_mem>>
      %dma_start3A = arith.constant 0 : i32
      %dma_start3A_173 = tpu.memref_slice %arg19[%add3A_52, %dma_start3A] : memref<25088x8xf32, #tpu.memory_space<vmem_shared>> -> memref<64x8xf32, #tpu.memory_space<vmem_shared>>
      %dma_start3A_174 = arith.constant 0 : i32
      %dma_start3A_175 = tpu.memref_slice %arg19[%add3A_52, %dma_start3A_174] : memref<25088x8xf32, #tpu.memory_space<vmem_shared>> -> memref<64x8xf32, #tpu.memory_space<vmem_shared>>
      tpu.enqueue_dma source(%arg16 : memref<64x8xf32, #tpu.memory_space<vmem>>) target(%dma_start3A_175 : memref<64x8xf32, #tpu.memory_space<vmem_shared>>) target_semaphore(%run_scoped3A : memref<!tpu.dma_semaphore, #tpu.memory_space<semaphore_mem>>)
      %dma_wait3A = arith.constant 0 : i32
      %dma_wait3A_176 = tpu.memref_slice %arg19[%add3A_52, %dma_wait3A] : memref<25088x8xf32, #tpu.memory_space<vmem_shared>> -> memref<64x8xf32, #tpu.memory_space<vmem_shared>>
      %dma_wait3A_177 = arith.constant 0 : i32
      %dma_wait3A_178 = tpu.memref_slice %arg19[%add3A_52, %dma_wait3A_177] : memref<25088x8xf32, #tpu.memory_space<vmem_shared>> -> memref<64x8xf32, #tpu.memory_space<vmem_shared>>
      tpu.wait_dma2 semaphore(%run_scoped3A : memref<!tpu.dma_semaphore, #tpu.memory_space<semaphore_mem>>) src(%arg16 : memref<64x8xf32, #tpu.memory_space<vmem>>) dst(%dma_wait3A_178 : memref<64x8xf32, #tpu.memory_space<vmem_shared>>)
      tpu.yield
    }) : () -> ()
    %add3A_53 = arith.constant 1280 : i32
    %add3A_54 = arith.addi %mul3A_13, %add3A_53 : i32
    "tpu.region"() ({
      %run_scoped3A = tpu.sem_alloc : memref<!tpu.dma_semaphore, #tpu.memory_space<semaphore_mem>>
      %dma_start3A = arith.constant 0 : i32
      %dma_start3A_173 = tpu.memref_slice %arg19[%add3A_54, %dma_start3A] : memref<25088x8xf32, #tpu.memory_space<vmem_shared>> -> memref<64x8xf32, #tpu.memory_space<vmem_shared>>
      %dma_start3A_174 = arith.constant 0 : i32
      %dma_start3A_175 = tpu.memref_slice %arg19[%add3A_54, %dma_start3A_174] : memref<25088x8xf32, #tpu.memory_space<vmem_shared>> -> memref<64x8xf32, #tpu.memory_space<vmem_shared>>
      tpu.enqueue_dma source(%arg16 : memref<64x8xf32, #tpu.memory_space<vmem>>) target(%dma_start3A_175 : memref<64x8xf32, #tpu.memory_space<vmem_shared>>) target_semaphore(%run_scoped3A : memref<!tpu.dma_semaphore, #tpu.memory_space<semaphore_mem>>)
      %dma_wait3A = arith.constant 0 : i32
      %dma_wait3A_176 = tpu.memref_slice %arg19[%add3A_54, %dma_wait3A] : memref<25088x8xf32, #tpu.memory_space<vmem_shared>> -> memref<64x8xf32, #tpu.memory_space<vmem_shared>>
      %dma_wait3A_177 = arith.constant 0 : i32
      %dma_wait3A_178 = tpu.memref_slice %arg19[%add3A_54, %dma_wait3A_177] : memref<25088x8xf32, #tpu.memory_space<vmem_shared>> -> memref<64x8xf32, #tpu.memory_space<vmem_shared>>
      tpu.wait_dma2 semaphore(%run_scoped3A : memref<!tpu.dma_semaphore, #tpu.memory_space<semaphore_mem>>) src(%arg16 : memref<64x8xf32, #tpu.memory_space<vmem>>) dst(%dma_wait3A_178 : memref<64x8xf32, #tpu.memory_space<vmem_shared>>)
      tpu.yield
    }) : () -> ()
    %add3A_55 = arith.constant 1344 : i32
    %add3A_56 = arith.addi %mul3A_13, %add3A_55 : i32
    "tpu.region"() ({
      %run_scoped3A = tpu.sem_alloc : memref<!tpu.dma_semaphore, #tpu.memory_space<semaphore_mem>>
      %dma_start3A = arith.constant 0 : i32
      %dma_start3A_173 = tpu.memref_slice %arg19[%add3A_56, %dma_start3A] : memref<25088x8xf32, #tpu.memory_space<vmem_shared>> -> memref<64x8xf32, #tpu.memory_space<vmem_shared>>
      %dma_start3A_174 = arith.constant 0 : i32
      %dma_start3A_175 = tpu.memref_slice %arg19[%add3A_56, %dma_start3A_174] : memref<25088x8xf32, #tpu.memory_space<vmem_shared>> -> memref<64x8xf32, #tpu.memory_space<vmem_shared>>
      tpu.enqueue_dma source(%arg16 : memref<64x8xf32, #tpu.memory_space<vmem>>) target(%dma_start3A_175 : memref<64x8xf32, #tpu.memory_space<vmem_shared>>) target_semaphore(%run_scoped3A : memref<!tpu.dma_semaphore, #tpu.memory_space<semaphore_mem>>)
      %dma_wait3A = arith.constant 0 : i32
      %dma_wait3A_176 = tpu.memref_slice %arg19[%add3A_56, %dma_wait3A] : memref<25088x8xf32, #tpu.memory_space<vmem_shared>> -> memref<64x8xf32, #tpu.memory_space<vmem_shared>>
      %dma_wait3A_177 = arith.constant 0 : i32
      %dma_wait3A_178 = tpu.memref_slice %arg19[%add3A_56, %dma_wait3A_177] : memref<25088x8xf32, #tpu.memory_space<vmem_shared>> -> memref<64x8xf32, #tpu.memory_space<vmem_shared>>
      tpu.wait_dma2 semaphore(%run_scoped3A : memref<!tpu.dma_semaphore, #tpu.memory_space<semaphore_mem>>) src(%arg16 : memref<64x8xf32, #tpu.memory_space<vmem>>) dst(%dma_wait3A_178 : memref<64x8xf32, #tpu.memory_space<vmem_shared>>)
      tpu.yield
    }) : () -> ()
    %add3A_57 = arith.constant 1408 : i32
    %add3A_58 = arith.addi %mul3A_13, %add3A_57 : i32
    "tpu.region"() ({
      %run_scoped3A = tpu.sem_alloc : memref<!tpu.dma_semaphore, #tpu.memory_space<semaphore_mem>>
      %dma_start3A = arith.constant 0 : i32
      %dma_start3A_173 = tpu.memref_slice %arg19[%add3A_58, %dma_start3A] : memref<25088x8xf32, #tpu.memory_space<vmem_shared>> -> memref<64x8xf32, #tpu.memory_space<vmem_shared>>
      %dma_start3A_174 = arith.constant 0 : i32
      %dma_start3A_175 = tpu.memref_slice %arg19[%add3A_58, %dma_start3A_174] : memref<25088x8xf32, #tpu.memory_space<vmem_shared>> -> memref<64x8xf32, #tpu.memory_space<vmem_shared>>
      tpu.enqueue_dma source(%arg16 : memref<64x8xf32, #tpu.memory_space<vmem>>) target(%dma_start3A_175 : memref<64x8xf32, #tpu.memory_space<vmem_shared>>) target_semaphore(%run_scoped3A : memref<!tpu.dma_semaphore, #tpu.memory_space<semaphore_mem>>)
      %dma_wait3A = arith.constant 0 : i32
      %dma_wait3A_176 = tpu.memref_slice %arg19[%add3A_58, %dma_wait3A] : memref<25088x8xf32, #tpu.memory_space<vmem_shared>> -> memref<64x8xf32, #tpu.memory_space<vmem_shared>>
      %dma_wait3A_177 = arith.constant 0 : i32
      %dma_wait3A_178 = tpu.memref_slice %arg19[%add3A_58, %dma_wait3A_177] : memref<25088x8xf32, #tpu.memory_space<vmem_shared>> -> memref<64x8xf32, #tpu.memory_space<vmem_shared>>
      tpu.wait_dma2 semaphore(%run_scoped3A : memref<!tpu.dma_semaphore, #tpu.memory_space<semaphore_mem>>) src(%arg16 : memref<64x8xf32, #tpu.memory_space<vmem>>) dst(%dma_wait3A_178 : memref<64x8xf32, #tpu.memory_space<vmem_shared>>)
      tpu.yield
    }) : () -> ()
    %add3A_59 = arith.constant 1472 : i32
    %add3A_60 = arith.addi %mul3A_13, %add3A_59 : i32
    "tpu.region"() ({
      %run_scoped3A = tpu.sem_alloc : memref<!tpu.dma_semaphore, #tpu.memory_space<semaphore_mem>>
      %dma_start3A = arith.constant 0 : i32
      %dma_start3A_173 = tpu.memref_slice %arg19[%add3A_60, %dma_start3A] : memref<25088x8xf32, #tpu.memory_space<vmem_shared>> -> memref<64x8xf32, #tpu.memory_space<vmem_shared>>
      %dma_start3A_174 = arith.constant 0 : i32
      %dma_start3A_175 = tpu.memref_slice %arg19[%add3A_60, %dma_start3A_174] : memref<25088x8xf32, #tpu.memory_space<vmem_shared>> -> memref<64x8xf32, #tpu.memory_space<vmem_shared>>
      tpu.enqueue_dma source(%arg16 : memref<64x8xf32, #tpu.memory_space<vmem>>) target(%dma_start3A_175 : memref<64x8xf32, #tpu.memory_space<vmem_shared>>) target_semaphore(%run_scoped3A : memref<!tpu.dma_semaphore, #tpu.memory_space<semaphore_mem>>)
      %dma_wait3A = arith.constant 0 : i32
      %dma_wait3A_176 = tpu.memref_slice %arg19[%add3A_60, %dma_wait3A] : memref<25088x8xf32, #tpu.memory_space<vmem_shared>> -> memref<64x8xf32, #tpu.memory_space<vmem_shared>>
      %dma_wait3A_177 = arith.constant 0 : i32
      %dma_wait3A_178 = tpu.memref_slice %arg19[%add3A_60, %dma_wait3A_177] : memref<25088x8xf32, #tpu.memory_space<vmem_shared>> -> memref<64x8xf32, #tpu.memory_space<vmem_shared>>
      tpu.wait_dma2 semaphore(%run_scoped3A : memref<!tpu.dma_semaphore, #tpu.memory_space<semaphore_mem>>) src(%arg16 : memref<64x8xf32, #tpu.memory_space<vmem>>) dst(%dma_wait3A_178 : memref<64x8xf32, #tpu.memory_space<vmem_shared>>)
      tpu.yield
    }) : () -> ()
    %add3A_61 = arith.constant 1536 : i32
    %add3A_62 = arith.addi %mul3A_13, %add3A_61 : i32
    "tpu.region"() ({
      %run_scoped3A = tpu.sem_alloc : memref<!tpu.dma_semaphore, #tpu.memory_space<semaphore_mem>>
      %dma_start3A = arith.constant 0 : i32
      %dma_start3A_173 = arith.constant 0 : i32
      %dma_start3A_174 = tpu.memref_slice %arg16[%dma_start3A, %dma_start3A_173] : memref<64x8xf32, #tpu.memory_space<vmem>> -> memref<32x8xf32, #tpu.memory_space<vmem>>
      %dma_start3A_175 = arith.constant 0 : i32
      %dma_start3A_176 = tpu.memref_slice %arg19[%add3A_62, %dma_start3A_175] : memref<25088x8xf32, #tpu.memory_space<vmem_shared>> -> memref<32x8xf32, #tpu.memory_space<vmem_shared>>
      %dma_start3A_177 = arith.constant 0 : i32
      %dma_start3A_178 = tpu.memref_slice %arg19[%add3A_62, %dma_start3A_177] : memref<25088x8xf32, #tpu.memory_space<vmem_shared>> -> memref<32x8xf32, #tpu.memory_space<vmem_shared>>
      %dma_start3A_179 = arith.constant 0 : i32
      %dma_start3A_180 = arith.constant 0 : i32
      %dma_start3A_181 = tpu.memref_slice %arg16[%dma_start3A_179, %dma_start3A_180] : memref<64x8xf32, #tpu.memory_space<vmem>> -> memref<32x8xf32, #tpu.memory_space<vmem>>
      tpu.enqueue_dma source(%dma_start3A_181 : memref<32x8xf32, #tpu.memory_space<vmem>>) target(%dma_start3A_178 : memref<32x8xf32, #tpu.memory_space<vmem_shared>>) target_semaphore(%run_scoped3A : memref<!tpu.dma_semaphore, #tpu.memory_space<semaphore_mem>>)
      %dma_wait3A = arith.constant 0 : i32
      %dma_wait3A_182 = arith.constant 0 : i32
      %dma_wait3A_183 = tpu.memref_slice %arg16[%dma_wait3A, %dma_wait3A_182] : memref<64x8xf32, #tpu.memory_space<vmem>> -> memref<32x8xf32, #tpu.memory_space<vmem>>
      %dma_wait3A_184 = arith.constant 0 : i32
      %dma_wait3A_185 = tpu.memref_slice %arg19[%add3A_62, %dma_wait3A_184] : memref<25088x8xf32, #tpu.memory_space<vmem_shared>> -> memref<32x8xf32, #tpu.memory_space<vmem_shared>>
      %dma_wait3A_186 = arith.constant 0 : i32
      %dma_wait3A_187 = tpu.memref_slice %arg19[%add3A_62, %dma_wait3A_186] : memref<25088x8xf32, #tpu.memory_space<vmem_shared>> -> memref<32x8xf32, #tpu.memory_space<vmem_shared>>
      %dma_wait3A_188 = arith.constant 0 : i32
      %dma_wait3A_189 = arith.constant 0 : i32
      %dma_wait3A_190 = tpu.memref_slice %arg16[%dma_wait3A_188, %dma_wait3A_189] : memref<64x8xf32, #tpu.memory_space<vmem>> -> memref<32x8xf32, #tpu.memory_space<vmem>>
      tpu.wait_dma2 semaphore(%run_scoped3A : memref<!tpu.dma_semaphore, #tpu.memory_space<semaphore_mem>>) src(%dma_wait3A_190 : memref<32x8xf32, #tpu.memory_space<vmem>>) dst(%dma_wait3A_187 : memref<32x8xf32, #tpu.memory_space<vmem_shared>>)
      tpu.yield
    }) : () -> ()
    %barrier3A = arith.constant 0 : index
    tpu.barrier barrier_id(%barrier3A)
    %get3A = arith.constant 0 : index
    %get3A_63 = tpu.vector_load %arg17[%get3A] {strides = array<i32>} : memref<16xf32, #tpu.memory_space<vmem>>, vector<16xf32>,
    %add3A_64 = arith.constant 16 : i32
    %add3A_65 = arith.addi %arg1, %add3A_64 : i32
    %get3A_66 = arith.index_cast %arg1 : i32 to index
    %get3A_67 = arith.constant 0 : index
    %get3A_68 = tpu.vector_load %arg18[%get3A_66, %get3A_67] {strides = array<i32>} : memref<32x16xi32, #tpu.memory_space<vmem>>, vector<16xi32>,
    %eq3A_69 = vector.broadcast %arg0 : i32 to vector<16xi32>
    %eq3A_70 = arith.cmpi eq, %iota3A, %eq3A_69 : vector<16xi32>
    %jit3A = arith.constant 0 : i32
    %broadcast_in_dim3A_71 = vector.broadcast %jit3A : i32 to vector<16xi32>
    %select_n3A = arith.select %eq3A_70, %get3A_68, %broadcast_in_dim3A_71 : vector<16xi1>, vector<16xi32>
    %reduce_max3A = arith.constant true
    %reduce_max3A_72 = vector.broadcast %reduce_max3A : i1 to vector<16xi1>
    %reduce_max3A_73 = arith.constant -2147483648 : i32
    %reduce_max3A_74 = vector.broadcast %reduce_max3A_73 : i32 to vector<16xi32>
    %reduce_max3A_75 = arith.xori %select_n3A, %reduce_max3A_74 : vector<16xi32>
    %reduce_max3A_76 = tpu.scan <max>, %reduce_max3A_75 masked %reduce_max3A_72 : vector<16xi32>, vector<16xi1> -> vector<16xi32>
    %reduce_max3A_77 = arith.xori %reduce_max3A_76, %reduce_max3A_74 : vector<16xi32>
    %reduce_max3A_78 = vector.extract %reduce_max3A_77[15] : i32 from vector<16xi32>
    %add3A_79 = arith.constant 64 : i32
    %add3A_80 = arith.addi %reduce_max3A_78, %add3A_79 : i32
    %sub3A = arith.constant 1 : i32
    %sub3A_81 = arith.subi %add3A_80, %sub3A : i32
    %jit3A_82 = arith.constant 64 : i32
    %div3A = arith.divsi %sub3A_81, %jit3A_82 : i32
    %sign3A = arith.constant 0 : i32
    %sign3A_83 = arith.cmpi sgt, %sub3A_81, %sign3A : i32
    %sign3A_84 = arith.extui %sign3A_83 : i1 to i32
    %sign3A_85 = arith.constant 0 : i32
    %sign3A_86 = arith.cmpi slt, %sub3A_81, %sign3A_85 : i32
    %sign3A_87 = arith.extui %sign3A_86 : i1 to i32
    %sign3A_88 = arith.subi %sign3A_84, %sign3A_87 : i32
    %sign3A_89 = arith.constant 0 : i32
    %sign3A_90 = arith.cmpi sgt, %jit3A_82, %sign3A_89 : i32
    %sign3A_91 = arith.extui %sign3A_90 : i1 to i32
    %sign3A_92 = arith.constant 0 : i32
    %sign3A_93 = arith.cmpi slt, %jit3A_82, %sign3A_92 : i32
    %sign3A_94 = arith.extui %sign3A_93 : i1 to i32
    %sign3A_95 = arith.subi %sign3A_91, %sign3A_94 : i32
    %ne3A = arith.cmpi ne, %sign3A_88, %sign3A_95 : i32
    %rem3A = arith.remsi %sub3A_81, %jit3A_82 : i32
    %ne3A_96 = arith.constant 0 : i32
    %ne3A_97 = arith.cmpi ne, %rem3A, %ne3A_96 : i32
    %and3A_98 = arith.andi %ne3A, %ne3A_97 : i1
    %sub3A_99 = arith.constant 1 : i32
    %sub3A_100 = arith.subi %div3A, %sub3A_99 : i32
    %select_n3A_101 = arith.select %and3A_98, %sub3A_100, %div3A : i32
    %while3A = arith.constant 0 : i32
    %while3A_102 = arith.constant 0 : i32
    %while3A_103 = arith.subi %select_n3A_101, %while3A : i32
    %while3A_104 = arith.addi %while3A, %while3A_103 : i32
    %while3A_105 = arith.constant 1 : i32
    %while3A_106 = arith.divsi %while3A_103, %while3A_105 : i32
    %while3A_107 = arith.muli %while3A_106, %while3A_105 : i32
    %while3A_108 = arith.addi %while3A, %while3A_107 : i32
    %while3A_109 = arith.constant 1 : i32
    %while3A_110 = scf.for %while3A_173 = %while3A to %while3A_108 step %while3A_109 iter_args(%while3A_174 = %while3A_102) -> (i32)  : i32 {
      %mul3A_175 = arith.constant 64 : i32
      %mul3A_176 = arith.muli %while3A_173, %mul3A_175 : i32
      "tpu.region"() ({
        %run_scoped3A = tpu.sem_alloc : memref<!tpu.dma_semaphore, #tpu.memory_space<semaphore_mem>>
        %dma_start3A = tpu.memref_slice %arg2[%arg1, %arg0, %mul3A_176] : memref<32x2x50048xi32, #tpu.memory_space<hbm>> -> memref<1x1x64xi32, #tpu.memory_space<hbm>>
        %dma_start3A_199 = tpu.memref_squeeze %dma_start3A : memref<1x1x64xi32, #tpu.memory_space<hbm>> -> memref<64xi32, #tpu.memory_space<hbm>>
        %dma_start3A_200 = tpu.memref_slice %arg2[%arg1, %arg0, %mul3A_176] : memref<32x2x50048xi32, #tpu.memory_space<hbm>> -> memref<1x1x64xi32, #tpu.memory_space<hbm>>
        %dma_start3A_201 = tpu.memref_squeeze %dma_start3A_200 : memref<1x1x64xi32, #tpu.memory_space<hbm>> -> memref<64xi32, #tpu.memory_space<hbm>>
        tpu.enqueue_dma source(%dma_start3A_201 : memref<64xi32, #tpu.memory_space<hbm>>) target(%arg8 : memref<64xi32, #tpu.memory_space<vmem>>) target_semaphore(%run_scoped3A : memref<!tpu.dma_semaphore, #tpu.memory_space<semaphore_mem>>)
        %dma_wait3A = tpu.memref_slice %arg2[%arg1, %arg0, %mul3A_176] : memref<32x2x50048xi32, #tpu.memory_space<hbm>> -> memref<1x1x64xi32, #tpu.memory_space<hbm>>
        %dma_wait3A_202 = tpu.memref_squeeze %dma_wait3A : memref<1x1x64xi32, #tpu.memory_space<hbm>> -> memref<64xi32, #tpu.memory_space<hbm>>
        %dma_wait3A_203 = tpu.memref_slice %arg2[%arg1, %arg0, %mul3A_176] : memref<32x2x50048xi32, #tpu.memory_space<hbm>> -> memref<1x1x64xi32, #tpu.memory_space<hbm>>
        %dma_wait3A_204 = tpu.memref_squeeze %dma_wait3A_203 : memref<1x1x64xi32, #tpu.memory_space<hbm>> -> memref<64xi32, #tpu.memory_space<hbm>>
        tpu.wait_dma2 semaphore(%run_scoped3A : memref<!tpu.dma_semaphore, #tpu.memory_space<semaphore_mem>>) src(%dma_wait3A_204 : memref<64xi32, #tpu.memory_space<hbm>>) dst(%arg8 : memref<64xi32, #tpu.memory_space<vmem>>)
        tpu.yield
      }) : () -> ()
      %scan3A_177 = arith.constant 0 : i32
      %scan3A_178 = arith.constant 0 : i32
      %scan3A_179 = arith.constant 4 : i32
      %scan3A_180 = arith.addi %scan3A_178, %scan3A_179 : i32
      %scan3A_181 = arith.constant 1 : i32
      %scan3A_182 = scf.for %scan3A_199 = %scan3A_178 to %scan3A_180 step %scan3A_181 iter_args(%scan3A_200 = %scan3A_177) -> (i32)  : i32 {
        %mul3A_201 = arith.constant 16 : i32
        %mul3A_202 = arith.muli %scan3A_199, %mul3A_201 : i32
        %get3A_203 = arith.index_cast %mul3A_202 : i32 to index
        %get3A_204 = tpu.vector_load %arg8[%get3A_203] {strides = array<i32>} : memref<64xi32, #tpu.memory_space<vmem>>, vector<16xi32>,
        %and3A_205 = arith.constant 65535 : i32
        %and3A_206 = vector.broadcast %and3A_205 : i32 to vector<16xi32>
        %and3A_207 = arith.andi %get3A_204, %and3A_206 : vector<16xi32>
        %shift_right_logical3A_208 = arith.constant 16 : i32
        %shift_right_logical3A_209 = vector.broadcast %shift_right_logical3A_208 : i32 to vector<16xi32>
        %shift_right_logical3A_210 = arith.shrui %get3A_204, %shift_right_logical3A_209 : vector<16xi32>
        %mul3A_211 = arith.constant 64 : i32
        %mul3A_212 = arith.muli %while3A_173, %mul3A_211 : i32
        %sub3A_213 = arith.subi %reduce_max3A_78, %mul3A_212 : i32
        %mul3A_214 = arith.constant 16 : i32
        %mul3A_215 = arith.muli %scan3A_199, %mul3A_214 : i32
        %sub3A_216 = arith.subi %sub3A_213, %mul3A_215 : i32
        %lt3A = vector.broadcast %sub3A_216 : i32 to vector<16xi32>
        %lt3A_217 = arith.cmpi slt, %iota3A, %lt3A : vector<16xi32>
        %jit3A_218 = arith.constant 0 : i32
        %broadcast_in_dim3A_219 = vector.broadcast %jit3A_218 : i32 to vector<16xi32>
        %select_n3A_220 = arith.select %lt3A_217, %and3A_207, %broadcast_in_dim3A_219 : vector<16xi1>, vector<16xi32>
        %mul3A_221 = arith.constant 16 : i32
        %mul3A_222 = arith.muli %scan3A_199, %mul3A_221 : i32
        %swap3A = arith.index_cast %mul3A_222 : i32 to index
        %swap3A_223 = tpu.vector_load %arg9[%swap3A] {strides = array<i32>} : memref<64xi32, #tpu.memory_space<vmem>>, vector<16xi32>,
        tpu.vector_store %arg9[%swap3A], %select_n3A_220 {strides = array<i32>} : memref<64xi32, #tpu.memory_space<vmem>>, vector<16xi32>,
        %jit3A_224 = arith.constant 0 : i32
        %broadcast_in_dim3A_225 = vector.broadcast %jit3A_224 : i32 to vector<16xi32>
        %select_n3A_226 = arith.select %lt3A_217, %shift_right_logical3A_210, %broadcast_in_dim3A_225 : vector<16xi1>, vector<16xi32>
        %mul3A_227 = arith.constant 16 : i32
        %mul3A_228 = arith.muli %scan3A_199, %mul3A_227 : i32
        %swap3A_229 = arith.index_cast %mul3A_228 : i32 to index
        %swap3A_230 = tpu.vector_load %arg10[%swap3A_229] {strides = array<i32>} : memref<64xi32, #tpu.memory_space<vmem>>, vector<16xi32>,
        tpu.vector_store %arg10[%swap3A_229], %select_n3A_226 {strides = array<i32>} : memref<64xi32, #tpu.memory_space<vmem>>, vector<16xi32>,
        %mul3A_231 = arith.constant 25088 : i32
        %mul3A_232 = arith.muli %arg0, %mul3A_231 : i32
        %sub3A_233 = vector.broadcast %mul3A_232 : i32 to vector<16xi32>
        %sub3A_234 = arith.subi %shift_right_logical3A_210, %sub3A_233 : vector<16xi32>
        %jit3A_235 = arith.constant 0 : i32
        %broadcast_in_dim3A_236 = vector.broadcast %jit3A_235 : i32 to vector<16xi32>
        %select_n3A_237 = arith.select %lt3A_217, %sub3A_234, %broadcast_in_dim3A_236 : vector<16xi1>, vector<16xi32>
        %mul3A_238 = arith.constant 16 : i32
        %mul3A_239 = arith.muli %scan3A_199, %mul3A_238 : i32
        %swap3A_240 = arith.index_cast %mul3A_239 : i32 to index
        %swap3A_241 = tpu.vector_load %arg11[%swap3A_240] {strides = array<i32>} : memref<64xi32, #tpu.memory_space<vmem>>, vector<16xi32>,
        tpu.vector_store %arg11[%swap3A_240], %select_n3A_237 {strides = array<i32>} : memref<64xi32, #tpu.memory_space<vmem>>, vector<16xi32>,
        %jit3A_242 = arith.constant 1.000000e+00 : f32
        %jit3A_243 = arith.constant 0.000000e+00 : f32
        %broadcast_in_dim3A_244 = vector.broadcast %jit3A_242 : f32 to vector<16xf32>
        %broadcast_in_dim3A_245 = vector.broadcast %jit3A_243 : f32 to vector<16xf32>
        %select_n3A_246 = arith.select %lt3A_217, %broadcast_in_dim3A_244, %broadcast_in_dim3A_245 : vector<16xi1>, vector<16xf32>
        %mul3A_247 = arith.constant 16 : i32
        %mul3A_248 = arith.muli %scan3A_199, %mul3A_247 : i32
        %swap3A_249 = arith.index_cast %mul3A_248 : i32 to index
        %swap3A_250 = tpu.vector_load %arg12[%swap3A_249] {strides = array<i32>} : memref<64xf32, #tpu.memory_space<vmem>>, vector<16xf32>,
        tpu.vector_store %arg12[%swap3A_249], %select_n3A_246 {strides = array<i32>} : memref<64xf32, #tpu.memory_space<vmem>>, vector<16xf32>,
        %scan3A_251 = arith.constant 0 : i32
        scf.yield %scan3A_251 : i32
      }
      %scan3A_183 = arith.constant 4 : i32
      "tpu.region"() ({
        %run_scoped3A = tpu.sem_alloc : memref<!tpu.dma_semaphore, #tpu.memory_space<semaphore_mem>>
        %dma_start3A = arith.constant 0 : i32
        %dma_start3A_199 = arith.constant 0 : i32
        %dma_start3A_200 = tpu.memref_slice %arg4[%dma_start3A, %dma_start3A_199] : memref<50176x8xf32, #tpu.memory_space<hbm>> -> memref<50176x8xf32, #tpu.memory_space<hbm>>
        tpu.enqueue_indirect_dma source(%dma_start3A_200 : memref<50176x8xf32, #tpu.memory_space<hbm>>) target(%arg13 : memref<64x8xf32, #tpu.memory_space<vmem>>) offsets(%arg9 : memref<64xi32, #tpu.memory_space<vmem>>) semaphore(%run_scoped3A : memref<!tpu.dma_semaphore, #tpu.memory_space<semaphore_mem>>)
        %dma_wait3A = arith.constant 0 : i32
        %dma_wait3A_201 = arith.constant 0 : i32
        %dma_wait3A_202 = tpu.memref_slice %arg4[%dma_wait3A, %dma_wait3A_201] : memref<50176x8xf32, #tpu.memory_space<hbm>> -> memref<50176x8xf32, #tpu.memory_space<hbm>>
        tpu.wait_indirect_dma semaphore(%run_scoped3A : memref<!tpu.dma_semaphore, #tpu.memory_space<semaphore_mem>>) src(%dma_wait3A_202 : memref<50176x8xf32, #tpu.memory_space<hbm>>) dst(%arg13 : memref<64x8xf32, #tpu.memory_space<vmem>>)
        tpu.yield
      }) : () -> ()
      "tpu.region"() ({
        %run_scoped3A = tpu.sem_alloc : memref<!tpu.dma_semaphore, #tpu.memory_space<semaphore_mem>>
        %dma_start3A = arith.constant 0 : i32
        %dma_start3A_199 = tpu.memref_slice %arg5[%dma_start3A] : memref<50176xf32, #tpu.memory_space<hbm>> -> memref<50176xf32, #tpu.memory_space<hbm>>
        tpu.enqueue_indirect_dma source(%dma_start3A_199 : memref<50176xf32, #tpu.memory_space<hbm>>) target(%arg14 : memref<64xf32, #tpu.memory_space<vmem>>) offsets(%arg10 : memref<64xi32, #tpu.memory_space<vmem>>) semaphore(%run_scoped3A : memref<!tpu.dma_semaphore, #tpu.memory_space<semaphore_mem>>)
        %dma_wait3A = arith.constant 0 : i32
        %dma_wait3A_200 = tpu.memref_slice %arg5[%dma_wait3A] : memref<50176xf32, #tpu.memory_space<hbm>> -> memref<50176xf32, #tpu.memory_space<hbm>>
        tpu.wait_indirect_dma semaphore(%run_scoped3A : memref<!tpu.dma_semaphore, #tpu.memory_space<semaphore_mem>>) src(%dma_wait3A_200 : memref<50176xf32, #tpu.memory_space<hbm>>) dst(%arg14 : memref<64xf32, #tpu.memory_space<vmem>>)
        tpu.yield
      }) : () -> ()
      %scan3A_184 = arith.constant 0 : i32
      %scan3A_185 = arith.constant 0 : i32
      %scan3A_186 = arith.constant 4 : i32
      %scan3A_187 = arith.addi %scan3A_185, %scan3A_186 : i32
      %scan3A_188 = arith.constant 1 : i32
      %scan3A_189 = scf.for %scan3A_199 = %scan3A_185 to %scan3A_187 step %scan3A_188 iter_args(%scan3A_200 = %scan3A_184) -> (i32)  : i32 {
        %mul3A_201 = arith.constant 16 : i32
        %mul3A_202 = arith.muli %scan3A_199, %mul3A_201 : i32
        %add3A_203 = vector.broadcast %mul3A_202 : i32 to vector<16xi32>
        %add3A_204 = arith.addi %iota3A, %add3A_203 : vector<16xi32>
        %mul3A_205 = arith.constant 0 : i32
        %mul3A_206 = vector.broadcast %mul3A_205 : i32 to vector<16xi32>
        %mul3A_207 = arith.muli %iota3A, %mul3A_206 : vector<16xi32>
        %add3A_208 = arith.constant 7 : i32
        %add3A_209 = vector.broadcast %add3A_208 : i32 to vector<16xi32>
        %add3A_210 = arith.addi %mul3A_207, %add3A_209 : vector<16xi32>
        %gather3A = tpu.vector_load_idx %arg13[%add3A_204, %add3A_210] : memref<64x8xf32, #tpu.memory_space<vmem>>[vector<16xi32>, vector<16xi32>], vector<16xf32>,
        %mul3A_211 = arith.constant 16 : i32
        %mul3A_212 = arith.muli %scan3A_199, %mul3A_211 : i32
        %get3A_213 = arith.index_cast %mul3A_212 : i32 to index
        %get3A_214 = tpu.vector_load %arg14[%get3A_213] {strides = array<i32>} : memref<64xf32, #tpu.memory_space<vmem>>, vector<16xf32>,
        %mul3A_215 = arith.constant 16 : i32
        %mul3A_216 = arith.muli %scan3A_199, %mul3A_215 : i32
        %get3A_217 = arith.index_cast %mul3A_216 : i32 to index
        %get3A_218 = tpu.vector_load %arg12[%get3A_217] {strides = array<i32>} : memref<64xf32, #tpu.memory_space<vmem>>, vector<16xf32>,
        %add3A_219 = arith.addf %gather3A, %get3A_214 : vector<16xf32>
        %mul3A_220 = arith.constant 2.000000e-01 : f32
        %mul3A_221 = vector.broadcast %mul3A_220 : f32 to vector<16xf32>
        %mul3A_222 = arith.mulf %mul3A_221, %add3A_219 : vector<16xf32>
        %max3A = arith.maximumf %add3A_219, %mul3A_222 : vector<16xf32>
        %sub3A_223 = arith.subf %max3A, %get3A_63 : vector<16xf32>
        %exp3A = math.exp %sub3A_223 : vector<16xf32>
        %mul3A_224 = arith.mulf %exp3A, %get3A_218 : vector<16xf32>
        %mul3A_225 = arith.constant 16 : i32
        %mul3A_226 = arith.muli %scan3A_199, %mul3A_225 : i32
        %swap3A = arith.index_cast %mul3A_226 : i32 to index
        %swap3A_227 = tpu.vector_load %arg15[%swap3A] {strides = array<i32>} : memref<64xf32, #tpu.memory_space<vmem>>, vector<16xf32>,
        tpu.vector_store %arg15[%swap3A], %mul3A_224 {strides = array<i32>} : memref<64xf32, #tpu.memory_space<vmem>>, vector<16xf32>,
        %scan3A_228 = arith.constant 0 : i32
        scf.yield %scan3A_228 : i32
      }
      %scan3A_190 = arith.constant 4 : i32
      %scan3A_191 = arith.constant 0 : i32
      %scan3A_192 = arith.constant 0 : i32
      %scan3A_193 = arith.constant 32 : i32
      %scan3A_194 = arith.addi %scan3A_192, %scan3A_193 : i32
      %scan3A_195 = arith.constant 1 : i32
      %scan3A_196 = scf.for %scan3A_199 = %scan3A_192 to %scan3A_194 step %scan3A_195 iter_args(%scan3A_200 = %scan3A_191) -> (i32)  : i32 {
        %mul3A_201 = arith.constant 2 : i32
        %mul3A_202 = arith.muli %mul3A_201, %scan3A_199 : i32
        %add3A_203 = vector.broadcast %mul3A_202 : i32 to vector<16xi32>
        %add3A_204 = arith.addi %add3A_203, %shift_right_logical3A_1 : vector<16xi32>
        %gather3A = tpu.vector_load_idx %arg13[%add3A_204, %and3A_3] : memref<64x8xf32, #tpu.memory_space<vmem>>[vector<16xi32>, vector<16xi32>], vector<16xf32>,
        %gather3A_205 = tpu.vector_load_idx %arg15[%add3A_204] : memref<64xf32, #tpu.memory_space<vmem>>[vector<16xi32>], vector<16xf32>,
        %jit3A_206 = arith.constant 1.000000e+00 : f32
        %broadcast_in_dim3A_207 = vector.broadcast %jit3A_206 : f32 to vector<16xf32>
        %select_n3A_208 = arith.select %eq3A_5, %broadcast_in_dim3A_207, %gather3A : vector<16xi1>, vector<16xf32>
        %mul3A_209 = arith.mulf %select_n3A_208, %gather3A_205 : vector<16xf32>
        tpu.vector_store_idx %arg16[%add3A_204, %and3A_3], %mul3A_209 : memref<64x8xf32, #tpu.memory_space<vmem>>[vector<16xi32>, vector<16xi32>], vector<16xf32>,
        %scan3A_210 = arith.constant 0 : i32
        scf.yield %scan3A_210 : i32
      }
      %scan3A_197 = arith.constant 32 : i32
      "tpu.region"() ({
        %run_scoped3A = tpu.sem_alloc : memref<!tpu.dma_semaphore, #tpu.memory_space<semaphore_mem>>
        %dma_start3A = arith.constant 0 : i32
        %dma_start3A_199 = arith.constant 0 : i32
        %dma_start3A_200 = tpu.memref_slice %arg19[%dma_start3A, %dma_start3A_199] : memref<25088x8xf32, #tpu.memory_space<vmem_shared>> -> memref<25088x8xf32, #tpu.memory_space<vmem_shared>>
        tpu.enqueue_indirect_dma source(%arg16 : memref<64x8xf32, #tpu.memory_space<vmem>>) target(%dma_start3A_200 : memref<25088x8xf32, #tpu.memory_space<vmem_shared>>) offsets(%arg11 : memref<64xi32, #tpu.memory_space<vmem>>) semaphore(%run_scoped3A : memref<!tpu.dma_semaphore, #tpu.memory_space<semaphore_mem>>) {add = true}
        %dma_wait3A = arith.constant 0 : i32
        %dma_wait3A_201 = arith.constant 0 : i32
        %dma_wait3A_202 = tpu.memref_slice %arg19[%dma_wait3A, %dma_wait3A_201] : memref<25088x8xf32, #tpu.memory_space<vmem_shared>> -> memref<25088x8xf32, #tpu.memory_space<vmem_shared>>
        tpu.wait_indirect_dma semaphore(%run_scoped3A : memref<!tpu.dma_semaphore, #tpu.memory_space<semaphore_mem>>) src(%arg16 : memref<64x8xf32, #tpu.memory_space<vmem>>) dst(%dma_wait3A_202 : memref<25088x8xf32, #tpu.memory_space<vmem_shared>>)
        tpu.yield
      }) : () -> ()
      %while3A_198 = arith.constant 0 : i32
      scf.yield %while3A_198 : i32
    }
    %while3A_111 = arith.constant 1 : i32
    %while3A_112 = scf.for %while3A_173 = %while3A_108 to %while3A_104 step %while3A_111 iter_args(%while3A_174 = %while3A_110) -> (i32)  : i32 {
      %mul3A_175 = arith.constant 64 : i32
      %mul3A_176 = arith.muli %while3A_173, %mul3A_175 : i32
      "tpu.region"() ({
        %run_scoped3A = tpu.sem_alloc : memref<!tpu.dma_semaphore, #tpu.memory_space<semaphore_mem>>
        %dma_start3A = tpu.memref_slice %arg2[%arg1, %arg0, %mul3A_176] : memref<32x2x50048xi32, #tpu.memory_space<hbm>> -> memref<1x1x64xi32, #tpu.memory_space<hbm>>
        %dma_start3A_199 = tpu.memref_squeeze %dma_start3A : memref<1x1x64xi32, #tpu.memory_space<hbm>> -> memref<64xi32, #tpu.memory_space<hbm>>
        %dma_start3A_200 = tpu.memref_slice %arg2[%arg1, %arg0, %mul3A_176] : memref<32x2x50048xi32, #tpu.memory_space<hbm>> -> memref<1x1x64xi32, #tpu.memory_space<hbm>>
        %dma_start3A_201 = tpu.memref_squeeze %dma_start3A_200 : memref<1x1x64xi32, #tpu.memory_space<hbm>> -> memref<64xi32, #tpu.memory_space<hbm>>
        tpu.enqueue_dma source(%dma_start3A_201 : memref<64xi32, #tpu.memory_space<hbm>>) target(%arg8 : memref<64xi32, #tpu.memory_space<vmem>>) target_semaphore(%run_scoped3A : memref<!tpu.dma_semaphore, #tpu.memory_space<semaphore_mem>>)
        %dma_wait3A = tpu.memref_slice %arg2[%arg1, %arg0, %mul3A_176] : memref<32x2x50048xi32, #tpu.memory_space<hbm>> -> memref<1x1x64xi32, #tpu.memory_space<hbm>>
        %dma_wait3A_202 = tpu.memref_squeeze %dma_wait3A : memref<1x1x64xi32, #tpu.memory_space<hbm>> -> memref<64xi32, #tpu.memory_space<hbm>>
        %dma_wait3A_203 = tpu.memref_slice %arg2[%arg1, %arg0, %mul3A_176] : memref<32x2x50048xi32, #tpu.memory_space<hbm>> -> memref<1x1x64xi32, #tpu.memory_space<hbm>>
        %dma_wait3A_204 = tpu.memref_squeeze %dma_wait3A_203 : memref<1x1x64xi32, #tpu.memory_space<hbm>> -> memref<64xi32, #tpu.memory_space<hbm>>
        tpu.wait_dma2 semaphore(%run_scoped3A : memref<!tpu.dma_semaphore, #tpu.memory_space<semaphore_mem>>) src(%dma_wait3A_204 : memref<64xi32, #tpu.memory_space<hbm>>) dst(%arg8 : memref<64xi32, #tpu.memory_space<vmem>>)
        tpu.yield
      }) : () -> ()
      %scan3A_177 = arith.constant 0 : i32
      %scan3A_178 = arith.constant 0 : i32
      %scan3A_179 = arith.constant 4 : i32
      %scan3A_180 = arith.addi %scan3A_178, %scan3A_179 : i32
      %scan3A_181 = arith.constant 1 : i32
      %scan3A_182 = scf.for %scan3A_199 = %scan3A_178 to %scan3A_180 step %scan3A_181 iter_args(%scan3A_200 = %scan3A_177) -> (i32)  : i32 {
        %mul3A_201 = arith.constant 16 : i32
        %mul3A_202 = arith.muli %scan3A_199, %mul3A_201 : i32
        %get3A_203 = arith.index_cast %mul3A_202 : i32 to index
        %get3A_204 = tpu.vector_load %arg8[%get3A_203] {strides = array<i32>} : memref<64xi32, #tpu.memory_space<vmem>>, vector<16xi32>,
        %and3A_205 = arith.constant 65535 : i32
        %and3A_206 = vector.broadcast %and3A_205 : i32 to vector<16xi32>
        %and3A_207 = arith.andi %get3A_204, %and3A_206 : vector<16xi32>
        %shift_right_logical3A_208 = arith.constant 16 : i32
        %shift_right_logical3A_209 = vector.broadcast %shift_right_logical3A_208 : i32 to vector<16xi32>
        %shift_right_logical3A_210 = arith.shrui %get3A_204, %shift_right_logical3A_209 : vector<16xi32>
        %mul3A_211 = arith.constant 64 : i32
        %mul3A_212 = arith.muli %while3A_173, %mul3A_211 : i32
        %sub3A_213 = arith.subi %reduce_max3A_78, %mul3A_212 : i32
        %mul3A_214 = arith.constant 16 : i32
        %mul3A_215 = arith.muli %scan3A_199, %mul3A_214 : i32
        %sub3A_216 = arith.subi %sub3A_213, %mul3A_215 : i32
        %lt3A = vector.broadcast %sub3A_216 : i32 to vector<16xi32>
        %lt3A_217 = arith.cmpi slt, %iota3A, %lt3A : vector<16xi32>
        %jit3A_218 = arith.constant 0 : i32
        %broadcast_in_dim3A_219 = vector.broadcast %jit3A_218 : i32 to vector<16xi32>
        %select_n3A_220 = arith.select %lt3A_217, %and3A_207, %broadcast_in_dim3A_219 : vector<16xi1>, vector<16xi32>
        %mul3A_221 = arith.constant 16 : i32
        %mul3A_222 = arith.muli %scan3A_199, %mul3A_221 : i32
        %swap3A = arith.index_cast %mul3A_222 : i32 to index
        %swap3A_223 = tpu.vector_load %arg9[%swap3A] {strides = array<i32>} : memref<64xi32, #tpu.memory_space<vmem>>, vector<16xi32>,
        tpu.vector_store %arg9[%swap3A], %select_n3A_220 {strides = array<i32>} : memref<64xi32, #tpu.memory_space<vmem>>, vector<16xi32>,
        %jit3A_224 = arith.constant 0 : i32
        %broadcast_in_dim3A_225 = vector.broadcast %jit3A_224 : i32 to vector<16xi32>
        %select_n3A_226 = arith.select %lt3A_217, %shift_right_logical3A_210, %broadcast_in_dim3A_225 : vector<16xi1>, vector<16xi32>
        %mul3A_227 = arith.constant 16 : i32
        %mul3A_228 = arith.muli %scan3A_199, %mul3A_227 : i32
        %swap3A_229 = arith.index_cast %mul3A_228 : i32 to index
        %swap3A_230 = tpu.vector_load %arg10[%swap3A_229] {strides = array<i32>} : memref<64xi32, #tpu.memory_space<vmem>>, vector<16xi32>,
        tpu.vector_store %arg10[%swap3A_229], %select_n3A_226 {strides = array<i32>} : memref<64xi32, #tpu.memory_space<vmem>>, vector<16xi32>,
        %mul3A_231 = arith.constant 25088 : i32
        %mul3A_232 = arith.muli %arg0, %mul3A_231 : i32
        %sub3A_233 = vector.broadcast %mul3A_232 : i32 to vector<16xi32>
        %sub3A_234 = arith.subi %shift_right_logical3A_210, %sub3A_233 : vector<16xi32>
        %jit3A_235 = arith.constant 0 : i32
        %broadcast_in_dim3A_236 = vector.broadcast %jit3A_235 : i32 to vector<16xi32>
        %select_n3A_237 = arith.select %lt3A_217, %sub3A_234, %broadcast_in_dim3A_236 : vector<16xi1>, vector<16xi32>
        %mul3A_238 = arith.constant 16 : i32
        %mul3A_239 = arith.muli %scan3A_199, %mul3A_238 : i32
        %swap3A_240 = arith.index_cast %mul3A_239 : i32 to index
        %swap3A_241 = tpu.vector_load %arg11[%swap3A_240] {strides = array<i32>} : memref<64xi32, #tpu.memory_space<vmem>>, vector<16xi32>,
        tpu.vector_store %arg11[%swap3A_240], %select_n3A_237 {strides = array<i32>} : memref<64xi32, #tpu.memory_space<vmem>>, vector<16xi32>,
        %jit3A_242 = arith.constant 1.000000e+00 : f32
        %jit3A_243 = arith.constant 0.000000e+00 : f32
        %broadcast_in_dim3A_244 = vector.broadcast %jit3A_242 : f32 to vector<16xf32>
        %broadcast_in_dim3A_245 = vector.broadcast %jit3A_243 : f32 to vector<16xf32>
        %select_n3A_246 = arith.select %lt3A_217, %broadcast_in_dim3A_244, %broadcast_in_dim3A_245 : vector<16xi1>, vector<16xf32>
        %mul3A_247 = arith.constant 16 : i32
        %mul3A_248 = arith.muli %scan3A_199, %mul3A_247 : i32
        %swap3A_249 = arith.index_cast %mul3A_248 : i32 to index
        %swap3A_250 = tpu.vector_load %arg12[%swap3A_249] {strides = array<i32>} : memref<64xf32, #tpu.memory_space<vmem>>, vector<16xf32>,
        tpu.vector_store %arg12[%swap3A_249], %select_n3A_246 {strides = array<i32>} : memref<64xf32, #tpu.memory_space<vmem>>, vector<16xf32>,
        %scan3A_251 = arith.constant 0 : i32
        scf.yield %scan3A_251 : i32
      }
      %scan3A_183 = arith.constant 4 : i32
      "tpu.region"() ({
        %run_scoped3A = tpu.sem_alloc : memref<!tpu.dma_semaphore, #tpu.memory_space<semaphore_mem>>
        %dma_start3A = arith.constant 0 : i32
        %dma_start3A_199 = arith.constant 0 : i32
        %dma_start3A_200 = tpu.memref_slice %arg4[%dma_start3A, %dma_start3A_199] : memref<50176x8xf32, #tpu.memory_space<hbm>> -> memref<50176x8xf32, #tpu.memory_space<hbm>>
        tpu.enqueue_indirect_dma source(%dma_start3A_200 : memref<50176x8xf32, #tpu.memory_space<hbm>>) target(%arg13 : memref<64x8xf32, #tpu.memory_space<vmem>>) offsets(%arg9 : memref<64xi32, #tpu.memory_space<vmem>>) semaphore(%run_scoped3A : memref<!tpu.dma_semaphore, #tpu.memory_space<semaphore_mem>>)
        %dma_wait3A = arith.constant 0 : i32
        %dma_wait3A_201 = arith.constant 0 : i32
        %dma_wait3A_202 = tpu.memref_slice %arg4[%dma_wait3A, %dma_wait3A_201] : memref<50176x8xf32, #tpu.memory_space<hbm>> -> memref<50176x8xf32, #tpu.memory_space<hbm>>
        tpu.wait_indirect_dma semaphore(%run_scoped3A : memref<!tpu.dma_semaphore, #tpu.memory_space<semaphore_mem>>) src(%dma_wait3A_202 : memref<50176x8xf32, #tpu.memory_space<hbm>>) dst(%arg13 : memref<64x8xf32, #tpu.memory_space<vmem>>)
        tpu.yield
      }) : () -> ()
      "tpu.region"() ({
        %run_scoped3A = tpu.sem_alloc : memref<!tpu.dma_semaphore, #tpu.memory_space<semaphore_mem>>
        %dma_start3A = arith.constant 0 : i32
        %dma_start3A_199 = tpu.memref_slice %arg5[%dma_start3A] : memref<50176xf32, #tpu.memory_space<hbm>> -> memref<50176xf32, #tpu.memory_space<hbm>>
        tpu.enqueue_indirect_dma source(%dma_start3A_199 : memref<50176xf32, #tpu.memory_space<hbm>>) target(%arg14 : memref<64xf32, #tpu.memory_space<vmem>>) offsets(%arg10 : memref<64xi32, #tpu.memory_space<vmem>>) semaphore(%run_scoped3A : memref<!tpu.dma_semaphore, #tpu.memory_space<semaphore_mem>>)
        %dma_wait3A = arith.constant 0 : i32
        %dma_wait3A_200 = tpu.memref_slice %arg5[%dma_wait3A] : memref<50176xf32, #tpu.memory_space<hbm>> -> memref<50176xf32, #tpu.memory_space<hbm>>
        tpu.wait_indirect_dma semaphore(%run_scoped3A : memref<!tpu.dma_semaphore, #tpu.memory_space<semaphore_mem>>) src(%dma_wait3A_200 : memref<50176xf32, #tpu.memory_space<hbm>>) dst(%arg14 : memref<64xf32, #tpu.memory_space<vmem>>)
        tpu.yield
      }) : () -> ()
      %scan3A_184 = arith.constant 0 : i32
      %scan3A_185 = arith.constant 0 : i32
      %scan3A_186 = arith.constant 4 : i32
      %scan3A_187 = arith.addi %scan3A_185, %scan3A_186 : i32
      %scan3A_188 = arith.constant 1 : i32
      %scan3A_189 = scf.for %scan3A_199 = %scan3A_185 to %scan3A_187 step %scan3A_188 iter_args(%scan3A_200 = %scan3A_184) -> (i32)  : i32 {
        %mul3A_201 = arith.constant 16 : i32
        %mul3A_202 = arith.muli %scan3A_199, %mul3A_201 : i32
        %add3A_203 = vector.broadcast %mul3A_202 : i32 to vector<16xi32>
        %add3A_204 = arith.addi %iota3A, %add3A_203 : vector<16xi32>
        %mul3A_205 = arith.constant 0 : i32
        %mul3A_206 = vector.broadcast %mul3A_205 : i32 to vector<16xi32>
        %mul3A_207 = arith.muli %iota3A, %mul3A_206 : vector<16xi32>
        %add3A_208 = arith.constant 7 : i32
        %add3A_209 = vector.broadcast %add3A_208 : i32 to vector<16xi32>
        %add3A_210 = arith.addi %mul3A_207, %add3A_209 : vector<16xi32>
        %gather3A = tpu.vector_load_idx %arg13[%add3A_204, %add3A_210] : memref<64x8xf32, #tpu.memory_space<vmem>>[vector<16xi32>, vector<16xi32>], vector<16xf32>,
        %mul3A_211 = arith.constant 16 : i32
        %mul3A_212 = arith.muli %scan3A_199, %mul3A_211 : i32
        %get3A_213 = arith.index_cast %mul3A_212 : i32 to index
        %get3A_214 = tpu.vector_load %arg14[%get3A_213] {strides = array<i32>} : memref<64xf32, #tpu.memory_space<vmem>>, vector<16xf32>,
        %mul3A_215 = arith.constant 16 : i32
        %mul3A_216 = arith.muli %scan3A_199, %mul3A_215 : i32
        %get3A_217 = arith.index_cast %mul3A_216 : i32 to index
        %get3A_218 = tpu.vector_load %arg12[%get3A_217] {strides = array<i32>} : memref<64xf32, #tpu.memory_space<vmem>>, vector<16xf32>,
        %add3A_219 = arith.addf %gather3A, %get3A_214 : vector<16xf32>
        %mul3A_220 = arith.constant 2.000000e-01 : f32
        %mul3A_221 = vector.broadcast %mul3A_220 : f32 to vector<16xf32>
        %mul3A_222 = arith.mulf %mul3A_221, %add3A_219 : vector<16xf32>
        %max3A = arith.maximumf %add3A_219, %mul3A_222 : vector<16xf32>
        %sub3A_223 = arith.subf %max3A, %get3A_63 : vector<16xf32>
        %exp3A = math.exp %sub3A_223 : vector<16xf32>
        %mul3A_224 = arith.mulf %exp3A, %get3A_218 : vector<16xf32>
        %mul3A_225 = arith.constant 16 : i32
        %mul3A_226 = arith.muli %scan3A_199, %mul3A_225 : i32
        %swap3A = arith.index_cast %mul3A_226 : i32 to index
        %swap3A_227 = tpu.vector_load %arg15[%swap3A] {strides = array<i32>} : memref<64xf32, #tpu.memory_space<vmem>>, vector<16xf32>,
        tpu.vector_store %arg15[%swap3A], %mul3A_224 {strides = array<i32>} : memref<64xf32, #tpu.memory_space<vmem>>, vector<16xf32>,
        %scan3A_228 = arith.constant 0 : i32
        scf.yield %scan3A_228 : i32
      }
      %scan3A_190 = arith.constant 4 : i32
      %scan3A_191 = arith.constant 0 : i32
      %scan3A_192 = arith.constant 0 : i32
      %scan3A_193 = arith.constant 32 : i32
      %scan3A_194 = arith.addi %scan3A_192, %scan3A_193 : i32
      %scan3A_195 = arith.constant 1 : i32
      %scan3A_196 = scf.for %scan3A_199 = %scan3A_192 to %scan3A_194 step %scan3A_195 iter_args(%scan3A_200 = %scan3A_191) -> (i32)  : i32 {
        %mul3A_201 = arith.constant 2 : i32
        %mul3A_202 = arith.muli %mul3A_201, %scan3A_199 : i32
        %add3A_203 = vector.broadcast %mul3A_202 : i32 to vector<16xi32>
        %add3A_204 = arith.addi %add3A_203, %shift_right_logical3A_1 : vector<16xi32>
        %gather3A = tpu.vector_load_idx %arg13[%add3A_204, %and3A_3] : memref<64x8xf32, #tpu.memory_space<vmem>>[vector<16xi32>, vector<16xi32>], vector<16xf32>,
        %gather3A_205 = tpu.vector_load_idx %arg15[%add3A_204] : memref<64xf32, #tpu.memory_space<vmem>>[vector<16xi32>], vector<16xf32>,
        %jit3A_206 = arith.constant 1.000000e+00 : f32
        %broadcast_in_dim3A_207 = vector.broadcast %jit3A_206 : f32 to vector<16xf32>
        %select_n3A_208 = arith.select %eq3A_5, %broadcast_in_dim3A_207, %gather3A : vector<16xi1>, vector<16xf32>
        %mul3A_209 = arith.mulf %select_n3A_208, %gather3A_205 : vector<16xf32>
        tpu.vector_store_idx %arg16[%add3A_204, %and3A_3], %mul3A_209 : memref<64x8xf32, #tpu.memory_space<vmem>>[vector<16xi32>, vector<16xi32>], vector<16xf32>,
        %scan3A_210 = arith.constant 0 : i32
        scf.yield %scan3A_210 : i32
      }
      %scan3A_197 = arith.constant 32 : i32
      "tpu.region"() ({
        %run_scoped3A = tpu.sem_alloc : memref<!tpu.dma_semaphore, #tpu.memory_space<semaphore_mem>>
        %dma_start3A = arith.constant 0 : i32
        %dma_start3A_199 = arith.constant 0 : i32
        %dma_start3A_200 = tpu.memref_slice %arg19[%dma_start3A, %dma_start3A_199] : memref<25088x8xf32, #tpu.memory_space<vmem_shared>> -> memref<25088x8xf32, #tpu.memory_space<vmem_shared>>
        tpu.enqueue_indirect_dma source(%arg16 : memref<64x8xf32, #tpu.memory_space<vmem>>) target(%dma_start3A_200 : memref<25088x8xf32, #tpu.memory_space<vmem_shared>>) offsets(%arg11 : memref<64xi32, #tpu.memory_space<vmem>>) semaphore(%run_scoped3A : memref<!tpu.dma_semaphore, #tpu.memory_space<semaphore_mem>>) {add = true}
        %dma_wait3A = arith.constant 0 : i32
        %dma_wait3A_201 = arith.constant 0 : i32
        %dma_wait3A_202 = tpu.memref_slice %arg19[%dma_wait3A, %dma_wait3A_201] : memref<25088x8xf32, #tpu.memory_space<vmem_shared>> -> memref<25088x8xf32, #tpu.memory_space<vmem_shared>>
        tpu.wait_indirect_dma semaphore(%run_scoped3A : memref<!tpu.dma_semaphore, #tpu.memory_space<semaphore_mem>>) src(%arg16 : memref<64x8xf32, #tpu.memory_space<vmem>>) dst(%dma_wait3A_202 : memref<25088x8xf32, #tpu.memory_space<vmem_shared>>)
        tpu.yield
      }) : () -> ()
      %while3A_198 = arith.constant 0 : i32
      scf.yield %while3A_198 : i32
    }
    %get3A_113 = arith.index_cast %add3A_65 : i32 to index
    %get3A_114 = arith.constant 0 : index
    %get3A_115 = tpu.vector_load %arg18[%get3A_113, %get3A_114] {strides = array<i32>} : memref<32x16xi32, #tpu.memory_space<vmem>>, vector<16xi32>,
    %eq3A_116 = vector.broadcast %arg0 : i32 to vector<16xi32>
    %eq3A_117 = arith.cmpi eq, %iota3A, %eq3A_116 : vector<16xi32>
    %jit3A_118 = arith.constant 0 : i32
    %broadcast_in_dim3A_119 = vector.broadcast %jit3A_118 : i32 to vector<16xi32>
    %select_n3A_120 = arith.select %eq3A_117, %get3A_115, %broadcast_in_dim3A_119 : vector<16xi1>, vector<16xi32>
    %reduce_max3A_121 = arith.constant true
    %reduce_max3A_122 = vector.broadcast %reduce_max3A_121 : i1 to vector<16xi1>
    %reduce_max3A_123 = arith.constant -2147483648 : i32
    %reduce_max3A_124 = vector.broadcast %reduce_max3A_123 : i32 to vector<16xi32>
    %reduce_max3A_125 = arith.xori %select_n3A_120, %reduce_max3A_124 : vector<16xi32>
    %reduce_max3A_126 = tpu.scan <max>, %reduce_max3A_125 masked %reduce_max3A_122 : vector<16xi32>, vector<16xi1> -> vector<16xi32>
    %reduce_max3A_127 = arith.xori %reduce_max3A_126, %reduce_max3A_124 : vector<16xi32>
    %reduce_max3A_128 = vector.extract %reduce_max3A_127[15] : i32 from vector<16xi32>
    %add3A_129 = arith.constant 64 : i32
    %add3A_130 = arith.addi %reduce_max3A_128, %add3A_129 : i32
    %sub3A_131 = arith.constant 1 : i32
    %sub3A_132 = arith.subi %add3A_130, %sub3A_131 : i32
    %jit3A_133 = arith.constant 64 : i32
    %div3A_134 = arith.divsi %sub3A_132, %jit3A_133 : i32
    %sign3A_135 = arith.constant 0 : i32
    %sign3A_136 = arith.cmpi sgt, %sub3A_132, %sign3A_135 : i32
    %sign3A_137 = arith.extui %sign3A_136 : i1 to i32
    %sign3A_138 = arith.constant 0 : i32
    %sign3A_139 = arith.cmpi slt, %sub3A_132, %sign3A_138 : i32
    %sign3A_140 = arith.extui %sign3A_139 : i1 to i32
    %sign3A_141 = arith.subi %sign3A_137, %sign3A_140 : i32
    %sign3A_142 = arith.constant 0 : i32
    %sign3A_143 = arith.cmpi sgt, %jit3A_133, %sign3A_142 : i32
    %sign3A_144 = arith.extui %sign3A_143 : i1 to i32
    %sign3A_145 = arith.constant 0 : i32
    %sign3A_146 = arith.cmpi slt, %jit3A_133, %sign3A_145 : i32
    %sign3A_147 = arith.extui %sign3A_146 : i1 to i32
    %sign3A_148 = arith.subi %sign3A_144, %sign3A_147 : i32
    %ne3A_149 = arith.cmpi ne, %sign3A_141, %sign3A_148 : i32
    %rem3A_150 = arith.remsi %sub3A_132, %jit3A_133 : i32
    %ne3A_151 = arith.constant 0 : i32
    %ne3A_152 = arith.cmpi ne, %rem3A_150, %ne3A_151 : i32
    %and3A_153 = arith.andi %ne3A_149, %ne3A_152 : i1
    %sub3A_154 = arith.constant 1 : i32
    %sub3A_155 = arith.subi %div3A_134, %sub3A_154 : i32
    %select_n3A_156 = arith.select %and3A_153, %sub3A_155, %div3A_134 : i32
    %while3A_157 = arith.constant 0 : i32
    %while3A_158 = arith.constant 0 : i32
    %while3A_159 = arith.subi %select_n3A_156, %while3A_157 : i32
    %while3A_160 = arith.addi %while3A_157, %while3A_159 : i32
    %while3A_161 = arith.constant 1 : i32
    %while3A_162 = arith.divsi %while3A_159, %while3A_161 : i32
    %while3A_163 = arith.muli %while3A_162, %while3A_161 : i32
    %while3A_164 = arith.addi %while3A_157, %while3A_163 : i32
    %while3A_165 = arith.constant 1 : i32
    %while3A_166 = scf.for %while3A_173 = %while3A_157 to %while3A_164 step %while3A_165 iter_args(%while3A_174 = %while3A_158) -> (i32)  : i32 {
      %mul3A_175 = arith.constant 64 : i32
      %mul3A_176 = arith.muli %while3A_173, %mul3A_175 : i32
      "tpu.region"() ({
        %run_scoped3A = tpu.sem_alloc : memref<!tpu.dma_semaphore, #tpu.memory_space<semaphore_mem>>
        %dma_start3A = tpu.memref_slice %arg2[%add3A_65, %arg0, %mul3A_176] : memref<32x2x50048xi32, #tpu.memory_space<hbm>> -> memref<1x1x64xi32, #tpu.memory_space<hbm>>
        %dma_start3A_199 = tpu.memref_squeeze %dma_start3A : memref<1x1x64xi32, #tpu.memory_space<hbm>> -> memref<64xi32, #tpu.memory_space<hbm>>
        %dma_start3A_200 = tpu.memref_slice %arg2[%add3A_65, %arg0, %mul3A_176] : memref<32x2x50048xi32, #tpu.memory_space<hbm>> -> memref<1x1x64xi32, #tpu.memory_space<hbm>>
        %dma_start3A_201 = tpu.memref_squeeze %dma_start3A_200 : memref<1x1x64xi32, #tpu.memory_space<hbm>> -> memref<64xi32, #tpu.memory_space<hbm>>
        tpu.enqueue_dma source(%dma_start3A_201 : memref<64xi32, #tpu.memory_space<hbm>>) target(%arg8 : memref<64xi32, #tpu.memory_space<vmem>>) target_semaphore(%run_scoped3A : memref<!tpu.dma_semaphore, #tpu.memory_space<semaphore_mem>>)
        %dma_wait3A = tpu.memref_slice %arg2[%add3A_65, %arg0, %mul3A_176] : memref<32x2x50048xi32, #tpu.memory_space<hbm>> -> memref<1x1x64xi32, #tpu.memory_space<hbm>>
        %dma_wait3A_202 = tpu.memref_squeeze %dma_wait3A : memref<1x1x64xi32, #tpu.memory_space<hbm>> -> memref<64xi32, #tpu.memory_space<hbm>>
        %dma_wait3A_203 = tpu.memref_slice %arg2[%add3A_65, %arg0, %mul3A_176] : memref<32x2x50048xi32, #tpu.memory_space<hbm>> -> memref<1x1x64xi32, #tpu.memory_space<hbm>>
        %dma_wait3A_204 = tpu.memref_squeeze %dma_wait3A_203 : memref<1x1x64xi32, #tpu.memory_space<hbm>> -> memref<64xi32, #tpu.memory_space<hbm>>
        tpu.wait_dma2 semaphore(%run_scoped3A : memref<!tpu.dma_semaphore, #tpu.memory_space<semaphore_mem>>) src(%dma_wait3A_204 : memref<64xi32, #tpu.memory_space<hbm>>) dst(%arg8 : memref<64xi32, #tpu.memory_space<vmem>>)
        tpu.yield
      }) : () -> ()
      %scan3A_177 = arith.constant 0 : i32
      %scan3A_178 = arith.constant 0 : i32
      %scan3A_179 = arith.constant 4 : i32
      %scan3A_180 = arith.addi %scan3A_178, %scan3A_179 : i32
      %scan3A_181 = arith.constant 1 : i32
      %scan3A_182 = scf.for %scan3A_199 = %scan3A_178 to %scan3A_180 step %scan3A_181 iter_args(%scan3A_200 = %scan3A_177) -> (i32)  : i32 {
        %mul3A_201 = arith.constant 16 : i32
        %mul3A_202 = arith.muli %scan3A_199, %mul3A_201 : i32
        %get3A_203 = arith.index_cast %mul3A_202 : i32 to index
        %get3A_204 = tpu.vector_load %arg8[%get3A_203] {strides = array<i32>} : memref<64xi32, #tpu.memory_space<vmem>>, vector<16xi32>,
        %and3A_205 = arith.constant 65535 : i32
        %and3A_206 = vector.broadcast %and3A_205 : i32 to vector<16xi32>
        %and3A_207 = arith.andi %get3A_204, %and3A_206 : vector<16xi32>
        %shift_right_logical3A_208 = arith.constant 16 : i32
        %shift_right_logical3A_209 = vector.broadcast %shift_right_logical3A_208 : i32 to vector<16xi32>
        %shift_right_logical3A_210 = arith.shrui %get3A_204, %shift_right_logical3A_209 : vector<16xi32>
        %mul3A_211 = arith.constant 64 : i32
        %mul3A_212 = arith.muli %while3A_173, %mul3A_211 : i32
        %sub3A_213 = arith.subi %reduce_max3A_128, %mul3A_212 : i32
        %mul3A_214 = arith.constant 16 : i32
        %mul3A_215 = arith.muli %scan3A_199, %mul3A_214 : i32
        %sub3A_216 = arith.subi %sub3A_213, %mul3A_215 : i32
        %lt3A = vector.broadcast %sub3A_216 : i32 to vector<16xi32>
        %lt3A_217 = arith.cmpi slt, %iota3A, %lt3A : vector<16xi32>
        %jit3A_218 = arith.constant 0 : i32
        %broadcast_in_dim3A_219 = vector.broadcast %jit3A_218 : i32 to vector<16xi32>
        %select_n3A_220 = arith.select %lt3A_217, %and3A_207, %broadcast_in_dim3A_219 : vector<16xi1>, vector<16xi32>
        %mul3A_221 = arith.constant 16 : i32
        %mul3A_222 = arith.muli %scan3A_199, %mul3A_221 : i32
        %swap3A = arith.index_cast %mul3A_222 : i32 to index
        %swap3A_223 = tpu.vector_load %arg9[%swap3A] {strides = array<i32>} : memref<64xi32, #tpu.memory_space<vmem>>, vector<16xi32>,
        tpu.vector_store %arg9[%swap3A], %select_n3A_220 {strides = array<i32>} : memref<64xi32, #tpu.memory_space<vmem>>, vector<16xi32>,
        %jit3A_224 = arith.constant 0 : i32
        %broadcast_in_dim3A_225 = vector.broadcast %jit3A_224 : i32 to vector<16xi32>
        %select_n3A_226 = arith.select %lt3A_217, %shift_right_logical3A_210, %broadcast_in_dim3A_225 : vector<16xi1>, vector<16xi32>
        %mul3A_227 = arith.constant 16 : i32
        %mul3A_228 = arith.muli %scan3A_199, %mul3A_227 : i32
        %swap3A_229 = arith.index_cast %mul3A_228 : i32 to index
        %swap3A_230 = tpu.vector_load %arg10[%swap3A_229] {strides = array<i32>} : memref<64xi32, #tpu.memory_space<vmem>>, vector<16xi32>,
        tpu.vector_store %arg10[%swap3A_229], %select_n3A_226 {strides = array<i32>} : memref<64xi32, #tpu.memory_space<vmem>>, vector<16xi32>,
        %mul3A_231 = arith.constant 25088 : i32
        %mul3A_232 = arith.muli %arg0, %mul3A_231 : i32
        %sub3A_233 = vector.broadcast %mul3A_232 : i32 to vector<16xi32>
        %sub3A_234 = arith.subi %shift_right_logical3A_210, %sub3A_233 : vector<16xi32>
        %jit3A_235 = arith.constant 0 : i32
        %broadcast_in_dim3A_236 = vector.broadcast %jit3A_235 : i32 to vector<16xi32>
        %select_n3A_237 = arith.select %lt3A_217, %sub3A_234, %broadcast_in_dim3A_236 : vector<16xi1>, vector<16xi32>
        %mul3A_238 = arith.constant 16 : i32
        %mul3A_239 = arith.muli %scan3A_199, %mul3A_238 : i32
        %swap3A_240 = arith.index_cast %mul3A_239 : i32 to index
        %swap3A_241 = tpu.vector_load %arg11[%swap3A_240] {strides = array<i32>} : memref<64xi32, #tpu.memory_space<vmem>>, vector<16xi32>,
        tpu.vector_store %arg11[%swap3A_240], %select_n3A_237 {strides = array<i32>} : memref<64xi32, #tpu.memory_space<vmem>>, vector<16xi32>,
        %jit3A_242 = arith.constant 1.000000e+00 : f32
        %jit3A_243 = arith.constant 0.000000e+00 : f32
        %broadcast_in_dim3A_244 = vector.broadcast %jit3A_242 : f32 to vector<16xf32>
        %broadcast_in_dim3A_245 = vector.broadcast %jit3A_243 : f32 to vector<16xf32>
        %select_n3A_246 = arith.select %lt3A_217, %broadcast_in_dim3A_244, %broadcast_in_dim3A_245 : vector<16xi1>, vector<16xf32>
        %mul3A_247 = arith.constant 16 : i32
        %mul3A_248 = arith.muli %scan3A_199, %mul3A_247 : i32
        %swap3A_249 = arith.index_cast %mul3A_248 : i32 to index
        %swap3A_250 = tpu.vector_load %arg12[%swap3A_249] {strides = array<i32>} : memref<64xf32, #tpu.memory_space<vmem>>, vector<16xf32>,
        tpu.vector_store %arg12[%swap3A_249], %select_n3A_246 {strides = array<i32>} : memref<64xf32, #tpu.memory_space<vmem>>, vector<16xf32>,
        %scan3A_251 = arith.constant 0 : i32
        scf.yield %scan3A_251 : i32
      }
      %scan3A_183 = arith.constant 4 : i32
      "tpu.region"() ({
        %run_scoped3A = tpu.sem_alloc : memref<!tpu.dma_semaphore, #tpu.memory_space<semaphore_mem>>
        %dma_start3A = arith.constant 0 : i32
        %dma_start3A_199 = arith.constant 0 : i32
        %dma_start3A_200 = tpu.memref_slice %arg4[%dma_start3A, %dma_start3A_199] : memref<50176x8xf32, #tpu.memory_space<hbm>> -> memref<50176x8xf32, #tpu.memory_space<hbm>>
        tpu.enqueue_indirect_dma source(%dma_start3A_200 : memref<50176x8xf32, #tpu.memory_space<hbm>>) target(%arg13 : memref<64x8xf32, #tpu.memory_space<vmem>>) offsets(%arg9 : memref<64xi32, #tpu.memory_space<vmem>>) semaphore(%run_scoped3A : memref<!tpu.dma_semaphore, #tpu.memory_space<semaphore_mem>>)
        %dma_wait3A = arith.constant 0 : i32
        %dma_wait3A_201 = arith.constant 0 : i32
        %dma_wait3A_202 = tpu.memref_slice %arg4[%dma_wait3A, %dma_wait3A_201] : memref<50176x8xf32, #tpu.memory_space<hbm>> -> memref<50176x8xf32, #tpu.memory_space<hbm>>
        tpu.wait_indirect_dma semaphore(%run_scoped3A : memref<!tpu.dma_semaphore, #tpu.memory_space<semaphore_mem>>) src(%dma_wait3A_202 : memref<50176x8xf32, #tpu.memory_space<hbm>>) dst(%arg13 : memref<64x8xf32, #tpu.memory_space<vmem>>)
        tpu.yield
      }) : () -> ()
      "tpu.region"() ({
        %run_scoped3A = tpu.sem_alloc : memref<!tpu.dma_semaphore, #tpu.memory_space<semaphore_mem>>
        %dma_start3A = arith.constant 0 : i32
        %dma_start3A_199 = tpu.memref_slice %arg5[%dma_start3A] : memref<50176xf32, #tpu.memory_space<hbm>> -> memref<50176xf32, #tpu.memory_space<hbm>>
        tpu.enqueue_indirect_dma source(%dma_start3A_199 : memref<50176xf32, #tpu.memory_space<hbm>>) target(%arg14 : memref<64xf32, #tpu.memory_space<vmem>>) offsets(%arg10 : memref<64xi32, #tpu.memory_space<vmem>>) semaphore(%run_scoped3A : memref<!tpu.dma_semaphore, #tpu.memory_space<semaphore_mem>>)
        %dma_wait3A = arith.constant 0 : i32
        %dma_wait3A_200 = tpu.memref_slice %arg5[%dma_wait3A] : memref<50176xf32, #tpu.memory_space<hbm>> -> memref<50176xf32, #tpu.memory_space<hbm>>
        tpu.wait_indirect_dma semaphore(%run_scoped3A : memref<!tpu.dma_semaphore, #tpu.memory_space<semaphore_mem>>) src(%dma_wait3A_200 : memref<50176xf32, #tpu.memory_space<hbm>>) dst(%arg14 : memref<64xf32, #tpu.memory_space<vmem>>)
        tpu.yield
      }) : () -> ()
      %scan3A_184 = arith.constant 0 : i32
      %scan3A_185 = arith.constant 0 : i32
      %scan3A_186 = arith.constant 4 : i32
      %scan3A_187 = arith.addi %scan3A_185, %scan3A_186 : i32
      %scan3A_188 = arith.constant 1 : i32
      %scan3A_189 = scf.for %scan3A_199 = %scan3A_185 to %scan3A_187 step %scan3A_188 iter_args(%scan3A_200 = %scan3A_184) -> (i32)  : i32 {
        %mul3A_201 = arith.constant 16 : i32
        %mul3A_202 = arith.muli %scan3A_199, %mul3A_201 : i32
        %add3A_203 = vector.broadcast %mul3A_202 : i32 to vector<16xi32>
        %add3A_204 = arith.addi %iota3A, %add3A_203 : vector<16xi32>
        %mul3A_205 = arith.constant 0 : i32
        %mul3A_206 = vector.broadcast %mul3A_205 : i32 to vector<16xi32>
        %mul3A_207 = arith.muli %iota3A, %mul3A_206 : vector<16xi32>
        %add3A_208 = arith.constant 7 : i32
        %add3A_209 = vector.broadcast %add3A_208 : i32 to vector<16xi32>
        %add3A_210 = arith.addi %mul3A_207, %add3A_209 : vector<16xi32>
        %gather3A = tpu.vector_load_idx %arg13[%add3A_204, %add3A_210] : memref<64x8xf32, #tpu.memory_space<vmem>>[vector<16xi32>, vector<16xi32>], vector<16xf32>,
        %mul3A_211 = arith.constant 16 : i32
        %mul3A_212 = arith.muli %scan3A_199, %mul3A_211 : i32
        %get3A_213 = arith.index_cast %mul3A_212 : i32 to index
        %get3A_214 = tpu.vector_load %arg14[%get3A_213] {strides = array<i32>} : memref<64xf32, #tpu.memory_space<vmem>>, vector<16xf32>,
        %mul3A_215 = arith.constant 16 : i32
        %mul3A_216 = arith.muli %scan3A_199, %mul3A_215 : i32
        %get3A_217 = arith.index_cast %mul3A_216 : i32 to index
        %get3A_218 = tpu.vector_load %arg12[%get3A_217] {strides = array<i32>} : memref<64xf32, #tpu.memory_space<vmem>>, vector<16xf32>,
        %add3A_219 = arith.addf %gather3A, %get3A_214 : vector<16xf32>
        %mul3A_220 = arith.constant 2.000000e-01 : f32
        %mul3A_221 = vector.broadcast %mul3A_220 : f32 to vector<16xf32>
        %mul3A_222 = arith.mulf %mul3A_221, %add3A_219 : vector<16xf32>
        %max3A = arith.maximumf %add3A_219, %mul3A_222 : vector<16xf32>
        %sub3A_223 = arith.subf %max3A, %get3A_63 : vector<16xf32>
        %exp3A = math.exp %sub3A_223 : vector<16xf32>
        %mul3A_224 = arith.mulf %exp3A, %get3A_218 : vector<16xf32>
        %mul3A_225 = arith.constant 16 : i32
        %mul3A_226 = arith.muli %scan3A_199, %mul3A_225 : i32
        %swap3A = arith.index_cast %mul3A_226 : i32 to index
        %swap3A_227 = tpu.vector_load %arg15[%swap3A] {strides = array<i32>} : memref<64xf32, #tpu.memory_space<vmem>>, vector<16xf32>,
        tpu.vector_store %arg15[%swap3A], %mul3A_224 {strides = array<i32>} : memref<64xf32, #tpu.memory_space<vmem>>, vector<16xf32>,
        %scan3A_228 = arith.constant 0 : i32
        scf.yield %scan3A_228 : i32
      }
      %scan3A_190 = arith.constant 4 : i32
      %scan3A_191 = arith.constant 0 : i32
      %scan3A_192 = arith.constant 0 : i32
      %scan3A_193 = arith.constant 32 : i32
      %scan3A_194 = arith.addi %scan3A_192, %scan3A_193 : i32
      %scan3A_195 = arith.constant 1 : i32
      %scan3A_196 = scf.for %scan3A_199 = %scan3A_192 to %scan3A_194 step %scan3A_195 iter_args(%scan3A_200 = %scan3A_191) -> (i32)  : i32 {
        %mul3A_201 = arith.constant 2 : i32
        %mul3A_202 = arith.muli %mul3A_201, %scan3A_199 : i32
        %add3A_203 = vector.broadcast %mul3A_202 : i32 to vector<16xi32>
        %add3A_204 = arith.addi %add3A_203, %shift_right_logical3A_1 : vector<16xi32>
        %gather3A = tpu.vector_load_idx %arg13[%add3A_204, %and3A_3] : memref<64x8xf32, #tpu.memory_space<vmem>>[vector<16xi32>, vector<16xi32>], vector<16xf32>,
        %gather3A_205 = tpu.vector_load_idx %arg15[%add3A_204] : memref<64xf32, #tpu.memory_space<vmem>>[vector<16xi32>], vector<16xf32>,
        %jit3A_206 = arith.constant 1.000000e+00 : f32
        %broadcast_in_dim3A_207 = vector.broadcast %jit3A_206 : f32 to vector<16xf32>
        %select_n3A_208 = arith.select %eq3A_5, %broadcast_in_dim3A_207, %gather3A : vector<16xi1>, vector<16xf32>
        %mul3A_209 = arith.mulf %select_n3A_208, %gather3A_205 : vector<16xf32>
        tpu.vector_store_idx %arg16[%add3A_204, %and3A_3], %mul3A_209 : memref<64x8xf32, #tpu.memory_space<vmem>>[vector<16xi32>, vector<16xi32>], vector<16xf32>,
        %scan3A_210 = arith.constant 0 : i32
        scf.yield %scan3A_210 : i32
      }
      %scan3A_197 = arith.constant 32 : i32
      "tpu.region"() ({
        %run_scoped3A = tpu.sem_alloc : memref<!tpu.dma_semaphore, #tpu.memory_space<semaphore_mem>>
        %dma_start3A = arith.constant 0 : i32
        %dma_start3A_199 = arith.constant 0 : i32
        %dma_start3A_200 = tpu.memref_slice %arg19[%dma_start3A, %dma_start3A_199] : memref<25088x8xf32, #tpu.memory_space<vmem_shared>> -> memref<25088x8xf32, #tpu.memory_space<vmem_shared>>
        tpu.enqueue_indirect_dma source(%arg16 : memref<64x8xf32, #tpu.memory_space<vmem>>) target(%dma_start3A_200 : memref<25088x8xf32, #tpu.memory_space<vmem_shared>>) offsets(%arg11 : memref<64xi32, #tpu.memory_space<vmem>>) semaphore(%run_scoped3A : memref<!tpu.dma_semaphore, #tpu.memory_space<semaphore_mem>>) {add = true}
        %dma_wait3A = arith.constant 0 : i32
        %dma_wait3A_201 = arith.constant 0 : i32
        %dma_wait3A_202 = tpu.memref_slice %arg19[%dma_wait3A, %dma_wait3A_201] : memref<25088x8xf32, #tpu.memory_space<vmem_shared>> -> memref<25088x8xf32, #tpu.memory_space<vmem_shared>>
        tpu.wait_indirect_dma semaphore(%run_scoped3A : memref<!tpu.dma_semaphore, #tpu.memory_space<semaphore_mem>>) src(%arg16 : memref<64x8xf32, #tpu.memory_space<vmem>>) dst(%dma_wait3A_202 : memref<25088x8xf32, #tpu.memory_space<vmem_shared>>)
        tpu.yield
      }) : () -> ()
      %while3A_198 = arith.constant 0 : i32
      scf.yield %while3A_198 : i32
    }
    %while3A_167 = arith.constant 1 : i32
    %while3A_168 = scf.for %while3A_173 = %while3A_164 to %while3A_160 step %while3A_167 iter_args(%while3A_174 = %while3A_166) -> (i32)  : i32 {
      %mul3A_175 = arith.constant 64 : i32
      %mul3A_176 = arith.muli %while3A_173, %mul3A_175 : i32
      "tpu.region"() ({
        %run_scoped3A = tpu.sem_alloc : memref<!tpu.dma_semaphore, #tpu.memory_space<semaphore_mem>>
        %dma_start3A = tpu.memref_slice %arg2[%add3A_65, %arg0, %mul3A_176] : memref<32x2x50048xi32, #tpu.memory_space<hbm>> -> memref<1x1x64xi32, #tpu.memory_space<hbm>>
        %dma_start3A_199 = tpu.memref_squeeze %dma_start3A : memref<1x1x64xi32, #tpu.memory_space<hbm>> -> memref<64xi32, #tpu.memory_space<hbm>>
        %dma_start3A_200 = tpu.memref_slice %arg2[%add3A_65, %arg0, %mul3A_176] : memref<32x2x50048xi32, #tpu.memory_space<hbm>> -> memref<1x1x64xi32, #tpu.memory_space<hbm>>
        %dma_start3A_201 = tpu.memref_squeeze %dma_start3A_200 : memref<1x1x64xi32, #tpu.memory_space<hbm>> -> memref<64xi32, #tpu.memory_space<hbm>>
        tpu.enqueue_dma source(%dma_start3A_201 : memref<64xi32, #tpu.memory_space<hbm>>) target(%arg8 : memref<64xi32, #tpu.memory_space<vmem>>) target_semaphore(%run_scoped3A : memref<!tpu.dma_semaphore, #tpu.memory_space<semaphore_mem>>)
        %dma_wait3A = tpu.memref_slice %arg2[%add3A_65, %arg0, %mul3A_176] : memref<32x2x50048xi32, #tpu.memory_space<hbm>> -> memref<1x1x64xi32, #tpu.memory_space<hbm>>
        %dma_wait3A_202 = tpu.memref_squeeze %dma_wait3A : memref<1x1x64xi32, #tpu.memory_space<hbm>> -> memref<64xi32, #tpu.memory_space<hbm>>
        %dma_wait3A_203 = tpu.memref_slice %arg2[%add3A_65, %arg0, %mul3A_176] : memref<32x2x50048xi32, #tpu.memory_space<hbm>> -> memref<1x1x64xi32, #tpu.memory_space<hbm>>
        %dma_wait3A_204 = tpu.memref_squeeze %dma_wait3A_203 : memref<1x1x64xi32, #tpu.memory_space<hbm>> -> memref<64xi32, #tpu.memory_space<hbm>>
        tpu.wait_dma2 semaphore(%run_scoped3A : memref<!tpu.dma_semaphore, #tpu.memory_space<semaphore_mem>>) src(%dma_wait3A_204 : memref<64xi32, #tpu.memory_space<hbm>>) dst(%arg8 : memref<64xi32, #tpu.memory_space<vmem>>)
        tpu.yield
      }) : () -> ()
      %scan3A_177 = arith.constant 0 : i32
      %scan3A_178 = arith.constant 0 : i32
      %scan3A_179 = arith.constant 4 : i32
      %scan3A_180 = arith.addi %scan3A_178, %scan3A_179 : i32
      %scan3A_181 = arith.constant 1 : i32
      %scan3A_182 = scf.for %scan3A_199 = %scan3A_178 to %scan3A_180 step %scan3A_181 iter_args(%scan3A_200 = %scan3A_177) -> (i32)  : i32 {
        %mul3A_201 = arith.constant 16 : i32
        %mul3A_202 = arith.muli %scan3A_199, %mul3A_201 : i32
        %get3A_203 = arith.index_cast %mul3A_202 : i32 to index
        %get3A_204 = tpu.vector_load %arg8[%get3A_203] {strides = array<i32>} : memref<64xi32, #tpu.memory_space<vmem>>, vector<16xi32>,
        %and3A_205 = arith.constant 65535 : i32
        %and3A_206 = vector.broadcast %and3A_205 : i32 to vector<16xi32>
        %and3A_207 = arith.andi %get3A_204, %and3A_206 : vector<16xi32>
        %shift_right_logical3A_208 = arith.constant 16 : i32
        %shift_right_logical3A_209 = vector.broadcast %shift_right_logical3A_208 : i32 to vector<16xi32>
        %shift_right_logical3A_210 = arith.shrui %get3A_204, %shift_right_logical3A_209 : vector<16xi32>
        %mul3A_211 = arith.constant 64 : i32
        %mul3A_212 = arith.muli %while3A_173, %mul3A_211 : i32
        %sub3A_213 = arith.subi %reduce_max3A_128, %mul3A_212 : i32
        %mul3A_214 = arith.constant 16 : i32
        %mul3A_215 = arith.muli %scan3A_199, %mul3A_214 : i32
        %sub3A_216 = arith.subi %sub3A_213, %mul3A_215 : i32
        %lt3A = vector.broadcast %sub3A_216 : i32 to vector<16xi32>
        %lt3A_217 = arith.cmpi slt, %iota3A, %lt3A : vector<16xi32>
        %jit3A_218 = arith.constant 0 : i32
        %broadcast_in_dim3A_219 = vector.broadcast %jit3A_218 : i32 to vector<16xi32>
        %select_n3A_220 = arith.select %lt3A_217, %and3A_207, %broadcast_in_dim3A_219 : vector<16xi1>, vector<16xi32>
        %mul3A_221 = arith.constant 16 : i32
        %mul3A_222 = arith.muli %scan3A_199, %mul3A_221 : i32
        %swap3A = arith.index_cast %mul3A_222 : i32 to index
        %swap3A_223 = tpu.vector_load %arg9[%swap3A] {strides = array<i32>} : memref<64xi32, #tpu.memory_space<vmem>>, vector<16xi32>,
        tpu.vector_store %arg9[%swap3A], %select_n3A_220 {strides = array<i32>} : memref<64xi32, #tpu.memory_space<vmem>>, vector<16xi32>,
        %jit3A_224 = arith.constant 0 : i32
        %broadcast_in_dim3A_225 = vector.broadcast %jit3A_224 : i32 to vector<16xi32>
        %select_n3A_226 = arith.select %lt3A_217, %shift_right_logical3A_210, %broadcast_in_dim3A_225 : vector<16xi1>, vector<16xi32>
        %mul3A_227 = arith.constant 16 : i32
        %mul3A_228 = arith.muli %scan3A_199, %mul3A_227 : i32
        %swap3A_229 = arith.index_cast %mul3A_228 : i32 to index
        %swap3A_230 = tpu.vector_load %arg10[%swap3A_229] {strides = array<i32>} : memref<64xi32, #tpu.memory_space<vmem>>, vector<16xi32>,
        tpu.vector_store %arg10[%swap3A_229], %select_n3A_226 {strides = array<i32>} : memref<64xi32, #tpu.memory_space<vmem>>, vector<16xi32>,
        %mul3A_231 = arith.constant 25088 : i32
        %mul3A_232 = arith.muli %arg0, %mul3A_231 : i32
        %sub3A_233 = vector.broadcast %mul3A_232 : i32 to vector<16xi32>
        %sub3A_234 = arith.subi %shift_right_logical3A_210, %sub3A_233 : vector<16xi32>
        %jit3A_235 = arith.constant 0 : i32
        %broadcast_in_dim3A_236 = vector.broadcast %jit3A_235 : i32 to vector<16xi32>
        %select_n3A_237 = arith.select %lt3A_217, %sub3A_234, %broadcast_in_dim3A_236 : vector<16xi1>, vector<16xi32>
        %mul3A_238 = arith.constant 16 : i32
        %mul3A_239 = arith.muli %scan3A_199, %mul3A_238 : i32
        %swap3A_240 = arith.index_cast %mul3A_239 : i32 to index
        %swap3A_241 = tpu.vector_load %arg11[%swap3A_240] {strides = array<i32>} : memref<64xi32, #tpu.memory_space<vmem>>, vector<16xi32>,
        tpu.vector_store %arg11[%swap3A_240], %select_n3A_237 {strides = array<i32>} : memref<64xi32, #tpu.memory_space<vmem>>, vector<16xi32>,
        %jit3A_242 = arith.constant 1.000000e+00 : f32
        %jit3A_243 = arith.constant 0.000000e+00 : f32
        %broadcast_in_dim3A_244 = vector.broadcast %jit3A_242 : f32 to vector<16xf32>
        %broadcast_in_dim3A_245 = vector.broadcast %jit3A_243 : f32 to vector<16xf32>
        %select_n3A_246 = arith.select %lt3A_217, %broadcast_in_dim3A_244, %broadcast_in_dim3A_245 : vector<16xi1>, vector<16xf32>
        %mul3A_247 = arith.constant 16 : i32
        %mul3A_248 = arith.muli %scan3A_199, %mul3A_247 : i32
        %swap3A_249 = arith.index_cast %mul3A_248 : i32 to index
        %swap3A_250 = tpu.vector_load %arg12[%swap3A_249] {strides = array<i32>} : memref<64xf32, #tpu.memory_space<vmem>>, vector<16xf32>,
        tpu.vector_store %arg12[%swap3A_249], %select_n3A_246 {strides = array<i32>} : memref<64xf32, #tpu.memory_space<vmem>>, vector<16xf32>,
        %scan3A_251 = arith.constant 0 : i32
        scf.yield %scan3A_251 : i32
      }
      %scan3A_183 = arith.constant 4 : i32
      "tpu.region"() ({
        %run_scoped3A = tpu.sem_alloc : memref<!tpu.dma_semaphore, #tpu.memory_space<semaphore_mem>>
        %dma_start3A = arith.constant 0 : i32
        %dma_start3A_199 = arith.constant 0 : i32
        %dma_start3A_200 = tpu.memref_slice %arg4[%dma_start3A, %dma_start3A_199] : memref<50176x8xf32, #tpu.memory_space<hbm>> -> memref<50176x8xf32, #tpu.memory_space<hbm>>
        tpu.enqueue_indirect_dma source(%dma_start3A_200 : memref<50176x8xf32, #tpu.memory_space<hbm>>) target(%arg13 : memref<64x8xf32, #tpu.memory_space<vmem>>) offsets(%arg9 : memref<64xi32, #tpu.memory_space<vmem>>) semaphore(%run_scoped3A : memref<!tpu.dma_semaphore, #tpu.memory_space<semaphore_mem>>)
        %dma_wait3A = arith.constant 0 : i32
        %dma_wait3A_201 = arith.constant 0 : i32
        %dma_wait3A_202 = tpu.memref_slice %arg4[%dma_wait3A, %dma_wait3A_201] : memref<50176x8xf32, #tpu.memory_space<hbm>> -> memref<50176x8xf32, #tpu.memory_space<hbm>>
        tpu.wait_indirect_dma semaphore(%run_scoped3A : memref<!tpu.dma_semaphore, #tpu.memory_space<semaphore_mem>>) src(%dma_wait3A_202 : memref<50176x8xf32, #tpu.memory_space<hbm>>) dst(%arg13 : memref<64x8xf32, #tpu.memory_space<vmem>>)
        tpu.yield
      }) : () -> ()
      "tpu.region"() ({
        %run_scoped3A = tpu.sem_alloc : memref<!tpu.dma_semaphore, #tpu.memory_space<semaphore_mem>>
        %dma_start3A = arith.constant 0 : i32
        %dma_start3A_199 = tpu.memref_slice %arg5[%dma_start3A] : memref<50176xf32, #tpu.memory_space<hbm>> -> memref<50176xf32, #tpu.memory_space<hbm>>
        tpu.enqueue_indirect_dma source(%dma_start3A_199 : memref<50176xf32, #tpu.memory_space<hbm>>) target(%arg14 : memref<64xf32, #tpu.memory_space<vmem>>) offsets(%arg10 : memref<64xi32, #tpu.memory_space<vmem>>) semaphore(%run_scoped3A : memref<!tpu.dma_semaphore, #tpu.memory_space<semaphore_mem>>)
        %dma_wait3A = arith.constant 0 : i32
        %dma_wait3A_200 = tpu.memref_slice %arg5[%dma_wait3A] : memref<50176xf32, #tpu.memory_space<hbm>> -> memref<50176xf32, #tpu.memory_space<hbm>>
        tpu.wait_indirect_dma semaphore(%run_scoped3A : memref<!tpu.dma_semaphore, #tpu.memory_space<semaphore_mem>>) src(%dma_wait3A_200 : memref<50176xf32, #tpu.memory_space<hbm>>) dst(%arg14 : memref<64xf32, #tpu.memory_space<vmem>>)
        tpu.yield
      }) : () -> ()
      %scan3A_184 = arith.constant 0 : i32
      %scan3A_185 = arith.constant 0 : i32
      %scan3A_186 = arith.constant 4 : i32
      %scan3A_187 = arith.addi %scan3A_185, %scan3A_186 : i32
      %scan3A_188 = arith.constant 1 : i32
      %scan3A_189 = scf.for %scan3A_199 = %scan3A_185 to %scan3A_187 step %scan3A_188 iter_args(%scan3A_200 = %scan3A_184) -> (i32)  : i32 {
        %mul3A_201 = arith.constant 16 : i32
        %mul3A_202 = arith.muli %scan3A_199, %mul3A_201 : i32
        %add3A_203 = vector.broadcast %mul3A_202 : i32 to vector<16xi32>
        %add3A_204 = arith.addi %iota3A, %add3A_203 : vector<16xi32>
        %mul3A_205 = arith.constant 0 : i32
        %mul3A_206 = vector.broadcast %mul3A_205 : i32 to vector<16xi32>
        %mul3A_207 = arith.muli %iota3A, %mul3A_206 : vector<16xi32>
        %add3A_208 = arith.constant 7 : i32
        %add3A_209 = vector.broadcast %add3A_208 : i32 to vector<16xi32>
        %add3A_210 = arith.addi %mul3A_207, %add3A_209 : vector<16xi32>
        %gather3A = tpu.vector_load_idx %arg13[%add3A_204, %add3A_210] : memref<64x8xf32, #tpu.memory_space<vmem>>[vector<16xi32>, vector<16xi32>], vector<16xf32>,
        %mul3A_211 = arith.constant 16 : i32
        %mul3A_212 = arith.muli %scan3A_199, %mul3A_211 : i32
        %get3A_213 = arith.index_cast %mul3A_212 : i32 to index
        %get3A_214 = tpu.vector_load %arg14[%get3A_213] {strides = array<i32>} : memref<64xf32, #tpu.memory_space<vmem>>, vector<16xf32>,
        %mul3A_215 = arith.constant 16 : i32
        %mul3A_216 = arith.muli %scan3A_199, %mul3A_215 : i32
        %get3A_217 = arith.index_cast %mul3A_216 : i32 to index
        %get3A_218 = tpu.vector_load %arg12[%get3A_217] {strides = array<i32>} : memref<64xf32, #tpu.memory_space<vmem>>, vector<16xf32>,
        %add3A_219 = arith.addf %gather3A, %get3A_214 : vector<16xf32>
        %mul3A_220 = arith.constant 2.000000e-01 : f32
        %mul3A_221 = vector.broadcast %mul3A_220 : f32 to vector<16xf32>
        %mul3A_222 = arith.mulf %mul3A_221, %add3A_219 : vector<16xf32>
        %max3A = arith.maximumf %add3A_219, %mul3A_222 : vector<16xf32>
        %sub3A_223 = arith.subf %max3A, %get3A_63 : vector<16xf32>
        %exp3A = math.exp %sub3A_223 : vector<16xf32>
        %mul3A_224 = arith.mulf %exp3A, %get3A_218 : vector<16xf32>
        %mul3A_225 = arith.constant 16 : i32
        %mul3A_226 = arith.muli %scan3A_199, %mul3A_225 : i32
        %swap3A = arith.index_cast %mul3A_226 : i32 to index
        %swap3A_227 = tpu.vector_load %arg15[%swap3A] {strides = array<i32>} : memref<64xf32, #tpu.memory_space<vmem>>, vector<16xf32>,
        tpu.vector_store %arg15[%swap3A], %mul3A_224 {strides = array<i32>} : memref<64xf32, #tpu.memory_space<vmem>>, vector<16xf32>,
        %scan3A_228 = arith.constant 0 : i32
        scf.yield %scan3A_228 : i32
      }
      %scan3A_190 = arith.constant 4 : i32
      %scan3A_191 = arith.constant 0 : i32
      %scan3A_192 = arith.constant 0 : i32
      %scan3A_193 = arith.constant 32 : i32
      %scan3A_194 = arith.addi %scan3A_192, %scan3A_193 : i32
      %scan3A_195 = arith.constant 1 : i32
      %scan3A_196 = scf.for %scan3A_199 = %scan3A_192 to %scan3A_194 step %scan3A_195 iter_args(%scan3A_200 = %scan3A_191) -> (i32)  : i32 {
        %mul3A_201 = arith.constant 2 : i32
        %mul3A_202 = arith.muli %mul3A_201, %scan3A_199 : i32
        %add3A_203 = vector.broadcast %mul3A_202 : i32 to vector<16xi32>
        %add3A_204 = arith.addi %add3A_203, %shift_right_logical3A_1 : vector<16xi32>
        %gather3A = tpu.vector_load_idx %arg13[%add3A_204, %and3A_3] : memref<64x8xf32, #tpu.memory_space<vmem>>[vector<16xi32>, vector<16xi32>], vector<16xf32>,
        %gather3A_205 = tpu.vector_load_idx %arg15[%add3A_204] : memref<64xf32, #tpu.memory_space<vmem>>[vector<16xi32>], vector<16xf32>,
        %jit3A_206 = arith.constant 1.000000e+00 : f32
        %broadcast_in_dim3A_207 = vector.broadcast %jit3A_206 : f32 to vector<16xf32>
        %select_n3A_208 = arith.select %eq3A_5, %broadcast_in_dim3A_207, %gather3A : vector<16xi1>, vector<16xf32>
        %mul3A_209 = arith.mulf %select_n3A_208, %gather3A_205 : vector<16xf32>
        tpu.vector_store_idx %arg16[%add3A_204, %and3A_3], %mul3A_209 : memref<64x8xf32, #tpu.memory_space<vmem>>[vector<16xi32>, vector<16xi32>], vector<16xf32>,
        %scan3A_210 = arith.constant 0 : i32
        scf.yield %scan3A_210 : i32
      }
      %scan3A_197 = arith.constant 32 : i32
      "tpu.region"() ({
        %run_scoped3A = tpu.sem_alloc : memref<!tpu.dma_semaphore, #tpu.memory_space<semaphore_mem>>
        %dma_start3A = arith.constant 0 : i32
        %dma_start3A_199 = arith.constant 0 : i32
        %dma_start3A_200 = tpu.memref_slice %arg19[%dma_start3A, %dma_start3A_199] : memref<25088x8xf32, #tpu.memory_space<vmem_shared>> -> memref<25088x8xf32, #tpu.memory_space<vmem_shared>>
        tpu.enqueue_indirect_dma source(%arg16 : memref<64x8xf32, #tpu.memory_space<vmem>>) target(%dma_start3A_200 : memref<25088x8xf32, #tpu.memory_space<vmem_shared>>) offsets(%arg11 : memref<64xi32, #tpu.memory_space<vmem>>) semaphore(%run_scoped3A : memref<!tpu.dma_semaphore, #tpu.memory_space<semaphore_mem>>) {add = true}
        %dma_wait3A = arith.constant 0 : i32
        %dma_wait3A_201 = arith.constant 0 : i32
        %dma_wait3A_202 = tpu.memref_slice %arg19[%dma_wait3A, %dma_wait3A_201] : memref<25088x8xf32, #tpu.memory_space<vmem_shared>> -> memref<25088x8xf32, #tpu.memory_space<vmem_shared>>
        tpu.wait_indirect_dma semaphore(%run_scoped3A : memref<!tpu.dma_semaphore, #tpu.memory_space<semaphore_mem>>) src(%arg16 : memref<64x8xf32, #tpu.memory_space<vmem>>) dst(%dma_wait3A_202 : memref<25088x8xf32, #tpu.memory_space<vmem_shared>>)
        tpu.yield
      }) : () -> ()
      %while3A_198 = arith.constant 0 : i32
      scf.yield %while3A_198 : i32
    }
    %barrier3A_169 = arith.constant 0 : index
    tpu.barrier barrier_id(%barrier3A_169)
    %mul3A_170 = arith.constant 25088 : i32
    %mul3A_171 = arith.muli %arg0, %mul3A_170 : i32
    %add3A_172 = arith.addi %mul3A_171, %mul3A_13 : i32
    "tpu.region"() ({
      %run_scoped3A = tpu.sem_alloc : memref<!tpu.dma_semaphore, #tpu.memory_space<semaphore_mem>>
      %dma_start3A = arith.constant 0 : i32
      %dma_start3A_173 = tpu.memref_slice %arg7[%add3A_172, %dma_start3A] : memref<50176x8xf32, #tpu.memory_space<hbm>> -> memref<1568x8xf32, #tpu.memory_space<hbm>>
      %dma_start3A_174 = arith.constant 0 : i32
      %dma_start3A_175 = tpu.memref_slice %arg19[%mul3A_13, %dma_start3A_174] : memref<25088x8xf32, #tpu.memory_space<vmem_shared>> -> memref<1568x8xf32, #tpu.memory_space<vmem_shared>>
      tpu.enqueue_dma source(%dma_start3A_175 : memref<1568x8xf32, #tpu.memory_space<vmem_shared>>) target(%dma_start3A_173 : memref<1568x8xf32, #tpu.memory_space<hbm>>) target_semaphore(%run_scoped3A : memref<!tpu.dma_semaphore, #tpu.memory_space<semaphore_mem>>)
      %dma_wait3A = arith.constant 0 : i32
      %dma_wait3A_176 = tpu.memref_slice %arg7[%add3A_172, %dma_wait3A] : memref<50176x8xf32, #tpu.memory_space<hbm>> -> memref<1568x8xf32, #tpu.memory_space<hbm>>
      %dma_wait3A_177 = arith.constant 0 : i32
      %dma_wait3A_178 = tpu.memref_slice %arg19[%mul3A_13, %dma_wait3A_177] : memref<25088x8xf32, #tpu.memory_space<vmem_shared>> -> memref<1568x8xf32, #tpu.memory_space<vmem_shared>>
      tpu.wait_dma2 semaphore(%run_scoped3A : memref<!tpu.dma_semaphore, #tpu.memory_space<semaphore_mem>>) src(%dma_wait3A_178 : memref<1568x8xf32, #tpu.memory_space<vmem_shared>>) dst(%dma_wait3A_176 : memref<1568x8xf32, #tpu.memory_space<hbm>>)
      tpu.yield
    }) : () -> ()
    return
  }
}

module attributes {stable_mosaic.version = 14 : i64} {
  func.func @_mm1_body(%arg0: i32, %arg1: memref<256x1536xf32, #tpu.memory_space<vmem>>, %arg2: memref<1536x80xf32, #tpu.memory_space<vmem>>, %arg3: memref<256x80xf32, #tpu.memory_space<vmem>>, %arg4: memref<256x8xf32, #tpu.memory_space<vmem>>, %arg5: memref<1x8xf32, #tpu.memory_space<vmem>>, %arg6: memref<1x8xf32, #tpu.memory_space<vmem>>) attributes {dimension_semantics = [#tpu.dimension_semantics<arbitrary>], iteration_bounds = array<i64: 196>, scalar_prefetch = 0 : i64, scratch_operands = 0 : i64, tpu.core_type = #tpu.core_type<tc>, window_params = [{transform_indices = @transform_0, window_bounds = array<i64: 256, 1536>}, {pipeline_mode = #tpu.pipeline_mode<synchronous>, transform_indices = @transform_1, window_bounds = array<i64: 1536, 80>}, {transform_indices = @transform_2, window_bounds = array<i64: 256, 80>}, {transform_indices = @transform_3, window_bounds = array<i64: 256, 8>}, {pipeline_mode = #tpu.pipeline_mode<synchronous>, transform_indices = @transform_4, window_bounds = array<i64: 1, 8>}, {pipeline_mode = #tpu.pipeline_mode<synchronous>, transform_indices = @transform_5, window_bounds = array<i64: 1, 8>}]} {
    %get3A = arith.constant 0 : index
    %get3A_0 = arith.constant 0 : index
    %get3A_1 = vector.load %arg1[%get3A, %get3A_0] : memref<256x1536xf32, #tpu.memory_space<vmem>>, vector<256x1536xf32>
    %get3A_2 = arith.constant 0 : index
    %get3A_3 = arith.constant 0 : index
    %get3A_4 = vector.load %arg2[%get3A_2, %get3A_3] : memref<1536x80xf32, #tpu.memory_space<vmem>>, vector<1536x80xf32>
    %dot_general3A = arith.constant dense<0.000000e+00> : vector<256x80xf32>
    %dot_general3A_5 = tpu.matmul %get3A_1, %get3A_4, %dot_general3A {dimension_numbers = #tpu.dot_dimension_numbers<[1], [0], [0], [1], [0, 0, 1, 1], [], []>, transpose_lhs_hint = false} : vector<256x1536xf32>, vector<1536x80xf32>, vector<256x80xf32> -> vector<256x80xf32>
    %swap3A = arith.constant 0 : index
    %swap3A_6 = arith.constant 0 : index
    %swap3A_7 = vector.load %arg3[%swap3A, %swap3A_6] : memref<256x80xf32, #tpu.memory_space<vmem>>, vector<256x80xf32>
    tpu.vector_store %arg3[%swap3A, %swap3A_6], %dot_general3A_5 {strides = array<i32>} : memref<256x80xf32, #tpu.memory_space<vmem>>, vector<256x80xf32>,
    %slice3A = vector.extract_strided_slice %dot_general3A_5 {offsets = [0, 72], sizes = [256, 8], strides = [1, 1]} : vector<256x80xf32> to vector<256x8xf32>
    %swap3A_8 = arith.constant 0 : index
    %swap3A_9 = arith.constant 0 : index
    %swap3A_10 = vector.load %arg4[%swap3A_8, %swap3A_9] : memref<256x8xf32, #tpu.memory_space<vmem>>, vector<256x8xf32>
    tpu.vector_store %arg4[%swap3A_8, %swap3A_9], %slice3A {strides = array<i32>} : memref<256x8xf32, #tpu.memory_space<vmem>>, vector<256x8xf32>,
    %slice3A_11 = vector.extract_strided_slice %dot_general3A_5 {offsets = [0, 64], sizes = [256, 8], strides = [1, 1]} : vector<256x80xf32> to vector<256x8xf32>
    %reduce_max3A = arith.constant dense<0xFF800000> : vector<8xf32>
    %reduce_max3A_12 = vector.multi_reduction <maximumf>, %slice3A_11, %reduce_max3A [0] : vector<256x8xf32> to vector<8xf32>
    %broadcast_in_dim3A = vector.shape_cast %reduce_max3A_12 : vector<8xf32> to vector<1x8xf32>
    %slice3A_13 = vector.extract_strided_slice %dot_general3A_5 {offsets = [0, 72], sizes = [256, 8], strides = [1, 1]} : vector<256x80xf32> to vector<256x8xf32>
    %reduce_max3A_14 = arith.constant dense<0xFF800000> : vector<8xf32>
    %reduce_max3A_15 = vector.multi_reduction <maximumf>, %slice3A_13, %reduce_max3A_14 [0] : vector<256x8xf32> to vector<8xf32>
    %broadcast_in_dim3A_16 = vector.shape_cast %reduce_max3A_15 : vector<8xf32> to vector<1x8xf32>
    %eq3A = arith.constant 0 : i32
    %eq3A_17 = arith.cmpi eq, %arg0, %eq3A : i32
    %convert_element_type3A = arith.extui %eq3A_17 : i1 to i32
    %cond3A = arith.constant 0 : i32
    %cond3A_18 = arith.cmpi ne, %convert_element_type3A, %cond3A : i32
    scf.if %cond3A_18 {
      %broadcast_in_dim3A_32 = arith.constant 0xFF800000 : f32
      %broadcast_in_dim3A_33 = vector.broadcast %broadcast_in_dim3A_32 : f32 to vector<1x8xf32>
      %swap3A_34 = arith.constant 0 : index
      %swap3A_35 = arith.constant 0 : index
      %swap3A_36 = vector.load %arg5[%swap3A_34, %swap3A_35] : memref<1x8xf32, #tpu.memory_space<vmem>>, vector<1x8xf32>
      tpu.vector_store %arg5[%swap3A_34, %swap3A_35], %broadcast_in_dim3A_33 {strides = array<i32>} : memref<1x8xf32, #tpu.memory_space<vmem>>, vector<1x8xf32>,
      %broadcast_in_dim3A_37 = arith.constant 0xFF800000 : f32
      %broadcast_in_dim3A_38 = vector.broadcast %broadcast_in_dim3A_37 : f32 to vector<1x8xf32>
      %swap3A_39 = arith.constant 0 : index
      %swap3A_40 = arith.constant 0 : index
      %swap3A_41 = vector.load %arg6[%swap3A_39, %swap3A_40] : memref<1x8xf32, #tpu.memory_space<vmem>>, vector<1x8xf32>
      tpu.vector_store %arg6[%swap3A_39, %swap3A_40], %broadcast_in_dim3A_38 {strides = array<i32>} : memref<1x8xf32, #tpu.memory_space<vmem>>, vector<1x8xf32>,
    } else {
    }
    %get3A_19 = arith.constant 0 : index
    %get3A_20 = arith.constant 0 : index
    %get3A_21 = vector.load %arg5[%get3A_19, %get3A_20] : memref<1x8xf32, #tpu.memory_space<vmem>>, vector<1x8xf32>
    %max3A = arith.maximumf %get3A_21, %broadcast_in_dim3A : vector<1x8xf32>
    %swap3A_22 = arith.constant 0 : index
    %swap3A_23 = arith.constant 0 : index
    %swap3A_24 = vector.load %arg5[%swap3A_22, %swap3A_23] : memref<1x8xf32, #tpu.memory_space<vmem>>, vector<1x8xf32>
    tpu.vector_store %arg5[%swap3A_22, %swap3A_23], %max3A {strides = array<i32>} : memref<1x8xf32, #tpu.memory_space<vmem>>, vector<1x8xf32>,
    %get3A_25 = arith.constant 0 : index
    %get3A_26 = arith.constant 0 : index
    %get3A_27 = vector.load %arg6[%get3A_25, %get3A_26] : memref<1x8xf32, #tpu.memory_space<vmem>>, vector<1x8xf32>
    %max3A_28 = arith.maximumf %get3A_27, %broadcast_in_dim3A_16 : vector<1x8xf32>
    %swap3A_29 = arith.constant 0 : index
    %swap3A_30 = arith.constant 0 : index
    %swap3A_31 = vector.load %arg6[%swap3A_29, %swap3A_30] : memref<1x8xf32, #tpu.memory_space<vmem>>, vector<1x8xf32>
    tpu.vector_store %arg6[%swap3A_29, %swap3A_30], %max3A_28 {strides = array<i32>} : memref<1x8xf32, #tpu.memory_space<vmem>>, vector<1x8xf32>,
    return
  }
  func.func @transform_0(%arg0: i32) -> (i32, i32) {
    %c0_i32 = arith.constant 0 : i32
    %c0_i32_0 = arith.constant 0 : i32
    return %arg0, %c0_i32 : i32, i32
  }
  func.func @transform_1(%arg0: i32) -> (i32, i32) {
    %c0_i32 = arith.constant 0 : i32
    %c0_i32_0 = arith.constant 0 : i32
    %c0_i32_1 = arith.constant 0 : i32
    return %c0_i32, %c0_i32_0 : i32, i32
  }
  func.func @transform_2(%arg0: i32) -> (i32, i32) {
    %c0_i32 = arith.constant 0 : i32
    %c0_i32_0 = arith.constant 0 : i32
    return %arg0, %c0_i32 : i32, i32
  }
  func.func @transform_3(%arg0: i32) -> (i32, i32) {
    %c0_i32 = arith.constant 0 : i32
    %c0_i32_0 = arith.constant 0 : i32
    return %arg0, %c0_i32 : i32, i32
  }
  func.func @transform_4(%arg0: i32) -> (i32, i32) {
    %c0_i32 = arith.constant 0 : i32
    %c0_i32_0 = arith.constant 0 : i32
    %c0_i32_1 = arith.constant 0 : i32
    return %c0_i32, %c0_i32_0 : i32, i32
  }
  func.func @transform_5(%arg0: i32) -> (i32, i32) {
    %c0_i32 = arith.constant 0 : i32
    %c0_i32_0 = arith.constant 0 : i32
    %c0_i32_1 = arith.constant 0 : i32
    return %c0_i32, %c0_i32_0 : i32, i32
  }
}

module attributes {stable_mosaic.version = 14 : i64} {
  func.func @_mm2_body(%arg0: i32, %arg1: memref<512x64xf32, #tpu.memory_space<vmem>>, %arg2: memref<64x8xf32, #tpu.memory_space<vmem>>, %arg3: memref<1x8xf32, #tpu.memory_space<vmem>>, %arg4: memref<1x8xf32, #tpu.memory_space<vmem>>, %arg5: memref<512x8xf32, #tpu.memory_space<vmem>>, %arg6: memref<512x8xf32, #tpu.memory_space<vmem>>, %arg7: memref<1x8xf32, #tpu.memory_space<vmem>>, %arg8: memref<1x8xf32, #tpu.memory_space<vmem>>) attributes {dimension_semantics = [#tpu.dimension_semantics<arbitrary>], iteration_bounds = array<i64: 98>, scalar_prefetch = 0 : i64, scratch_operands = 0 : i64, tpu.core_type = #tpu.core_type<tc>, window_params = [{transform_indices = @transform_0, window_bounds = array<i64: 512, 64>}, {pipeline_mode = #tpu.pipeline_mode<synchronous>, transform_indices = @transform_1, window_bounds = array<i64: 64, 8>}, {pipeline_mode = #tpu.pipeline_mode<synchronous>, transform_indices = @transform_2, window_bounds = array<i64: 1, 8>}, {pipeline_mode = #tpu.pipeline_mode<synchronous>, transform_indices = @transform_3, window_bounds = array<i64: 1, 8>}, {transform_indices = @transform_4, window_bounds = array<i64: 512, 8>}, {transform_indices = @transform_5, window_bounds = array<i64: 512, 8>}, {pipeline_mode = #tpu.pipeline_mode<synchronous>, transform_indices = @transform_6, window_bounds = array<i64: 1, 8>}, {pipeline_mode = #tpu.pipeline_mode<synchronous>, transform_indices = @transform_7, window_bounds = array<i64: 1, 8>}]} {
    %get3A = arith.constant 0 : index
    %get3A_0 = arith.constant 0 : index
    %get3A_1 = vector.load %arg1[%get3A, %get3A_0] : memref<512x64xf32, #tpu.memory_space<vmem>>, vector<512x64xf32>
    %get3A_2 = arith.constant 0 : index
    %get3A_3 = arith.constant 0 : index
    %get3A_4 = vector.load %arg2[%get3A_2, %get3A_3] : memref<64x8xf32, #tpu.memory_space<vmem>>, vector<64x8xf32>
    %dot_general3A = arith.constant dense<0.000000e+00> : vector<512x8xf32>
    %dot_general3A_5 = tpu.matmul %get3A_1, %get3A_4, %dot_general3A {dimension_numbers = #tpu.dot_dimension_numbers<[1], [0], [0], [1], [0, 0, 1, 1], [], []>, transpose_lhs_hint = false} : vector<512x64xf32>, vector<64x8xf32>, vector<512x8xf32> -> vector<512x8xf32>
    %get3A_6 = arith.constant 0 : index
    %get3A_7 = arith.constant 0 : index
    %get3A_8 = vector.load %arg3[%get3A_6, %get3A_7] : memref<1x8xf32, #tpu.memory_space<vmem>>, vector<1x8xf32>
    %mul3A = vector.broadcast %get3A_8 : vector<1x8xf32> to vector<512x8xf32>
    %mul3A_9 = arith.mulf %dot_general3A_5, %mul3A : vector<512x8xf32>
    %reduce_sum3A = arith.constant dense<0.000000e+00> : vector<512xf32>
    %reduce_sum3A_10 = vector.multi_reduction <add>, %mul3A_9, %reduce_sum3A [1] : vector<512x8xf32> to vector<512xf32>
    %broadcast_in_dim3A = vector.shape_cast %reduce_sum3A_10 : vector<512xf32> to vector<512x1xf32>
    %get3A_11 = arith.constant 0 : index
    %get3A_12 = arith.constant 0 : index
    %get3A_13 = vector.load %arg4[%get3A_11, %get3A_12] : memref<1x8xf32, #tpu.memory_space<vmem>>, vector<1x8xf32>
    %mul3A_14 = vector.broadcast %get3A_13 : vector<1x8xf32> to vector<512x8xf32>
    %mul3A_15 = arith.mulf %dot_general3A_5, %mul3A_14 : vector<512x8xf32>
    %reduce_sum3A_16 = arith.constant dense<0.000000e+00> : vector<512xf32>
    %reduce_sum3A_17 = vector.multi_reduction <add>, %mul3A_15, %reduce_sum3A_16 [1] : vector<512x8xf32> to vector<512xf32>
    %broadcast_in_dim3A_18 = vector.shape_cast %reduce_sum3A_17 : vector<512xf32> to vector<512x1xf32>
    %iota3A = tpu.iota {dimensions = array<i32: 1>} : vector<512x8xi32>
    %lt3A = arith.constant 7 : i32
    %lt3A_19 = vector.broadcast %lt3A : i32 to vector<512x8xi32>
    %lt3A_20 = arith.cmpi slt, %iota3A, %lt3A_19 : vector<512x8xi32>
    %broadcast_in_dim3A_21 = vector.shape_cast %broadcast_in_dim3A : vector<512x1xf32> to vector<512x1xf32>
    %broadcast_in_dim3A_22 = vector.broadcast %broadcast_in_dim3A_21 : vector<512x1xf32> to vector<512x8xf32>
    %select_n3A = arith.select %lt3A_20, %dot_general3A_5, %broadcast_in_dim3A_22 : vector<512x8xi1>, vector<512x8xf32>
    %swap3A = arith.constant 0 : index
    %swap3A_23 = arith.constant 0 : index
    %swap3A_24 = vector.load %arg5[%swap3A, %swap3A_23] : memref<512x8xf32, #tpu.memory_space<vmem>>, vector<512x8xf32>
    tpu.vector_store %arg5[%swap3A, %swap3A_23], %select_n3A {strides = array<i32>} : memref<512x8xf32, #tpu.memory_space<vmem>>, vector<512x8xf32>,
    %broadcast_in_dim3A_25 = vector.shape_cast %broadcast_in_dim3A_18 : vector<512x1xf32> to vector<512x1xf32>
    %broadcast_in_dim3A_26 = vector.broadcast %broadcast_in_dim3A_25 : vector<512x1xf32> to vector<512x8xf32>
    %swap3A_27 = arith.constant 0 : index
    %swap3A_28 = arith.constant 0 : index
    %swap3A_29 = vector.load %arg6[%swap3A_27, %swap3A_28] : memref<512x8xf32, #tpu.memory_space<vmem>>, vector<512x8xf32>
    tpu.vector_store %arg6[%swap3A_27, %swap3A_28], %broadcast_in_dim3A_26 {strides = array<i32>} : memref<512x8xf32, #tpu.memory_space<vmem>>, vector<512x8xf32>,
    %broadcast_in_dim3A_30 = vector.shape_cast %broadcast_in_dim3A : vector<512x1xf32> to vector<512x1xf32>
    %broadcast_in_dim3A_31 = vector.broadcast %broadcast_in_dim3A_30 : vector<512x1xf32> to vector<512x8xf32>
    %reduce_max3A = arith.constant dense<0xFF800000> : vector<8xf32>
    %reduce_max3A_32 = vector.multi_reduction <maximumf>, %broadcast_in_dim3A_31, %reduce_max3A [0] : vector<512x8xf32> to vector<8xf32>
    %broadcast_in_dim3A_33 = vector.shape_cast %reduce_max3A_32 : vector<8xf32> to vector<1x8xf32>
    %broadcast_in_dim3A_34 = vector.shape_cast %broadcast_in_dim3A_18 : vector<512x1xf32> to vector<512x1xf32>
    %broadcast_in_dim3A_35 = vector.broadcast %broadcast_in_dim3A_34 : vector<512x1xf32> to vector<512x8xf32>
    %reduce_max3A_36 = arith.constant dense<0xFF800000> : vector<8xf32>
    %reduce_max3A_37 = vector.multi_reduction <maximumf>, %broadcast_in_dim3A_35, %reduce_max3A_36 [0] : vector<512x8xf32> to vector<8xf32>
    %broadcast_in_dim3A_38 = vector.shape_cast %reduce_max3A_37 : vector<8xf32> to vector<1x8xf32>
    %eq3A = arith.constant 0 : i32
    %eq3A_39 = arith.cmpi eq, %arg0, %eq3A : i32
    %convert_element_type3A = arith.extui %eq3A_39 : i1 to i32
    %cond3A = arith.constant 0 : i32
    %cond3A_40 = arith.cmpi ne, %convert_element_type3A, %cond3A : i32
    scf.if %cond3A_40 {
      %broadcast_in_dim3A_54 = arith.constant 0xFF800000 : f32
      %broadcast_in_dim3A_55 = vector.broadcast %broadcast_in_dim3A_54 : f32 to vector<1x8xf32>
      %swap3A_56 = arith.constant 0 : index
      %swap3A_57 = arith.constant 0 : index
      %swap3A_58 = vector.load %arg7[%swap3A_56, %swap3A_57] : memref<1x8xf32, #tpu.memory_space<vmem>>, vector<1x8xf32>
      tpu.vector_store %arg7[%swap3A_56, %swap3A_57], %broadcast_in_dim3A_55 {strides = array<i32>} : memref<1x8xf32, #tpu.memory_space<vmem>>, vector<1x8xf32>,
      %broadcast_in_dim3A_59 = arith.constant 0xFF800000 : f32
      %broadcast_in_dim3A_60 = vector.broadcast %broadcast_in_dim3A_59 : f32 to vector<1x8xf32>
      %swap3A_61 = arith.constant 0 : index
      %swap3A_62 = arith.constant 0 : index
      %swap3A_63 = vector.load %arg8[%swap3A_61, %swap3A_62] : memref<1x8xf32, #tpu.memory_space<vmem>>, vector<1x8xf32>
      tpu.vector_store %arg8[%swap3A_61, %swap3A_62], %broadcast_in_dim3A_60 {strides = array<i32>} : memref<1x8xf32, #tpu.memory_space<vmem>>, vector<1x8xf32>,
    } else {
    }
    %get3A_41 = arith.constant 0 : index
    %get3A_42 = arith.constant 0 : index
    %get3A_43 = vector.load %arg7[%get3A_41, %get3A_42] : memref<1x8xf32, #tpu.memory_space<vmem>>, vector<1x8xf32>
    %max3A = arith.maximumf %get3A_43, %broadcast_in_dim3A_33 : vector<1x8xf32>
    %swap3A_44 = arith.constant 0 : index
    %swap3A_45 = arith.constant 0 : index
    %swap3A_46 = vector.load %arg7[%swap3A_44, %swap3A_45] : memref<1x8xf32, #tpu.memory_space<vmem>>, vector<1x8xf32>
    tpu.vector_store %arg7[%swap3A_44, %swap3A_45], %max3A {strides = array<i32>} : memref<1x8xf32, #tpu.memory_space<vmem>>, vector<1x8xf32>,
    %get3A_47 = arith.constant 0 : index
    %get3A_48 = arith.constant 0 : index
    %get3A_49 = vector.load %arg8[%get3A_47, %get3A_48] : memref<1x8xf32, #tpu.memory_space<vmem>>, vector<1x8xf32>
    %max3A_50 = arith.maximumf %get3A_49, %broadcast_in_dim3A_38 : vector<1x8xf32>
    %swap3A_51 = arith.constant 0 : index
    %swap3A_52 = arith.constant 0 : index
    %swap3A_53 = vector.load %arg8[%swap3A_51, %swap3A_52] : memref<1x8xf32, #tpu.memory_space<vmem>>, vector<1x8xf32>
    tpu.vector_store %arg8[%swap3A_51, %swap3A_52], %max3A_50 {strides = array<i32>} : memref<1x8xf32, #tpu.memory_space<vmem>>, vector<1x8xf32>,
    return
  }
  func.func @transform_0(%arg0: i32) -> (i32, i32) {
    %c0_i32 = arith.constant 0 : i32
    %c0_i32_0 = arith.constant 0 : i32
    return %arg0, %c0_i32 : i32, i32
  }
  func.func @transform_1(%arg0: i32) -> (i32, i32) {
    %c0_i32 = arith.constant 0 : i32
    %c0_i32_0 = arith.constant 0 : i32
    %c0_i32_1 = arith.constant 0 : i32
    return %c0_i32, %c0_i32_0 : i32, i32
  }
  func.func @transform_2(%arg0: i32) -> (i32, i32) {
    %c0_i32 = arith.constant 0 : i32
    %c0_i32_0 = arith.constant 0 : i32
    %c0_i32_1 = arith.constant 0 : i32
    return %c0_i32, %c0_i32_0 : i32, i32
  }
  func.func @transform_3(%arg0: i32) -> (i32, i32) {
    %c0_i32 = arith.constant 0 : i32
    %c0_i32_0 = arith.constant 0 : i32
    %c0_i32_1 = arith.constant 0 : i32
    return %c0_i32, %c0_i32_0 : i32, i32
  }
  func.func @transform_4(%arg0: i32) -> (i32, i32) {
    %c0_i32 = arith.constant 0 : i32
    %c0_i32_0 = arith.constant 0 : i32
    return %arg0, %c0_i32 : i32, i32
  }
  func.func @transform_5(%arg0: i32) -> (i32, i32) {
    %c0_i32 = arith.constant 0 : i32
    %c0_i32_0 = arith.constant 0 : i32
    return %arg0, %c0_i32 : i32, i32
  }
  func.func @transform_6(%arg0: i32) -> (i32, i32) {
    %c0_i32 = arith.constant 0 : i32
    %c0_i32_0 = arith.constant 0 : i32
    %c0_i32_1 = arith.constant 0 : i32
    return %c0_i32, %c0_i32_0 : i32, i32
  }
  func.func @transform_7(%arg0: i32) -> (i32, i32) {
    %c0_i32 = arith.constant 0 : i32
    %c0_i32_0 = arith.constant 0 : i32
    %c0_i32_1 = arith.constant 0 : i32
    return %c0_i32, %c0_i32_0 : i32, i32
  }
}

module attributes {stable_mosaic.version = 14 : i64} {
  func.func @_final_body(%arg0: i32, %arg1: memref<512x8xf32, #tpu.memory_space<vmem>>, %arg2: memref<512x7xf32, #tpu.memory_space<vmem>>) attributes {dimension_semantics = [#tpu.dimension_semantics<arbitrary>], iteration_bounds = array<i64: 98>, scalar_prefetch = 0 : i64, scratch_operands = 0 : i64, tpu.core_type = #tpu.core_type<tc>, window_params = [{transform_indices = @transform_0, window_bounds = array<i64: 512, 8>}, {transform_indices = @transform_1, window_bounds = array<i64: 512, 7>}]} {
    %get3A = arith.constant 0 : index
    %get3A_0 = arith.constant 0 : index
    %get3A_1 = vector.load %arg1[%get3A, %get3A_0] : memref<512x8xf32, #tpu.memory_space<vmem>>, vector<512x8xf32>
    %slice3A = vector.extract_strided_slice %get3A_1 {offsets = [0, 7], sizes = [512, 1], strides = [1, 1]} : vector<512x8xf32> to vector<512x1xf32>
    %add3A = arith.constant 1.000000e-16 : f32
    %add3A_2 = vector.broadcast %add3A : f32 to vector<512x1xf32>
    %add3A_3 = arith.addf %slice3A, %add3A_2 : vector<512x1xf32>
    %slice3A_4 = vector.extract_strided_slice %get3A_1 {offsets = [0, 0], sizes = [512, 7], strides = [1, 1]} : vector<512x8xf32> to vector<512x7xf32>
    %div3A = vector.broadcast %add3A_3 : vector<512x1xf32> to vector<512x7xf32>
    %div3A_5 = arith.divf %slice3A_4, %div3A : vector<512x7xf32>
    %reduce_max3A = arith.constant dense<0xFF800000> : vector<512xf32>
    %reduce_max3A_6 = vector.multi_reduction <maximumf>, %div3A_5, %reduce_max3A [1] : vector<512x7xf32> to vector<512xf32>
    %broadcast_in_dim3A = vector.shape_cast %reduce_max3A_6 : vector<512xf32> to vector<512x1xf32>
    %sub3A = vector.broadcast %broadcast_in_dim3A : vector<512x1xf32> to vector<512x7xf32>
    %sub3A_7 = arith.subf %div3A_5, %sub3A : vector<512x7xf32>
    %exp3A = math.exp %sub3A_7 : vector<512x7xf32>
    %reduce_sum3A = arith.constant dense<0.000000e+00> : vector<512xf32>
    %reduce_sum3A_8 = vector.multi_reduction <add>, %exp3A, %reduce_sum3A [1] : vector<512x7xf32> to vector<512xf32>
    %broadcast_in_dim3A_9 = vector.shape_cast %reduce_sum3A_8 : vector<512xf32> to vector<512x1xf32>
    %log3A = math.log %broadcast_in_dim3A_9 : vector<512x1xf32>
    %sub3A_10 = vector.broadcast %log3A : vector<512x1xf32> to vector<512x7xf32>
    %sub3A_11 = arith.subf %sub3A_7, %sub3A_10 : vector<512x7xf32>
    %swap3A = arith.constant 0 : index
    %swap3A_12 = arith.constant 0 : index
    %swap3A_13 = vector.load %arg2[%swap3A, %swap3A_12] : memref<512x7xf32, #tpu.memory_space<vmem>>, vector<512x7xf32>
    tpu.vector_store %arg2[%swap3A, %swap3A_12], %sub3A_11 {strides = array<i32>} : memref<512x7xf32, #tpu.memory_space<vmem>>, vector<512x7xf32>,
    return
  }
  func.func @transform_0(%arg0: i32) -> (i32, i32) {
    %c0_i32 = arith.constant 0 : i32
    %c0_i32_0 = arith.constant 0 : i32
    return %arg0, %c0_i32 : i32, i32
  }
  func.func @transform_1(%arg0: i32) -> (i32, i32) {
    %c0_i32 = arith.constant 0 : i32
    %c0_i32_0 = arith.constant 0 : i32
    return %arg0, %c0_i32 : i32, i32
  }
}

</mosaic_0001>

<sc_bundles>
// kernel: kernel.11.cloned.1.call-start
scs
__scs_entry_jumppad:
0x0: {  	(pc) =	sbr.rel $0x88, $3  }
0x1: {  	(tag) =	ssettag $0x0;
	lr =	simm.s32 $0x1  }
0x2: {  	[smem:$0x3F99] =	sst lr;
	_ =	strace $0xD0000000  }
0x3: {  	_ = 	snop  }
0x4: {  	_ = 	snop  }
0x5: {  	_ = 	snop  }
0x6: {  	_ = 	snop  }
0x7: {  	_ = 	snop  }
__scs_overlays_trampoline_lowered:
0x8: {  	[smem:$0x3FA8] =	sst s0  }
0x9: {  	[smem:$0x3FA9] =	sst s1  }
0xa: {  	[smem:$0x3FAA] =	sst s2  }
0xb: {  	[smem:$0x3FAB] =	sst s3  }
0xc: {  	[smem:$0x3FAC] =	sst s4  }
0xd: {  	[smem:$0x3FAD] =	sst s5  }
0xe: {  	[smem:$0x3FAE] =	sst s6  }
0xf: {  	[smem:$0x3FAF] =	sst s7  }
0x10: {  	[smem:$0x3FB0] =	sst s8  }
0x11: {  	[smem:$0x3FB1] =	sst s9;
	s0 =	simm.s32 @!p0 $0x0  }
0x12: {  	s1 =	sld [smem:$0x3F97];
	s0 =	simm.s32 @p0 $0x1  }
0x13: {  	[smem:$0x3FB2] =	sst s0;
	s0 =	simm.s32 @!p1 $0x0  }
0x14: {  	s2 =	sld [smem:$0x3F96];
	s0 =	simm.s32 @p1 $0x1  }
0x15: {  	[smem:$0x3FB3] =	sst s0;
	s0 =	simm.s32 @!p2 $0x0  }
0x16: {  	s3 =	sld [smem:$0x3FDB];
	s0 =	simm.s32 @p2 $0x1  }
0x17: {  	s4 =	simm.s32 $0x1BF5;
	[smem:$0x3FB5] =	sst s0  }
0x18: {  	s0 =	sld [smem:$0x3F98];
	_ =	swait.ge [sflag:s4], $0x0  }
0x19: {  	s7 =	sld [smem:$0x3F99]  }
0x1a: {  	s8 =	sadd.s32 $0xFFFFE003, lr  }
0x1b: {  	s9 =	sadd.s32 $0xFFFFFEF7, lr;
	s5 =	simm.s32 $0xFFFFFFFF;
	p2 =	slt.u32 s8, $0xFFFFF086  }
0x1c: {  	p1 =	slt.u32 s9, $0xF7A;
	s5 =	simm.s32 @!p2 $0x0  }
0x1d: {  	s5 =	simm.s32 @p1 $0x1;
	p0 =	seq.s32 s7, s2  }
0x1e: {  	s7 =	smul.u32 @!p0 $0xF7A, s2;
	p2 =	seq.s32 @!p0 s5, $0x0  }
0x1f: {  	s9 =	smul.u32 $0xF7A, s1;
	s8 =	simm.s32 @!p0 $0x1BF5;
	p2 =	por !p2, p0  }
0x20: {  	[sflag:s8] =	ssyncset.s32 @!p0 $0xFFFFF086;
	s6 =	sadd.s32 @!p0 s3, s7;
	s7 =	simm.s32 @!p0 $0x108  }
0x21: {  	s3 =	sadd.s32 s3, s9;
	s6 =	sadd.s32 @!p0 $0x88, s6;
	s7 =	simm.s32 @p2 $0x1082  }
0x22: {  	[simem:s7], [sflag:s8] =	dma.local @!p0 [hbm:s6], $0xF7A  }
0x23: {  	s9 =	sor.u32 $0xD0000000, s2;
	s6 =	simm.s32 $0x108;
	_ =	swait.ge @!p0 [sflag:s8], $0x0  }
0x24: {  	s3 =	sadd.s32 $0x88, s3;
	s6 =	simm.s32 @!p1 $0x1082;
	[sflag:s4] =	ssyncset.s32 $0xFFFFF086  }
0x25: {  	[simem:s6], [sflag:s4] =	dma.local [hbm:s3], $0xF7A  }
0x26: {  	[smem:$0x3F99] =	sst s1;
	(tag) =	ssettag s2;
	_ =	strace s9  }
0x27: {  	s1 =	sld [smem:$0x3FA9]  }
0x28: {  	s2 =	sld [smem:$0x3FAA]  }
0x29: {  	s4 =	sld [smem:$0x3FAC]  }
0x2a: {  	p0 =	seq.s32 s5, $0x0;
	s5 =	sld [smem:$0x3FAD]  }
0x2b: {  	s6 =	sld [smem:$0x3FAE]  }
0x2c: {  	s7 =	sld [smem:$0x3FAF]  }
0x2d: {  	s3 =	simm.s32 $0x108;
	s8 =	sld [smem:$0x3FB0]  }
0x2e: {  	s3 =	simm.s32 @!p0 $0x1082;
	s9 =	sld [smem:$0x3FB1]  }
0x2f: {  	lr =	sadd.s32 s0, s3;
	s0 =	sld [smem:$0x3FA8]  }
0x30: {  	s3 =	sld [smem:$0x3FAB]  }
0x31: {  	[smem:$0x3FB4] =	sst s10  }
0x32: {  	s10 =	sld [smem:$0x3FB2];
	_ =	sdelay $0x3  }
0x33: {  	p0 =	seq.s32 s10, $0x1;
	s10 =	sld [smem:$0x3FB4];
	_ =	sdelay $0x3  }
0x34: {  	[smem:$0x3FB4] =	sst s10  }
0x35: {  	s10 =	sld [smem:$0x3FB3];
	_ =	sdelay $0x3  }
0x36: {  	p1 =	seq.s32 s10, $0x1;
	s10 =	sld [smem:$0x3FB4];
	_ =	sdelay $0x3  }
0x37: {  	[smem:$0x3FB4] =	sst s10  }
0x38: {  	s10 =	sld [smem:$0x3FB5]  }
0x39: {  	_ = 	snop;
	(pc) =	sbr.ind lr, $3  }
0x3a: {  	_ = 	snop  }
0x3b: {  	_ = 	snop  }
0x3c: {  	p2 =	seq.s32 s10, $0x1;
	s10 =	sld [smem:$0x3FB4]  }
0x3d: {  	_ =	shalt  }
0x3e: {  	_ =	shalt  }
0x3f: {  	_ =	shalt  }
0x40: {  	_ =	shalt  }
0x41: {  	_ =	shalt  }
0x42: {  	_ =	shalt  }
0x43: {  	_ =	shalt  }
0x44: {  	_ =	shalt  }
0x45: {  	_ =	shalt  }
0x46: {  	_ =	shalt  }
0x47: {  	_ =	shalt  }
0x48: {  	_ =	shalt  }
0x49: {  	_ =	shalt  }
0x4a: {  	_ =	shalt  }
0x4b: {  	_ =	shalt  }
0x4c: {  	_ =	shalt  }
0x4d: {  	_ =	shalt  }
0x4e: {  	_ =	shalt  }
0x4f: {  	_ =	shalt  }
0x50: {  	_ =	shalt  }
0x51: {  	_ =	shalt  }
0x52: {  	_ =	shalt  }
0x53: {  	_ =	shalt  }
0x54: {  	_ =	shalt  }
0x55: {  	_ =	shalt  }
0x56: {  	_ =	shalt  }
0x57: {  	_ =	shalt  }
0x58: {  	_ =	shalt  }
0x59: {  	_ =	shalt  }
0x5a: {  	_ =	shalt  }
0x5b: {  	_ =	shalt  }
0x5c: {  	_ =	shalt  }
0x5d: {  	_ =	shalt  }
0x5e: {  	_ =	shalt  }
0x5f: {  	_ =	shalt  }
0x60: {  	_ =	shalt  }
0x61: {  	_ =	shalt  }
0x62: {  	_ =	shalt  }
0x63: {  	_ =	shalt  }
0x64: {  	_ =	shalt  }
0x65: {  	_ =	shalt  }
0x66: {  	_ =	shalt  }
0x67: {  	_ =	shalt  }
0x68: {  	_ =	shalt  }
0x69: {  	_ =	shalt  }
0x6a: {  	_ =	shalt  }
0x6b: {  	_ =	shalt  }
0x6c: {  	_ =	shalt  }
0x6d: {  	_ =	shalt  }
0x6e: {  	_ =	shalt  }
0x6f: {  	_ =	shalt  }
0x70: {  	_ =	shalt  }
0x71: {  	_ =	shalt  }
0x72: {  	_ =	shalt  }
0x73: {  	_ =	shalt  }
0x74: {  	_ =	shalt  }
0x75: {  	_ =	shalt  }
0x76: {  	_ =	shalt  }
0x77: {  	_ =	shalt  }
0x78: {  	_ =	shalt  }
0x79: {  	_ =	shalt  }
0x7a: {  	_ =	shalt  }
0x7b: {  	_ =	shalt  }
0x7c: {  	_ =	shalt  }
0x7d: {  	_ =	shalt  }
0x7e: {  	_ =	shalt  }
0x7f: {  	_ =	shalt  }
0x80: {  	_ =	shalt  }
0x81: {  	_ =	shalt  }
0x82: {  	_ =	shalt  }
0x83: {  	_ =	shalt  }
0x84: {  	_ =	shalt  }
0x85: {  	_ =	shalt  }
0x86: {  	_ =	shalt  }
0x87: {  	_ =	shalt  }
.Lfunc_end0:
.L_simem_size_0:
called_computation.1_lowered:
.L_overlay_start_0:
0x88: {  	s2 =	sld [smem:$0x3FD9]  }
0x89: {  	s3 =	sld [smem:$0x3FFE];
	_ =	sdelay $0x1  }
0x8a: {  	s1 =	srdreg.scid  }
0x8b: {  	s0 =	sand.u32 $0x1, s1  }
0x8c: {  	s17 =	sshll.u32 s0, $0xA;
	s2 =	sadd.s32 s3, s2  }
0x8d: {  	s2 =	sadd.s32 s2, s17  }
0x8e: {  	[smem:$0x3FC0] =	sst s2  }
0x8f: {  	_ = 	snop  }
0x90: {  	s2 =	sld [smem:$0x3FD0];
	(tm) =	ssettm $0x1  }
0x91: {  	s18 =	sld [smem:$0x3FFB];
	_ =	sdelay $0x3  }
0x92: {  	_ =	strace s18  }
0x93: {  	s3 =	sld [smem:$0x3FFC];
	_ =	sdelay $0x3  }
0x94: {  	_ =	strace s3  }
0x95: {  	s3 =	sld [smem:$0x3FFD];
	_ =	sdelay $0x3  }
0x96: {  	_ =	strace s3  }
0x97: {  	_ =	strace $0x8FFFFFFF  }
0x98: {  	s19 =	sld [smem:$0x3FDB];
	_ =	sdelay $0x1  }
0x99: {  	s4 =	simm.s32 $_scs_section_size  }
0x9a: {  	s5 =	simm.s32 $_size__tile_overlayer_lowered;
	s6 =	simm.s32 $_tile_overlayer_lowered  }
0x9b: {  	s22 =	simm.s32 $0x1BFF;
	s21 =	sshll.u32 s6, $0x1;
	s3 =	sadd.s32 s4, s19  }
0x9c: {  	s7 =	simm.s32 $0x0;
	s20 =	sshll.u32 s5, $0x1;
	s5 =	sadd.s32 s21, s3  }
0x9d: {  	[timem:s7], [sflag:s22] =	dma.local [hbm:s5], s20  }
0x9e: {  	_ =	swait.ge [sflag:s22], s20  }
0x9f: {  	s4 =	ssub.s32 $0x0, s20;
	[sflag:s22] =	ssyncset.done $0x0  }
0xa0: {  	[sflag:s22] =	ssyncadd.s32 s4;
	_ =	sdelay $0x1  }
0xa1: {  	s23 =	simm.s32 $0x1B8B  }
0xa2: {  	_ =	swait.ge [sflag:s23], $0x1  }
0xa3: {  	[sflag:s23] =	ssyncset.done $0x0  }
0xa4: {  	s25 =	simm.s32 $0x1B8E;
	s24 =	sld [smem:$0x3FFE];
	[sflag:s23] =	ssyncadd.s32 $0xFFFFFFFF  }
0xa5: {  	s26 =	simm.s32 $execute0_lowered;
	[smem:$0x3FD2] =	sst s25  }
0xa6: {  	s5 =	sshll.u32 s26, $0x1;
	_ =	strace $0x80000049;
	[dreg:$0x1] =	wrdreg $0xFFFFFFFF  }
0xa7: {  	s28 =	simm.s32 $_size_execute0_lowered;
	s3 =	sadd.s32 s3, s5;
	[dreg:$0x0] =	wrdreg $0x0  }
0xa8: {  	s5 =	sshll.u32 s28, $0x1;
	[dreg:$0x2] =	wrdreg s3  }
0xa9: {  	[dreg:$0x3] =	wrdreg s5  }
0xaa: {  	[dreg:$0x4] =	wrdreg $0xC0  }
0xab: {  	_ =	task [dreg:s7], $0x5FFFF  }
0xac: {  	[dreg:$0x1] =	wrdreg $0xFFFFFFFF  }
0xad: {  	[dreg:$0x0] =	wrdreg $0x60  }
0xae: {  	[dreg:$0x2] =	wrdreg s24  }
0xaf: {  	[dreg:$0x3] =	wrdreg s2  }
0xb0: {  	[dreg:$0x4] =	wrdreg $0x3E500  }
0xb1: {  	[dreg:$0x5] =	wrdreg $0x9  }
0xb2: {  	_ =	task.clear_ibuf [dreg:s7], $0x6FFFF;
	_ =	strace $0x90000049  }
0xb3: {  	s29 =	simm.s32 $0x9;
	_ =	strace $0x8000004B  }
0xb4: {  	_ =	swait.ge [sflag:s29], $0x1  }
0xb5: {  	[sflag:s29] =	ssyncadd.s32 $0xFFFFFFFF  }
0xb6: {  	_ =	strace $0x9000004B  }
0xb7: {  	_ =	sfence  }
0xb8: {  	s30 =	sld [smem:$0x0];
	_ =	sdelay $0x2  }
0xb9: {  	s31 =	sshll.u32 s1, $0xD;
	s1 =	sshrl.u32 s1, $0x2  }
0xba: {  	s3 =	sand.u32 $0x4000, s31;
	s1 =	sadd.s32 s1, s30  }
0xbb: {  	s0 =	sor.u32 s3, s0;
	s1 =	sshll.u32 s1, $0x11  }
0xbc: {  	s0 =	sor.u32 s1, s0  }
0xbd: {  	s0 =	sadd.s32 $0x8F2B, s0  }
0xbe: {  	[sflag:s0] =	ssyncadd.remote.s32 $0x1  }
0xbf: {  	_ =	sfence.sel $0xFFFF  }
0xc0: {  	[dreg:$0x0] =	wrdreg $0xFFFFFFFF;
	(pc) =	sbr.abs _section_cstart, $3  }
0xc1: {  	[dreg:$0x1] =	wrdreg $0xFFFFFFFF  }
0xc2: {  	_ =	task.clear_ibuf [dreg:s7], $0x2FFFF;
	_ =	strace $0x9FFFFFFF  }
0xc3: {  	(tm) =	ssettm $0x7FFFFFFF  }
tec
execute0_lowered:
.L_overlay_start_1:
0x0: {  	(tag) =	ssettag $0x1  }
0x1: {  	s0 =	rddreg [dreg:$0x0]  }
0x2: {  	s2 =	rddreg [dreg:$0x2]  }
0x3: {  	s3 =	simm.s32 $0x0;
	s1 =	srdreg.scid;
	s13 =	stileid.u32  }
0x4: {  	[smem:$0x7FF] =	sst s3;
	s23 =	smul.u32 $0x6E400, s13  }
0x5: {  	s4 =	sadd.s32 $0xC5400, s0;
	s22 =	sshll.u32 s13, $0x6;
	_ =	strace $0x8000004A  }
0x6: {  	[dreg:$0x4] =	wrdreg s4;
	s4 =	sshrl.u32 s23, $0x2;
	s23 =	sshrl.u32 s22, $0x2  }
0x7: {  	s5 =	sadd.s32 $0x63800, s0;
	s15 =	sadd.s32 s4, s2;
	[dreg:$0xf] =	wrdreg s23  }
0x8: {  	s1 =	sand.u32 $0x1, s1;
	s4 =	sadd.s32 $0x1200, s15;
	[dreg:$0x5] =	wrdreg s15  }
0x9: {  	s7 =	sadd.s32 $0x24D600, s0;
	s25 =	sadd.s32 $0x2400, s15;
	[dreg:$0x6] =	wrdreg s4  }
0xa: {  	s8 =	sadd.s32 $0xC5600, s0;
	s16 =	sadd.s32 $0x3600, s15;
	[dreg:$0x7] =	wrdreg s25  }
0xb: {  	s9 =	sadd.s32 $0xD1A00, s0;
	s12 =	sadd.s32 $0x4800, s15;
	[dreg:$0x8] =	wrdreg s16  }
0xc: {  	s17 =	sor.u32 $0x10, s13;
	s18 =	sadd.s32 $0x5A00, s15;
	[dreg:$0x9] =	wrdreg s12  }
0xd: {  	s6 =	ssub.s32 $0x2, s1;
	s14 =	sadd.s32 $0x6C00, s15;
	[dreg:$0xa] =	wrdreg s18  }
0xe: {  	s24 =	sshrl.u32 s6, $0x1;
	s20 =	sadd.s32 $0x7E00, s15;
	[dreg:$0xb] =	wrdreg s14  }
0xf: {  	s0 =	ssub.s32 s6, s24;
	s21 =	sadd.s32 $0x9000, s15;
	[dreg:$0xc] =	wrdreg s20  }
0x10: {  	s6 =	sshll.u32 s17, $0x6;
	s0 =	smax.u32 s0, $0x1;
	[dreg:$0xd] =	wrdreg s21  }
0x11: {  	s24 =	sshrl.u32 s6, $0x2;
	[dreg:$0xe] =	wrdreg s0  }
0x12: {  	s10 =	smul.u32 $0x620, s13;
	s6 =	sadd.s32 $0xD800, s15;
	[dreg:$0x10] =	wrdreg s24  }
0x13: {  	s26 =	smul.u32 $0x18700, s13;
	s13 =	sadd.s32 $0x10E00, s15;
	[dreg:$0x14] =	wrdreg s6  }
0x14: {  	s19 =	smul.u32 $0x18700, s17;
	s17 =	sadd.s32 $0x14400, s15;
	[dreg:$0x17] =	wrdreg s13  }
0x15: {  	s22 =	sadd.s32 $0x16800, s15;
	[dreg:$0x1a] =	wrdreg s17  }
0x16: {  	s11 =	smul.u32 $0xC380, s1;
	s23 =	sadd.s32 $0x17A00, s15;
	[dreg:$0x1c] =	wrdreg s22  }
0x17: {  	s25 =	sadd.s32 $0xA200, s15;
	[dreg:$0x1d] =	wrdreg s23  }
0x18: {  	s20 =	sadd.s32 s11, s26;
	s26 =	sadd.s32 $0xB400, s15;
	[dreg:$0x11] =	wrdreg s25  }
0x19: {  	s28 =	simm.s32 $0x100;
	s4 =	sadd.s32 $0xC600, s15;
	[dreg:$0x12] =	wrdreg s26  }
0x1a: {  	v0 =	vimm.s32 $0x8B8A8988;
	v1 =	vimm.s32 $0x8F8E8D8C;
	s21 =	sadd.s32 s11, s19;
	s11 =	sadd.s32 $0xEA00, s15;
	[dreg:$0x13] =	wrdreg s4  }
0x1b: {  	v2 =	vimm.s32 $0x43424140;
	v3 =	vimm.s32 $0x47464544;
	s29 =	simm.s32 $0x1740;
	v0 =	vunpack.c.0.s8.s32 v0;
	s12 =	sadd.s32 $0xFC00, s15;
	[dreg:$0x15] =	wrdreg s11  }
0x1c: {  	s30 =	simm.s32 $0xC0;
	v1 =	vunpack.c.0.s8.s32 v1;
	v2 =	vunpack.c.0.s8.s32 v2;
	v3 =	vunpack.c.0.s8.s32 v3;
	s14 =	sadd.s32 $0x12000, s15;
	[dreg:$0x16] =	wrdreg s12  }
0x1d: {  	vm0 =	vcmask $0x1F10;
	s31 =	simm.s32 $0x2D50;
	v6 =	vmov s1;
	s16 =	sadd.s32 $0x13200, s15;
	[dreg:$0x18] =	wrdreg s14  }
0x1e: {  	v0 =	vsel vm0, v1, v0;
	v1 =	vsel vm0, v3, v2;
	v2 =	vlaneseq.u32;
	s18 =	smul.u32 $0xFFFF9E00, s1;
	s19 =	sadd.s32 $0x15600, s15;
	[dreg:$0x19] =	wrdreg s16  }
0x1f: {  	v3 =	vcombine.low v1, v0;
	v1 =	vimm.f32 $0.0e+00;
	v5 =	vand.u32 $0x7, v2;
	s24 =	sadd.s32 $0x18C00, s15;
	s22 =	simm.s32 $0x1940;
	[dreg:$0x1b] =	wrdreg s19  }
0x20: {  	v4 =	vshrl.u32 v2, $0x3;
	vm0 =	veq.s32 v6, v2;
	v6 =	vor.u32 $0x40, v5;
	s23 =	simm.s32 $0x40;
	s14 =	smul.u32 $0x6200, s1;
	[dreg:$0x1e] =	wrdreg s24  }
0x21: {  	v7 =	vor.u32 $0x2, v4;
	v8 =	vor.u32 $0x4, v4;
	v9 =	vor.u32 $0x6, v4;
	s25 =	sadd.s32 $0x19E00, s15;
	s26 =	sadd.s32 $0x1B000, s15;
	s19 =	simm.s32 $0x1  }
0x22: {  	v10 =	vor.u32 $0x8, v4;
	v11 =	vor.u32 $0xA, v4;
	v12 =	vor.u32 $0xC, v4;
	s24 =	simm.s32 $0x140;
	s1 =	simm.s32 $0x0;
	[dreg:$0x1f] =	wrdreg s25  }
0x23: {  	v13 =	vor.u32 $0xE, v4;
	v3 =	vand.u32 $0xFF, v3;
	v0 =	vmov s18;
	[smem:$0x7FD] =	sst s26;
	s25 =	simm.s32 $0x80;
	s26 =	simm.s32 $0x1540  }
.LBB2_1:
0x24: {  	[smem:$0x7FC] =	sst s1  }
0x25: {  	s0 =	rddreg [dreg:$0x1];
	s15 =	simm.s32 $0x2B40  }
0x26: {  	[tilespmem:s15], [sflag:$0x1] =	stream.linear.gather [hbm4b:s0+s3], $0x10, $0x38;
	[tilespmem:$0x1F750] =	vst v63  }
0x27: {  	_ =	swait.ge [sflag:s19], $0x10  }
0x28: {  	[sflag:s19] =	ssyncset.done $0x0  }
0x29: {  	s17 =	simm.s32 $0x2B50;
	s16 =	rddreg [dreg:$0x4];
	[sflag:s19] =	ssyncadd.s32 $0xFFFFFFF0  }
0x2a: {  	[tilespmem:s17], [sflag:$0x1] =	stream.linear.gather [hbm4b:s16+s3], $0x200, $0x38;
	[tilespmem:$0x1F750] =	vst v63  }
0x2b: {  	_ =	swait.ge [sflag:s19], $0x200  }
0x2c: {  	v14 =	vmov s3;
	[sflag:s19] =	ssyncset.done $0x0  }
0x2d: {  	s0 =	simm.s32 $0x1988;
	v14 =	vmul.u32 $0x48, v14;
	[sflag:s19] =	ssyncadd.s32 $0xFFFFFE00  }
0x2e: {  	[tilespmem:s0+$0xFFFFFFC8] =	vst v1  }
0x2f: {  	v14 =	vbroadcast v14, $0x0;
	[tilespmem:s0+$0xFFFFFFD8] =	vst v1  }
0x30: {  	[tilespmem:s0+$0xFFFFFFE8] =	vst v1  }
0x31: {  	v14 =	vadd.s32 v3, v14;
	[tilespmem:s0+$0x0] =	vst v1  }
0x32: {  	[tilespmem:s0+$0x10] =	vst v1  }
0x33: {  	[tilespmem:s0+$0x20] =	vst v1  }
0x34: {  	s18 =	simm.s32 $0x2;
	[tilespmem:s0+$0x30] =	vst v1  }
0x35: {  	s1 =	simm.s32 $0x4;
	v15 =	vmov s18;
	[tilespmem:s0+$0xFFFFFFB8] =	vst v1  }
.LBB2_2:
0x36: {  	p0 =	sne.s32 s1, $0x3E;
	v15 =	vmul.u32 $0x48, v15;
	[tilespmem:v14+s22+$0x0] =	vst.idx.msk $0xffff, v1;
	s0 =	sadd.s32 $0x90, s0  }
0x37: {  	[tilespmem:s0+$0xFFFFFFC8] =	vst v1  }
0x38: {  	[tilespmem:s0+$0xFFFFFFD8] =	vst v1;
	v14 =	vbroadcast v15, $0x0  }
0x39: {  	[tilespmem:s0+$0xFFFFFFE8] =	vst v1  }
.Ltmp0:
0x3a: {  	[tilespmem:s0+$0x0] =	vst v1;
	v14 =	vadd.s32 v3, v14;
	(pc) =	sbr.rel @p0 .LBB2_2-.Ltmp0, $4  }
0x3b: {  	[tilespmem:s0+$0x10] =	vst v1  }
0x3c: {  	[tilespmem:s0+$0x20] =	vst v1  }
0x3d: {  	[tilespmem:s0+$0x30] =	vst v1  }
0x3e: {  	v15 =	vmov s1;
	s1 =	sadd.s32 $0x2, s1;
	[tilespmem:s0+$0xFFFFFFB8] =	vst v1  }
0x3f: {  	_ =	sdelay $0x3  }
0x40: {  	v15 =	vmul.u32 $0x48, v15;
	[tilespmem:v14+s22+$0x0] =	vst.idx.msk $0xffff, v1;
	s0 =	sadd.s32 $0x90, s0  }
0x41: {  	[tilespmem:s0+$0xFFFFFFC8] =	vst v1  }
0x42: {  	[tilespmem:s0+$0xFFFFFFD8] =	vst v1;
	v14 =	vbroadcast v15, $0x0  }
0x43: {  	[tilespmem:s0+$0xFFFFFFE8] =	vst v1  }
0x44: {  	[tilespmem:s0+$0x0] =	vst v1;
	v14 =	vadd.s32 v3, v14  }
0x45: {  	[tilespmem:s0+$0x10] =	vst v1  }
0x46: {  	[tilespmem:s0+$0x20] =	vst v1  }
0x47: {  	[tilespmem:s0+$0x30] =	vst v1  }
0x48: {  	[tilespmem:s0+$0xFFFFFFB8] =	vst v1  }
0x49: {  	s11 =	rddreg [dreg:$0x5];
	[tilespmem:v14+s22+$0x0] =	vst.idx.msk $0xffff, v1  }
0x4a: {  	[spmem:s11] =	stream.linear.scatter [tilespmem:s22], [sflag:$0x1], $0x1200, $0x38;
	[tilespmem:$0x1F750] =	vst v63  }
0x4b: {  	_ =	swait.ge [sflag:s19], $0x1200  }
0x4c: {  	[sflag:s19] =	ssyncset.done $0x0  }
0x4d: {  	s12 =	rddreg [dreg:$0x6];
	[sflag:s19] =	ssyncadd.s32 $0xFFFFEE00  }
0x4e: {  	[spmem:s12] =	stream.linear.scatter [tilespmem:s22], [sflag:$0x1], $0x1200, $0x38;
	[tilespmem:$0x1F750] =	vst v63  }
0x4f: {  	_ =	swait.ge [sflag:s19], $0x1200  }
0x50: {  	[sflag:s19] =	ssyncset.done $0x0  }
0x51: {  	s13 =	rddreg [dreg:$0x7];
	[sflag:s19] =	ssyncadd.s32 $0xFFFFEE00  }
0x52: {  	[spmem:s13] =	stream.linear.scatter [tilespmem:s22], [sflag:$0x1], $0x1200, $0x38;
	[tilespmem:$0x1F750] =	vst v63  }
0x53: {  	_ =	swait.ge [sflag:s19], $0x1200  }
0x54: {  	[sflag:s19] =	ssyncset.done $0x0  }
0x55: {  	s15 =	rddreg [dreg:$0x8];
	[sflag:s19] =	ssyncadd.s32 $0xFFFFEE00  }
0x56: {  	[spmem:s15] =	stream.linear.scatter [tilespmem:s22], [sflag:$0x1], $0x1200, $0x38;
	[tilespmem:$0x1F750] =	vst v63  }
0x57: {  	_ =	swait.ge [sflag:s19], $0x1200  }
0x58: {  	[sflag:s19] =	ssyncset.done $0x0  }
0x59: {  	s16 =	rddreg [dreg:$0x9];
	[sflag:s19] =	ssyncadd.s32 $0xFFFFEE00  }
0x5a: {  	[spmem:s16] =	stream.linear.scatter [tilespmem:s22], [sflag:$0x1], $0x1200, $0x38;
	[tilespmem:$0x1F750] =	vst v63  }
0x5b: {  	_ =	swait.ge [sflag:s19], $0x1200  }
0x5c: {  	[sflag:s19] =	ssyncset.done $0x0  }
0x5d: {  	s17 =	rddreg [dreg:$0xa];
	[sflag:s19] =	ssyncadd.s32 $0xFFFFEE00  }
0x5e: {  	[spmem:s17] =	stream.linear.scatter [tilespmem:s22], [sflag:$0x1], $0x1200, $0x38;
	[tilespmem:$0x1F750] =	vst v63  }
0x5f: {  	_ =	swait.ge [sflag:s19], $0x1200  }
0x60: {  	[sflag:s19] =	ssyncset.done $0x0  }
0x61: {  	s18 =	rddreg [dreg:$0xb];
	[sflag:s19] =	ssyncadd.s32 $0xFFFFEE00  }
0x62: {  	[spmem:s18] =	stream.linear.scatter [tilespmem:s22], [sflag:$0x1], $0x1200, $0x38;
	[tilespmem:$0x1F750] =	vst v63  }
0x63: {  	_ =	swait.ge [sflag:s19], $0x1200  }
0x64: {  	[sflag:s19] =	ssyncset.done $0x0  }
0x65: {  	s1 =	rddreg [dreg:$0xc];
	[sflag:s19] =	ssyncadd.s32 $0xFFFFEE00  }
0x66: {  	[spmem:s1] =	stream.linear.scatter [tilespmem:s22], [sflag:$0x1], $0x1200, $0x38;
	[tilespmem:$0x1F750] =	vst v63  }
0x67: {  	_ =	swait.ge [sflag:s19], $0x1200  }
0x68: {  	[sflag:s19] =	ssyncset.done $0x0  }
0x69: {  	s4 =	rddreg [dreg:$0xd];
	[sflag:s19] =	ssyncadd.s32 $0xFFFFEE00  }
0x6a: {  	[spmem:s4] =	stream.linear.scatter [tilespmem:s22], [sflag:$0x1], $0x1200, $0x38;
	[tilespmem:$0x1F750] =	vst v63  }
0x6b: {  	_ =	swait.ge [sflag:s19], $0x1200  }
0x6c: {  	[sflag:s19] =	ssyncset.done $0x0  }
0x6d: {  	s6 =	rddreg [dreg:$0x11];
	[sflag:s19] =	ssyncadd.s32 $0xFFFFEE00  }
0x6e: {  	[spmem:s6] =	stream.linear.scatter [tilespmem:s22], [sflag:$0x1], $0x1200, $0x38;
	[tilespmem:$0x1F750] =	vst v63  }
0x6f: {  	_ =	swait.ge [sflag:s19], $0x1200  }
0x70: {  	[sflag:s19] =	ssyncset.done $0x0  }
0x71: {  	s11 =	rddreg [dreg:$0x12];
	[sflag:s19] =	ssyncadd.s32 $0xFFFFEE00  }
0x72: {  	[spmem:s11] =	stream.linear.scatter [tilespmem:s22], [sflag:$0x1], $0x1200, $0x38;
	[tilespmem:$0x1F750] =	vst v63  }
0x73: {  	_ =	swait.ge [sflag:s19], $0x1200  }
0x74: {  	[sflag:s19] =	ssyncset.done $0x0  }
0x75: {  	s12 =	rddreg [dreg:$0x13];
	[sflag:s19] =	ssyncadd.s32 $0xFFFFEE00  }
0x76: {  	[spmem:s12] =	stream.linear.scatter [tilespmem:s22], [sflag:$0x1], $0x1200, $0x38;
	[tilespmem:$0x1F750] =	vst v63  }
0x77: {  	_ =	swait.ge [sflag:s19], $0x1200  }
0x78: {  	[sflag:s19] =	ssyncset.done $0x0  }
0x79: {  	s13 =	rddreg [dreg:$0x14];
	[sflag:s19] =	ssyncadd.s32 $0xFFFFEE00  }
0x7a: {  	[spmem:s13] =	stream.linear.scatter [tilespmem:s22], [sflag:$0x1], $0x1200, $0x38;
	[tilespmem:$0x1F750] =	vst v63  }
0x7b: {  	_ =	swait.ge [sflag:s19], $0x1200  }
0x7c: {  	[sflag:s19] =	ssyncset.done $0x0  }
0x7d: {  	s15 =	rddreg [dreg:$0x15];
	[sflag:s19] =	ssyncadd.s32 $0xFFFFEE00  }
0x7e: {  	[spmem:s15] =	stream.linear.scatter [tilespmem:s22], [sflag:$0x1], $0x1200, $0x38;
	[tilespmem:$0x1F750] =	vst v63  }
0x7f: {  	_ =	swait.ge [sflag:s19], $0x1200  }
0x80: {  	[sflag:s19] =	ssyncset.done $0x0  }
0x81: {  	s16 =	rddreg [dreg:$0x16];
	[sflag:s19] =	ssyncadd.s32 $0xFFFFEE00  }
0x82: {  	[spmem:s16] =	stream.linear.scatter [tilespmem:s22], [sflag:$0x1], $0x1200, $0x38;
	[tilespmem:$0x1F750] =	vst v63  }
0x83: {  	_ =	swait.ge [sflag:s19], $0x1200  }
0x84: {  	[sflag:s19] =	ssyncset.done $0x0  }
0x85: {  	s17 =	rddreg [dreg:$0x17];
	[sflag:s19] =	ssyncadd.s32 $0xFFFFEE00  }
0x86: {  	[spmem:s17] =	stream.linear.scatter [tilespmem:s22], [sflag:$0x1], $0x1200, $0x38;
	[tilespmem:$0x1F750] =	vst v63  }
0x87: {  	_ =	swait.ge [sflag:s19], $0x1200  }
0x88: {  	[sflag:s19] =	ssyncset.done $0x0  }
0x89: {  	s18 =	rddreg [dreg:$0x18];
	[sflag:s19] =	ssyncadd.s32 $0xFFFFEE00  }
0x8a: {  	[spmem:s18] =	stream.linear.scatter [tilespmem:s22], [sflag:$0x1], $0x1200, $0x38;
	[tilespmem:$0x1F750] =	vst v63  }
0x8b: {  	_ =	swait.ge [sflag:s19], $0x1200  }
0x8c: {  	[sflag:s19] =	ssyncset.done $0x0  }
0x8d: {  	s1 =	rddreg [dreg:$0x19];
	[sflag:s19] =	ssyncadd.s32 $0xFFFFEE00  }
0x8e: {  	[spmem:s1] =	stream.linear.scatter [tilespmem:s22], [sflag:$0x1], $0x1200, $0x38;
	[tilespmem:$0x1F750] =	vst v63  }
0x8f: {  	_ =	swait.ge [sflag:s19], $0x1200  }
0x90: {  	[sflag:s19] =	ssyncset.done $0x0  }
0x91: {  	s4 =	rddreg [dreg:$0x1a];
	[sflag:s19] =	ssyncadd.s32 $0xFFFFEE00  }
0x92: {  	[spmem:s4] =	stream.linear.scatter [tilespmem:s22], [sflag:$0x1], $0x1200, $0x38;
	[tilespmem:$0x1F750] =	vst v63  }
0x93: {  	_ =	swait.ge [sflag:s19], $0x1200  }
0x94: {  	[sflag:s19] =	ssyncset.done $0x0  }
0x95: {  	s6 =	rddreg [dreg:$0x1b];
	[sflag:s19] =	ssyncadd.s32 $0xFFFFEE00  }
0x96: {  	[spmem:s6] =	stream.linear.scatter [tilespmem:s22], [sflag:$0x1], $0x1200, $0x38;
	[tilespmem:$0x1F750] =	vst v63  }
0x97: {  	_ =	swait.ge [sflag:s19], $0x1200  }
0x98: {  	[sflag:s19] =	ssyncset.done $0x0  }
0x99: {  	s11 =	rddreg [dreg:$0x1c];
	[sflag:s19] =	ssyncadd.s32 $0xFFFFEE00  }
0x9a: {  	[spmem:s11] =	stream.linear.scatter [tilespmem:s22], [sflag:$0x1], $0x1200, $0x38;
	[tilespmem:$0x1F750] =	vst v63  }
0x9b: {  	_ =	swait.ge [sflag:s19], $0x1200  }
0x9c: {  	[sflag:s19] =	ssyncset.done $0x0  }
0x9d: {  	s12 =	rddreg [dreg:$0x1d];
	[sflag:s19] =	ssyncadd.s32 $0xFFFFEE00  }
0x9e: {  	[spmem:s12] =	stream.linear.scatter [tilespmem:s22], [sflag:$0x1], $0x1200, $0x38;
	[tilespmem:$0x1F750] =	vst v63  }
0x9f: {  	_ =	swait.ge [sflag:s19], $0x1200  }
0xa0: {  	[sflag:s19] =	ssyncset.done $0x0  }
0xa1: {  	s13 =	rddreg [dreg:$0x1e];
	[sflag:s19] =	ssyncadd.s32 $0xFFFFEE00  }
0xa2: {  	[spmem:s13] =	stream.linear.scatter [tilespmem:s22], [sflag:$0x1], $0x1200, $0x38;
	[tilespmem:$0x1F750] =	vst v63  }
0xa3: {  	_ =	swait.ge [sflag:s19], $0x1200  }
0xa4: {  	[sflag:s19] =	ssyncset.done $0x0  }
0xa5: {  	s15 =	rddreg [dreg:$0x1f];
	[sflag:s19] =	ssyncadd.s32 $0xFFFFEE00  }
0xa6: {  	[spmem:s15] =	stream.linear.scatter [tilespmem:s22], [sflag:$0x1], $0x1200, $0x38;
	[tilespmem:$0x1F750] =	vst v63  }
0xa7: {  	_ =	swait.ge [sflag:s19], $0x1200  }
0xa8: {  	s16 =	sld [smem:$0x7FD]  }
0xa9: {  	[sflag:s19] =	ssyncset.done $0x0  }
0xaa: {  	[sflag:s19] =	ssyncadd.s32 $0xFFFFEE00  }
0xab: {  	[spmem:s16] =	stream.linear.scatter [tilespmem:s22], [sflag:$0x1], $0x900, $0x38;
	[tilespmem:$0x1F750] =	vst v63  }
0xac: {  	_ =	swait.ge [sflag:s19], $0x900  }
0xad: {  	[sflag:s19] =	ssyncset.done $0x0  }
0xae: {  	[sflag:s19] =	ssyncadd.s32 $0xFFFFF700  }
0xaf: {  	[bflag:$0x0] =	sbarrier.arrive $0xFFFF  }
0xb0: {  	s17 =	rddreg [dreg:$0xf]  }
0xb1: {  	v14 =	vld [tilespmem:s17+$0x2B50];
	_ =	sdelay $0x4  }
0xb2: {  	v14 =	vxor.u32 $0x80000000, v14  }
0xb3: {  	v14 =	vnsel vm0, $0x80000000, v14  }
0xb4: {  	(xrf0) =	vmax.scan.msk.u32 $0xffff, v14;
	_ =	sdelay $0x5  }
0xb5: {  	v14, _, _ =	vpop (xrf0)  }
0xb6: {  	(v2sf) =	vpush v14, $0xF;
	_ =	sdelay $0xe  }
0xb7: {  	s0 =	spop (v2sf)  }
0xb8: {  	s1 =	sadd.s32 $0x8000003F, s0  }
0xb9: {  	s4 =	sand.u32 $0x3F, s1  }
0xba: {  	s18 =	sshra.s32 s1, $0x1F;
	p1 =	slt.s32 s1, $0x1;
	p0 =	sne.s32 s4, $0x0  }
0xbb: {  	s4 =	sshrl.u32 s18, $0x1A;
	p0 =	por !p1, !p0  }
0xbc: {  	s1 =	sadd.s32 s4, s1;
	s4 =	simm.s32 $0x1;
	p0 =	por !p0, !p0  }
0xbd: {  	s1 =	sshra.s32 s1, $0x6;
	s4 =	simm.s32 @!p0 $0x0  }
0xbe: {  	s1 =	ssub.s32 s1, s4  }
0xbf: {  	p0 =	slt.s32 s1, $0x1  }
.Ltmp1:
0xc0: {  	_ = 	snop;
	(pc) =	sbr.rel @p0 .LBB2_10-.Ltmp1, $2  }
0xc1: {  	_ =	sdelay $0x2  }
0xc2: {  	v14 =	vld [tilespmem:$0x2B40]  }
0xc3: {  	s6 =	sxor.u32 $0x80000000, s0;
	s12 =	simm.s32 $0x0;
	s13 =	simm.s32 $0x0  }
.LBB2_5:
0xc4: {  	s0 =	sshll.u32 s13, $0x6  }
0xc5: {  	s4 =	sadd.s32 s0, s20  }
0xc6: {  	s4 =	sshrl.u32 s4, $0x3  }
0xc7: {  	s4 =	sadd.s32 s5, s4  }
0xc8: {  	[tilespmem:s12], [sflag:$0x1] =	stream.linear.gather [hbm4b:s4+s12], $0x40, $0x38;
	[tilespmem:$0x1F750] =	vst v63  }
0xc9: {  	_ =	swait.ge [sflag:s19], $0x40  }
0xca: {  	[sflag:s19] =	ssyncset.done $0x0  }
0xcb: {  	[sflag:s19] =	ssyncadd.s32 $0xFFFFFFC0  }
0xcc: {  	v15 =	vld [tilespmem:$0x0];
	_ =	sdelay $0x2  }
0xcd: {  	s11 =	ssub.s32 s6, s0  }
0xce: {  	v16 =	vmov s11;
	v17 =	vld [tilespmem:$0x10]  }
0xcf: {  	vm1 =	vgt.s32 v16, v2;
	v18 =	vand.u32 $0xFFFF, v15  }
0xd0: {  	s15 =	sor.u32 $0x10, s0;
	v15 =	vshrl.u32 v15, $0x10;
	v16 =	vnsel vm1, $0x0, v18  }
0xd1: {  	s4 =	ssub.s32 s6, s15;
	[tilespmem:$0x40] =	vst v16;
	v16 =	vnsel vm1, $0x0, v15;
	v15 =	vadd.s32 v0, v15  }
0xd2: {  	v18 =	vld [tilespmem:$0x20];
	[tilespmem:$0x80] =	vst v16;
	v15 =	vnsel vm1, $0x0, v15;
	v16 =	vmov s4  }
0xd3: {  	v19 =	vand.u32 $0xFFFF, v17;
	[tilespmem:$0xC0] =	vst v15;
	v15 =	vsel vm1, $0x3F800000, v1;
	vm1 =	vgt.s32 v16, v2  }
0xd4: {  	s16 =	sor.u32 $0x20, s0;
	[tilespmem:$0x100] =	vst v15;
	v15 =	vshrl.u32 v17, $0x10;
	v16 =	vnsel vm1, $0x0, v19  }
0xd5: {  	s4 =	ssub.s32 s6, s16;
	[tilespmem:$0x50] =	vst v16;
	v16 =	vnsel vm1, $0x0, v15;
	v15 =	vadd.s32 v0, v15  }
0xd6: {  	v17 =	vld [tilespmem:$0x30];
	[tilespmem:$0x90] =	vst v16;
	v15 =	vnsel vm1, $0x0, v15;
	v16 =	vmov s4  }
0xd7: {  	v19 =	vand.u32 $0xFFFF, v18;
	[tilespmem:$0xD0] =	vst v15;
	v15 =	vsel vm1, $0x3F800000, v1;
	vm1 =	vgt.s32 v16, v2  }
0xd8: {  	s0 =	sor.u32 $0x30, s0;
	[tilespmem:$0x110] =	vst v15;
	v15 =	vshrl.u32 v18, $0x10;
	v16 =	vnsel vm1, $0x0, v19  }
0xd9: {  	s0 =	ssub.s32 s6, s0;
	[tilespmem:$0x60] =	vst v16;
	v16 =	vnsel vm1, $0x0, v15;
	v15 =	vadd.s32 v0, v15  }
0xda: {  	[tilespmem:$0xA0] =	vst v16;
	v15 =	vnsel vm1, $0x0, v15;
	v16 =	vmov s0  }
0xdb: {  	v18 =	vand.u32 $0xFFFF, v17;
	[tilespmem:$0xE0] =	vst v15;
	v15 =	vsel vm1, $0x3F800000, v1;
	vm1 =	vgt.s32 v16, v2  }
0xdc: {  	[tilespmem:$0x120] =	vst v15;
	v15 =	vshrl.u32 v17, $0x10;
	v16 =	vnsel vm1, $0x0, v18  }
0xdd: {  	[tilespmem:$0x70] =	vst v16;
	v16 =	vnsel vm1, $0x0, v15;
	v15 =	vadd.s32 v0, v15  }
0xde: {  	[tilespmem:$0xB0] =	vst v16;
	v15 =	vnsel vm1, $0x0, v15  }
0xdf: {  	[tilespmem:$0xF0] =	vst v15;
	v15 =	vsel vm1, $0x3F800000, v1  }
0xe0: {  	[tilespmem:$0x130] =	vst v15  }
0xe1: {  	[tilespmem:s24], [sflag:$0x1] =	stream.indirect.gather [hbm4b:s7+s23], $0x50, s23, s23, $0xb8;
	[tilespmem:$0x1F750] =	vst v63  }
0xe2: {  	v15 =	vor.u32 s12, v4;
	_ =	swait.ge [sflag:s19], $0x1400  }
0xe3: {  	v16 =	vmul.u32 $0x50, v15;
	v17 =	vshll.u32 v15, $0x3;
	[sflag:s19] =	ssyncset.done $0x0  }
0xe4: {  	v17 =	vor.u32 v5, v17;
	[sflag:s19] =	ssyncadd.s32 $0xFFFFEC00  }
0xe5: {  	v16 =	vadd.s32 v6, v16;
	[tilespmem:s26], [sflag:$0x1] =	stream.indirect.gather [hbm4b:s8+s23], $0x8, s25, s23, $0xb8;
	[tilespmem:$0x1F750] =	vst v63  }
0xe6: {  	_ =	swait.ge [sflag:s19], $0x200  }
0xe7: {  	[sflag:s19] =	ssyncset.done $0x0  }
0xe8: {  	[sflag:s19] =	ssyncadd.s32 $0xFFFFFE00  }
0xe9: {  	v17 =	vld.idx.msk [tilespmem:v17+s26+$0x0], $0xffff  }
0xea: {  	v16 =	vld.idx.msk [tilespmem:v16+s24+$0x0], $0xffff;
	_ =	sdelay $0x4  }
0xeb: {  	v16 =	vadd.f32 v17, v16;
	_ =	sdelay $0x1  }
0xec: {  	v17 =	vmul.f32 $2.000000030e-01, v16;
	_ =	sdelay $0x1  }
0xed: {  	v16 =	vmax.f32 v16, v17  }
0xee: {  	v16 =	vsub.f32 v16, v14;
	_ =	sdelay $0x1  }
0xef: {  	v16 =	vmul.f32 $1.442695020e+00, v16;
	_ =	sdelay $0x1  }
0xf0: {  	(erf) = vpow2.f32 v16;
	_ =	sdelay $0x4  }
0xf1: {  	s17 =	simm.s32 $0x2;
	v15 =	vld.idx.msk [tilespmem:v15+s28+$0x0], $0xffff  }
0xf2: {  	v16 =	vor.u32 s17, v4  }
0xf3: {  	v17 =	vmul.u32 $0x50, v16;
	v18 =	vshll.u32 v16, $0x3  }
0xf4: {  	v18 =	vor.u32 v5, v18  }
0xf5: {  	v17 =	vadd.s32 v6, v17;
	v19 =	vpop (erf)  }
0xf6: {  	v15 =	vmul.f32 v19, v15  }
0xf7: {  	s15 =	simm.s32 $0x1740  }
0xf8: {  	[tilespmem:s15+$0x0] =	vst v15  }
0xf9: {  	v15 =	vld.idx.msk [tilespmem:v18+s26+$0x0], $0xffff  }
0xfa: {  	v17 =	vld.idx.msk [tilespmem:v17+s24+$0x0], $0xffff;
	_ =	sdelay $0x4  }
0xfb: {  	v15 =	vadd.f32 v15, v17;
	_ =	sdelay $0x1  }
0xfc: {  	v17 =	vmul.f32 $2.000000030e-01, v15;
	_ =	sdelay $0x1  }
0xfd: {  	v15 =	vmax.f32 v15, v17  }
0xfe: {  	v15 =	vsub.f32 v15, v14;
	_ =	sdelay $0x1  }
0xff: {  	v15 =	vmul.f32 $1.442695020e+00, v15;
	_ =	sdelay $0x1  }
0x100: {  	(erf) = vpow2.f32 v15;
	_ =	sdelay $0x4  }
0x101: {  	s18 =	simm.s32 $0x4;
	v16 =	vld.idx.msk [tilespmem:v16+s28+$0x0], $0xffff  }
0x102: {  	s4 =	simm.s32 $0x6;
	s0 =	simm.s32 $0x1740;
	v15 =	vor.u32 s18, v4  }
.LBB2_6:
0x103: {  	p0 =	sne.s32 s4, $0x3E;
	v17 =	vmul.u32 $0x50, v15;
	v18 =	vshll.u32 v15, $0x3  }
0x104: {  	v18 =	vor.u32 v5, v18  }
0x105: {  	v17 =	vadd.s32 v6, v17;
	v19 =	vpop (erf)  }
0x106: {  	v16 =	vmul.f32 v19, v16  }
0x107: {  	s0 =	sadd.s32 $0x10, s0  }
0x108: {  	[tilespmem:s0+$0x0] =	vst v16  }
0x109: {  	v16 =	vld.idx.msk [tilespmem:v18+s26+$0x0], $0xffff  }
0x10a: {  	v17 =	vld.idx.msk [tilespmem:v17+s24+$0x0], $0xffff;
	_ =	sdelay $0x5  }
0x10b: {  	v16 =	vadd.f32 v16, v17;
	_ =	sdelay $0x1  }
0x10c: {  	v17 =	vmul.f32 $2.000000030e-01, v16;
	_ =	sdelay $0x1  }
0x10d: {  	v16 =	vmax.f32 v16, v17  }
0x10e: {  	v16 =	vsub.f32 v16, v14;
	_ =	sdelay $0x1  }
0x10f: {  	v16 =	vmul.f32 $1.442695020e+00, v16;
	_ =	sdelay $0x1  }
0x110: {  	(erf) = vpow2.f32 v16;
	_ =	sdelay $0x1  }
.Ltmp2:
0x111: {  	(pc) =	sbr.rel @p0 .LBB2_6-.Ltmp2, $3  }
0x112: {  	_ = 	snop  }
0x113: {  	v16 =	vld.idx.msk [tilespmem:v15+s28+$0x0], $0xffff;
	_ =	sdelay $0x1  }
0x114: {  	v15 =	vor.u32 s4, v4;
	s4 =	sadd.s32 $0x2, s4  }
0x115: {  	v17 =	vmul.u32 $0x50, v15;
	v18 =	vshll.u32 v15, $0x3  }
0x116: {  	v18 =	vor.u32 v5, v18  }
0x117: {  	v17 =	vadd.s32 v6, v17;
	v19 =	vpop (erf)  }
0x118: {  	v16 =	vmul.f32 v19, v16  }
0x119: {  	s0 =	sadd.s32 $0x10, s0  }
0x11a: {  	[tilespmem:s0+$0x0] =	vst v16  }
0x11b: {  	v16 =	vld.idx.msk [tilespmem:v18+s26+$0x0], $0xffff  }
0x11c: {  	v17 =	vld.idx.msk [tilespmem:v17+s24+$0x0], $0xffff;
	_ =	sdelay $0x4  }
0x11d: {  	v16 =	vadd.f32 v16, v17;
	_ =	sdelay $0x1  }
0x11e: {  	v17 =	vmul.f32 $2.000000030e-01, v16;
	_ =	sdelay $0x1  }
0x11f: {  	v16 =	vmax.f32 v16, v17  }
0x120: {  	v16 =	vsub.f32 v16, v14;
	_ =	sdelay $0x1  }
0x121: {  	v16 =	vmul.f32 $1.442695020e+00, v16;
	_ =	sdelay $0x1  }
0x122: {  	(erf) = vpow2.f32 v16;
	_ =	sdelay $0x4  }
0x123: {  	v15 =	vld.idx.msk [tilespmem:v15+s28+$0x0], $0xffff;
	_ =	sdelay $0x1  }
0x124: {  	s4 =	simm.s32 $0x0  }
0x125: {  	v16 =	vor.u32 s4, v4  }
0x126: {  	v17 =	vpop (erf)  }
0x127: {  	v15 =	vmul.f32 v17, v15  }
0x128: {  	s0 =	sadd.s32 $0x10, s0  }
0x129: {  	[tilespmem:s0+$0x0] =	vst v15  }
0x12a: {  	s16 =	simm.s32 $0x190;
	v15 =	vld.idx.msk [tilespmem:v16+s29+$0x0], $0xffff  }
0x12b: {  	v16 =	vld [tilespmem:s16+$0xFFFFFFB0];
	_ =	sdelay $0x2  }
0x12c: {  	v17 =	vor.u32 s4, v7;
	_ =	sdelay $0x1  }
0x12d: {  	v15 =	vmul.f32 v15, v16  }
0x12e: {  	s17 =	simm.s32 $0x1988  }
0x12f: {  	[tilespmem:s17+$0xFFFFFFB8] =	vst v15  }
0x130: {  	v15 =	vld.idx.msk [tilespmem:v17+s29+$0x0], $0xffff  }
0x131: {  	v16 =	vld [tilespmem:s16+$0xFFFFFFC0];
	_ =	sdelay $0x2  }
0x132: {  	v17 =	vor.u32 s4, v8;
	_ =	sdelay $0x1  }
0x133: {  	v15 =	vmul.f32 v15, v16;
	_ =	sdelay $0x1  }
0x134: {  	[tilespmem:s17+$0xFFFFFFC8] =	vst v15  }
0x135: {  	v15 =	vld.idx.msk [tilespmem:v17+s29+$0x0], $0xffff  }
0x136: {  	v16 =	vld [tilespmem:s16+$0xFFFFFFD0];
	_ =	sdelay $0x2  }
0x137: {  	v17 =	vor.u32 s4, v9;
	_ =	sdelay $0x1  }
0x138: {  	v15 =	vmul.f32 v15, v16;
	_ =	sdelay $0x1  }
0x139: {  	[tilespmem:s17+$0xFFFFFFD8] =	vst v15  }
0x13a: {  	v15 =	vld.idx.msk [tilespmem:v17+s29+$0x0], $0xffff  }
0x13b: {  	v16 =	vld [tilespmem:s16+$0xFFFFFFE0];
	_ =	sdelay $0x2  }
0x13c: {  	v17 =	vor.u32 s4, v10;
	_ =	sdelay $0x1  }
0x13d: {  	v15 =	vmul.f32 v15, v16;
	_ =	sdelay $0x1  }
0x13e: {  	[tilespmem:s17+$0xFFFFFFE8] =	vst v15  }
0x13f: {  	v15 =	vld.idx.msk [tilespmem:v17+s29+$0x0], $0xffff  }
0x140: {  	v16 =	vld [tilespmem:s16+$0x0];
	_ =	sdelay $0x2  }
0x141: {  	v17 =	vor.u32 s4, v11;
	_ =	sdelay $0x1  }
0x142: {  	v15 =	vmul.f32 v15, v16;
	_ =	sdelay $0x1  }
0x143: {  	[tilespmem:s17+$0x0] =	vst v15  }
0x144: {  	v15 =	vld.idx.msk [tilespmem:v17+s29+$0x0], $0xffff  }
0x145: {  	v16 =	vld [tilespmem:s16+$0x10];
	_ =	sdelay $0x2  }
0x146: {  	v17 =	vor.u32 s4, v12;
	_ =	sdelay $0x1  }
0x147: {  	v15 =	vmul.f32 v15, v16;
	_ =	sdelay $0x1  }
0x148: {  	[tilespmem:s17+$0x10] =	vst v15  }
0x149: {  	v15 =	vld.idx.msk [tilespmem:v17+s29+$0x0], $0xffff  }
0x14a: {  	v16 =	vld [tilespmem:s16+$0x20];
	_ =	sdelay $0x2  }
0x14b: {  	v17 =	vor.u32 s4, v13;
	_ =	sdelay $0x1  }
0x14c: {  	v15 =	vmul.f32 v15, v16;
	_ =	sdelay $0x1  }
0x14d: {  	[tilespmem:s17+$0x20] =	vst v15  }
0x14e: {  	v15 =	vld.idx.msk [tilespmem:v17+s29+$0x0], $0xffff  }
0x14f: {  	v16 =	vld [tilespmem:s16+$0x30];
	_ =	sdelay $0x2  }
0x150: {  	v17 =	vmov s4  }
0x151: {  	v17 =	vmul.u32 $0x48, v17  }
0x152: {  	v15 =	vmul.f32 v15, v16  }
0x153: {  	v17 =	vbroadcast v17, $0x0  }
0x154: {  	[tilespmem:s17+$0x30] =	vst v15  }
0x155: {  	s11 =	simm.s32 $0x10;
	v17 =	vadd.s32 v3, v17;
	v16 =	vld [tilespmem:s15+$0x0]  }
0x156: {  	s18 =	simm.s32 $0x2;
	s4 =	simm.s32 $0x4;
	v15 =	vor.u32 s11, v4  }
.LBB2_8:
0x157: {  	_ =	sdelay $0x2  }
0x158: {  	s15 =	sadd.s32 $0x10, s15;
	s16 =	sadd.s32 $0xA0, s16;
	s17 =	sadd.s32 $0x90, s17;
	[tilespmem:v17+s22+$0x0] =	vst.idx.msk $0xffff, v16  }
0x159: {  	p0 =	sne.s32 s4, $0x3E;
	s0 =	smov.u32 s4;
	s4 =	sadd.s32 $0x2, s4;
	v15 =	vld.idx.msk [tilespmem:v15+s29+$0x0], $0xffff  }
0x15a: {  	v16 =	vld [tilespmem:s16+$0xFFFFFFB0];
	_ =	sdelay $0x2  }
0x15b: {  	v17 =	vor.u32 s11, v7;
	_ =	sdelay $0x1  }
0x15c: {  	v15 =	vmul.f32 v15, v16;
	_ =	sdelay $0x1  }
0x15d: {  	[tilespmem:s17+$0xFFFFFFB8] =	vst v15  }
0x15e: {  	v15 =	vld.idx.msk [tilespmem:v17+s29+$0x0], $0xffff  }
0x15f: {  	v16 =	vld [tilespmem:s16+$0xFFFFFFC0];
	_ =	sdelay $0x2  }
0x160: {  	v17 =	vor.u32 s11, v8;
	_ =	sdelay $0x1  }
0x161: {  	v15 =	vmul.f32 v15, v16;
	_ =	sdelay $0x1  }
0x162: {  	[tilespmem:s17+$0xFFFFFFC8] =	vst v15  }
0x163: {  	v15 =	vld.idx.msk [tilespmem:v17+s29+$0x0], $0xffff  }
0x164: {  	v16 =	vld [tilespmem:s16+$0xFFFFFFD0];
	_ =	sdelay $0x2  }
0x165: {  	v17 =	vor.u32 s11, v9;
	_ =	sdelay $0x1  }
0x166: {  	v15 =	vmul.f32 v15, v16;
	_ =	sdelay $0x1  }
0x167: {  	[tilespmem:s17+$0xFFFFFFD8] =	vst v15  }
0x168: {  	v15 =	vld.idx.msk [tilespmem:v17+s29+$0x0], $0xffff  }
0x169: {  	v16 =	vld [tilespmem:s16+$0xFFFFFFE0];
	_ =	sdelay $0x2  }
0x16a: {  	v17 =	vor.u32 s11, v10;
	_ =	sdelay $0x1  }
0x16b: {  	v15 =	vmul.f32 v15, v16;
	_ =	sdelay $0x1  }
0x16c: {  	[tilespmem:s17+$0xFFFFFFE8] =	vst v15  }
0x16d: {  	v15 =	vld.idx.msk [tilespmem:v17+s29+$0x0], $0xffff  }
0x16e: {  	v16 =	vld [tilespmem:s16+$0x0];
	_ =	sdelay $0x2  }
0x16f: {  	v17 =	vor.u32 s11, v11;
	_ =	sdelay $0x1  }
0x170: {  	v15 =	vmul.f32 v15, v16;
	_ =	sdelay $0x1  }
0x171: {  	[tilespmem:s17+$0x0] =	vst v15  }
0x172: {  	v15 =	vld.idx.msk [tilespmem:v17+s29+$0x0], $0xffff  }
0x173: {  	v16 =	vld [tilespmem:s16+$0x10];
	_ =	sdelay $0x2  }
0x174: {  	v17 =	vor.u32 s11, v12;
	_ =	sdelay $0x1  }
0x175: {  	v15 =	vmul.f32 v15, v16;
	_ =	sdelay $0x1  }
0x176: {  	[tilespmem:s17+$0x10] =	vst v15  }
0x177: {  	v15 =	vld.idx.msk [tilespmem:v17+s29+$0x0], $0xffff  }
0x178: {  	v16 =	vld [tilespmem:s16+$0x20];
	_ =	sdelay $0x2  }
0x179: {  	v17 =	vor.u32 s11, v13;
	_ =	sdelay $0x1  }
0x17a: {  	v15 =	vmul.f32 v15, v16;
	_ =	sdelay $0x1  }
0x17b: {  	[tilespmem:s17+$0x20] =	vst v15  }
0x17c: {  	v15 =	vld.idx.msk [tilespmem:v17+s29+$0x0], $0xffff  }
0x17d: {  	v16 =	vld [tilespmem:s16+$0x30];
	_ =	sdelay $0x2  }
0x17e: {  	v17 =	vmov s18;
	s18 =	smov.u32 s0  }
0x17f: {  	v17 =	vmul.u32 $0x48, v17  }
.Ltmp3:
0x180: {  	v15 =	vmul.f32 v15, v16;
	(pc) =	sbr.rel @p0 .LBB2_8-.Ltmp3, $4  }
0x181: {  	v17 =	vbroadcast v17, $0x0  }
0x182: {  	[tilespmem:s17+$0x30] =	vst v15  }
0x183: {  	s11 =	sadd.s32 $0x10, s11;
	v17 =	vadd.s32 v3, v17;
	v16 =	vld [tilespmem:s15+$0x0]  }
0x184: {  	v15 =	vor.u32 s11, v4  }
0x185: {  	_ =	sdelay $0x3  }
0x186: {  	[tilespmem:v17+s22+$0x0] =	vst.idx.msk $0xffff, v16  }
0x187: {  	s0 =	sadd.s32 $0xA0, s16;
	v15 =	vld.idx.msk [tilespmem:v15+s29+$0x0], $0xffff  }
0x188: {  	v16 =	vld [tilespmem:s0+$0xFFFFFFB0];
	_ =	sdelay $0x2  }
0x189: {  	v48 =	vor.u32 s11, v7;
	_ =	sdelay $0x1  }
0x18a: {  	v15 =	vmul.f32 v15, v16  }
0x18b: {  	s4 =	sadd.s32 $0x90, s17  }
0x18c: {  	[tilespmem:s4+$0xFFFFFFB8] =	vst v15  }
0x18d: {  	v15 =	vld.idx.msk [tilespmem:v48+s29+$0x0], $0xffff  }
0x18e: {  	v49 =	vld [tilespmem:s0+$0xFFFFFFC0];
	_ =	sdelay $0x2  }
0x18f: {  	v50 =	vor.u32 s11, v8;
	_ =	sdelay $0x1  }
0x190: {  	v15 =	vmul.f32 v15, v49;
	_ =	sdelay $0x1  }
0x191: {  	[tilespmem:s4+$0xFFFFFFC8] =	vst v15  }
0x192: {  	v15 =	vld.idx.msk [tilespmem:v50+s29+$0x0], $0xffff  }
0x193: {  	v51 =	vld [tilespmem:s0+$0xFFFFFFD0];
	_ =	sdelay $0x2  }
0x194: {  	v52 =	vor.u32 s11, v9;
	_ =	sdelay $0x1  }
0x195: {  	v15 =	vmul.f32 v15, v51;
	_ =	sdelay $0x1  }
0x196: {  	[tilespmem:s4+$0xFFFFFFD8] =	vst v15  }
0x197: {  	v15 =	vld.idx.msk [tilespmem:v52+s29+$0x0], $0xffff  }
0x198: {  	v53 =	vld [tilespmem:s0+$0xFFFFFFE0];
	_ =	sdelay $0x2  }
0x199: {  	v54 =	vor.u32 s11, v10;
	_ =	sdelay $0x1  }
0x19a: {  	v15 =	vmul.f32 v15, v53;
	_ =	sdelay $0x1  }
0x19b: {  	[tilespmem:s4+$0xFFFFFFE8] =	vst v15  }
0x19c: {  	v15 =	vld.idx.msk [tilespmem:v54+s29+$0x0], $0xffff  }
0x19d: {  	v55 =	vld [tilespmem:s0+$0x0];
	_ =	sdelay $0x2  }
0x19e: {  	v56 =	vor.u32 s11, v11;
	_ =	sdelay $0x1  }
0x19f: {  	v15 =	vmul.f32 v15, v55;
	_ =	sdelay $0x1  }
0x1a0: {  	[tilespmem:s4+$0x0] =	vst v15  }
0x1a1: {  	v15 =	vld.idx.msk [tilespmem:v56+s29+$0x0], $0xffff  }
0x1a2: {  	v57 =	vld [tilespmem:s0+$0x10];
	_ =	sdelay $0x2  }
0x1a3: {  	v58 =	vor.u32 s11, v12;
	_ =	sdelay $0x1  }
0x1a4: {  	v15 =	vmul.f32 v15, v57;
	_ =	sdelay $0x1  }
0x1a5: {  	[tilespmem:s4+$0x10] =	vst v15  }
0x1a6: {  	v15 =	vld.idx.msk [tilespmem:v58+s29+$0x0], $0xffff  }
0x1a7: {  	v59 =	vld [tilespmem:s0+$0x20];
	_ =	sdelay $0x2  }
0x1a8: {  	v60 =	vor.u32 s11, v13;
	_ =	sdelay $0x1  }
0x1a9: {  	v15 =	vmul.f32 v15, v59;
	_ =	sdelay $0x1  }
0x1aa: {  	[tilespmem:s4+$0x20] =	vst v15  }
0x1ab: {  	v15 =	vld.idx.msk [tilespmem:v60+s29+$0x0], $0xffff  }
0x1ac: {  	v61 =	vld [tilespmem:s0+$0x30];
	_ =	sdelay $0x2  }
0x1ad: {  	v62 =	vmov s18  }
0x1ae: {  	v17 =	vmul.u32 $0x48, v62  }
0x1af: {  	v15 =	vmul.f32 v15, v61  }
0x1b0: {  	v63 =	vbroadcast v17, $0x0  }
0x1b1: {  	s18 =	sadd.s32 $0x10, s15;
	[tilespmem:s4+$0x30] =	vst v15  }
0x1b2: {  	v16 =	vadd.s32 v3, v63;
	v15 =	vld [tilespmem:s18+$0x0];
	_ =	sdelay $0x2  }
0x1b3: {  	s13 =	sadd.s32 $0x1, s13  }
0x1b4: {  	p0 =	sne.s32 s13, s1  }
.Ltmp4:
0x1b5: {  	[tilespmem:v16+s22+$0x0] =	vst.idx.msk $0xffff, v15;
	(pc) =	sbr.rel @p0 .LBB2_5-.Ltmp4, $4  }
0x1b6: {  	[spmem:s2] =	stream.indirect.scatter.add.f32 [tilespmem:s22], [sflag:$0x1], $0x48, s30, s23, $0xb8;
	[tilespmem:$0x1F750] =	vst v63  }
0x1b7: {  	_ =	swait.ge [sflag:s19], $0x1200  }
0x1b8: {  	[sflag:s19] =	ssyncset.done $0x0  }
0x1b9: {  	[sflag:s19] =	ssyncadd.s32 $0xFFFFEE00  }
.LBB2_10:
0x1ba: {  	s0 =	rddreg [dreg:$0x10]  }
0x1bb: {  	v15 =	vld [tilespmem:s0+$0x2B50];
	_ =	sdelay $0x4  }
0x1bc: {  	v15 =	vxor.u32 $0x80000000, v15  }
0x1bd: {  	v15 =	vnsel vm0, $0x80000000, v15  }
0x1be: {  	(xrf0) =	vmax.scan.msk.u32 $0xffff, v15;
	_ =	sdelay $0x5  }
0x1bf: {  	v15, _, _ =	vpop (xrf0)  }
0x1c0: {  	(v2sf) =	vpush v15, $0xF;
	_ =	sdelay $0xe  }
0x1c1: {  	s0 =	spop (v2sf)  }
0x1c2: {  	s1 =	sadd.s32 $0x8000003F, s0  }
0x1c3: {  	s4 =	sand.u32 $0x3F, s1  }
0x1c4: {  	s18 =	sshra.s32 s1, $0x1F;
	p1 =	slt.s32 s1, $0x1;
	p0 =	sne.s32 s4, $0x0  }
0x1c5: {  	s4 =	sshrl.u32 s18, $0x1A;
	p0 =	por !p1, !p0  }
0x1c6: {  	s1 =	sadd.s32 s4, s1;
	s4 =	simm.s32 $0x1;
	p0 =	por !p0, !p0  }
0x1c7: {  	s1 =	sshra.s32 s1, $0x6;
	s4 =	simm.s32 @!p0 $0x0  }
0x1c8: {  	s1 =	ssub.s32 s1, s4  }
0x1c9: {  	p0 =	slt.s32 s1, $0x1  }
.Ltmp5:
0x1ca: {  	_ = 	snop;
	(pc) =	sbr.rel @p0 .LBB2_17-.Ltmp5, $1  }
0x1cb: {  	_ =	sdelay $0x3  }
0x1cc: {  	s6 =	sxor.u32 $0x80000000, s0;
	s12 =	simm.s32 $0x0;
	s13 =	simm.s32 $0x0  }
.LBB2_12:
0x1cd: {  	s0 =	sshll.u32 s13, $0x6  }
0x1ce: {  	s4 =	sadd.s32 s0, s21  }
0x1cf: {  	s4 =	sshrl.u32 s4, $0x3  }
0x1d0: {  	s4 =	sadd.s32 s5, s4  }
0x1d1: {  	[tilespmem:s12], [sflag:$0x1] =	stream.linear.gather [hbm4b:s4+s12], $0x40, $0x38;
	[tilespmem:$0x1F750] =	vst v63  }
0x1d2: {  	_ =	swait.ge [sflag:s19], $0x40  }
0x1d3: {  	[sflag:s19] =	ssyncset.done $0x0  }
0x1d4: {  	[sflag:s19] =	ssyncadd.s32 $0xFFFFFFC0  }
0x1d5: {  	v15 =	vld [tilespmem:$0x0];
	_ =	sdelay $0x2  }
0x1d6: {  	s11 =	ssub.s32 s6, s0  }
0x1d7: {  	v16 =	vmov s11;
	v17 =	vld [tilespmem:$0x10]  }
0x1d8: {  	vm1 =	vgt.s32 v16, v2;
	v18 =	vand.u32 $0xFFFF, v15  }
0x1d9: {  	s15 =	sor.u32 $0x10, s0;
	v15 =	vshrl.u32 v15, $0x10;
	v16 =	vnsel vm1, $0x0, v18  }
0x1da: {  	s4 =	ssub.s32 s6, s15;
	[tilespmem:$0x40] =	vst v16;
	v16 =	vnsel vm1, $0x0, v15;
	v15 =	vadd.s32 v0, v15  }
0x1db: {  	v18 =	vld [tilespmem:$0x20];
	[tilespmem:$0x80] =	vst v16;
	v15 =	vnsel vm1, $0x0, v15;
	v16 =	vmov s4  }
0x1dc: {  	v19 =	vand.u32 $0xFFFF, v17;
	[tilespmem:$0xC0] =	vst v15;
	v15 =	vsel vm1, $0x3F800000, v1;
	vm1 =	vgt.s32 v16, v2  }
0x1dd: {  	s16 =	sor.u32 $0x20, s0;
	[tilespmem:$0x100] =	vst v15;
	v15 =	vshrl.u32 v17, $0x10;
	v16 =	vnsel vm1, $0x0, v19  }
0x1de: {  	s4 =	ssub.s32 s6, s16;
	[tilespmem:$0x50] =	vst v16;
	v16 =	vnsel vm1, $0x0, v15;
	v15 =	vadd.s32 v0, v15  }
0x1df: {  	v17 =	vld [tilespmem:$0x30];
	[tilespmem:$0x90] =	vst v16;
	v15 =	vnsel vm1, $0x0, v15;
	v16 =	vmov s4  }
0x1e0: {  	v19 =	vand.u32 $0xFFFF, v18;
	[tilespmem:$0xD0] =	vst v15;
	v15 =	vsel vm1, $0x3F800000, v1;
	vm1 =	vgt.s32 v16, v2  }
0x1e1: {  	s0 =	sor.u32 $0x30, s0;
	[tilespmem:$0x110] =	vst v15;
	v15 =	vshrl.u32 v18, $0x10;
	v16 =	vnsel vm1, $0x0, v19  }
0x1e2: {  	s0 =	ssub.s32 s6, s0;
	[tilespmem:$0x60] =	vst v16;
	v16 =	vnsel vm1, $0x0, v15;
	v15 =	vadd.s32 v0, v15  }
0x1e3: {  	[tilespmem:$0xA0] =	vst v16;
	v15 =	vnsel vm1, $0x0, v15;
	v16 =	vmov s0  }
0x1e4: {  	v18 =	vand.u32 $0xFFFF, v17;
	[tilespmem:$0xE0] =	vst v15;
	v15 =	vsel vm1, $0x3F800000, v1;
	vm1 =	vgt.s32 v16, v2  }
0x1e5: {  	[tilespmem:$0x120] =	vst v15;
	v15 =	vshrl.u32 v17, $0x10;
	v16 =	vnsel vm1, $0x0, v18  }
0x1e6: {  	[tilespmem:$0x70] =	vst v16;
	v16 =	vnsel vm1, $0x0, v15;
	v15 =	vadd.s32 v0, v15  }
0x1e7: {  	[tilespmem:$0xB0] =	vst v16;
	v15 =	vnsel vm1, $0x0, v15  }
0x1e8: {  	[tilespmem:$0xF0] =	vst v15;
	v15 =	vsel vm1, $0x3F800000, v1  }
0x1e9: {  	[tilespmem:$0x130] =	vst v15  }
0x1ea: {  	[tilespmem:s24], [sflag:$0x1] =	stream.indirect.gather [hbm4b:s7+s23], $0x50, s23, s23, $0xb8;
	[tilespmem:$0x1F750] =	vst v63  }
0x1eb: {  	v15 =	vor.u32 s12, v4;
	_ =	swait.ge [sflag:s19], $0x1400  }
0x1ec: {  	v16 =	vmul.u32 $0x50, v15;
	v17 =	vshll.u32 v15, $0x3;
	[sflag:s19] =	ssyncset.done $0x0  }
0x1ed: {  	v17 =	vor.u32 v5, v17;
	[sflag:s19] =	ssyncadd.s32 $0xFFFFEC00  }
0x1ee: {  	v16 =	vadd.s32 v6, v16;
	[tilespmem:s26], [sflag:$0x1] =	stream.indirect.gather [hbm4b:s8+s23], $0x8, s25, s23, $0xb8;
	[tilespmem:$0x1F750] =	vst v63  }
0x1ef: {  	_ =	swait.ge [sflag:s19], $0x200  }
0x1f0: {  	[sflag:s19] =	ssyncset.done $0x0  }
0x1f1: {  	[sflag:s19] =	ssyncadd.s32 $0xFFFFFE00  }
0x1f2: {  	v17 =	vld.idx.msk [tilespmem:v17+s26+$0x0], $0xffff  }
0x1f3: {  	v16 =	vld.idx.msk [tilespmem:v16+s24+$0x0], $0xffff;
	_ =	sdelay $0x4  }
0x1f4: {  	v16 =	vadd.f32 v17, v16;
	_ =	sdelay $0x1  }
0x1f5: {  	v17 =	vmul.f32 $2.000000030e-01, v16;
	_ =	sdelay $0x1  }
0x1f6: {  	v16 =	vmax.f32 v16, v17  }
0x1f7: {  	v16 =	vsub.f32 v16, v14;
	_ =	sdelay $0x1  }
0x1f8: {  	v16 =	vmul.f32 $1.442695020e+00, v16;
	_ =	sdelay $0x1  }
0x1f9: {  	(erf) = vpow2.f32 v16;
	_ =	sdelay $0x4  }
0x1fa: {  	s17 =	simm.s32 $0x2;
	v15 =	vld.idx.msk [tilespmem:v15+s28+$0x0], $0xffff  }
0x1fb: {  	v16 =	vor.u32 s17, v4  }
0x1fc: {  	v17 =	vmul.u32 $0x50, v16;
	v18 =	vshll.u32 v16, $0x3  }
0x1fd: {  	v18 =	vor.u32 v5, v18  }
0x1fe: {  	v17 =	vadd.s32 v6, v17;
	v19 =	vpop (erf)  }
0x1ff: {  	v15 =	vmul.f32 v19, v15  }
0x200: {  	s15 =	simm.s32 $0x1740  }
0x201: {  	[tilespmem:s15+$0x0] =	vst v15  }
0x202: {  	v15 =	vld.idx.msk [tilespmem:v18+s26+$0x0], $0xffff  }
0x203: {  	v17 =	vld.idx.msk [tilespmem:v17+s24+$0x0], $0xffff;
	_ =	sdelay $0x4  }
0x204: {  	v15 =	vadd.f32 v15, v17;
	_ =	sdelay $0x1  }
0x205: {  	v17 =	vmul.f32 $2.000000030e-01, v15;
	_ =	sdelay $0x1  }
0x206: {  	v15 =	vmax.f32 v15, v17  }
0x207: {  	v15 =	vsub.f32 v15, v14;
	_ =	sdelay $0x1  }
0x208: {  	v15 =	vmul.f32 $1.442695020e+00, v15;
	_ =	sdelay $0x1  }
0x209: {  	(erf) = vpow2.f32 v15;
	_ =	sdelay $0x4  }
0x20a: {  	s18 =	simm.s32 $0x4;
	v16 =	vld.idx.msk [tilespmem:v16+s28+$0x0], $0xffff  }
0x20b: {  	s4 =	simm.s32 $0x6;
	s0 =	simm.s32 $0x1740;
	v15 =	vor.u32 s18, v4  }
.LBB2_13:
0x20c: {  	p0 =	sne.s32 s4, $0x3E;
	v17 =	vmul.u32 $0x50, v15;
	v18 =	vshll.u32 v15, $0x3  }
0x20d: {  	v18 =	vor.u32 v5, v18  }
0x20e: {  	v17 =	vadd.s32 v6, v17;
	v19 =	vpop (erf)  }
0x20f: {  	v16 =	vmul.f32 v19, v16  }
0x210: {  	s0 =	sadd.s32 $0x10, s0  }
0x211: {  	[tilespmem:s0+$0x0] =	vst v16  }
0x212: {  	v16 =	vld.idx.msk [tilespmem:v18+s26+$0x0], $0xffff  }
0x213: {  	v17 =	vld.idx.msk [tilespmem:v17+s24+$0x0], $0xffff;
	_ =	sdelay $0x5  }
0x214: {  	v16 =	vadd.f32 v16, v17;
	_ =	sdelay $0x1  }
0x215: {  	v17 =	vmul.f32 $2.000000030e-01, v16;
	_ =	sdelay $0x1  }
0x216: {  	v16 =	vmax.f32 v16, v17  }
0x217: {  	v16 =	vsub.f32 v16, v14;
	_ =	sdelay $0x1  }
0x218: {  	v16 =	vmul.f32 $1.442695020e+00, v16;
	_ =	sdelay $0x1  }
0x219: {  	(erf) = vpow2.f32 v16;
	_ =	sdelay $0x1  }
.Ltmp6:
0x21a: {  	(pc) =	sbr.rel @p0 .LBB2_13-.Ltmp6, $3  }
0x21b: {  	_ = 	snop  }
0x21c: {  	v16 =	vld.idx.msk [tilespmem:v15+s28+$0x0], $0xffff;
	_ =	sdelay $0x1  }
0x21d: {  	v15 =	vor.u32 s4, v4;
	s4 =	sadd.s32 $0x2, s4  }
0x21e: {  	v17 =	vmul.u32 $0x50, v15;
	v18 =	vshll.u32 v15, $0x3  }
0x21f: {  	v18 =	vor.u32 v5, v18  }
0x220: {  	v17 =	vadd.s32 v6, v17;
	v19 =	vpop (erf)  }
0x221: {  	v16 =	vmul.f32 v19, v16  }
0x222: {  	s0 =	sadd.s32 $0x10, s0  }
0x223: {  	[tilespmem:s0+$0x0] =	vst v16  }
0x224: {  	v16 =	vld.idx.msk [tilespmem:v18+s26+$0x0], $0xffff  }
0x225: {  	v17 =	vld.idx.msk [tilespmem:v17+s24+$0x0], $0xffff;
	_ =	sdelay $0x4  }
0x226: {  	v16 =	vadd.f32 v16, v17;
	_ =	sdelay $0x1  }
0x227: {  	v17 =	vmul.f32 $2.000000030e-01, v16;
	_ =	sdelay $0x1  }
0x228: {  	v16 =	vmax.f32 v16, v17  }
0x229: {  	v16 =	vsub.f32 v16, v14;
	_ =	sdelay $0x1  }
0x22a: {  	v16 =	vmul.f32 $1.442695020e+00, v16;
	_ =	sdelay $0x1  }
0x22b: {  	(erf) = vpow2.f32 v16;
	_ =	sdelay $0x4  }
0x22c: {  	v15 =	vld.idx.msk [tilespmem:v15+s28+$0x0], $0xffff;
	_ =	sdelay $0x1  }
0x22d: {  	s4 =	simm.s32 $0x0  }
0x22e: {  	v16 =	vor.u32 s4, v4  }
0x22f: {  	v17 =	vpop (erf)  }
0x230: {  	v15 =	vmul.f32 v17, v15  }
0x231: {  	s0 =	sadd.s32 $0x10, s0  }
0x232: {  	[tilespmem:s0+$0x0] =	vst v15  }
0x233: {  	s16 =	simm.s32 $0x190;
	v15 =	vld.idx.msk [tilespmem:v16+s29+$0x0], $0xffff  }
0x234: {  	v16 =	vld [tilespmem:s16+$0xFFFFFFB0];
	_ =	sdelay $0x2  }
0x235: {  	v17 =	vor.u32 s4, v7;
	_ =	sdelay $0x1  }
0x236: {  	v15 =	vmul.f32 v15, v16  }
0x237: {  	s17 =	simm.s32 $0x1988  }
0x238: {  	[tilespmem:s17+$0xFFFFFFB8] =	vst v15  }
0x239: {  	v15 =	vld.idx.msk [tilespmem:v17+s29+$0x0], $0xffff  }
0x23a: {  	v16 =	vld [tilespmem:s16+$0xFFFFFFC0];
	_ =	sdelay $0x2  }
0x23b: {  	v17 =	vor.u32 s4, v8;
	_ =	sdelay $0x1  }
0x23c: {  	v15 =	vmul.f32 v15, v16;
	_ =	sdelay $0x1  }
0x23d: {  	[tilespmem:s17+$0xFFFFFFC8] =	vst v15  }
0x23e: {  	v15 =	vld.idx.msk [tilespmem:v17+s29+$0x0], $0xffff  }
0x23f: {  	v16 =	vld [tilespmem:s16+$0xFFFFFFD0];
	_ =	sdelay $0x2  }
0x240: {  	v17 =	vor.u32 s4, v9;
	_ =	sdelay $0x1  }
0x241: {  	v15 =	vmul.f32 v15, v16;
	_ =	sdelay $0x1  }
0x242: {  	[tilespmem:s17+$0xFFFFFFD8] =	vst v15  }
0x243: {  	v15 =	vld.idx.msk [tilespmem:v17+s29+$0x0], $0xffff  }
0x244: {  	v16 =	vld [tilespmem:s16+$0xFFFFFFE0];
	_ =	sdelay $0x2  }
0x245: {  	v17 =	vor.u32 s4, v10;
	_ =	sdelay $0x1  }
0x246: {  	v15 =	vmul.f32 v15, v16;
	_ =	sdelay $0x1  }
0x247: {  	[tilespmem:s17+$0xFFFFFFE8] =	vst v15  }
0x248: {  	v15 =	vld.idx.msk [tilespmem:v17+s29+$0x0], $0xffff  }
0x249: {  	v16 =	vld [tilespmem:s16+$0x0];
	_ =	sdelay $0x2  }
0x24a: {  	v17 =	vor.u32 s4, v11;
	_ =	sdelay $0x1  }
0x24b: {  	v15 =	vmul.f32 v15, v16;
	_ =	sdelay $0x1  }
0x24c: {  	[tilespmem:s17+$0x0] =	vst v15  }
0x24d: {  	v15 =	vld.idx.msk [tilespmem:v17+s29+$0x0], $0xffff  }
0x24e: {  	v16 =	vld [tilespmem:s16+$0x10];
	_ =	sdelay $0x2  }
0x24f: {  	v17 =	vor.u32 s4, v12;
	_ =	sdelay $0x1  }
0x250: {  	v15 =	vmul.f32 v15, v16;
	_ =	sdelay $0x1  }
0x251: {  	[tilespmem:s17+$0x10] =	vst v15  }
0x252: {  	v15 =	vld.idx.msk [tilespmem:v17+s29+$0x0], $0xffff  }
0x253: {  	v16 =	vld [tilespmem:s16+$0x20];
	_ =	sdelay $0x2  }
0x254: {  	v17 =	vor.u32 s4, v13;
	_ =	sdelay $0x1  }
0x255: {  	v15 =	vmul.f32 v15, v16;
	_ =	sdelay $0x1  }
0x256: {  	[tilespmem:s17+$0x20] =	vst v15  }
0x257: {  	v15 =	vld.idx.msk [tilespmem:v17+s29+$0x0], $0xffff  }
0x258: {  	v16 =	vld [tilespmem:s16+$0x30];
	_ =	sdelay $0x2  }
0x259: {  	v17 =	vmov s4  }
0x25a: {  	v17 =	vmul.u32 $0x48, v17  }
0x25b: {  	v15 =	vmul.f32 v15, v16  }
0x25c: {  	v17 =	vbroadcast v17, $0x0  }
0x25d: {  	[tilespmem:s17+$0x30] =	vst v15  }
0x25e: {  	s11 =	simm.s32 $0x10;
	v17 =	vadd.s32 v3, v17;
	v16 =	vld [tilespmem:s15+$0x0]  }
0x25f: {  	s18 =	simm.s32 $0x2;
	s4 =	simm.s32 $0x4;
	v15 =	vor.u32 s11, v4  }
.LBB2_15:
0x260: {  	_ =	sdelay $0x2  }
0x261: {  	s15 =	sadd.s32 $0x10, s15;
	s16 =	sadd.s32 $0xA0, s16;
	s17 =	sadd.s32 $0x90, s17;
	[tilespmem:v17+s22+$0x0] =	vst.idx.msk $0xffff, v16  }
0x262: {  	p0 =	sne.s32 s4, $0x3E;
	s0 =	smov.u32 s4;
	s4 =	sadd.s32 $0x2, s4;
	v15 =	vld.idx.msk [tilespmem:v15+s29+$0x0], $0xffff  }
0x263: {  	v16 =	vld [tilespmem:s16+$0xFFFFFFB0];
	_ =	sdelay $0x2  }
0x264: {  	v17 =	vor.u32 s11, v7;
	_ =	sdelay $0x1  }
0x265: {  	v15 =	vmul.f32 v15, v16;
	_ =	sdelay $0x1  }
0x266: {  	[tilespmem:s17+$0xFFFFFFB8] =	vst v15  }
0x267: {  	v15 =	vld.idx.msk [tilespmem:v17+s29+$0x0], $0xffff  }
0x268: {  	v16 =	vld [tilespmem:s16+$0xFFFFFFC0];
	_ =	sdelay $0x2  }
0x269: {  	v17 =	vor.u32 s11, v8;
	_ =	sdelay $0x1  }
0x26a: {  	v15 =	vmul.f32 v15, v16;
	_ =	sdelay $0x1  }
0x26b: {  	[tilespmem:s17+$0xFFFFFFC8] =	vst v15  }
0x26c: {  	v15 =	vld.idx.msk [tilespmem:v17+s29+$0x0], $0xffff  }
0x26d: {  	v16 =	vld [tilespmem:s16+$0xFFFFFFD0];
	_ =	sdelay $0x2  }
0x26e: {  	v17 =	vor.u32 s11, v9;
	_ =	sdelay $0x1  }
0x26f: {  	v15 =	vmul.f32 v15, v16;
	_ =	sdelay $0x1  }
0x270: {  	[tilespmem:s17+$0xFFFFFFD8] =	vst v15  }
0x271: {  	v15 =	vld.idx.msk [tilespmem:v17+s29+$0x0], $0xffff  }
0x272: {  	v16 =	vld [tilespmem:s16+$0xFFFFFFE0];
	_ =	sdelay $0x2  }
0x273: {  	v17 =	vor.u32 s11, v10;
	_ =	sdelay $0x1  }
0x274: {  	v15 =	vmul.f32 v15, v16;
	_ =	sdelay $0x1  }
0x275: {  	[tilespmem:s17+$0xFFFFFFE8] =	vst v15  }
0x276: {  	v15 =	vld.idx.msk [tilespmem:v17+s29+$0x0], $0xffff  }
0x277: {  	v16 =	vld [tilespmem:s16+$0x0];
	_ =	sdelay $0x2  }
0x278: {  	v17 =	vor.u32 s11, v11;
	_ =	sdelay $0x1  }
0x279: {  	v15 =	vmul.f32 v15, v16;
	_ =	sdelay $0x1  }
0x27a: {  	[tilespmem:s17+$0x0] =	vst v15  }
0x27b: {  	v15 =	vld.idx.msk [tilespmem:v17+s29+$0x0], $0xffff  }
0x27c: {  	v16 =	vld [tilespmem:s16+$0x10];
	_ =	sdelay $0x2  }
0x27d: {  	v17 =	vor.u32 s11, v12;
	_ =	sdelay $0x1  }
0x27e: {  	v15 =	vmul.f32 v15, v16;
	_ =	sdelay $0x1  }
0x27f: {  	[tilespmem:s17+$0x10] =	vst v15  }
0x280: {  	v15 =	vld.idx.msk [tilespmem:v17+s29+$0x0], $0xffff  }
0x281: {  	v16 =	vld [tilespmem:s16+$0x20];
	_ =	sdelay $0x2  }
0x282: {  	v17 =	vor.u32 s11, v13;
	_ =	sdelay $0x1  }
0x283: {  	v15 =	vmul.f32 v15, v16;
	_ =	sdelay $0x1  }
0x284: {  	[tilespmem:s17+$0x20] =	vst v15  }
0x285: {  	v15 =	vld.idx.msk [tilespmem:v17+s29+$0x0], $0xffff  }
0x286: {  	v16 =	vld [tilespmem:s16+$0x30];
	_ =	sdelay $0x2  }
0x287: {  	v17 =	vmov s18;
	s18 =	smov.u32 s0  }
0x288: {  	v17 =	vmul.u32 $0x48, v17  }
.Ltmp7:
0x289: {  	v15 =	vmul.f32 v15, v16;
	(pc) =	sbr.rel @p0 .LBB2_15-.Ltmp7, $4  }
0x28a: {  	v17 =	vbroadcast v17, $0x0  }
0x28b: {  	[tilespmem:s17+$0x30] =	vst v15  }
0x28c: {  	s11 =	sadd.s32 $0x10, s11;
	v17 =	vadd.s32 v3, v17;
	v16 =	vld [tilespmem:s15+$0x0]  }
0x28d: {  	v15 =	vor.u32 s11, v4  }
0x28e: {  	_ =	sdelay $0x3  }
0x28f: {  	[tilespmem:v17+s22+$0x0] =	vst.idx.msk $0xffff, v16  }
0x290: {  	s0 =	sadd.s32 $0xA0, s16;
	v15 =	vld.idx.msk [tilespmem:v15+s29+$0x0], $0xffff  }
0x291: {  	v16 =	vld [tilespmem:s0+$0xFFFFFFB0];
	_ =	sdelay $0x2  }
0x292: {  	v48 =	vor.u32 s11, v7;
	_ =	sdelay $0x1  }
0x293: {  	v15 =	vmul.f32 v15, v16  }
0x294: {  	s4 =	sadd.s32 $0x90, s17  }
0x295: {  	[tilespmem:s4+$0xFFFFFFB8] =	vst v15  }
0x296: {  	v15 =	vld.idx.msk [tilespmem:v48+s29+$0x0], $0xffff  }
0x297: {  	v49 =	vld [tilespmem:s0+$0xFFFFFFC0];
	_ =	sdelay $0x2  }
0x298: {  	v50 =	vor.u32 s11, v8;
	_ =	sdelay $0x1  }
0x299: {  	v15 =	vmul.f32 v15, v49;
	_ =	sdelay $0x1  }
0x29a: {  	[tilespmem:s4+$0xFFFFFFC8] =	vst v15  }
0x29b: {  	v15 =	vld.idx.msk [tilespmem:v50+s29+$0x0], $0xffff  }
0x29c: {  	v51 =	vld [tilespmem:s0+$0xFFFFFFD0];
	_ =	sdelay $0x2  }
0x29d: {  	v52 =	vor.u32 s11, v9;
	_ =	sdelay $0x1  }
0x29e: {  	v15 =	vmul.f32 v15, v51;
	_ =	sdelay $0x1  }
0x29f: {  	[tilespmem:s4+$0xFFFFFFD8] =	vst v15  }
0x2a0: {  	v15 =	vld.idx.msk [tilespmem:v52+s29+$0x0], $0xffff  }
0x2a1: {  	v53 =	vld [tilespmem:s0+$0xFFFFFFE0];
	_ =	sdelay $0x2  }
0x2a2: {  	v54 =	vor.u32 s11, v10;
	_ =	sdelay $0x1  }
0x2a3: {  	v15 =	vmul.f32 v15, v53;
	_ =	sdelay $0x1  }
0x2a4: {  	[tilespmem:s4+$0xFFFFFFE8] =	vst v15  }
0x2a5: {  	v15 =	vld.idx.msk [tilespmem:v54+s29+$0x0], $0xffff  }
0x2a6: {  	v55 =	vld [tilespmem:s0+$0x0];
	_ =	sdelay $0x2  }
0x2a7: {  	v56 =	vor.u32 s11, v11;
	_ =	sdelay $0x1  }
0x2a8: {  	v15 =	vmul.f32 v15, v55;
	_ =	sdelay $0x1  }
0x2a9: {  	[tilespmem:s4+$0x0] =	vst v15  }
0x2aa: {  	v15 =	vld.idx.msk [tilespmem:v56+s29+$0x0], $0xffff  }
0x2ab: {  	v57 =	vld [tilespmem:s0+$0x10];
	_ =	sdelay $0x2  }
0x2ac: {  	v58 =	vor.u32 s11, v12;
	_ =	sdelay $0x1  }
0x2ad: {  	v15 =	vmul.f32 v15, v57;
	_ =	sdelay $0x1  }
0x2ae: {  	[tilespmem:s4+$0x10] =	vst v15  }
0x2af: {  	v15 =	vld.idx.msk [tilespmem:v58+s29+$0x0], $0xffff  }
0x2b0: {  	v59 =	vld [tilespmem:s0+$0x20];
	_ =	sdelay $0x2  }
0x2b1: {  	v60 =	vor.u32 s11, v13;
	_ =	sdelay $0x1  }
0x2b2: {  	v15 =	vmul.f32 v15, v59;
	_ =	sdelay $0x1  }
0x2b3: {  	[tilespmem:s4+$0x20] =	vst v15  }
0x2b4: {  	v15 =	vld.idx.msk [tilespmem:v60+s29+$0x0], $0xffff  }
0x2b5: {  	v61 =	vld [tilespmem:s0+$0x30];
	_ =	sdelay $0x2  }
0x2b6: {  	v62 =	vmov s18  }
0x2b7: {  	v17 =	vmul.u32 $0x48, v62  }
0x2b8: {  	v15 =	vmul.f32 v15, v61  }
0x2b9: {  	v63 =	vbroadcast v17, $0x0  }
0x2ba: {  	s18 =	sadd.s32 $0x10, s15;
	[tilespmem:s4+$0x30] =	vst v15  }
0x2bb: {  	v16 =	vadd.s32 v3, v63;
	v15 =	vld [tilespmem:s18+$0x0];
	_ =	sdelay $0x2  }
0x2bc: {  	s13 =	sadd.s32 $0x1, s13  }
0x2bd: {  	p0 =	sne.s32 s13, s1  }
.Ltmp8:
0x2be: {  	[tilespmem:v16+s22+$0x0] =	vst.idx.msk $0xffff, v15;
	(pc) =	sbr.rel @p0 .LBB2_12-.Ltmp8, $4  }
0x2bf: {  	[spmem:s2] =	stream.indirect.scatter.add.f32 [tilespmem:s22], [sflag:$0x1], $0x48, s30, s23, $0xb8;
	[tilespmem:$0x1F750] =	vst v63  }
0x2c0: {  	_ =	swait.ge [sflag:s19], $0x1200  }
0x2c1: {  	[sflag:s19] =	ssyncset.done $0x0  }
0x2c2: {  	[sflag:s19] =	ssyncadd.s32 $0xFFFFEE00  }
.LBB2_17:
0x2c3: {  	[bflag:$0x0] =	sbarrier.arrive $0xFFFF  }
0x2c4: {  	s1 =	simm.s32 $0x0;
	s6 =	simm.s32 $0x0;
	s11 =	simm.s32 $0x3650  }
.LBB2_18:
0x2c5: {  	v14 =	vmov s1  }
0x2c6: {  	s0 =	sshll.u32 s6, $0x5;
	v14 =	vmul.u32 $0x48, v14  }
0x2c7: {  	s12 =	sadd.s32 s10, s0  }
0x2c8: {  	s0 =	smul.u32 $0x120, s12;
	v14 =	vadd.s32 $0x40, v14  }
0x2c9: {  	v14 =	vbroadcast v14, $0x0  }
0x2ca: {  	s0 =	sshra.s32 s0, $0x2  }
0x2cb: {  	s0 =	sadd.s32 s0, s2;
	v15 =	vor.u32 v4, v14  }
0x2cc: {  	[tilespmem:s31], [sflag:$0x1] =	stream.linear.gather [spmem:s0], $0x900, $0x38;
	[tilespmem:$0x1F750] =	vst v63  }
0x2cd: {  	_ =	swait.ge [sflag:s19], $0x900  }
0x2ce: {  	[sflag:s19] =	ssyncset.done $0x0  }
0x2cf: {  	[sflag:s19] =	ssyncadd.s32 $0xFFFFF700  }
0x2d0: {  	v15 =	vld.idx.msk [tilespmem:v15+s31+$0x0], $0xffff;
	_ =	sdelay $0x4  }
0x2d1: {  	v15 =	vadd.f32 $1.000000020e-16, v15;
	_ =	sdelay $0x1  }
0x2d2: {  	(erf) = vrcp.f32 v15;
	_ =	sdelay $0x3  }
0x2d3: {  	s15 =	simm.s32 $0x2D70  }
0x2d4: {  	v15 =	vld [tilespmem:s15+$0xFFFFFFE0];
	_ =	sdelay $0x3  }
0x2d5: {  	v16 =	vpop (erf)  }
0x2d6: {  	v15 =	vmul.f32 v16, v15;
	_ =	sdelay $0x1  }
0x2d7: {  	v16 =	vmin.f32 v15, $0.0e+00  }
0x2d8: {  	v16 =	vmul.f32 $1.442695020e+00, v16;
	_ =	sdelay $0x1  }
0x2d9: {  	(erf) = vpow2.f32 v16;
	_ =	sdelay $0x8  }
0x2da: {  	v16 =	vor.u32 v7, v14;
	v17 =	vpop (erf)  }
0x2db: {  	v17 =	vadd.f32 $-1.000000000e+00, v17  }
0x2dc: {  	vm1 =	vgt.f32 v15, $0.0e+00  }
0x2dd: {  	s13 =	simm.s32 $0x3670;
	v15 =	vsel vm1, v15, v17  }
0x2de: {  	[tilespmem:s13+$0xFFFFFFE0] =	vst v15  }
0x2df: {  	v15 =	vld.idx.msk [tilespmem:v16+s31+$0x0], $0xffff;
	_ =	sdelay $0x4  }
0x2e0: {  	v15 =	vadd.f32 $1.000000020e-16, v15;
	_ =	sdelay $0x1  }
0x2e1: {  	(erf) = vrcp.f32 v15;
	_ =	sdelay $0x4  }
0x2e2: {  	v15 =	vld [tilespmem:s15+$0xFFFFFFF0];
	_ =	sdelay $0x3  }
0x2e3: {  	v16 =	vpop (erf)  }
0x2e4: {  	v15 =	vmul.f32 v16, v15;
	_ =	sdelay $0x1  }
0x2e5: {  	v16 =	vmin.f32 v15, $0.0e+00  }
0x2e6: {  	v16 =	vmul.f32 $1.442695020e+00, v16;
	_ =	sdelay $0x1  }
0x2e7: {  	(erf) = vpow2.f32 v16;
	_ =	sdelay $0x8  }
0x2e8: {  	v16 =	vor.u32 v8, v14;
	v17 =	vpop (erf)  }
0x2e9: {  	v17 =	vadd.f32 $-1.000000000e+00, v17  }
0x2ea: {  	vm1 =	vgt.f32 v15, $0.0e+00  }
0x2eb: {  	v15 =	vsel vm1, v15, v17  }
0x2ec: {  	[tilespmem:s13+$0xFFFFFFF0] =	vst v15  }
0x2ed: {  	v15 =	vld.idx.msk [tilespmem:v16+s31+$0x0], $0xffff;
	_ =	sdelay $0x4  }
0x2ee: {  	v15 =	vadd.f32 $1.000000020e-16, v15;
	_ =	sdelay $0x1  }
0x2ef: {  	(erf) = vrcp.f32 v15;
	_ =	sdelay $0x4  }
0x2f0: {  	v15 =	vld [tilespmem:s15+$0x0];
	_ =	sdelay $0x3  }
0x2f1: {  	v16 =	vpop (erf)  }
0x2f2: {  	v15 =	vmul.f32 v16, v15;
	_ =	sdelay $0x1  }
0x2f3: {  	v16 =	vmin.f32 v15, $0.0e+00  }
0x2f4: {  	v16 =	vmul.f32 $1.442695020e+00, v16;
	_ =	sdelay $0x1  }
0x2f5: {  	(erf) = vpow2.f32 v16;
	_ =	sdelay $0x8  }
0x2f6: {  	v14 =	vor.u32 v9, v14;
	v16 =	vpop (erf)  }
0x2f7: {  	v16 =	vadd.f32 $-1.000000000e+00, v16  }
0x2f8: {  	vm1 =	vgt.f32 v15, $0.0e+00  }
0x2f9: {  	v15 =	vsel vm1, v15, v16  }
0x2fa: {  	[tilespmem:s13+$0x0] =	vst v15  }
0x2fb: {  	v14 =	vld.idx.msk [tilespmem:v14+s31+$0x0], $0xffff;
	_ =	sdelay $0x4  }
0x2fc: {  	v14 =	vadd.f32 $1.000000020e-16, v14;
	_ =	sdelay $0x1  }
0x2fd: {  	(erf) = vrcp.f32 v14;
	_ =	sdelay $0x4  }
0x2fe: {  	v14 =	vld [tilespmem:s15+$0x10];
	_ =	sdelay $0x3  }
0x2ff: {  	v15 =	vpop (erf)  }
0x300: {  	v15 =	vmul.f32 v15, v14;
	_ =	sdelay $0x1  }
0x301: {  	v14 =	vmin.f32 v15, $0.0e+00  }
0x302: {  	v14 =	vmul.f32 $1.442695020e+00, v14;
	_ =	sdelay $0x1  }
0x303: {  	(erf) = vpow2.f32 v14;
	_ =	sdelay $0x1  }
0x304: {  	s18 =	simm.s32 $0x1  }
0x305: {  	s16 =	simm.s32 $0x2;
	v14 =	vmov s18  }
.LBB2_19:
0x306: {  	p0 =	sne.s32 s16, $0x1F;
	v14 =	vmul.u32 $0x48, v14;
	_ =	sdelay $0x1  }
0x307: {  	v14 =	vadd.s32 $0x40, v14  }
0x308: {  	v14 =	vbroadcast v14, $0x0;
	_ =	sdelay $0x1  }
0x309: {  	v16 =	vor.u32 v4, v14;
	v17 =	vpop (erf)  }
0x30a: {  	v17 =	vadd.f32 $-1.000000000e+00, v17  }
0x30b: {  	vm1 =	vgt.f32 v15, $0.0e+00  }
0x30c: {  	v15 =	vsel vm1, v15, v17  }
0x30d: {  	[tilespmem:s13+$0x10] =	vst v15  }
0x30e: {  	s15 =	sadd.s32 $0x48, s15;
	v15 =	vld.idx.msk [tilespmem:v16+s31+$0x0], $0xffff  }
0x30f: {  	v16 =	vld [tilespmem:s15+$0xFFFFFFE0];
	_ =	sdelay $0x4  }
0x310: {  	v15 =	vadd.f32 $1.000000020e-16, v15;
	_ =	sdelay $0x1  }
0x311: {  	(erf) = vrcp.f32 v15;
	_ =	sdelay $0x8  }
0x312: {  	v15 =	vpop (erf)  }
0x313: {  	v15 =	vmul.f32 v15, v16;
	_ =	sdelay $0x1  }
0x314: {  	v16 =	vmin.f32 v15, $0.0e+00  }
0x315: {  	v16 =	vmul.f32 $1.442695020e+00, v16;
	_ =	sdelay $0x1  }
0x316: {  	(erf) = vpow2.f32 v16;
	_ =	sdelay $0x8  }
0x317: {  	v16 =	vor.u32 v7, v14;
	v17 =	vpop (erf)  }
0x318: {  	v17 =	vadd.f32 $-1.000000000e+00, v17  }
0x319: {  	vm1 =	vgt.f32 v15, $0.0e+00  }
0x31a: {  	s13 =	sadd.s32 $0x40, s13;
	v15 =	vsel vm1, v15, v17  }
0x31b: {  	[tilespmem:s13+$0xFFFFFFE0] =	vst v15  }
0x31c: {  	v15 =	vld.idx.msk [tilespmem:v16+s31+$0x0], $0xffff;
	_ =	sdelay $0x5  }
0x31d: {  	v15 =	vadd.f32 $1.000000020e-16, v15;
	_ =	sdelay $0x1  }
0x31e: {  	(erf) = vrcp.f32 v15;
	_ =	sdelay $0x4  }
0x31f: {  	v15 =	vld [tilespmem:s15+$0xFFFFFFF0];
	_ =	sdelay $0x3  }
0x320: {  	v16 =	vpop (erf)  }
0x321: {  	v15 =	vmul.f32 v16, v15;
	_ =	sdelay $0x1  }
0x322: {  	v16 =	vmin.f32 v15, $0.0e+00  }
0x323: {  	v16 =	vmul.f32 $1.442695020e+00, v16;
	_ =	sdelay $0x1  }
0x324: {  	(erf) = vpow2.f32 v16;
	_ =	sdelay $0x8  }
0x325: {  	v16 =	vor.u32 v8, v14;
	v17 =	vpop (erf)  }
0x326: {  	v17 =	vadd.f32 $-1.000000000e+00, v17  }
0x327: {  	vm1 =	vgt.f32 v15, $0.0e+00  }
0x328: {  	v15 =	vsel vm1, v15, v17  }
0x329: {  	[tilespmem:s13+$0xFFFFFFF0] =	vst v15  }
0x32a: {  	v15 =	vld.idx.msk [tilespmem:v16+s31+$0x0], $0xffff;
	_ =	sdelay $0x5  }
0x32b: {  	v15 =	vadd.f32 $1.000000020e-16, v15;
	_ =	sdelay $0x1  }
0x32c: {  	(erf) = vrcp.f32 v15;
	_ =	sdelay $0x4  }
0x32d: {  	v15 =	vld [tilespmem:s15+$0x0];
	_ =	sdelay $0x3  }
0x32e: {  	v16 =	vpop (erf)  }
0x32f: {  	v15 =	vmul.f32 v16, v15;
	_ =	sdelay $0x1  }
0x330: {  	v16 =	vmin.f32 v15, $0.0e+00  }
0x331: {  	v16 =	vmul.f32 $1.442695020e+00, v16;
	_ =	sdelay $0x1  }
0x332: {  	(erf) = vpow2.f32 v16;
	_ =	sdelay $0x8  }
0x333: {  	v14 =	vor.u32 v9, v14;
	v16 =	vpop (erf)  }
0x334: {  	v16 =	vadd.f32 $-1.000000000e+00, v16  }
0x335: {  	vm1 =	vgt.f32 v15, $0.0e+00  }
0x336: {  	v15 =	vsel vm1, v15, v16  }
0x337: {  	[tilespmem:s13+$0x0] =	vst v15  }
0x338: {  	v14 =	vld.idx.msk [tilespmem:v14+s31+$0x0], $0xffff  }
0x339: {  	v15 =	vld [tilespmem:s15+$0x10];
	_ =	sdelay $0x4  }
0x33a: {  	v14 =	vadd.f32 $1.000000020e-16, v14;
	_ =	sdelay $0x1  }
0x33b: {  	(erf) = vrcp.f32 v14;
	_ =	sdelay $0x8  }
0x33c: {  	v14 =	vpop (erf)  }
0x33d: {  	v15 =	vmul.f32 v14, v15;
	_ =	sdelay $0x1  }
0x33e: {  	v14 =	vmin.f32 v15, $0.0e+00  }
0x33f: {  	v14 =	vmul.f32 $1.442695020e+00, v14  }
.Ltmp9:
0x340: {  	(pc) =	sbr.rel @p0 .LBB2_19-.Ltmp9, $2  }
0x341: {  	(erf) = vpow2.f32 v14;
	_ =	sdelay $0x2  }
0x342: {  	v14 =	vmov s16;
	s16 =	sadd.s32 $0x1, s16  }
0x343: {  	v14 =	vmul.u32 $0x48, v14;
	_ =	sdelay $0x1  }
0x344: {  	v14 =	vadd.s32 $0x40, v14  }
0x345: {  	v14 =	vbroadcast v14, $0x0;
	_ =	sdelay $0x1  }
0x346: {  	v16 =	vor.u32 v4, v14;
	v17 =	vpop (erf)  }
0x347: {  	v17 =	vadd.f32 $-1.000000000e+00, v17  }
0x348: {  	vm1 =	vgt.f32 v15, $0.0e+00  }
0x349: {  	v15 =	vsel vm1, v15, v17  }
0x34a: {  	[tilespmem:s13+$0x10] =	vst v15  }
0x34b: {  	v15 =	vld.idx.msk [tilespmem:v16+s31+$0x0], $0xffff;
	_ =	sdelay $0x4  }
0x34c: {  	v15 =	vadd.f32 $1.000000020e-16, v15;
	_ =	sdelay $0x1  }
0x34d: {  	(erf) = vrcp.f32 v15;
	_ =	sdelay $0x3  }
0x34e: {  	s0 =	sadd.s32 $0x48, s15  }
0x34f: {  	v15 =	vld [tilespmem:s0+$0xFFFFFFE0];
	_ =	sdelay $0x3  }
0x350: {  	v57 =	vpop (erf)  }
0x351: {  	v15 =	vmul.f32 v57, v15;
	_ =	sdelay $0x1  }
0x352: {  	v16 =	vmin.f32 v15, $0.0e+00  }
0x353: {  	v16 =	vmul.f32 $1.442695020e+00, v16;
	_ =	sdelay $0x1  }
0x354: {  	(erf) = vpow2.f32 v16;
	_ =	sdelay $0x8  }
0x355: {  	v58 =	vor.u32 v7, v14;
	v59 =	vpop (erf)  }
0x356: {  	v17 =	vadd.f32 $-1.000000000e+00, v59  }
0x357: {  	vm1 =	vgt.f32 v15, $0.0e+00  }
0x358: {  	s4 =	sadd.s32 $0x40, s13;
	v15 =	vsel vm1, v15, v17  }
0x359: {  	[tilespmem:s4+$0xFFFFFFE0] =	vst v15  }
0x35a: {  	v15 =	vld.idx.msk [tilespmem:v58+s31+$0x0], $0xffff;
	_ =	sdelay $0x4  }
0x35b: {  	v15 =	vadd.f32 $1.000000020e-16, v15;
	_ =	sdelay $0x1  }
0x35c: {  	(erf) = vrcp.f32 v15;
	_ =	sdelay $0x4  }
0x35d: {  	v15 =	vld [tilespmem:s0+$0xFFFFFFF0];
	_ =	sdelay $0x3  }
0x35e: {  	v60 =	vpop (erf)  }
0x35f: {  	v15 =	vmul.f32 v60, v15;
	_ =	sdelay $0x1  }
0x360: {  	v16 =	vmin.f32 v15, $0.0e+00  }
0x361: {  	v16 =	vmul.f32 $1.442695020e+00, v16;
	_ =	sdelay $0x1  }
0x362: {  	(erf) = vpow2.f32 v16;
	_ =	sdelay $0x8  }
0x363: {  	v61 =	vor.u32 v8, v14;
	v62 =	vpop (erf)  }
0x364: {  	v17 =	vadd.f32 $-1.000000000e+00, v62  }
0x365: {  	vm1 =	vgt.f32 v15, $0.0e+00  }
0x366: {  	v15 =	vsel vm1, v15, v17  }
0x367: {  	[tilespmem:s4+$0xFFFFFFF0] =	vst v15  }
0x368: {  	v15 =	vld.idx.msk [tilespmem:v61+s31+$0x0], $0xffff;
	_ =	sdelay $0x4  }
0x369: {  	v15 =	vadd.f32 $1.000000020e-16, v15;
	_ =	sdelay $0x1  }
0x36a: {  	(erf) = vrcp.f32 v15;
	_ =	sdelay $0x4  }
0x36b: {  	v15 =	vld [tilespmem:s0+$0x0];
	_ =	sdelay $0x3  }
0x36c: {  	v63 =	vpop (erf)  }
0x36d: {  	v15 =	vmul.f32 v63, v15;
	_ =	sdelay $0x1  }
0x36e: {  	v16 =	vmin.f32 v15, $0.0e+00  }
0x36f: {  	v16 =	vmul.f32 $1.442695020e+00, v16;
	_ =	sdelay $0x1  }
0x370: {  	(erf) = vpow2.f32 v16;
	_ =	sdelay $0x8  }
0x371: {  	v14 =	vor.u32 v9, v14;
	v16 =	vpop (erf)  }
0x372: {  	v16 =	vadd.f32 $-1.000000000e+00, v16  }
0x373: {  	vm1 =	vgt.f32 v15, $0.0e+00  }
0x374: {  	v15 =	vsel vm1, v15, v16  }
0x375: {  	[tilespmem:s4+$0x0] =	vst v15  }
0x376: {  	v14 =	vld.idx.msk [tilespmem:v14+s31+$0x0], $0xffff;
	_ =	sdelay $0x4  }
0x377: {  	v14 =	vadd.f32 $1.000000020e-16, v14;
	_ =	sdelay $0x1  }
0x378: {  	(erf) = vrcp.f32 v14;
	_ =	sdelay $0x4  }
0x379: {  	v14 =	vld [tilespmem:s0+$0x10];
	_ =	sdelay $0x3  }
0x37a: {  	v15 =	vpop (erf)  }
0x37b: {  	v14 =	vmul.f32 v15, v14;
	_ =	sdelay $0x1  }
0x37c: {  	v15 =	vmin.f32 v14, $0.0e+00  }
0x37d: {  	v15 =	vmul.f32 $1.442695020e+00, v15;
	_ =	sdelay $0x1  }
0x37e: {  	(erf) = vpow2.f32 v15;
	_ =	sdelay $0x8  }
0x37f: {  	v15 =	vpop (erf)  }
0x380: {  	v15 =	vadd.f32 $-1.000000000e+00, v15  }
0x381: {  	s18 =	sadd.s32 s14, s12;
	s6 =	sadd.s32 $0x1, s6;
	vm1 =	vgt.f32 v14, $0.0e+00  }
0x382: {  	p0 =	sne.s32 s6, $0x31;
	s0 =	sshll.u32 s18, $0x3;
	v14 =	vsel vm1, v14, v15  }
.Ltmp10:
0x383: {  	s0 =	sadd.s32 s9, s0;
	[tilespmem:s4+$0x10] =	vst v14;
	(pc) =	sbr.rel @p0 .LBB2_18-.Ltmp10, $4  }
0x384: {  	[hbm4b:s0+s3] =	stream.linear.scatter [tilespmem:s11], [sflag:$0x1], $0x800, $0x38;
	[tilespmem:$0x1F750] =	vst v63  }
0x385: {  	_ =	swait.ge [sflag:s19], $0x800  }
0x386: {  	[sflag:s19] =	ssyncset.done $0x0  }
0x387: {  	[sflag:s19] =	ssyncadd.s32 $0xFFFFF800  }
0x388: {  	s1 =	sld [smem:$0x7FC];
	_ =	sdelay $0x2  }
0x389: {  	s0 =	rddreg [dreg:$0xe];
	s1 =	sadd.s32 $0x1, s1  }
0x38a: {  	p0 =	sne.s32 s1, s0  }
.Ltmp11:
0x38b: {  	_ = 	snop;
	(pc) =	sbr.rel @p0 .LBB2_1-.Ltmp11, $1  }
0x38c: {  	_ =	sdelay $0x3  }
0x38d: {  	_ =	sfence.sel $0x180000  }
0x38e: {  	[bflag:$0x0] =	sbarrier.arrive $0xFFFF  }
0x38f: {  	_ =	strace $0x9000004A  }
0x390: {  	s0 =	stileid.u32;
	[bflag:$0x2] =	sbarrier.arrive $0xFFFF  }
0x391: {  	p0 =	sne.s32 s0, $0x0;
	s0 =	rddreg [dreg:$0x3]  }
0x392: {  	s0 =	sadd.s32 @!p0 $0x100000, s0  }
0x393: {  	[sflag:s0] =	ssyncadd.tile.s32 @!p0 $0x1;
	_ =	shalt  }
.Lfunc_end2:
_tile_overlayer_lowered:
.L_overlay_start_2:
0x394: {  	(tag) =	ssettag $0x2  }
0x395: {  	s0 =	rddreg [dreg:$0x0];
	s2 =	stileid.u32  }
0x396: {  	s1 =	rddreg [dreg:$0x1];
	p0 =	sne.s32 s2, $0x0  }
0x397: {  	s3 =	rddreg [dreg:$0x2];
	[bflag:$0x3] =	sbarrier.arrive $0xFFFF;
	s2 =	simm.s32 @!p0 $0x1C01  }
0x398: {  	[timem:s3], [sflag:s2] =	dma.local @!p0 [hbm:s0], s1  }
0x399: {  	s0 =	simm.s32 @!p0 $0x1  }
0x39a: {  	_ =	swait.ge @!p0 [sflag:s0], s1  }
0x39b: {  	s1 =	ssub.s32 @!p0 $0x0, s1;
	[sflag:s0] =	ssyncset.done @!p0 $0x0  }
0x39c: {  	[sflag:s0] =	ssyncadd.s32 @!p0 s1  }
0x39d: {  	[bflag:$0x3] =	sbarrier.arrive $0xFFFF  }
0x39e: {  	_ =	shalt  }

// kernel: kernel.14.cloned.1.call-start
scs
__scs_entry_jumppad:
0x0: {  	(pc) =	sbr.rel $0x88, $3  }
0x1: {  	(tag) =	ssettag $0x0;
	lr =	simm.s32 $0x1  }
0x2: {  	[smem:$0x3F99] =	sst lr;
	_ =	strace $0xD0000000  }
0x3: {  	_ = 	snop  }
0x4: {  	_ = 	snop  }
0x5: {  	_ = 	snop  }
0x6: {  	_ = 	snop  }
0x7: {  	_ = 	snop  }
__scs_overlays_trampoline_lowered:
0x8: {  	[smem:$0x3FA8] =	sst s0  }
0x9: {  	[smem:$0x3FA9] =	sst s1  }
0xa: {  	[smem:$0x3FAA] =	sst s2  }
0xb: {  	[smem:$0x3FAB] =	sst s3  }
0xc: {  	[smem:$0x3FAC] =	sst s4  }
0xd: {  	[smem:$0x3FAD] =	sst s5  }
0xe: {  	[smem:$0x3FAE] =	sst s6  }
0xf: {  	[smem:$0x3FAF] =	sst s7  }
0x10: {  	[smem:$0x3FB0] =	sst s8  }
0x11: {  	[smem:$0x3FB1] =	sst s9;
	s0 =	simm.s32 @!p0 $0x0  }
0x12: {  	s1 =	sld [smem:$0x3F97];
	s0 =	simm.s32 @p0 $0x1  }
0x13: {  	[smem:$0x3FB2] =	sst s0;
	s0 =	simm.s32 @!p1 $0x0  }
0x14: {  	s2 =	sld [smem:$0x3F96];
	s0 =	simm.s32 @p1 $0x1  }
0x15: {  	[smem:$0x3FB3] =	sst s0;
	s0 =	simm.s32 @!p2 $0x0  }
0x16: {  	s3 =	sld [smem:$0x3FDB];
	s0 =	simm.s32 @p2 $0x1  }
0x17: {  	s4 =	simm.s32 $0x1BF5;
	[smem:$0x3FB5] =	sst s0  }
0x18: {  	s0 =	sld [smem:$0x3F98];
	_ =	swait.ge [sflag:s4], $0x0  }
0x19: {  	s7 =	sld [smem:$0x3F99]  }
0x1a: {  	s8 =	sadd.s32 $0xFFFFE003, lr  }
0x1b: {  	s9 =	sadd.s32 $0xFFFFFEF7, lr;
	s5 =	simm.s32 $0xFFFFFFFF;
	p2 =	slt.u32 s8, $0xFFFFF086  }
0x1c: {  	p1 =	slt.u32 s9, $0xF7A;
	s5 =	simm.s32 @!p2 $0x0  }
0x1d: {  	s5 =	simm.s32 @p1 $0x1;
	p0 =	seq.s32 s7, s2  }
0x1e: {  	s7 =	smul.u32 @!p0 $0xF7A, s2;
	p2 =	seq.s32 @!p0 s5, $0x0  }
0x1f: {  	s9 =	smul.u32 $0xF7A, s1;
	s8 =	simm.s32 @!p0 $0x1BF5;
	p2 =	por !p2, p0  }
0x20: {  	[sflag:s8] =	ssyncset.s32 @!p0 $0xFFFFF086;
	s6 =	sadd.s32 @!p0 s3, s7;
	s7 =	simm.s32 @!p0 $0x108  }
0x21: {  	s3 =	sadd.s32 s3, s9;
	s6 =	sadd.s32 @!p0 $0x88, s6;
	s7 =	simm.s32 @p2 $0x1082  }
0x22: {  	[simem:s7], [sflag:s8] =	dma.local @!p0 [hbm:s6], $0xF7A  }
0x23: {  	s9 =	sor.u32 $0xD0000000, s2;
	s6 =	simm.s32 $0x108;
	_ =	swait.ge @!p0 [sflag:s8], $0x0  }
0x24: {  	s3 =	sadd.s32 $0x88, s3;
	s6 =	simm.s32 @!p1 $0x1082;
	[sflag:s4] =	ssyncset.s32 $0xFFFFF086  }
0x25: {  	[simem:s6], [sflag:s4] =	dma.local [hbm:s3], $0xF7A  }
0x26: {  	[smem:$0x3F99] =	sst s1;
	(tag) =	ssettag s2;
	_ =	strace s9  }
0x27: {  	s1 =	sld [smem:$0x3FA9]  }
0x28: {  	s2 =	sld [smem:$0x3FAA]  }
0x29: {  	s4 =	sld [smem:$0x3FAC]  }
0x2a: {  	p0 =	seq.s32 s5, $0x0;
	s5 =	sld [smem:$0x3FAD]  }
0x2b: {  	s6 =	sld [smem:$0x3FAE]  }
0x2c: {  	s7 =	sld [smem:$0x3FAF]  }
0x2d: {  	s3 =	simm.s32 $0x108;
	s8 =	sld [smem:$0x3FB0]  }
0x2e: {  	s3 =	simm.s32 @!p0 $0x1082;
	s9 =	sld [smem:$0x3FB1]  }
0x2f: {  	lr =	sadd.s32 s0, s3;
	s0 =	sld [smem:$0x3FA8]  }
0x30: {  	s3 =	sld [smem:$0x3FAB]  }
0x31: {  	[smem:$0x3FB4] =	sst s10  }
0x32: {  	s10 =	sld [smem:$0x3FB2];
	_ =	sdelay $0x3  }
0x33: {  	p0 =	seq.s32 s10, $0x1;
	s10 =	sld [smem:$0x3FB4];
	_ =	sdelay $0x3  }
0x34: {  	[smem:$0x3FB4] =	sst s10  }
0x35: {  	s10 =	sld [smem:$0x3FB3];
	_ =	sdelay $0x3  }
0x36: {  	p1 =	seq.s32 s10, $0x1;
	s10 =	sld [smem:$0x3FB4];
	_ =	sdelay $0x3  }
0x37: {  	[smem:$0x3FB4] =	sst s10  }
0x38: {  	s10 =	sld [smem:$0x3FB5]  }
0x39: {  	_ = 	snop;
	(pc) =	sbr.ind lr, $3  }
0x3a: {  	_ = 	snop  }
0x3b: {  	_ = 	snop  }
0x3c: {  	p2 =	seq.s32 s10, $0x1;
	s10 =	sld [smem:$0x3FB4]  }
0x3d: {  	_ =	shalt  }
0x3e: {  	_ =	shalt  }
0x3f: {  	_ =	shalt  }
0x40: {  	_ =	shalt  }
0x41: {  	_ =	shalt  }
0x42: {  	_ =	shalt  }
0x43: {  	_ =	shalt  }
0x44: {  	_ =	shalt  }
0x45: {  	_ =	shalt  }
0x46: {  	_ =	shalt  }
0x47: {  	_ =	shalt  }
0x48: {  	_ =	shalt  }
0x49: {  	_ =	shalt  }
0x4a: {  	_ =	shalt  }
0x4b: {  	_ =	shalt  }
0x4c: {  	_ =	shalt  }
0x4d: {  	_ =	shalt  }
0x4e: {  	_ =	shalt  }
0x4f: {  	_ =	shalt  }
0x50: {  	_ =	shalt  }
0x51: {  	_ =	shalt  }
0x52: {  	_ =	shalt  }
0x53: {  	_ =	shalt  }
0x54: {  	_ =	shalt  }
0x55: {  	_ =	shalt  }
0x56: {  	_ =	shalt  }
0x57: {  	_ =	shalt  }
0x58: {  	_ =	shalt  }
0x59: {  	_ =	shalt  }
0x5a: {  	_ =	shalt  }
0x5b: {  	_ =	shalt  }
0x5c: {  	_ =	shalt  }
0x5d: {  	_ =	shalt  }
0x5e: {  	_ =	shalt  }
0x5f: {  	_ =	shalt  }
0x60: {  	_ =	shalt  }
0x61: {  	_ =	shalt  }
0x62: {  	_ =	shalt  }
0x63: {  	_ =	shalt  }
0x64: {  	_ =	shalt  }
0x65: {  	_ =	shalt  }
0x66: {  	_ =	shalt  }
0x67: {  	_ =	shalt  }
0x68: {  	_ =	shalt  }
0x69: {  	_ =	shalt  }
0x6a: {  	_ =	shalt  }
0x6b: {  	_ =	shalt  }
0x6c: {  	_ =	shalt  }
0x6d: {  	_ =	shalt  }
0x6e: {  	_ =	shalt  }
0x6f: {  	_ =	shalt  }
0x70: {  	_ =	shalt  }
0x71: {  	_ =	shalt  }
0x72: {  	_ =	shalt  }
0x73: {  	_ =	shalt  }
0x74: {  	_ =	shalt  }
0x75: {  	_ =	shalt  }
0x76: {  	_ =	shalt  }
0x77: {  	_ =	shalt  }
0x78: {  	_ =	shalt  }
0x79: {  	_ =	shalt  }
0x7a: {  	_ =	shalt  }
0x7b: {  	_ =	shalt  }
0x7c: {  	_ =	shalt  }
0x7d: {  	_ =	shalt  }
0x7e: {  	_ =	shalt  }
0x7f: {  	_ =	shalt  }
0x80: {  	_ =	shalt  }
0x81: {  	_ =	shalt  }
0x82: {  	_ =	shalt  }
0x83: {  	_ =	shalt  }
0x84: {  	_ =	shalt  }
0x85: {  	_ =	shalt  }
0x86: {  	_ =	shalt  }
0x87: {  	_ =	shalt  }
.Lfunc_end0:
.L_simem_size_0:
called_computation.2_lowered:
.L_overlay_start_0:
0x88: {  	s2 =	sld [smem:$0x3FD9]  }
0x89: {  	s3 =	sld [smem:$0x3FFE];
	_ =	sdelay $0x1  }
0x8a: {  	s1 =	srdreg.scid  }
0x8b: {  	s0 =	sand.u32 $0x1, s1  }
0x8c: {  	s17 =	sshll.u32 s0, $0xA;
	s2 =	sadd.s32 s3, s2  }
0x8d: {  	s2 =	sadd.s32 s2, s17  }
0x8e: {  	[smem:$0x3FC0] =	sst s2  }
0x8f: {  	_ = 	snop  }
0x90: {  	s2 =	sld [smem:$0x3FD0];
	(tm) =	ssettm $0x1  }
0x91: {  	s18 =	sld [smem:$0x3FFB];
	_ =	sdelay $0x3  }
0x92: {  	_ =	strace s18  }
0x93: {  	s3 =	sld [smem:$0x3FFC];
	_ =	sdelay $0x3  }
0x94: {  	_ =	strace s3  }
0x95: {  	s3 =	sld [smem:$0x3FFD];
	_ =	sdelay $0x3  }
0x96: {  	_ =	strace s3  }
0x97: {  	_ =	strace $0x8FFFFFFF  }
0x98: {  	s19 =	sld [smem:$0x3FDB];
	_ =	sdelay $0x1  }
0x99: {  	s4 =	simm.s32 $_scs_section_size  }
0x9a: {  	s5 =	simm.s32 $_size__tile_overlayer_lowered;
	s6 =	simm.s32 $_tile_overlayer_lowered  }
0x9b: {  	s22 =	simm.s32 $0x1BFF;
	s21 =	sshll.u32 s6, $0x1;
	s3 =	sadd.s32 s4, s19  }
0x9c: {  	s7 =	simm.s32 $0x0;
	s20 =	sshll.u32 s5, $0x1;
	s5 =	sadd.s32 s21, s3  }
0x9d: {  	[timem:s7], [sflag:s22] =	dma.local [hbm:s5], s20  }
0x9e: {  	_ =	swait.ge [sflag:s22], s20  }
0x9f: {  	s4 =	ssub.s32 $0x0, s20;
	[sflag:s22] =	ssyncset.done $0x0  }
0xa0: {  	[sflag:s22] =	ssyncadd.s32 s4;
	_ =	sdelay $0x1  }
0xa1: {  	s23 =	simm.s32 $0x1B8B  }
0xa2: {  	_ =	swait.ge [sflag:s23], $0x1  }
0xa3: {  	[sflag:s23] =	ssyncset.done $0x0  }
0xa4: {  	s25 =	simm.s32 $0x1B8E;
	s24 =	sld [smem:$0x3FFE];
	[sflag:s23] =	ssyncadd.s32 $0xFFFFFFFF  }
0xa5: {  	s26 =	simm.s32 $execute0_lowered;
	[smem:$0x3FD2] =	sst s25  }
0xa6: {  	s5 =	sshll.u32 s26, $0x1;
	_ =	strace $0x8000004C;
	[dreg:$0x1] =	wrdreg $0xFFFFFFFF  }
0xa7: {  	s28 =	simm.s32 $_size_execute0_lowered;
	s3 =	sadd.s32 s3, s5;
	[dreg:$0x0] =	wrdreg $0x0  }
0xa8: {  	s5 =	sshll.u32 s28, $0x1;
	[dreg:$0x2] =	wrdreg s3  }
0xa9: {  	[dreg:$0x3] =	wrdreg s5  }
0xaa: {  	[dreg:$0x4] =	wrdreg $0xC0  }
0xab: {  	_ =	task [dreg:s7], $0x5FFFF  }
0xac: {  	[dreg:$0x1] =	wrdreg $0xFFFFFFFF  }
0xad: {  	[dreg:$0x0] =	wrdreg $0x60  }
0xae: {  	[dreg:$0x2] =	wrdreg s24  }
0xaf: {  	[dreg:$0x3] =	wrdreg s2  }
0xb0: {  	[dreg:$0x4] =	wrdreg $0x7D00  }
0xb1: {  	[dreg:$0x5] =	wrdreg $0x9  }
0xb2: {  	_ =	task.clear_ibuf [dreg:s7], $0x6FFFF;
	_ =	strace $0x9000004C  }
0xb3: {  	s29 =	simm.s32 $0x9;
	_ =	strace $0x8000004E  }
0xb4: {  	_ =	swait.ge [sflag:s29], $0x1  }
0xb5: {  	[sflag:s29] =	ssyncadd.s32 $0xFFFFFFFF  }
0xb6: {  	_ =	strace $0x9000004E  }
0xb7: {  	_ =	sfence  }
0xb8: {  	s30 =	sld [smem:$0x0];
	_ =	sdelay $0x2  }
0xb9: {  	s31 =	sshll.u32 s1, $0xD;
	s1 =	sshrl.u32 s1, $0x2  }
0xba: {  	s3 =	sand.u32 $0x4000, s31;
	s1 =	sadd.s32 s1, s30  }
0xbb: {  	s0 =	sor.u32 s3, s0;
	s1 =	sshll.u32 s1, $0x11  }
0xbc: {  	s0 =	sor.u32 s1, s0  }
0xbd: {  	s0 =	sadd.s32 $0x8F2B, s0  }
0xbe: {  	[sflag:s0] =	ssyncadd.remote.s32 $0x1  }
0xbf: {  	_ =	sfence.sel $0xFFFF  }
0xc0: {  	[dreg:$0x0] =	wrdreg $0xFFFFFFFF;
	(pc) =	sbr.abs _section_cstart, $3  }
0xc1: {  	[dreg:$0x1] =	wrdreg $0xFFFFFFFF  }
0xc2: {  	_ =	task.clear_ibuf [dreg:s7], $0x2FFFF;
	_ =	strace $0x9FFFFFFF  }
0xc3: {  	(tm) =	ssettm $0x7FFFFFFF  }
tec
execute0_lowered:
.L_overlay_start_1:
0x0: {  	(tag) =	ssettag $0x1  }
0x1: {  	s0 =	rddreg [dreg:$0x0]  }
0x2: {  	s1 =	rddreg [dreg:$0x1]  }
0x3: {  	s2 =	rddreg [dreg:$0x2]  }
0x4: {  	s4 =	simm.s32 $0x0;
	s14 =	stileid.u32;
	s19 =	srdreg.scid  }
0x5: {  	[smem:$0x7FF] =	sst s4;
	s5 =	sadd.s32 $0x63800, s0;
	s3 =	sadd.s32 $0xC5400, s0  }
0x6: {  	s6 =	smul.u32 $0xC400, s14;
	s7 =	sadd.s32 $0x1C00, s0;
	s12 =	sand.u32 $0x1, s19  }
0x7: {  	s20 =	sadd.s32 $0xE200, s0;
	_ =	strace $0x8000004D;
	[dreg:$0x4] =	wrdreg s3  }
0x8: {  	s25 =	sor.u32 $0x10, s14;
	[dreg:$0x5] =	wrdreg s20;
	s21 =	ssub.s32 $0x2, s12  }
0x9: {  	s17 =	sshll.u32 s25, $0x6;
	s6 =	sshrl.u32 s6, $0x2;
	s22 =	sshrl.u32 s21, $0x1  }
0xa: {  	s9 =	sadd.s32 s6, s2;
	s3 =	ssub.s32 s21, s22;
	s21 =	sshrl.u32 s17, $0x2  }
0xb: {  	s8 =	smul.u32 $0x620, s14;
	s6 =	sadd.s32 $0x200, s9;
	[dreg:$0x12] =	wrdreg s21  }
0xc: {  	s23 =	smul.u32 $0x18700, s14;
	s24 =	sadd.s32 $0x400, s9;
	[dreg:$0x6] =	wrdreg s6  }
0xd: {  	s14 =	sshll.u32 s14, $0x6;
	s11 =	sadd.s32 $0x600, s9;
	[dreg:$0x7] =	wrdreg s24  }
0xe: {  	s10 =	smul.u32 $0xC380, s12;
	s26 =	sadd.s32 $0x800, s9;
	[dreg:$0x8] =	wrdreg s11  }
0xf: {  	s28 =	smul.u32 $0x18700, s25;
	s13 =	sadd.s32 $0xA00, s9;
	[dreg:$0x9] =	wrdreg s26  }
0x10: {  	s30 =	smul.u32 $0x6200, s12;
	s29 =	sadd.s32 $0xC00, s9;
	[dreg:$0xa] =	wrdreg s13  }
0x11: {  	s0 =	sadd.s32 s8, s0;
	s15 =	sadd.s32 $0xE00, s9;
	[dreg:$0xb] =	wrdreg s29  }
0x12: {  	s18 =	sadd.s32 s10, s23;
	s31 =	sadd.s32 $0x1000, s9;
	[dreg:$0xc] =	wrdreg s15  }
0x13: {  	s0 =	sadd.s32 s30, s0;
	s16 =	sadd.s32 $0x1400, s9;
	[dreg:$0xd] =	wrdreg s31  }
0x14: {  	s19 =	sadd.s32 s10, s28;
	s0 =	sadd.s32 $0xE400, s0;
	[dreg:$0xf] =	wrdreg s16  }
0x15: {  	s17 =	sshrl.u32 s14, $0x2;
	s20 =	smax.u32 s3, $0x1;
	[dreg:$0x10] =	wrdreg s0  }
0x16: {  	s22 =	sadd.s32 $0x1600, s9;
	s23 =	sadd.s32 $0x1800, s9;
	[dreg:$0x11] =	wrdreg s20  }
0x17: {  	s25 =	sadd.s32 $0x1C00, s9;
	s28 =	sadd.s32 $0x2000, s9;
	[dreg:$0x13] =	wrdreg s22  }
0x18: {  	s30 =	sadd.s32 $0x2400, s9;
	s8 =	sadd.s32 $0x2800, s9;
	[dreg:$0x14] =	wrdreg s23  }
0x19: {  	s10 =	sadd.s32 $0x2A00, s9;
	s21 =	simm.s32 $0x140;
	[dreg:$0x16] =	wrdreg s25  }
0x1a: {  	s15 =	sadd.s32 $0x1200, s9;
	s24 =	sadd.s32 $0x1A00, s9;
	[dreg:$0x18] =	wrdreg s28  }
0x1b: {  	s26 =	sadd.s32 $0x1E00, s9;
	s29 =	sadd.s32 $0x2200, s9;
	[dreg:$0x1a] =	wrdreg s30  }
0x1c: {  	v0 =	vlaneseq.u32;
	s6 =	sadd.s32 $0x2600, s9;
	s11 =	sadd.s32 $0x2C00, s9;
	s31 =	smul.u32 $0xFFFF9E00, s12  }
.Ltmp0:
0x1d: {  	v5 =	vimm.f32 $0.0e+00;
	vm1 =	vcmask $0x3B20;
	v6 =	vmov s12;
	s12 =	sadd.s32 $0x2E00, s9;
	[dreg:$0xe] =	wrdreg s15;
	(pc) =	sbr.rel .LBB2_1-.Ltmp0, $4  }
0x1e: {  	vm2 =	vcmask $0x1B00;
	v1 =	vshrl.u32 v0, $0x3;
	v9 =	vmul.u32 $0x8, v0;
	s13 =	sadd.s32 $0x3000, s9;
	s16 =	simm.s32 $0x3C0;
	[dreg:$0x15] =	wrdreg s24  }
0x1f: {  	v4 =	vand.u32 $0x7, v0;
	vm1 =	vmor vm2, vm1;
	v3 =	vmul.u32 $0x8, v1;
	s20 =	simm.s32 $0x40;
	s22 =	simm.s32 $0x80;
	[dreg:$0x17] =	wrdreg s26  }
0x20: {  	vm0 =	veq.s32 v6, v0;
	v6 =	vor.u32 $0x7, v9;
	v7 =	vor.u32 $0x87, v9;
	s23 =	simm.s32 $0x340;
	s25 =	simm.s32 $0xC0;
	[dreg:$0x19] =	wrdreg s29  }
0x21: {  	v8 =	vor.u32 $0x107, v9;
	v9 =	vor.u32 $0x187, v9;
	s15 =	simm.s32 $0x1;
	s24 =	simm.s32 $0x380;
	s26 =	simm.s32 $0x0;
	v2 =	vmov s31  }
.LBB2_13:
0x22: {  	[bflag:$0x0] =	sbarrier.arrive $0xFFFF  }
0x23: {  	s0 =	sor.u32 $0x1C01, s14;
	s3 =	sshrl.u32 s9, $0x3;
	s28 =	rddreg [dreg:$0x10]  }
0x24: {  	[hbm:s28], [sflag:s0] =	dma.local [spmem:s3], $0x620  }
0x25: {  	_ =	swait.ge [sflag:s15], $0x620  }
0x26: {  	s26 =	sadd.s32 $0x1, s26;
	s31 =	rddreg [dreg:$0x11]  }
0x27: {  	p0 =	sne.s32 s26, s31  }
.Ltmp1:
0x28: {  	_ = 	snop;
	(pc) =	sbr.rel @!p0 .LBB2_14-.Ltmp1, $3  }
0x29: {  	_ =	sdelay $0x1  }
0x2a: {  	[sflag:s15] =	ssyncset.done $0x0  }
0x2b: {  	[sflag:s15] =	ssyncadd.s32 $0xFFFFF9E0  }
.LBB2_1:
0x2c: {  	s0 =	rddreg [dreg:$0x5];
	s3 =	simm.s32 $0x5C0  }
0x2d: {  	[tilespmem:s3], [sflag:$0x1] =	stream.linear.gather [hbm4b:s0+s4], $0x10, $0x38;
	[tilespmem:$0x38D0] =	vst v63  }
0x2e: {  	_ =	swait.ge [sflag:s15], $0x10  }
0x2f: {  	[sflag:s15] =	ssyncset.done $0x0  }
0x30: {  	s31 =	simm.s32 $0x5D0;
	s30 =	rddreg [dreg:$0x4];
	[sflag:s15] =	ssyncadd.s32 $0xFFFFFFF0  }
0x31: {  	v10 =	vmov s4;
	[tilespmem:s31], [sflag:$0x1] =	stream.linear.gather [hbm4b:s30+s4], $0x200, $0x38;
	[tilespmem:$0x38D0] =	vst v63  }
0x32: {  	v10 =	vshll.u32 v10, $0x3;
	_ =	swait.ge [sflag:s15], $0x200  }
0x33: {  	v10 =	vor.u32 v3, v10;
	[sflag:s15] =	ssyncset.done $0x0  }
0x34: {  	s0 =	simm.s32 $0x2;
	v10 =	vor.u32 v4, v10;
	[sflag:s15] =	ssyncadd.s32 $0xFFFFFE00  }
.LBB2_2:
0x35: {  	p0 =	sne.s32 s0, $0x3E  }
.Ltmp2:
0x36: {  	_ = 	snop;
	(pc) =	sbr.rel @p0 .LBB2_2-.Ltmp2, $4  }
0x37: {  	v11 =	vmov s0  }
0x38: {  	v11 =	vshll.u32 v11, $0x3  }
0x39: {  	v11 =	vor.u32 v3, v11  }
0x3a: {  	s0 =	sadd.s32 $0x2, s0;
	[tilespmem:v10+s16+$0x0] =	vst.idx.msk $0xffff, v5;
	v10 =	vor.u32 v4, v11  }
0x3b: {  	_ =	sdelay $0x3  }
0x3c: {  	[tilespmem:v10+s16+$0x0] =	vst.idx.msk $0xffff, v5  }
0x3d: {  	[spmem:s9] =	stream.linear.scatter [tilespmem:s16], [sflag:$0x1], $0x200, $0x38;
	[tilespmem:$0x38D0] =	vst v63  }
0x3e: {  	_ =	swait.ge [sflag:s15], $0x200  }
0x3f: {  	[sflag:s15] =	ssyncset.done $0x0  }
0x40: {  	s0 =	rddreg [dreg:$0x6];
	[sflag:s15] =	ssyncadd.s32 $0xFFFFFE00  }
0x41: {  	[spmem:s0] =	stream.linear.scatter [tilespmem:s16], [sflag:$0x1], $0x200, $0x38;
	[tilespmem:$0x38D0] =	vst v63  }
0x42: {  	_ =	swait.ge [sflag:s15], $0x200  }
0x43: {  	[sflag:s15] =	ssyncset.done $0x0  }
0x44: {  	s30 =	rddreg [dreg:$0x7];
	[sflag:s15] =	ssyncadd.s32 $0xFFFFFE00  }
0x45: {  	[spmem:s30] =	stream.linear.scatter [tilespmem:s16], [sflag:$0x1], $0x200, $0x38;
	[tilespmem:$0x38D0] =	vst v63  }
0x46: {  	_ =	swait.ge [sflag:s15], $0x200  }
0x47: {  	[sflag:s15] =	ssyncset.done $0x0  }
0x48: {  	s31 =	rddreg [dreg:$0x8];
	[sflag:s15] =	ssyncadd.s32 $0xFFFFFE00  }
0x49: {  	[spmem:s31] =	stream.linear.scatter [tilespmem:s16], [sflag:$0x1], $0x200, $0x38;
	[tilespmem:$0x38D0] =	vst v63  }
0x4a: {  	_ =	swait.ge [sflag:s15], $0x200  }
0x4b: {  	[sflag:s15] =	ssyncset.done $0x0  }
0x4c: {  	s3 =	rddreg [dreg:$0x9];
	[sflag:s15] =	ssyncadd.s32 $0xFFFFFE00  }
0x4d: {  	[spmem:s3] =	stream.linear.scatter [tilespmem:s16], [sflag:$0x1], $0x200, $0x38;
	[tilespmem:$0x38D0] =	vst v63  }
0x4e: {  	_ =	swait.ge [sflag:s15], $0x200  }
0x4f: {  	[sflag:s15] =	ssyncset.done $0x0  }
0x50: {  	s29 =	rddreg [dreg:$0xa];
	[sflag:s15] =	ssyncadd.s32 $0xFFFFFE00  }
0x51: {  	[spmem:s29] =	stream.linear.scatter [tilespmem:s16], [sflag:$0x1], $0x200, $0x38;
	[tilespmem:$0x38D0] =	vst v63  }
0x52: {  	_ =	swait.ge [sflag:s15], $0x200  }
0x53: {  	[sflag:s15] =	ssyncset.done $0x0  }
0x54: {  	s30 =	rddreg [dreg:$0xb];
	[sflag:s15] =	ssyncadd.s32 $0xFFFFFE00  }
0x55: {  	[spmem:s30] =	stream.linear.scatter [tilespmem:s16], [sflag:$0x1], $0x200, $0x38;
	[tilespmem:$0x38D0] =	vst v63  }
0x56: {  	_ =	swait.ge [sflag:s15], $0x200  }
0x57: {  	[sflag:s15] =	ssyncset.done $0x0  }
0x58: {  	s31 =	rddreg [dreg:$0xc];
	[sflag:s15] =	ssyncadd.s32 $0xFFFFFE00  }
0x59: {  	[spmem:s31] =	stream.linear.scatter [tilespmem:s16], [sflag:$0x1], $0x200, $0x38;
	[tilespmem:$0x38D0] =	vst v63  }
0x5a: {  	_ =	swait.ge [sflag:s15], $0x200  }
0x5b: {  	[sflag:s15] =	ssyncset.done $0x0  }
0x5c: {  	s3 =	rddreg [dreg:$0xd];
	[sflag:s15] =	ssyncadd.s32 $0xFFFFFE00  }
0x5d: {  	[spmem:s3] =	stream.linear.scatter [tilespmem:s16], [sflag:$0x1], $0x200, $0x38;
	[tilespmem:$0x38D0] =	vst v63  }
0x5e: {  	_ =	swait.ge [sflag:s15], $0x200  }
0x5f: {  	[sflag:s15] =	ssyncset.done $0x0  }
0x60: {  	s29 =	rddreg [dreg:$0xe];
	[sflag:s15] =	ssyncadd.s32 $0xFFFFFE00  }
0x61: {  	[spmem:s29] =	stream.linear.scatter [tilespmem:s16], [sflag:$0x1], $0x200, $0x38;
	[tilespmem:$0x38D0] =	vst v63  }
0x62: {  	_ =	swait.ge [sflag:s15], $0x200  }
0x63: {  	[sflag:s15] =	ssyncset.done $0x0  }
0x64: {  	s30 =	rddreg [dreg:$0xf];
	[sflag:s15] =	ssyncadd.s32 $0xFFFFFE00  }
0x65: {  	[spmem:s30] =	stream.linear.scatter [tilespmem:s16], [sflag:$0x1], $0x200, $0x38;
	[tilespmem:$0x38D0] =	vst v63  }
0x66: {  	_ =	swait.ge [sflag:s15], $0x200  }
0x67: {  	[sflag:s15] =	ssyncset.done $0x0  }
0x68: {  	s31 =	rddreg [dreg:$0x13];
	[sflag:s15] =	ssyncadd.s32 $0xFFFFFE00  }
0x69: {  	[spmem:s31] =	stream.linear.scatter [tilespmem:s16], [sflag:$0x1], $0x200, $0x38;
	[tilespmem:$0x38D0] =	vst v63  }
0x6a: {  	_ =	swait.ge [sflag:s15], $0x200  }
0x6b: {  	[sflag:s15] =	ssyncset.done $0x0  }
0x6c: {  	s3 =	rddreg [dreg:$0x14];
	[sflag:s15] =	ssyncadd.s32 $0xFFFFFE00  }
0x6d: {  	[spmem:s3] =	stream.linear.scatter [tilespmem:s16], [sflag:$0x1], $0x200, $0x38;
	[tilespmem:$0x38D0] =	vst v63  }
0x6e: {  	_ =	swait.ge [sflag:s15], $0x200  }
0x6f: {  	[sflag:s15] =	ssyncset.done $0x0  }
0x70: {  	s29 =	rddreg [dreg:$0x15];
	[sflag:s15] =	ssyncadd.s32 $0xFFFFFE00  }
0x71: {  	[spmem:s29] =	stream.linear.scatter [tilespmem:s16], [sflag:$0x1], $0x200, $0x38;
	[tilespmem:$0x38D0] =	vst v63  }
0x72: {  	_ =	swait.ge [sflag:s15], $0x200  }
0x73: {  	[sflag:s15] =	ssyncset.done $0x0  }
0x74: {  	s30 =	rddreg [dreg:$0x16];
	[sflag:s15] =	ssyncadd.s32 $0xFFFFFE00  }
0x75: {  	[spmem:s30] =	stream.linear.scatter [tilespmem:s16], [sflag:$0x1], $0x200, $0x38;
	[tilespmem:$0x38D0] =	vst v63  }
0x76: {  	_ =	swait.ge [sflag:s15], $0x200  }
0x77: {  	[sflag:s15] =	ssyncset.done $0x0  }
0x78: {  	s31 =	rddreg [dreg:$0x17];
	[sflag:s15] =	ssyncadd.s32 $0xFFFFFE00  }
0x79: {  	[spmem:s31] =	stream.linear.scatter [tilespmem:s16], [sflag:$0x1], $0x200, $0x38;
	[tilespmem:$0x38D0] =	vst v63  }
0x7a: {  	_ =	swait.ge [sflag:s15], $0x200  }
0x7b: {  	[sflag:s15] =	ssyncset.done $0x0  }
0x7c: {  	s3 =	rddreg [dreg:$0x18];
	[sflag:s15] =	ssyncadd.s32 $0xFFFFFE00  }
0x7d: {  	[spmem:s3] =	stream.linear.scatter [tilespmem:s16], [sflag:$0x1], $0x200, $0x38;
	[tilespmem:$0x38D0] =	vst v63  }
0x7e: {  	_ =	swait.ge [sflag:s15], $0x200  }
0x7f: {  	[sflag:s15] =	ssyncset.done $0x0  }
0x80: {  	s29 =	rddreg [dreg:$0x19];
	[sflag:s15] =	ssyncadd.s32 $0xFFFFFE00  }
0x81: {  	[spmem:s29] =	stream.linear.scatter [tilespmem:s16], [sflag:$0x1], $0x200, $0x38;
	[tilespmem:$0x38D0] =	vst v63  }
0x82: {  	_ =	swait.ge [sflag:s15], $0x200  }
0x83: {  	[sflag:s15] =	ssyncset.done $0x0  }
0x84: {  	s30 =	rddreg [dreg:$0x1a];
	[sflag:s15] =	ssyncadd.s32 $0xFFFFFE00  }
0x85: {  	[spmem:s30] =	stream.linear.scatter [tilespmem:s16], [sflag:$0x1], $0x200, $0x38;
	[tilespmem:$0x38D0] =	vst v63  }
0x86: {  	_ =	swait.ge [sflag:s15], $0x200  }
0x87: {  	[sflag:s15] =	ssyncset.done $0x0  }
0x88: {  	[sflag:s15] =	ssyncadd.s32 $0xFFFFFE00  }
0x89: {  	[spmem:s6] =	stream.linear.scatter [tilespmem:s16], [sflag:$0x1], $0x200, $0x38;
	[tilespmem:$0x38D0] =	vst v63  }
0x8a: {  	_ =	swait.ge [sflag:s15], $0x200  }
0x8b: {  	[sflag:s15] =	ssyncset.done $0x0  }
0x8c: {  	[sflag:s15] =	ssyncadd.s32 $0xFFFFFE00  }
0x8d: {  	[spmem:s8] =	stream.linear.scatter [tilespmem:s16], [sflag:$0x1], $0x200, $0x38;
	[tilespmem:$0x38D0] =	vst v63  }
0x8e: {  	_ =	swait.ge [sflag:s15], $0x200  }
0x8f: {  	[sflag:s15] =	ssyncset.done $0x0  }
0x90: {  	[sflag:s15] =	ssyncadd.s32 $0xFFFFFE00  }
0x91: {  	[spmem:s10] =	stream.linear.scatter [tilespmem:s16], [sflag:$0x1], $0x200, $0x38;
	[tilespmem:$0x38D0] =	vst v63  }
0x92: {  	_ =	swait.ge [sflag:s15], $0x200  }
0x93: {  	[sflag:s15] =	ssyncset.done $0x0  }
0x94: {  	[sflag:s15] =	ssyncadd.s32 $0xFFFFFE00  }
0x95: {  	[spmem:s11] =	stream.linear.scatter [tilespmem:s16], [sflag:$0x1], $0x200, $0x38;
	[tilespmem:$0x38D0] =	vst v63  }
0x96: {  	_ =	swait.ge [sflag:s15], $0x200  }
0x97: {  	[sflag:s15] =	ssyncset.done $0x0  }
0x98: {  	[sflag:s15] =	ssyncadd.s32 $0xFFFFFE00  }
0x99: {  	[spmem:s12] =	stream.linear.scatter [tilespmem:s16], [sflag:$0x1], $0x200, $0x38;
	[tilespmem:$0x38D0] =	vst v63  }
0x9a: {  	_ =	swait.ge [sflag:s15], $0x200  }
0x9b: {  	[sflag:s15] =	ssyncset.done $0x0  }
0x9c: {  	[sflag:s15] =	ssyncadd.s32 $0xFFFFFE00  }
0x9d: {  	[spmem:s13] =	stream.linear.scatter [tilespmem:s16], [sflag:$0x1], $0x100, $0x38;
	[tilespmem:$0x38D0] =	vst v63  }
0x9e: {  	_ =	swait.ge [sflag:s15], $0x100  }
0x9f: {  	[sflag:s15] =	ssyncset.done $0x0  }
0xa0: {  	[sflag:s15] =	ssyncadd.s32 $0xFFFFFF00  }
0xa1: {  	[bflag:$0x0] =	sbarrier.arrive $0xFFFF  }
0xa2: {  	v10 =	vld [tilespmem:s17+$0x5D0];
	_ =	sdelay $0x4  }
0xa3: {  	v10 =	vxor.u32 $0x80000000, v10  }
0xa4: {  	v10 =	vnsel vm0, $0x80000000, v10  }
0xa5: {  	(xrf0) =	vmax.scan.msk.u32 $0xffff, v10;
	_ =	sdelay $0x5  }
0xa6: {  	v10, _, _ =	vpop (xrf0)  }
0xa7: {  	(v2sf) =	vpush v10, $0xF;
	_ =	sdelay $0xe  }
0xa8: {  	s0 =	spop (v2sf)  }
0xa9: {  	s28 =	sadd.s32 $0x8000003F, s0  }
0xaa: {  	s29 =	sand.u32 $0x3F, s28  }
0xab: {  	s31 =	sshra.s32 s28, $0x1F;
	p1 =	slt.s32 s28, $0x1;
	p0 =	sne.s32 s29, $0x0  }
0xac: {  	s29 =	sshrl.u32 s31, $0x1A;
	p0 =	por !p1, !p0  }
0xad: {  	s28 =	sadd.s32 s29, s28;
	s29 =	simm.s32 $0x1;
	p0 =	por !p0, !p0  }
0xae: {  	s28 =	sshra.s32 s28, $0x6;
	s29 =	simm.s32 @!p0 $0x0  }
0xaf: {  	s28 =	ssub.s32 s28, s29  }
0xb0: {  	p0 =	slt.s32 s28, $0x1  }
.Ltmp3:
0xb1: {  	_ = 	snop;
	(pc) =	sbr.rel @p0 .LBB2_8-.Ltmp3, $2  }
0xb2: {  	_ =	sdelay $0x2  }
0xb3: {  	v10 =	vld [tilespmem:$0x5C0]  }
0xb4: {  	s29 =	sxor.u32 $0x80000000, s0;
	s30 =	simm.s32 $0x0;
	s31 =	simm.s32 $0x0  }
.LBB2_5:
0xb5: {  	s0 =	sshll.u32 s31, $0x6  }
0xb6: {  	s3 =	sadd.s32 s0, s18  }
0xb7: {  	s3 =	sshrl.u32 s3, $0x3  }
0xb8: {  	s3 =	sadd.s32 s5, s3  }
0xb9: {  	[tilespmem:s30], [sflag:$0x1] =	stream.linear.gather [hbm4b:s3+s30], $0x40, $0x38;
	[tilespmem:$0x38D0] =	vst v63  }
0xba: {  	_ =	swait.ge [sflag:s15], $0x40  }
0xbb: {  	[sflag:s15] =	ssyncset.done $0x0  }
0xbc: {  	[sflag:s15] =	ssyncadd.s32 $0xFFFFFFC0  }
0xbd: {  	v11 =	vld [tilespmem:$0x0];
	_ =	sdelay $0x2  }
0xbe: {  	s3 =	ssub.s32 s29, s0  }
0xbf: {  	v12 =	vmov s3;
	v13 =	vld [tilespmem:$0x10]  }
0xc0: {  	vm2 =	vgt.s32 v12, v0;
	v14 =	vand.u32 $0xFFFF, v11  }
0xc1: {  	s3 =	sor.u32 $0x10, s0;
	v11 =	vshrl.u32 v11, $0x10;
	v12 =	vnsel vm2, $0x0, v14  }
0xc2: {  	s3 =	ssub.s32 s29, s3;
	[tilespmem:$0x40] =	vst v12;
	v12 =	vnsel vm2, $0x0, v11;
	v11 =	vadd.s32 v2, v11  }
0xc3: {  	v14 =	vld [tilespmem:$0x20];
	[tilespmem:$0x80] =	vst v12;
	v11 =	vnsel vm2, $0x0, v11;
	v12 =	vmov s3  }
0xc4: {  	[tilespmem:$0xC0] =	vst v11;
	v11 =	vsel vm2, $0x3F800000, v5;
	vm2 =	vgt.s32 v12, v0;
	v12 =	vand.u32 $0xFFFF, v13  }
0xc5: {  	s3 =	sor.u32 $0x20, s0;
	[tilespmem:$0x100] =	vst v11;
	v11 =	vshrl.u32 v13, $0x10;
	v12 =	vnsel vm2, $0x0, v12  }
0xc6: {  	s3 =	ssub.s32 s29, s3;
	[tilespmem:$0x50] =	vst v12;
	v12 =	vnsel vm2, $0x0, v11;
	v11 =	vadd.s32 v2, v11  }
0xc7: {  	v13 =	vld [tilespmem:$0x30];
	[tilespmem:$0x90] =	vst v12;
	v11 =	vnsel vm2, $0x0, v11;
	v12 =	vmov s3  }
0xc8: {  	[tilespmem:$0xD0] =	vst v11;
	v11 =	vsel vm2, $0x3F800000, v5;
	vm2 =	vgt.s32 v12, v0;
	v12 =	vand.u32 $0xFFFF, v14  }
0xc9: {  	s0 =	sor.u32 $0x30, s0;
	[tilespmem:$0x110] =	vst v11;
	v11 =	vshrl.u32 v14, $0x10;
	v12 =	vnsel vm2, $0x0, v12  }
0xca: {  	s0 =	ssub.s32 s29, s0;
	[tilespmem:$0x60] =	vst v12;
	v12 =	vnsel vm2, $0x0, v11;
	v11 =	vadd.s32 v2, v11  }
0xcb: {  	[tilespmem:$0xA0] =	vst v12;
	v11 =	vnsel vm2, $0x0, v11;
	v12 =	vmov s0  }
0xcc: {  	v14 =	vand.u32 $0xFFFF, v13;
	[tilespmem:$0xE0] =	vst v11;
	v11 =	vsel vm2, $0x3F800000, v5;
	vm2 =	vgt.s32 v12, v0  }
0xcd: {  	[tilespmem:$0x120] =	vst v11;
	v11 =	vshrl.u32 v13, $0x10;
	v12 =	vnsel vm2, $0x0, v14  }
0xce: {  	[tilespmem:$0x70] =	vst v12;
	v12 =	vnsel vm2, $0x0, v11;
	v11 =	vadd.s32 v2, v11  }
0xcf: {  	[tilespmem:$0xB0] =	vst v12;
	v11 =	vnsel vm2, $0x0, v11  }
0xd0: {  	[tilespmem:$0xF0] =	vst v11;
	v11 =	vsel vm2, $0x3F800000, v5  }
0xd1: {  	[tilespmem:$0x130] =	vst v11  }
0xd2: {  	[tilespmem:s21], [sflag:$0x1] =	stream.indirect.gather [hbm4b:s7+s20], $0x8, s20, s20, $0xb8;
	[tilespmem:$0x38D0] =	vst v63  }
0xd3: {  	_ =	swait.ge [sflag:s15], $0x200  }
0xd4: {  	[sflag:s15] =	ssyncset.done $0x0  }
0xd5: {  	[sflag:s15] =	ssyncadd.s32 $0xFFFFFE00  }
0xd6: {  	[tilespmem:s23], [sflag:$0x1] =	stream.indirect.gather [hbm4b:s1+s20], $0x1, s22, s20, $0xb8;
	[tilespmem:$0x38D0] =	vst v63  }
0xd7: {  	_ =	swait.ge [sflag:s15], $0x40  }
0xd8: {  	[sflag:s15] =	ssyncset.done $0x0  }
0xd9: {  	[sflag:s15] =	ssyncadd.s32 $0xFFFFFFC0  }
0xda: {  	v11 =	vld.idx.msk [tilespmem:v6+s21+$0x0], $0xffff  }
0xdb: {  	v12 =	vld [tilespmem:$0x340];
	_ =	sdelay $0x4  }
0xdc: {  	v11 =	vadd.f32 v12, v11;
	_ =	sdelay $0x1  }
0xdd: {  	v12 =	vmul.f32 $2.000000030e-01, v11;
	_ =	sdelay $0x1  }
0xde: {  	v11 =	vmax.f32 v11, v12  }
0xdf: {  	v11 =	vsub.f32 v11, v10;
	_ =	sdelay $0x1  }
0xe0: {  	v11 =	vmul.f32 $1.442695020e+00, v11;
	_ =	sdelay $0x1  }
0xe1: {  	(erf) = vpow2.f32 v11;
	_ =	sdelay $0x4  }
0xe2: {  	v11 =	vld [tilespmem:$0x100];
	_ =	sdelay $0x3  }
0xe3: {  	v12 =	vpop (erf)  }
0xe4: {  	v11 =	vmul.f32 v12, v11;
	_ =	sdelay $0x1  }
0xe5: {  	v12 =	vld [tilespmem:$0x350];
	[tilespmem:$0x380] =	vst v11  }
0xe6: {  	v11 =	vld.idx.msk [tilespmem:v7+s21+$0x0], $0xffff;
	_ =	sdelay $0x4  }
0xe7: {  	v11 =	vadd.f32 v12, v11;
	_ =	sdelay $0x1  }
0xe8: {  	v12 =	vmul.f32 $2.000000030e-01, v11;
	_ =	sdelay $0x1  }
0xe9: {  	v11 =	vmax.f32 v11, v12  }
0xea: {  	v11 =	vsub.f32 v11, v10;
	_ =	sdelay $0x1  }
0xeb: {  	v11 =	vmul.f32 $1.442695020e+00, v11;
	_ =	sdelay $0x1  }
0xec: {  	(erf) = vpow2.f32 v11;
	_ =	sdelay $0x4  }
0xed: {  	v11 =	vld [tilespmem:$0x110];
	_ =	sdelay $0x3  }
0xee: {  	v12 =	vpop (erf)  }
0xef: {  	v11 =	vmul.f32 v12, v11;
	_ =	sdelay $0x1  }
0xf0: {  	v12 =	vld [tilespmem:$0x360];
	[tilespmem:$0x390] =	vst v11  }
0xf1: {  	v11 =	vld.idx.msk [tilespmem:v8+s21+$0x0], $0xffff;
	_ =	sdelay $0x4  }
0xf2: {  	v11 =	vadd.f32 v12, v11;
	_ =	sdelay $0x1  }
0xf3: {  	v12 =	vmul.f32 $2.000000030e-01, v11;
	_ =	sdelay $0x1  }
0xf4: {  	v11 =	vmax.f32 v11, v12  }
0xf5: {  	v11 =	vsub.f32 v11, v10;
	_ =	sdelay $0x1  }
0xf6: {  	v11 =	vmul.f32 $1.442695020e+00, v11;
	_ =	sdelay $0x1  }
0xf7: {  	(erf) = vpow2.f32 v11;
	_ =	sdelay $0x4  }
0xf8: {  	v11 =	vld [tilespmem:$0x120];
	_ =	sdelay $0x3  }
0xf9: {  	v12 =	vpop (erf)  }
0xfa: {  	v11 =	vmul.f32 v12, v11;
	_ =	sdelay $0x1  }
0xfb: {  	v12 =	vld [tilespmem:$0x370];
	[tilespmem:$0x3A0] =	vst v11  }
0xfc: {  	v11 =	vld.idx.msk [tilespmem:v9+s21+$0x0], $0xffff;
	_ =	sdelay $0x4  }
0xfd: {  	v11 =	vadd.f32 v12, v11;
	_ =	sdelay $0x1  }
0xfe: {  	v12 =	vmul.f32 $2.000000030e-01, v11;
	_ =	sdelay $0x1  }
0xff: {  	v11 =	vmax.f32 v11, v12  }
0x100: {  	v11 =	vsub.f32 v11, v10;
	_ =	sdelay $0x1  }
0x101: {  	v11 =	vmul.f32 $1.442695020e+00, v11;
	_ =	sdelay $0x1  }
0x102: {  	(erf) = vpow2.f32 v11;
	_ =	sdelay $0x4  }
0x103: {  	v12 =	vld [tilespmem:$0x130]  }
0x104: {  	v14 =	vor.u32 s30, v1  }
0x105: {  	v11 =	vshll.u32 v14, $0x3  }
0x106: {  	v11 =	vor.u32 v4, v11  }
0x107: {  	v13 =	vpop (erf)  }
0x108: {  	v12 =	vmul.f32 v13, v12;
	_ =	sdelay $0x1  }
0x109: {  	[tilespmem:$0x3B0] =	vst v12  }
0x10a: {  	v13 =	vld.idx.msk [tilespmem:v11+s21+$0x0], $0xffff  }
0x10b: {  	s3 =	simm.s32 $0x2;
	v14 =	vld.idx.msk [tilespmem:v14+s24+$0x0], $0xffff  }
0x10c: {  	s0 =	simm.s32 $0x4;
	v12 =	vor.u32 s3, v1  }
.LBB2_6:
0x10d: {  	p0 =	sne.s32 s0, $0x3E;
	v15 =	vshll.u32 v12, $0x3  }
0x10e: {  	v15 =	vor.u32 v4, v15  }
0x10f: {  	v13 =	vnsel vm1, $0x3F800000, v13  }
0x110: {  	v13 =	vmul.f32 v14, v13;
	_ =	sdelay $0x1  }
.Ltmp4:
0x111: {  	[tilespmem:v11+s16+$0x0] =	vst.idx.msk $0xffff, v13;
	v11 =	vmov v15;
	(pc) =	sbr.rel @p0 .LBB2_6-.Ltmp4, $3  }
0x112: {  	v13 =	vld.idx.msk [tilespmem:v15+s21+$0x0], $0xffff  }
0x113: {  	v14 =	vld.idx.msk [tilespmem:v12+s24+$0x0], $0xffff;
	_ =	sdelay $0x1  }
0x114: {  	v12 =	vor.u32 s0, v1;
	s0 =	sadd.s32 $0x2, s0  }
0x115: {  	v15 =	vshll.u32 v12, $0x3  }
0x116: {  	v15 =	vor.u32 v4, v15  }
0x117: {  	v13 =	vnsel vm1, $0x3F800000, v13  }
0x118: {  	v13 =	vmul.f32 v14, v13;
	_ =	sdelay $0x1  }
0x119: {  	[tilespmem:v11+s16+$0x0] =	vst.idx.msk $0xffff, v13  }
0x11a: {  	v11 =	vld.idx.msk [tilespmem:v15+s21+$0x0], $0xffff  }
0x11b: {  	v63 =	vld.idx.msk [tilespmem:v12+s24+$0x0], $0xffff;
	_ =	sdelay $0x3  }
0x11c: {  	v11 =	vnsel vm1, $0x3F800000, v11  }
0x11d: {  	s31 =	sadd.s32 $0x1, s31;
	v11 =	vmul.f32 v63, v11  }
0x11e: {  	p0 =	sne.s32 s31, s28  }
.Ltmp5:
0x11f: {  	[tilespmem:v15+s16+$0x0] =	vst.idx.msk $0xffff, v11;
	(pc) =	sbr.rel @p0 .LBB2_5-.Ltmp5, $4  }
0x120: {  	[spmem:s2] =	stream.indirect.scatter.add.f32 [tilespmem:s16], [sflag:$0x1], $0x8, s25, s20, $0xb8;
	[tilespmem:$0x38D0] =	vst v63  }
0x121: {  	_ =	swait.ge [sflag:s15], $0x200  }
0x122: {  	[sflag:s15] =	ssyncset.done $0x0  }
0x123: {  	[sflag:s15] =	ssyncadd.s32 $0xFFFFFE00  }
.LBB2_8:
0x124: {  	s0 =	rddreg [dreg:$0x12]  }
0x125: {  	v11 =	vld [tilespmem:s0+$0x5D0];
	_ =	sdelay $0x4  }
0x126: {  	v11 =	vxor.u32 $0x80000000, v11  }
0x127: {  	v11 =	vnsel vm0, $0x80000000, v11  }
0x128: {  	(xrf0) =	vmax.scan.msk.u32 $0xffff, v11;
	_ =	sdelay $0x5  }
0x129: {  	v11, _, _ =	vpop (xrf0)  }
0x12a: {  	(v2sf) =	vpush v11, $0xF;
	_ =	sdelay $0xe  }
0x12b: {  	s0 =	spop (v2sf)  }
0x12c: {  	s3 =	sadd.s32 $0x8000003F, s0  }
0x12d: {  	s28 =	sand.u32 $0x3F, s3  }
0x12e: {  	p1 =	slt.s32 s3, $0x1;
	p0 =	sne.s32 s28, $0x0;
	s28 =	sshra.s32 s3, $0x1F  }
0x12f: {  	s28 =	sshrl.u32 s28, $0x1A;
	p0 =	por !p1, !p0  }
0x130: {  	s3 =	sadd.s32 s28, s3;
	p0 =	por !p0, !p0;
	s28 =	simm.s32 $0x1  }
0x131: {  	s3 =	sshra.s32 s3, $0x6;
	s28 =	simm.s32 @!p0 $0x0  }
0x132: {  	s28 =	ssub.s32 s3, s28  }
0x133: {  	p0 =	slt.s32 s28, $0x1  }
.Ltmp6:
0x134: {  	_ = 	snop;
	(pc) =	sbr.rel @p0 .LBB2_13-.Ltmp6, $1  }
0x135: {  	_ =	sdelay $0x3  }
0x136: {  	s29 =	sxor.u32 $0x80000000, s0;
	s30 =	simm.s32 $0x0;
	s31 =	simm.s32 $0x0  }
.LBB2_10:
0x137: {  	s0 =	sshll.u32 s31, $0x6  }
0x138: {  	s3 =	sadd.s32 s0, s19  }
0x139: {  	s3 =	sshrl.u32 s3, $0x3  }
0x13a: {  	s3 =	sadd.s32 s5, s3  }
0x13b: {  	[tilespmem:s30], [sflag:$0x1] =	stream.linear.gather [hbm4b:s3+s30], $0x40, $0x38;
	[tilespmem:$0x38D0] =	vst v63  }
0x13c: {  	_ =	swait.ge [sflag:s15], $0x40  }
0x13d: {  	[sflag:s15] =	ssyncset.done $0x0  }
0x13e: {  	[sflag:s15] =	ssyncadd.s32 $0xFFFFFFC0  }
0x13f: {  	v11 =	vld [tilespmem:$0x0];
	_ =	sdelay $0x2  }
0x140: {  	s3 =	ssub.s32 s29, s0  }
0x141: {  	v12 =	vmov s3;
	v13 =	vld [tilespmem:$0x10]  }
0x142: {  	vm2 =	vgt.s32 v12, v0;
	v14 =	vand.u32 $0xFFFF, v11  }
0x143: {  	s3 =	sor.u32 $0x10, s0;
	v11 =	vshrl.u32 v11, $0x10;
	v12 =	vnsel vm2, $0x0, v14  }
0x144: {  	s3 =	ssub.s32 s29, s3;
	[tilespmem:$0x40] =	vst v12;
	v12 =	vnsel vm2, $0x0, v11;
	v11 =	vadd.s32 v2, v11  }
0x145: {  	v14 =	vld [tilespmem:$0x20];
	[tilespmem:$0x80] =	vst v12;
	v11 =	vnsel vm2, $0x0, v11;
	v12 =	vmov s3  }
0x146: {  	[tilespmem:$0xC0] =	vst v11;
	v11 =	vsel vm2, $0x3F800000, v5;
	vm2 =	vgt.s32 v12, v0;
	v12 =	vand.u32 $0xFFFF, v13  }
0x147: {  	s3 =	sor.u32 $0x20, s0;
	[tilespmem:$0x100] =	vst v11;
	v11 =	vshrl.u32 v13, $0x10;
	v12 =	vnsel vm2, $0x0, v12  }
0x148: {  	s3 =	ssub.s32 s29, s3;
	[tilespmem:$0x50] =	vst v12;
	v12 =	vnsel vm2, $0x0, v11;
	v11 =	vadd.s32 v2, v11  }
0x149: {  	v13 =	vld [tilespmem:$0x30];
	[tilespmem:$0x90] =	vst v12;
	v11 =	vnsel vm2, $0x0, v11;
	v12 =	vmov s3  }
0x14a: {  	[tilespmem:$0xD0] =	vst v11;
	v11 =	vsel vm2, $0x3F800000, v5;
	vm2 =	vgt.s32 v12, v0;
	v12 =	vand.u32 $0xFFFF, v14  }
0x14b: {  	s0 =	sor.u32 $0x30, s0;
	[tilespmem:$0x110] =	vst v11;
	v11 =	vshrl.u32 v14, $0x10;
	v12 =	vnsel vm2, $0x0, v12  }
0x14c: {  	s0 =	ssub.s32 s29, s0;
	[tilespmem:$0x60] =	vst v12;
	v12 =	vnsel vm2, $0x0, v11;
	v11 =	vadd.s32 v2, v11  }
0x14d: {  	[tilespmem:$0xA0] =	vst v12;
	v11 =	vnsel vm2, $0x0, v11;
	v12 =	vmov s0  }
0x14e: {  	v14 =	vand.u32 $0xFFFF, v13;
	[tilespmem:$0xE0] =	vst v11;
	v11 =	vsel vm2, $0x3F800000, v5;
	vm2 =	vgt.s32 v12, v0  }
0x14f: {  	[tilespmem:$0x120] =	vst v11;
	v11 =	vshrl.u32 v13, $0x10;
	v12 =	vnsel vm2, $0x0, v14  }
0x150: {  	[tilespmem:$0x70] =	vst v12;
	v12 =	vnsel vm2, $0x0, v11;
	v11 =	vadd.s32 v2, v11  }
0x151: {  	[tilespmem:$0xB0] =	vst v12;
	v11 =	vnsel vm2, $0x0, v11  }
0x152: {  	[tilespmem:$0xF0] =	vst v11;
	v11 =	vsel vm2, $0x3F800000, v5  }
0x153: {  	[tilespmem:$0x130] =	vst v11  }
0x154: {  	[tilespmem:s21], [sflag:$0x1] =	stream.indirect.gather [hbm4b:s7+s20], $0x8, s20, s20, $0xb8;
	[tilespmem:$0x38D0] =	vst v63  }
0x155: {  	_ =	swait.ge [sflag:s15], $0x200  }
0x156: {  	[sflag:s15] =	ssyncset.done $0x0  }
0x157: {  	[sflag:s15] =	ssyncadd.s32 $0xFFFFFE00  }
0x158: {  	[tilespmem:s23], [sflag:$0x1] =	stream.indirect.gather [hbm4b:s1+s20], $0x1, s22, s20, $0xb8;
	[tilespmem:$0x38D0] =	vst v63  }
0x159: {  	_ =	swait.ge [sflag:s15], $0x40  }
0x15a: {  	[sflag:s15] =	ssyncset.done $0x0  }
0x15b: {  	[sflag:s15] =	ssyncadd.s32 $0xFFFFFFC0  }
0x15c: {  	v11 =	vld.idx.msk [tilespmem:v6+s21+$0x0], $0xffff  }
0x15d: {  	v12 =	vld [tilespmem:$0x340];
	_ =	sdelay $0x4  }
0x15e: {  	v11 =	vadd.f32 v12, v11;
	_ =	sdelay $0x1  }
0x15f: {  	v12 =	vmul.f32 $2.000000030e-01, v11;
	_ =	sdelay $0x1  }
0x160: {  	v11 =	vmax.f32 v11, v12  }
0x161: {  	v11 =	vsub.f32 v11, v10;
	_ =	sdelay $0x1  }
0x162: {  	v11 =	vmul.f32 $1.442695020e+00, v11;
	_ =	sdelay $0x1  }
0x163: {  	(erf) = vpow2.f32 v11;
	_ =	sdelay $0x4  }
0x164: {  	v11 =	vld [tilespmem:$0x100];
	_ =	sdelay $0x3  }
0x165: {  	v12 =	vpop (erf)  }
0x166: {  	v11 =	vmul.f32 v12, v11;
	_ =	sdelay $0x1  }
0x167: {  	v12 =	vld [tilespmem:$0x350];
	[tilespmem:$0x380] =	vst v11  }
0x168: {  	v11 =	vld.idx.msk [tilespmem:v7+s21+$0x0], $0xffff;
	_ =	sdelay $0x4  }
0x169: {  	v11 =	vadd.f32 v12, v11;
	_ =	sdelay $0x1  }
0x16a: {  	v12 =	vmul.f32 $2.000000030e-01, v11;
	_ =	sdelay $0x1  }
0x16b: {  	v11 =	vmax.f32 v11, v12  }
0x16c: {  	v11 =	vsub.f32 v11, v10;
	_ =	sdelay $0x1  }
0x16d: {  	v11 =	vmul.f32 $1.442695020e+00, v11;
	_ =	sdelay $0x1  }
0x16e: {  	(erf) = vpow2.f32 v11;
	_ =	sdelay $0x4  }
0x16f: {  	v11 =	vld [tilespmem:$0x110];
	_ =	sdelay $0x3  }
0x170: {  	v12 =	vpop (erf)  }
0x171: {  	v11 =	vmul.f32 v12, v11;
	_ =	sdelay $0x1  }
0x172: {  	v12 =	vld [tilespmem:$0x360];
	[tilespmem:$0x390] =	vst v11  }
0x173: {  	v11 =	vld.idx.msk [tilespmem:v8+s21+$0x0], $0xffff;
	_ =	sdelay $0x4  }
0x174: {  	v11 =	vadd.f32 v12, v11;
	_ =	sdelay $0x1  }
0x175: {  	v12 =	vmul.f32 $2.000000030e-01, v11;
	_ =	sdelay $0x1  }
0x176: {  	v11 =	vmax.f32 v11, v12  }
0x177: {  	v11 =	vsub.f32 v11, v10;
	_ =	sdelay $0x1  }
0x178: {  	v11 =	vmul.f32 $1.442695020e+00, v11;
	_ =	sdelay $0x1  }
0x179: {  	(erf) = vpow2.f32 v11;
	_ =	sdelay $0x4  }
0x17a: {  	v11 =	vld [tilespmem:$0x120];
	_ =	sdelay $0x3  }
0x17b: {  	v12 =	vpop (erf)  }
0x17c: {  	v11 =	vmul.f32 v12, v11;
	_ =	sdelay $0x1  }
0x17d: {  	v12 =	vld [tilespmem:$0x370];
	[tilespmem:$0x3A0] =	vst v11  }
0x17e: {  	v11 =	vld.idx.msk [tilespmem:v9+s21+$0x0], $0xffff;
	_ =	sdelay $0x4  }
0x17f: {  	v11 =	vadd.f32 v12, v11;
	_ =	sdelay $0x1  }
0x180: {  	v12 =	vmul.f32 $2.000000030e-01, v11;
	_ =	sdelay $0x1  }
0x181: {  	v11 =	vmax.f32 v11, v12  }
0x182: {  	v11 =	vsub.f32 v11, v10;
	_ =	sdelay $0x1  }
0x183: {  	v11 =	vmul.f32 $1.442695020e+00, v11;
	_ =	sdelay $0x1  }
0x184: {  	(erf) = vpow2.f32 v11;
	_ =	sdelay $0x4  }
0x185: {  	v12 =	vld [tilespmem:$0x130]  }
0x186: {  	v14 =	vor.u32 s30, v1  }
0x187: {  	v11 =	vshll.u32 v14, $0x3  }
0x188: {  	v11 =	vor.u32 v4, v11  }
0x189: {  	v13 =	vpop (erf)  }
0x18a: {  	v12 =	vmul.f32 v13, v12;
	_ =	sdelay $0x1  }
0x18b: {  	[tilespmem:$0x3B0] =	vst v12  }
0x18c: {  	v13 =	vld.idx.msk [tilespmem:v11+s21+$0x0], $0xffff  }
0x18d: {  	s3 =	simm.s32 $0x2;
	v14 =	vld.idx.msk [tilespmem:v14+s24+$0x0], $0xffff  }
0x18e: {  	s0 =	simm.s32 $0x4;
	v12 =	vor.u32 s3, v1  }
.LBB2_11:
0x18f: {  	p0 =	sne.s32 s0, $0x3E;
	v15 =	vshll.u32 v12, $0x3  }
0x190: {  	v15 =	vor.u32 v4, v15  }
0x191: {  	v13 =	vnsel vm1, $0x3F800000, v13  }
0x192: {  	v13 =	vmul.f32 v14, v13;
	_ =	sdelay $0x1  }
.Ltmp7:
0x193: {  	[tilespmem:v11+s16+$0x0] =	vst.idx.msk $0xffff, v13;
	v11 =	vmov v15;
	(pc) =	sbr.rel @p0 .LBB2_11-.Ltmp7, $3  }
0x194: {  	v13 =	vld.idx.msk [tilespmem:v15+s21+$0x0], $0xffff  }
0x195: {  	v14 =	vld.idx.msk [tilespmem:v12+s24+$0x0], $0xffff;
	_ =	sdelay $0x1  }
0x196: {  	v12 =	vor.u32 s0, v1;
	s0 =	sadd.s32 $0x2, s0  }
0x197: {  	v15 =	vshll.u32 v12, $0x3  }
0x198: {  	v15 =	vor.u32 v4, v15  }
0x199: {  	v13 =	vnsel vm1, $0x3F800000, v13  }
0x19a: {  	v13 =	vmul.f32 v14, v13;
	_ =	sdelay $0x1  }
0x19b: {  	[tilespmem:v11+s16+$0x0] =	vst.idx.msk $0xffff, v13  }
0x19c: {  	v11 =	vld.idx.msk [tilespmem:v15+s21+$0x0], $0xffff  }
0x19d: {  	v63 =	vld.idx.msk [tilespmem:v12+s24+$0x0], $0xffff;
	_ =	sdelay $0x3  }
0x19e: {  	v11 =	vnsel vm1, $0x3F800000, v11  }
0x19f: {  	v11 =	vmul.f32 v63, v11  }
0x1a0: {  	s31 =	sadd.s32 $0x1, s31  }
0x1a1: {  	p0 =	sne.s32 s31, s28;
	[tilespmem:v15+s16+$0x0] =	vst.idx.msk $0xffff, v11  }
0x1a2: {  	[spmem:s2] =	stream.indirect.scatter.add.f32 [tilespmem:s16], [sflag:$0x1], $0x8, s25, s20, $0xb8;
	[tilespmem:$0x38D0] =	vst v63  }
.Ltmp8:
0x1a3: {  	_ = 	snop;
	(pc) =	sbr.rel @p0 .LBB2_10-.Ltmp8, $4  }
.Ltmp9:
0x1a4: {  	_ = 	snop;
	(pc) =	sbr.rel @!p0 .LBB2_13-.Ltmp9, $4  }
0x1a5: {  	_ =	swait.ge [sflag:s15], $0x200  }
0x1a6: {  	[sflag:s15] =	ssyncset.done $0x0  }
0x1a7: {  	[sflag:s15] =	ssyncadd.s32 $0xFFFFFE00  }
0x1a8: {  	_ = 	snop  }
.LBB2_14:
0x1a9: {  	_ =	sfence.sel $0x180000  }
0x1aa: {  	[bflag:$0x0] =	sbarrier.arrive $0xFFFF  }
0x1ab: {  	_ =	strace $0x9000004D  }
0x1ac: {  	s0 =	stileid.u32;
	[bflag:$0x2] =	sbarrier.arrive $0xFFFF  }
0x1ad: {  	p0 =	sne.s32 s0, $0x0;
	s0 =	rddreg [dreg:$0x3]  }
0x1ae: {  	s0 =	sadd.s32 @!p0 $0x100000, s0  }
0x1af: {  	[sflag:s0] =	ssyncadd.tile.s32 @!p0 $0x1;
	_ =	shalt  }
.Lfunc_end2:
_tile_overlayer_lowered:
.L_overlay_start_2:
0x1b0: {  	(tag) =	ssettag $0x2  }
0x1b1: {  	s0 =	rddreg [dreg:$0x0];
	s2 =	stileid.u32  }
0x1b2: {  	s1 =	rddreg [dreg:$0x1];
	p0 =	sne.s32 s2, $0x0  }
0x1b3: {  	s3 =	rddreg [dreg:$0x2];
	[bflag:$0x3] =	sbarrier.arrive $0xFFFF;
	s2 =	simm.s32 @!p0 $0x1C01  }
0x1b4: {  	[timem:s3], [sflag:s2] =	dma.local @!p0 [hbm:s0], s1  }
0x1b5: {  	s0 =	simm.s32 @!p0 $0x1  }
0x1b6: {  	_ =	swait.ge @!p0 [sflag:s0], s1  }
0x1b7: {  	s1 =	ssub.s32 @!p0 $0x0, s1;
	[sflag:s0] =	ssyncset.done @!p0 $0x0  }
0x1b8: {  	[sflag:s0] =	ssyncadd.s32 @!p0 s1  }
0x1b9: {  	[bflag:$0x3] =	sbarrier.arrive $0xFFFF  }
0x1ba: {  	_ =	shalt  }

// kernel: kernel.8.cloned.1.call-start
scs
__scs_entry_jumppad:
0x0: {  	(pc) =	sbr.rel $0x88, $3  }
0x1: {  	(tag) =	ssettag $0x0;
	lr =	simm.s32 $0x1  }
0x2: {  	[smem:$0x3F99] =	sst lr;
	_ =	strace $0xD0000000  }
0x3: {  	_ = 	snop  }
0x4: {  	_ = 	snop  }
0x5: {  	_ = 	snop  }
0x6: {  	_ = 	snop  }
0x7: {  	_ = 	snop  }
__scs_overlays_trampoline_lowered:
0x8: {  	[smem:$0x3FA8] =	sst s0  }
0x9: {  	[smem:$0x3FA9] =	sst s1  }
0xa: {  	[smem:$0x3FAA] =	sst s2  }
0xb: {  	[smem:$0x3FAB] =	sst s3  }
0xc: {  	[smem:$0x3FAC] =	sst s4  }
0xd: {  	[smem:$0x3FAD] =	sst s5  }
0xe: {  	[smem:$0x3FAE] =	sst s6  }
0xf: {  	[smem:$0x3FAF] =	sst s7  }
0x10: {  	[smem:$0x3FB0] =	sst s8  }
0x11: {  	[smem:$0x3FB1] =	sst s9;
	s0 =	simm.s32 @!p0 $0x0  }
0x12: {  	s1 =	sld [smem:$0x3F97];
	s0 =	simm.s32 @p0 $0x1  }
0x13: {  	[smem:$0x3FB2] =	sst s0;
	s0 =	simm.s32 @!p1 $0x0  }
0x14: {  	s2 =	sld [smem:$0x3F96];
	s0 =	simm.s32 @p1 $0x1  }
0x15: {  	[smem:$0x3FB3] =	sst s0;
	s0 =	simm.s32 @!p2 $0x0  }
0x16: {  	s3 =	sld [smem:$0x3FDB];
	s0 =	simm.s32 @p2 $0x1  }
0x17: {  	s4 =	simm.s32 $0x1BF5;
	[smem:$0x3FB5] =	sst s0  }
0x18: {  	s0 =	sld [smem:$0x3F98];
	_ =	swait.ge [sflag:s4], $0x0  }
0x19: {  	s7 =	sld [smem:$0x3F99]  }
0x1a: {  	s8 =	sadd.s32 $0xFFFFE003, lr  }
0x1b: {  	s9 =	sadd.s32 $0xFFFFFEF7, lr;
	s5 =	simm.s32 $0xFFFFFFFF;
	p2 =	slt.u32 s8, $0xFFFFF086  }
0x1c: {  	p1 =	slt.u32 s9, $0xF7A;
	s5 =	simm.s32 @!p2 $0x0  }
0x1d: {  	s5 =	simm.s32 @p1 $0x1;
	p0 =	seq.s32 s7, s2  }
0x1e: {  	s7 =	smul.u32 @!p0 $0xF7A, s2;
	p2 =	seq.s32 @!p0 s5, $0x0  }
0x1f: {  	s9 =	smul.u32 $0xF7A, s1;
	s8 =	simm.s32 @!p0 $0x1BF5;
	p2 =	por !p2, p0  }
0x20: {  	[sflag:s8] =	ssyncset.s32 @!p0 $0xFFFFF086;
	s6 =	sadd.s32 @!p0 s3, s7;
	s7 =	simm.s32 @!p0 $0x108  }
0x21: {  	s3 =	sadd.s32 s3, s9;
	s6 =	sadd.s32 @!p0 $0x88, s6;
	s7 =	simm.s32 @p2 $0x1082  }
0x22: {  	[simem:s7], [sflag:s8] =	dma.local @!p0 [hbm:s6], $0xF7A  }
0x23: {  	s9 =	sor.u32 $0xD0000000, s2;
	s6 =	simm.s32 $0x108;
	_ =	swait.ge @!p0 [sflag:s8], $0x0  }
0x24: {  	s3 =	sadd.s32 $0x88, s3;
	s6 =	simm.s32 @!p1 $0x1082;
	[sflag:s4] =	ssyncset.s32 $0xFFFFF086  }
0x25: {  	[simem:s6], [sflag:s4] =	dma.local [hbm:s3], $0xF7A  }
0x26: {  	[smem:$0x3F99] =	sst s1;
	(tag) =	ssettag s2;
	_ =	strace s9  }
0x27: {  	s1 =	sld [smem:$0x3FA9]  }
0x28: {  	s2 =	sld [smem:$0x3FAA]  }
0x29: {  	s4 =	sld [smem:$0x3FAC]  }
0x2a: {  	p0 =	seq.s32 s5, $0x0;
	s5 =	sld [smem:$0x3FAD]  }
0x2b: {  	s6 =	sld [smem:$0x3FAE]  }
0x2c: {  	s7 =	sld [smem:$0x3FAF]  }
0x2d: {  	s3 =	simm.s32 $0x108;
	s8 =	sld [smem:$0x3FB0]  }
0x2e: {  	s3 =	simm.s32 @!p0 $0x1082;
	s9 =	sld [smem:$0x3FB1]  }
0x2f: {  	lr =	sadd.s32 s0, s3;
	s0 =	sld [smem:$0x3FA8]  }
0x30: {  	s3 =	sld [smem:$0x3FAB]  }
0x31: {  	[smem:$0x3FB4] =	sst s10  }
0x32: {  	s10 =	sld [smem:$0x3FB2];
	_ =	sdelay $0x3  }
0x33: {  	p0 =	seq.s32 s10, $0x1;
	s10 =	sld [smem:$0x3FB4];
	_ =	sdelay $0x3  }
0x34: {  	[smem:$0x3FB4] =	sst s10  }
0x35: {  	s10 =	sld [smem:$0x3FB3];
	_ =	sdelay $0x3  }
0x36: {  	p1 =	seq.s32 s10, $0x1;
	s10 =	sld [smem:$0x3FB4];
	_ =	sdelay $0x3  }
0x37: {  	[smem:$0x3FB4] =	sst s10  }
0x38: {  	s10 =	sld [smem:$0x3FB5]  }
0x39: {  	_ = 	snop;
	(pc) =	sbr.ind lr, $3  }
0x3a: {  	_ = 	snop  }
0x3b: {  	_ = 	snop  }
0x3c: {  	p2 =	seq.s32 s10, $0x1;
	s10 =	sld [smem:$0x3FB4]  }
0x3d: {  	_ =	shalt  }
0x3e: {  	_ =	shalt  }
0x3f: {  	_ =	shalt  }
0x40: {  	_ =	shalt  }
0x41: {  	_ =	shalt  }
0x42: {  	_ =	shalt  }
0x43: {  	_ =	shalt  }
0x44: {  	_ =	shalt  }
0x45: {  	_ =	shalt  }
0x46: {  	_ =	shalt  }
0x47: {  	_ =	shalt  }
0x48: {  	_ =	shalt  }
0x49: {  	_ =	shalt  }
0x4a: {  	_ =	shalt  }
0x4b: {  	_ =	shalt  }
0x4c: {  	_ =	shalt  }
0x4d: {  	_ =	shalt  }
0x4e: {  	_ =	shalt  }
0x4f: {  	_ =	shalt  }
0x50: {  	_ =	shalt  }
0x51: {  	_ =	shalt  }
0x52: {  	_ =	shalt  }
0x53: {  	_ =	shalt  }
0x54: {  	_ =	shalt  }
0x55: {  	_ =	shalt  }
0x56: {  	_ =	shalt  }
0x57: {  	_ =	shalt  }
0x58: {  	_ =	shalt  }
0x59: {  	_ =	shalt  }
0x5a: {  	_ =	shalt  }
0x5b: {  	_ =	shalt  }
0x5c: {  	_ =	shalt  }
0x5d: {  	_ =	shalt  }
0x5e: {  	_ =	shalt  }
0x5f: {  	_ =	shalt  }
0x60: {  	_ =	shalt  }
0x61: {  	_ =	shalt  }
0x62: {  	_ =	shalt  }
0x63: {  	_ =	shalt  }
0x64: {  	_ =	shalt  }
0x65: {  	_ =	shalt  }
0x66: {  	_ =	shalt  }
0x67: {  	_ =	shalt  }
0x68: {  	_ =	shalt  }
0x69: {  	_ =	shalt  }
0x6a: {  	_ =	shalt  }
0x6b: {  	_ =	shalt  }
0x6c: {  	_ =	shalt  }
0x6d: {  	_ =	shalt  }
0x6e: {  	_ =	shalt  }
0x6f: {  	_ =	shalt  }
0x70: {  	_ =	shalt  }
0x71: {  	_ =	shalt  }
0x72: {  	_ =	shalt  }
0x73: {  	_ =	shalt  }
0x74: {  	_ =	shalt  }
0x75: {  	_ =	shalt  }
0x76: {  	_ =	shalt  }
0x77: {  	_ =	shalt  }
0x78: {  	_ =	shalt  }
0x79: {  	_ =	shalt  }
0x7a: {  	_ =	shalt  }
0x7b: {  	_ =	shalt  }
0x7c: {  	_ =	shalt  }
0x7d: {  	_ =	shalt  }
0x7e: {  	_ =	shalt  }
0x7f: {  	_ =	shalt  }
0x80: {  	_ =	shalt  }
0x81: {  	_ =	shalt  }
0x82: {  	_ =	shalt  }
0x83: {  	_ =	shalt  }
0x84: {  	_ =	shalt  }
0x85: {  	_ =	shalt  }
0x86: {  	_ =	shalt  }
0x87: {  	_ =	shalt  }
.Lfunc_end0:
.L_simem_size_0:
called_computation_lowered:
.L_overlay_start_0:
0x88: {  	s2 =	sld [smem:$0x3FD9]  }
0x89: {  	s3 =	sld [smem:$0x3FFE];
	_ =	sdelay $0x1  }
0x8a: {  	s1 =	srdreg.scid  }
0x8b: {  	s0 =	sand.u32 $0x1, s1  }
0x8c: {  	s16 =	sshll.u32 s0, $0xA;
	s2 =	sadd.s32 s3, s2  }
0x8d: {  	s2 =	sadd.s32 s2, s16  }
0x8e: {  	[smem:$0x3FC0] =	sst s2  }
0x8f: {  	_ = 	snop  }
0x90: {  	(tm) =	ssettm $0x1  }
0x91: {  	s17 =	sld [smem:$0x3FFB];
	_ =	sdelay $0x3  }
0x92: {  	_ =	strace s17  }
0x93: {  	s2 =	sld [smem:$0x3FFC];
	_ =	sdelay $0x3  }
0x94: {  	_ =	strace s2  }
0x95: {  	s2 =	sld [smem:$0x3FFD];
	_ =	sdelay $0x3  }
0x96: {  	_ =	strace s2  }
0x97: {  	_ =	strace $0x8FFFFFFF  }
0x98: {  	s18 =	sld [smem:$0x3FDB];
	_ =	sdelay $0x1  }
0x99: {  	s19 =	simm.s32 $_scs_section_size  }
0x9a: {  	s4 =	simm.s32 $_size__tile_overlayer_lowered;
	s5 =	simm.s32 $_tile_overlayer_lowered  }
0x9b: {  	s22 =	simm.s32 $0x1BFF;
	s21 =	sshll.u32 s5, $0x1;
	s2 =	sadd.s32 s19, s18  }
0x9c: {  	s6 =	simm.s32 $0x0;
	s20 =	sshll.u32 s4, $0x1;
	s4 =	sadd.s32 s21, s2  }
0x9d: {  	[timem:s6], [sflag:s22] =	dma.local [hbm:s4], s20  }
0x9e: {  	_ =	swait.ge [sflag:s22], s20  }
0x9f: {  	s3 =	ssub.s32 $0x0, s20;
	[sflag:s22] =	ssyncset.done $0x0  }
0xa0: {  	[sflag:s22] =	ssyncadd.s32 s3;
	_ =	sdelay $0x1  }
0xa1: {  	s23 =	simm.s32 $0x1B8B  }
0xa2: {  	_ =	swait.ge [sflag:s23], $0x1  }
0xa3: {  	[sflag:s23] =	ssyncset.done $0x0  }
0xa4: {  	s25 =	simm.s32 $0x1B8E;
	s24 =	sld [smem:$0x3FFE];
	[sflag:s23] =	ssyncadd.s32 $0xFFFFFFFF  }
0xa5: {  	s26 =	simm.s32 $execute0_lowered;
	[smem:$0x3FD2] =	sst s25  }
0xa6: {  	s4 =	sshll.u32 s26, $0x1;
	_ =	strace $0x80000046;
	[dreg:$0x1] =	wrdreg $0xFFFFFFFF  }
0xa7: {  	s28 =	simm.s32 $_size_execute0_lowered;
	s2 =	sadd.s32 s2, s4;
	[dreg:$0x0] =	wrdreg $0x0  }
0xa8: {  	s4 =	sshll.u32 s28, $0x1;
	[dreg:$0x2] =	wrdreg s2  }
0xa9: {  	[dreg:$0x3] =	wrdreg s4  }
0xaa: {  	[dreg:$0x4] =	wrdreg $0xC0  }
0xab: {  	_ =	task [dreg:s6], $0x5FFFF  }
0xac: {  	[dreg:$0x1] =	wrdreg $0xFFFFFFFF  }
0xad: {  	[dreg:$0x0] =	wrdreg $0x60  }
0xae: {  	[dreg:$0x2] =	wrdreg s24  }
0xaf: {  	[dreg:$0x3] =	wrdreg $0x9  }
0xb0: {  	_ =	task.clear_ibuf [dreg:s6], $0x4FFFF;
	_ =	strace $0x90000046  }
0xb1: {  	s29 =	simm.s32 $0x9;
	_ =	strace $0x80000048  }
0xb2: {  	_ =	swait.ge [sflag:s29], $0x1  }
0xb3: {  	[sflag:s29] =	ssyncadd.s32 $0xFFFFFFFF  }
0xb4: {  	_ =	strace $0x90000048  }
0xb5: {  	_ =	sfence  }
0xb6: {  	s30 =	sld [smem:$0x0];
	_ =	sdelay $0x2  }
0xb7: {  	s31 =	sshll.u32 s1, $0xD;
	s1 =	sshrl.u32 s1, $0x2  }
0xb8: {  	s3 =	sand.u32 $0x4000, s31;
	s1 =	sadd.s32 s1, s30  }
0xb9: {  	s0 =	sor.u32 s3, s0;
	s1 =	sshll.u32 s1, $0x11  }
0xba: {  	s0 =	sor.u32 s1, s0  }
0xbb: {  	s0 =	sadd.s32 $0x8F2B, s0  }
0xbc: {  	[sflag:s0] =	ssyncadd.remote.s32 $0x1  }
0xbd: {  	_ =	sfence.sel $0xFFFF  }
0xbe: {  	[dreg:$0x0] =	wrdreg $0xFFFFFFFF;
	(pc) =	sbr.abs _section_cstart, $3  }
0xbf: {  	[dreg:$0x1] =	wrdreg $0xFFFFFFFF  }
0xc0: {  	_ =	task.clear_ibuf [dreg:s6], $0x2FFFF;
	_ =	strace $0x9FFFFFFF  }
0xc1: {  	(tm) =	ssettm $0x7FFFFFFF  }
tec
execute0_lowered:
.L_overlay_start_1:
0x0: {  	(tag) =	ssettag $0x1  }
0x1: {  	s0 =	srdreg.scid  }
0x2: {  	s6 =	rddreg [dreg:$0x0];
	s1 =	stileid.u32;
	s2 =	simm.s32 $0x0  }
0x3: {  	s11 =	simm.s32 $0x7D0;
	s12 =	simm.s32 $0xFA0;
	s5 =	sand.u32 $0x1, s0  }
0x4: {  	s13 =	simm.s32 $0xD320;
	s14 =	simm.s32 $0x196A0;
	s3 =	sshll.u32 s5, $0x4  }
0x5: {  	s15 =	simm.s32 $0x0;
	s0 =	rddreg [dreg:$0x1];
	s7 =	sor.u32 s1, s3  }
0x6: {  	[smem:$0x7FF] =	sst s2;
	s4 =	sadd.s32 $0x1C00, s6;
	s8 =	smul.u32 $0x18700, s7  }
0x7: {  	_ =	strace $0x80000047;
	s5 =	ssub.s32 $0x2, s5;
	s3 =	sadd.s32 $0x32A00, s6  }
0x8: {  	s31 =	sshrl.u32 s5, $0x1;
	s9 =	sshll.u32 s7, $0x1;
	s8 =	sshrl.u32 s8, $0x3  }
0x9: {  	s10 =	ssub.s32 s5, s31;
	s5 =	smul.u32 $0xC350, s7;
	s8 =	sadd.s32 s8, s6  }
0xa: {  	v0 =	vimm.s32 $0x0;
	s9 =	sadd.s32 s9, s6;
	s6 =	sadd.s32 $0x63800, s8;
	s7 =	sadd.s32 $0x65070, s8  }
0xb: {  	v1 =	vlaneseq.u32;
	vm0 =	vcmask $0x300;
	vm1 =	vcmask $0x704;
	s8 =	sadd.s32 $0xC5400, s9;
	s9 =	smax.u32 s10, $0x1;
	s10 =	simm.s32 $0x1  }
.LBB2_1:
0xc: {  	s17 =	simm.s32 $0x0;
	s18 =	simm.s32 $0x0;
	s16 =	simm.s32 $0x0  }
.LBB2_2:
0xd: {  	s19 =	smul.u32 $0x7D0, s16;
	_ =	sdelay $0x1  }
0xe: {  	s19 =	sadd.s32 s5, s19  }
0xf: {  	s19 =	sshrl.u32 s19, $0x3  }
0x10: {  	s21 =	simm.s32 $0x0;
	s20 =	sadd.s32 s3, s19  }
0x11: {  	[tilespmem:s21], [sflag:$0x1] =	stream.linear.gather [hbm4b:s20+s21], $0x7D0, $0x38;
	[tilespmem:$0x196B0] =	vst v63  }
0x12: {  	_ =	swait.ge [sflag:s10], $0x7D0  }
0x13: {  	[sflag:s10] =	ssyncset.done $0x0  }
0x14: {  	s19 =	sadd.s32 s4, s19;
	[sflag:s10] =	ssyncadd.s32 $0xFFFFF830  }
0x15: {  	[tilespmem:s11], [sflag:$0x1] =	stream.linear.gather [hbm4b:s19+s21], $0x7D0, $0x38;
	[tilespmem:$0x196B0] =	vst v63  }
0x16: {  	_ =	swait.ge [sflag:s10], $0x7D0  }
0x17: {  	[sflag:s10] =	ssyncset.done $0x0  }
0x18: {  	s31 =	simm.s32 $0x0;
	[sflag:s10] =	ssyncadd.s32 $0xFFFFF830  }
0x19: {  	v3 =	vld [tilespmem:s31+$0x7D0];
	_ =	sdelay $0x4  }
0x1a: {  	vm3 =	vlt.s32 v3, $0x6200  }
0x1b: {  	v2 =	vsel vm3, $0x1, v0  }
0x1c: {  	(xrf0) =	vadd.scan.msk.s32 $0xffff, v2;
	_ =	sdelay $0x2  }
0x1d: {  	v4 =	vld [tilespmem:s31+$0x0];
	v2 =	vmov s18  }
0x1e: {  	v2 =	vadd.s32 $0xFFFFFFFF, v2  }
0x1f: {  	v2 =	vbroadcast v2, $0x0  }
0x20: {  	v5, _, _ =	vpop (xrf0)  }
0x21: {  	vm2 =	vge.s32 v3, $0x6200;
	v6 =	vadd.s32 v5, v2;
	v2 =	vshll.u32 v3, $0x10  }
0x22: {  	(v2sf) =	vpush v5, $0xF;
	v2 =	vor.u32 v4, v2;
	v4 =	vsub.s32 s17, v5  }
0x23: {  	v3 =	vadd.s32 v1, v4;
	_ =	sdelay $0x3  }
0x24: {  	s20 =	simm.s32 $0x80;
	s19 =	simm.s32 $0x40;
	[tilespmem:v6+s12+$0x0] =	vst.idx.msk vm3, v2  }
.LBB2_3:
0x25: {  	p0 =	sne.s32 s20, $0x1F00;
	s21 =	sshra.s32 s19, $0x2;
	[tilespmem:v3+s13+$0x0] =	vst.idx.msk vm2, v2;
	s19 =	smov.u32 s20  }
0x26: {  	v2 =	vld [tilespmem:s21+$0x7D0];
	_ =	sdelay $0x4  }
0x27: {  	v4 =	vshll.u32 v2, $0x10;
	vm2 =	vge.s32 v2, $0x6200;
	vm3 =	vlt.s32 v2, $0x6200  }
0x28: {  	v2 =	vsel vm3, $0x1, v0  }
0x29: {  	(xrf0) =	vadd.scan.msk.s32 $0xffff, v2  }
0x2a: {  	s22 =	spop (v2sf)  }
0x2b: {  	s18 =	sadd.s32 s18, s22;
	s17 =	ssub.s32 s17, s22  }
0x2c: {  	v2 =	vmov s18;
	s17 =	sadd.s32 $0x10, s17  }
0x2d: {  	v2 =	vadd.s32 $0xFFFFFFFF, v2  }
0x2e: {  	v2 =	vbroadcast v2, $0x0  }
0x2f: {  	v5 =	vld [tilespmem:s21+$0x0];
	v3, _, _ =	vpop (xrf0)  }
0x30: {  	v6 =	vadd.s32 v3, v2;
	v2 =	vsub.s32 s17, v3;
	(v2sf) =	vpush v3, $0xF  }
.Ltmp0:
0x31: {  	v3 =	vadd.s32 v1, v2;
	(pc) =	sbr.rel @p0 .LBB2_3-.Ltmp0, $3  }
0x32: {  	_ =	sdelay $0x1  }
0x33: {  	v2 =	vor.u32 v5, v4  }
0x34: {  	s20 =	sadd.s32 $0x40, s20;
	[tilespmem:v6+s12+$0x0] =	vst.idx.msk vm3, v2  }
0x35: {  	_ =	sdelay $0x4  }
0x36: {  	s19 =	sshra.s32 s19, $0x2;
	[tilespmem:v3+s13+$0x0] =	vst.idx.msk vm2, v2  }
0x37: {  	v2 =	vld [tilespmem:s19+$0x7D0];
	_ =	sdelay $0x4  }
0x38: {  	vm2 =	vlt.s32 v2, $0x6200  }
0x39: {  	v3 =	vsel vm2, $0x1, v0  }
0x3a: {  	(xrf0) =	vadd.scan.msk.s32 $0xffff, v3;
	_ =	sdelay $0x5  }
0x3b: {  	v3, _, _ =	vpop (xrf0)  }
0x3c: {  	(v2sf) =	vpush v3, $0xF;
	_ =	sdelay $0x4  }
0x3d: {  	s20 =	spop (v2sf)  }
0x3e: {  	s18 =	sadd.s32 s18, s20  }
0x3f: {  	v4 =	vmov s18  }
0x40: {  	v4 =	vadd.s32 $0xFFFFFFFF, v4  }
0x41: {  	s17 =	ssub.s32 s17, s20;
	v4 =	vbroadcast v4, $0x0  }
0x42: {  	v5 =	vld [tilespmem:s19+$0x0];
	s17 =	sadd.s32 $0x10, s17  }
0x43: {  	s16 =	sadd.s32 $0x1, s16;
	vm3 =	vge.s32 v2, $0x6200;
	v4 =	vadd.s32 v3, v4;
	v3 =	vsub.s32 s17, v3  }
0x44: {  	p0 =	sne.s32 s16, $0x19;
	v3 =	vadd.s32 v1, v3  }
.Ltmp1:
0x45: {  	_ = 	snop;
	(pc) =	sbr.rel @p0 .LBB2_2-.Ltmp1, $4  }
0x46: {  	v2 =	vshll.u32 v2, $0x10  }
0x47: {  	v2 =	vor.u32 v5, v2;
	s31 =	spop (v2sf)  }
0x48: {  	[tilespmem:v4+s12+$0x0] =	vst.idx.msk vm2, v2;
	s17 =	ssub.s32 s17, s31  }
0x49: {  	[tilespmem:v3+s13+$0x0] =	vst.idx.msk vm3, v2;
	s18 =	sadd.s32 s18, s31;
	s17 =	sadd.s32 $0x10, s17  }
0x4a: {  	[hbm4b:s6+s2] =	stream.linear.scatter [tilespmem:s12], [sflag:$0x1], $0xC380, $0x38;
	[tilespmem:$0x196B0] =	vst v63  }
0x4b: {  	_ =	swait.ge [sflag:s10], $0xC380  }
0x4c: {  	[sflag:s10] =	ssyncset.done $0x0  }
0x4d: {  	[sflag:s10] =	ssyncadd.s32 $0xFFFF3C80  }
0x4e: {  	[hbm4b:s7+s2] =	stream.linear.scatter [tilespmem:s13], [sflag:$0x1], $0xC380, $0x38;
	[tilespmem:$0x196B0] =	vst v63  }
0x4f: {  	v2 =	vmov s18;
	_ =	swait.ge [sflag:s10], $0xC380  }
0x50: {  	s15 =	sadd.s32 $0x1, s15;
	v2 =	vnsel vm0, $0x0, v2;
	[sflag:s10] =	ssyncset.done $0x0  }
0x51: {  	p0 =	sne.s32 s15, s9;
	v2 =	vsel vm1, s17, v2;
	[sflag:s10] =	ssyncadd.s32 $0xFFFF3C80  }
.Ltmp2:
0x52: {  	[tilespmem:$0x196A0] =	vst v2;
	(pc) =	sbr.rel @p0 .LBB2_1-.Ltmp2, $4  }
0x53: {  	[hbm4b:s8+s2] =	stream.linear.scatter [tilespmem:s14], [sflag:$0x1], $0x10, $0x38;
	[tilespmem:$0x196B0] =	vst v63  }
0x54: {  	_ =	swait.ge [sflag:s10], $0x10  }
0x55: {  	[sflag:s10] =	ssyncset.done $0x0  }
0x56: {  	[sflag:s10] =	ssyncadd.s32 $0xFFFFFFF0  }
0x57: {  	_ =	sfence.sel $0x180000  }
0x58: {  	[bflag:$0x0] =	sbarrier.arrive $0xFFFF  }
0x59: {  	p0 =	sne.s32 s1, $0x0;
	_ =	strace $0x90000047  }
0x5a: {  	s0 =	sadd.s32 @!p0 $0x100000, s0;
	[bflag:$0x2] =	sbarrier.arrive $0xFFFF  }
0x5b: {  	[sflag:s0] =	ssyncadd.tile.s32 @!p0 $0x1;
	_ =	shalt  }
.Lfunc_end2:
_tile_overlayer_lowered:
.L_overlay_start_2:
0x5c: {  	(tag) =	ssettag $0x2  }
0x5d: {  	s0 =	rddreg [dreg:$0x0];
	s2 =	stileid.u32  }
0x5e: {  	s1 =	rddreg [dreg:$0x1];
	p0 =	sne.s32 s2, $0x0  }
0x5f: {  	s3 =	rddreg [dreg:$0x2];
	[bflag:$0x3] =	sbarrier.arrive $0xFFFF;
	s2 =	simm.s32 @!p0 $0x1C01  }
0x60: {  	[timem:s3], [sflag:s2] =	dma.local @!p0 [hbm:s0], s1  }
0x61: {  	s0 =	simm.s32 @!p0 $0x1  }
0x62: {  	_ =	swait.ge @!p0 [sflag:s0], s1  }
0x63: {  	s1 =	ssub.s32 @!p0 $0x0, s1;
	[sflag:s0] =	ssyncset.done @!p0 $0x0  }
0x64: {  	[sflag:s0] =	ssyncadd.s32 @!p0 s1  }
0x65: {  	[bflag:$0x3] =	sbarrier.arrive $0xFFFF  }
0x66: {  	_ =	shalt  }

</sc_bundles>
